<compile_context>
chip_gen: v7x
topology: tpu7x:2x2x1
jax: 0.10.2.dev20260603
libtpu: 0.0.44.dev20260713+nightly
codegen_flags: <defaults>
</compile_context>

<pallas_src>
import functools
import math

import jax
import jax.numpy as jnp
import numpy as np
from jax import lax
from jax.experimental import pallas as pl
from jax.experimental.pallas import tpu as pltpu
from jax.experimental.pallas import tpu_sc as plsc

CUTOFF = 5.0



def _gather_z_sc(z, eidx_flat):
    n = z.shape[0]
    te = eidx_flat.shape[0]
    nw = 32
    per = te // nw
    iters = per // 16
    assert per * nw == te and iters * 16 == per

    mesh = plsc.VectorSubcoreMesh(core_axis_name="c", subcore_axis_name="s")

    @functools.partial(
        pl.kernel,
        out_type=jax.ShapeDtypeStruct((te,), jnp.int32),
        mesh=mesh,
        compiler_params=pltpu.CompilerParams(needs_layout_passes=False),
        scratch_types=[
            pltpu.VMEM((n,), jnp.int32),
            pltpu.VMEM((per,), jnp.int32),
            pltpu.VMEM((per,), jnp.int32),
        ],
    )
    def k(z_hbm, idx_hbm, out_hbm, z_v, idx_v, out_v):
        wid = lax.axis_index("s") * 2 + lax.axis_index("c")
        base = wid * per
        pltpu.sync_copy(z_hbm, z_v)
        pltpu.sync_copy(idx_hbm.at[pl.ds(base, per)], idx_v)

        @pl.loop(0, iters)
        def _(i):
            idx = idx_v[pl.ds(i * 16, 16)]
            out_v[pl.ds(i * 16, 16)] = plsc.load_gather(z_v, [idx])

        pltpu.sync_copy(out_v, out_hbm.at[pl.ds(base, per)])

    return k(z, eidx_flat)




def _edge_payload_tc(scal, edge_attr, emb_p, apw, apb,
                     wi, bi, wa, ba, ws, bs, eb, off_blk, nblk):
    e = edge_attr.shape[0]
    h = apw.shape[1]
    nrbf = edge_attr.shape[1]
    assert e % eb == 0
    last_ea_blk = e // eb - 1
    dn = (((0,), (0,)), ((), ()))

    def body(sc_ref, ea_ref, emb_ref, apw_ref, apb_ref,
             wi_ref, bi_ref, wa_ref, ba_ref, ws_ref, bs_ref, out_ref):
        f32 = jnp.float32
        a1 = jnp.dot(emb_ref[...], apw_ref[:h, :], preferred_element_type=f32)
        a2 = jnp.dot(emb_ref[...], apw_ref[h:, :], preferred_element_type=f32)
        ones_r = jnp.ones((1, h), f32)
        s = sc_ref[...]
        bc = lambda r: lax.dot_general(r, ones_r, dn,
                                       preferred_element_type=f32)
        bch = lambda r: lax.dot_general(r, ones_r, dn,
                                        preferred_element_type=f32,
                                        precision=lax.Precision.HIGHEST)
        zrm = bc(s[0:1, :])
        zcm = bc(s[1:2, :])
        cols = lax.broadcasted_iota(jnp.int32, (eb, h), 1).astype(f32)
        ohr = (zrm == cols).astype(f32)
        ohc = (zcm == cols).astype(f32)
        zij = (jnp.dot(ohr, a1, preferred_element_type=f32)
               + jnp.dot(ohc, a2, preferred_element_type=f32)
               + apb_ref[...])
        d = s[2:3, :]
        cval = 0.5 * (jnp.cos(d * (math.pi / CUTOFF)) + 1.0)
        cval = jnp.where(d < CUTOFF, cval, 0.0)
        czm = bch(cval) * zij
        ea = ea_ref[...]
        di = jnp.dot(ea, wi_ref[...], preferred_element_type=f32) + bi_ref[...]
        da = jnp.dot(ea, wa_ref[...], preferred_element_type=f32) + ba_ref[...]
        ds_ = jnp.dot(ea, ws_ref[...], preferred_element_type=f32) + bs_ref[...]
        w_i = di * czm
        w_a = da * czm
        w_s = ds_ * czm
        a0 = bch(s[3:4, :])
        a1v = bch(s[4:5, :])
        a2v = bch(s[5:6, :])
        out_ref[0] = w_i
        out_ref[1] = w_a * a0
        out_ref[2] = w_a * a1v
        out_ref[3] = w_a * a2v
        out_ref[4] = w_s * (a0 * a0)
        out_ref[5] = w_s * (a0 * a1v)
        out_ref[6] = w_s * (a0 * a2v)
        out_ref[7] = w_s * (a1v * a1v)
        out_ref[8] = w_s * (a1v * a2v)
        out_ref[9] = w_s * (a2v * a2v)

    full = lambda shape: pl.BlockSpec(shape, lambda i: tuple(0 for _ in shape))
    return pl.pallas_call(
        body,
        grid=(nblk,),
        in_specs=[
            pl.BlockSpec((6, eb), lambda i: (0, i + off_blk)),
            pl.BlockSpec((eb, nrbf),
                         lambda i: (jnp.minimum(i + off_blk, last_ea_blk), 0)),
            full(emb_p.shape), full(apw.shape), full((1, h)),
            full((nrbf, h)), full((1, h)),
            full((nrbf, h)), full((1, h)),
            full((nrbf, h)), full((1, h)),
        ],
        out_specs=pl.BlockSpec((10, eb, h), lambda i: (0, i, 0)),
        out_shape=jax.ShapeDtypeStruct((10, nblk * eb, h), jnp.float32),
        compiler_params=pltpu.CompilerParams(
            dimension_semantics=("arbitrary",)),
    )(scal, edge_attr, emb_p, apw, apb, wi, bi, wa, ba, ws, bs)




def _scatter_sc(payload, row3, n, init=None):
    c, e, h = payload.shape
    nt = 16
    per_tile = e // nt
    nbt, b = row3.shape[1], row3.shape[2]
    assert nbt * b == per_tile and row3.shape[0] == nt
    stripe = n // nt
    zr = 64
    assert stripe % zr == 0 and stripe % 8 == 0
    cpc = c // 2
    nbuf = 2
    assert nbt % nbuf == 0
    with_init = init is not None

    mesh = plsc.VectorSubcoreMesh(core_axis_name="c", subcore_axis_name="s")

    @functools.partial(
        pl.kernel,
        out_type=jax.ShapeDtypeStruct((c, n, h), jnp.float32),
        mesh=mesh,
        compiler_params=pltpu.CompilerParams(needs_layout_passes=False),
        scratch_types=(
            [pltpu.VMEM_SHARED((n, h), jnp.float32)]
            + [pltpu.VMEM((b, h), jnp.float32) for _ in range(nbuf)]
            + [pltpu.VMEM((nbt, b), jnp.int32),
               pltpu.VMEM((zr, h), jnp.float32)]
            + [pltpu.SemaphoreType.DMA for _ in range(2 * nbuf + 1)]
        ),
    )
    def k(*refs):
        if with_init:
            pay_hbm, row_hbm, init_hbm, out_hbm = refs[:4]
            scr = refs[4:]
        else:
            pay_hbm, row_hbm, out_hbm = refs[:3]
            scr = refs[3:]
        acc, pb0, pb1, idx_v, zb, sp0, sp1, ss0, ss1, zs = scr
        core = lax.axis_index("c")
        sub = lax.axis_index("s")
        pbufs = [pb0, pb1]
        psems = [sp0, sp1]
        ssems = [ss0, ss1]

        pltpu.sync_copy(row_hbm.at[sub], idx_v)

        @pl.loop(0, zr)
        def _(r):
            for c16 in range(h // 16):
                zb[r, pl.ds(c16 * 16, 16)] = jnp.zeros((16,), jnp.float32)

        sbase = sub * stripe
        nz = stripe // zr

        def init_stripe(chunk):
            if with_init:
                pltpu.async_copy(init_hbm.at[chunk, pl.ds(sbase, stripe)],
                                 acc.at[pl.ds(sbase, stripe)], zs)
                pltpu.make_async_copy(
                    init_hbm.at[chunk, pl.ds(sbase, stripe)],
                    acc.at[pl.ds(sbase, stripe)], zs).wait()
            else:
                @pl.loop(0, nz)
                def _(t):
                    pltpu.async_copy(zb, acc.at[pl.ds(sbase + t * zr, zr)],
                                     zs)

                @pl.loop(0, nz)
                def _(t):
                    pltpu.make_async_copy(
                        zb, acc.at[pl.ds(sbase, zr)], zs).wait()

        def wait_scat(kb):
            pltpu.make_async_copy(
                pbufs[kb], acc.at[idx_v.at[0]], ssems[kb]).wait()

        init_stripe(core * cpc)
        for j in range(cpc):
            chunk = core * cpc + j
            plsc.subcore_barrier()
            for kb in range(nbuf):
                base = sub * per_tile + kb * b
                pltpu.async_copy(pay_hbm.at[chunk, pl.ds(base, b)],
                                 pbufs[kb], psems[kb])

            @pl.loop(0, nbt, step=nbuf)
            def _(b0):
                for kb in range(nbuf):
                    bi_ = b0 + kb
                    pltpu.make_async_copy(
                        pay_hbm.at[0, pl.ds(0, b)], pbufs[kb],
                        psems[kb]).wait()
                    pltpu.async_copy(pbufs[kb], acc.at[idx_v.at[bi_]],
                                     ssems[kb], add=True)
                    nb = bi_ + nbuf

                    @pl.when(nb < nbt)
                    def _():
                        wait_scat(kb)
                        base = sub * per_tile + nb * b
                        pltpu.async_copy(pay_hbm.at[chunk, pl.ds(base, b)],
                                         pbufs[kb], psems[kb])

            for kb in range(nbuf):
                wait_scat(kb)
            plsc.subcore_barrier()
            pltpu.sync_copy(acc.at[pl.ds(sbase, stripe)],
                            out_hbm.at[chunk, pl.ds(sbase, stripe)])
            if j < cpc - 1:
                init_stripe(core * cpc + j + 1)

    if with_init:
        return k(payload, row3, init)
    return k(payload, row3)




def _node_tc(moments, ln_g, ln_b, mlp1_w, mlp1_b, mlp2_wr, mlp2_br,
             lini_w, lina_w, lins_w, nb, n):
    h = moments.shape[2]

    def body(m_ref, g_ref, be_ref, w1_ref, b1_ref, w2_ref, b2_ref,
             li_ref, la_ref, ls_ref, out_ref):
        r = m_ref[0]
        p0, p1, p2 = m_ref[1], m_ref[2], m_ref[3]
        q0, q1, q2, q3, q4, q5 = (m_ref[4], m_ref[5], m_ref[6],
                                  m_ref[7], m_ref[8], m_ref[9])
        tn = ((r + q0) ** 2 + (r + q3) ** 2 + (r + q5) ** 2
              + 2.0 * (q1 * q1 + p2 * p2)
              + 2.0 * (q2 * q2 + p1 * p1)
              + 2.0 * (q4 * q4 + p0 * p0))
        mu = jnp.mean(tn, axis=1, keepdims=True)
        var = jnp.mean((tn - mu) ** 2, axis=1, keepdims=True)
        hh = (tn - mu) * lax.rsqrt(var + 1e-5) * g_ref[...] + be_ref[...]
        h1 = jnp.dot(hh, w1_ref[...], preferred_element_type=jnp.float32) + b1_ref[...]
        h1 = h1 / (1.0 + jnp.exp(-h1))
        h2 = jnp.dot(h1, w2_ref[...], preferred_element_type=jnp.float32) + b2_ref[...]
        n0 = h2[:, :h]
        n1 = h2[:, h:2 * h]
        n2 = h2[:, 2 * h:]
        dot = lambda x, wref: jnp.dot(x, wref[...], preferred_element_type=jnp.float32)
        ni = dot(r, li_ref) * n0
        np0 = dot(p0, la_ref) * n1
        np1 = dot(p1, la_ref) * n1
        np2 = dot(p2, la_ref) * n1
        nq0 = dot(q0, ls_ref) * n2
        nq1 = dot(q1, ls_ref) * n2
        nq2 = dot(q2, ls_ref) * n2
        nq3 = dot(q3, ls_ref) * n2
        nq4 = dot(q4, ls_ref) * n2
        nq5 = dot(q5, ls_ref) * n2
        out_ref[0] = ni + nq0
        out_ref[1] = nq1 - np2
        out_ref[2] = nq2 + np1
        out_ref[3] = nq1 + np2
        out_ref[4] = ni + nq3
        out_ref[5] = nq4 - np0
        out_ref[6] = nq2 - np1
        out_ref[7] = nq4 + np0
        out_ref[8] = ni + nq5

    full = lambda shape: pl.BlockSpec(shape, lambda i: tuple(0 for _ in shape))
    return pl.pallas_call(
        body,
        grid=(n // nb,),
        in_specs=[
            pl.BlockSpec((10, nb, h), lambda i: (0, i, 0)),
            full((1, h)), full((1, h)),
            full(mlp1_w.shape), full((1, mlp1_w.shape[1])),
            full(mlp2_wr.shape), full((1, mlp2_wr.shape[1])),
            full((h, h)), full((h, h)), full((h, h)),
        ],
        out_specs=pl.BlockSpec((9, nb, h), lambda i: (0, i, 0)),
        out_shape=jax.ShapeDtypeStruct((9, n, h), jnp.float32),
        compiler_params=pltpu.CompilerParams(
            dimension_semantics=("arbitrary",)),
    )(moments, ln_g, ln_b, mlp1_w, mlp1_b, mlp2_wr, mlp2_br,
      lini_w, lina_w, lins_w)




def kernel(z, edge_index, edge_dist, edge_vec_norm, edge_attr,
           atom_emb, atom_proj_w, atom_proj_b,
           distI_w, distI_b, distA_w, distA_b, distS_w, distS_b,
           linI_w, linA_w, linS_w, ln_g, ln_b,
           mlp1_w, mlp1_b, mlp2_w, mlp2_b):
    n = z.shape[0]
    e = edge_index.shape[1]
    h = atom_emb.shape[1]

    z = z.astype(jnp.int32)

    e_pad = ((e + 4095) // 4096) * 4096
    pe = e_pad - e
    row_i = edge_index[0].astype(jnp.int32)
    col_i = edge_index[1].astype(jnp.int32)
    row_p = jnp.pad(row_i, (0, pe))
    col_p = jnp.pad(col_i, (0, pe))
    row_scat = jnp.pad(row_i, (0, pe), constant_values=n)
    eidx = jnp.concatenate([row_p, col_p])

    zflat = _gather_z_sc(z, eidx)

    emb_p = jnp.pad(atom_emb, ((0, h - atom_emb.shape[0]), (0, 0)))
    scal = jnp.concatenate([
        zflat.reshape(2, e_pad).astype(jnp.float32),
        jnp.pad(jnp.stack([edge_dist, edge_vec_norm[:, 0],
                           edge_vec_norm[:, 1], edge_vec_norm[:, 2]]),
                ((0, 0), (0, pe))),
    ])
    row1 = lambda x: x.reshape(1, -1)

    b = 128
    eb = 1280
    n_pad = ((n + 2047) // 2048) * 2048
    e_half = e_pad // 2
    moments = None
    for s in range(2):
        sl = slice(s * e_half, (s + 1) * e_half)
        pay = _edge_payload_tc(
            scal, edge_attr, emb_p, atom_proj_w, row1(atom_proj_b),
            distI_w, row1(distI_b), distA_w, row1(distA_b),
            distS_w, row1(distS_b), eb=eb,
            off_blk=s * (e_half // eb), nblk=e_half // eb)
        row3 = row_scat[sl].reshape(16, e_half // 16 // b, b)
        moments = _scatter_sc(pay, row3, n_pad, init=moments)

    perm = (3 * np.arange(h)[None, :] + np.arange(3)[:, None]).reshape(-1)
    mlp2_wr = mlp2_w[:, perm]
    mlp2_br = mlp2_b[perm].reshape(1, -1)

    out9 = _node_tc(moments, row1(ln_g), row1(ln_b),
                    mlp1_w, row1(mlp1_b), mlp2_wr, mlp2_br,
                    linI_w, linA_w, linS_w, nb=1000, n=n)
    return jnp.transpose(out9, (1, 2, 0)).reshape(n, h, 3, 3)

# --- scband reference (transcript-rebuilt; emitter-appended) ---
"""Pipeline reference for scband-tensor-embedding-59622736003305 (READ-ONLY COPY).

The authoritative reference and input builder live on the scoring server;
editing this copy changes nothing except your own understanding.
"""

import jax, jax.numpy as jnp
import numpy as np

H = 128
NRBF = 32
MAXZ = 100
CUTOFF = 5.0
N = 10000
E = 160000


def setup_inputs(seed: int = 0) -> dict:
    key = jax.random.key(seed)
    ks = jax.random.split(key, 16)
    s = 0.05
    z = jax.random.randint(ks[0], (N,), 0, MAXZ + 1)
    edge_index = jax.random.randint(ks[1], (2, E), 0, N)
    edge_dist = jax.random.uniform(ks[2], (E,), dtype=jnp.float32) * CUTOFF
    v = jax.random.normal(ks[3], (E, 3), dtype=jnp.float32)
    edge_vec_norm = v / (jnp.linalg.norm(v, axis=-1, keepdims=True) + 1e-9)
    edge_attr = jax.random.normal(ks[4], (E, NRBF), dtype=jnp.float32) * 0.1
    atom_emb = (jax.random.normal(ks[5], (MAXZ + 1, H), dtype=jnp.float32) * s).at[0].set(0.0)
    atom_proj_w = jax.random.normal(ks[6], (2 * H, H), dtype=jnp.float32) * s
    atom_proj_b = jnp.zeros((H,), dtype=jnp.float32)
    distI_w = jax.random.normal(ks[7], (NRBF, H), dtype=jnp.float32) * s
    distI_b = jnp.zeros((H,), dtype=jnp.float32)
    distA_w = jax.random.normal(ks[8], (NRBF, H), dtype=jnp.float32) * s
    distA_b = jnp.zeros((H,), dtype=jnp.float32)
    distS_w = jax.random.normal(ks[9], (NRBF, H), dtype=jnp.float32) * s
    distS_b = jnp.zeros((H,), dtype=jnp.float32)
    linI_w = jax.random.normal(ks[10], (H, H), dtype=jnp.float32) * s
    linA_w = jax.random.normal(ks[11], (H, H), dtype=jnp.float32) * s
    linS_w = jax.random.normal(ks[12], (H, H), dtype=jnp.float32) * s
    ln_g = jnp.ones((H,), dtype=jnp.float32)
    ln_b = jnp.zeros((H,), dtype=jnp.float32)
    mlp1_w = jax.random.normal(ks[13], (H, 2 * H), dtype=jnp.float32) * s
    mlp1_b = jnp.zeros((2 * H,), dtype=jnp.float32)
    mlp2_w = jax.random.normal(ks[14], (2 * H, 3 * H), dtype=jnp.float32) * s
    mlp2_b = jnp.zeros((3 * H,), dtype=jnp.float32)
    return {
        'z': z, 'edge_index': edge_index, 'edge_dist': edge_dist,
        'edge_vec_norm': edge_vec_norm, 'edge_attr': edge_attr,
        'atom_emb': atom_emb, 'atom_proj_w': atom_proj_w, 'atom_proj_b': atom_proj_b,
        'distI_w': distI_w, 'distI_b': distI_b, 'distA_w': distA_w, 'distA_b': distA_b,
        'distS_w': distS_w, 'distS_b': distS_b,
        'linI_w': linI_w, 'linA_w': linA_w, 'linS_w': linS_w,
        'ln_g': ln_g, 'ln_b': ln_b,
        'mlp1_w': mlp1_w, 'mlp1_b': mlp1_b, 'mlp2_w': mlp2_w, 'mlp2_b': mlp2_b,
    }


def reference(z, edge_index, edge_dist, edge_vec_norm, edge_attr,
              atom_emb, atom_proj_w, atom_proj_b,
              distI_w, distI_b, distA_w, distA_b, distS_w, distS_b,
              linI_w, linA_w, linS_w, ln_g, ln_b,
              mlp1_w, mlp1_b, mlp2_w, mlp2_b):
    row = edge_index[0]
    col = edge_index[1]
    z_emb = jnp.take(atom_emb, z, axis=0)
    z_pair = jnp.concatenate([z_emb[row], z_emb[col]], axis=-1)
    Zij = (z_pair @ atom_proj_w + atom_proj_b)[:, :, None, None]
    Cval = 0.5 * (jnp.cos(edge_dist * jnp.pi / CUTOFF) + 1.0) * (edge_dist < CUTOFF).astype(edge_dist.dtype)
    C = Cval[:, None, None, None] * Zij
    eye = jnp.eye(3, dtype=edge_vec_norm.dtype)[None, None]
    Iij = (edge_attr @ distI_w + distI_b)[:, :, None, None] * C * eye
    v = edge_vec_norm
    zz = jnp.zeros_like(v[:, 0])
    skew = jnp.stack([zz, -v[:, 2], v[:, 1],
                      v[:, 2], zz, -v[:, 0],
                      -v[:, 1], v[:, 0], zz], axis=-1).reshape(-1, 3, 3)[:, None]
    sym = jnp.einsum('ei,ej->eij', v, v)[:, None]
    Aij = (edge_attr @ distA_w + distA_b)[:, :, None, None] * C * skew
    Sij = (edge_attr @ distS_w + distS_b)[:, :, None, None] * C * sym
    num_atoms = z.shape[0]
    I = jax.ops.segment_sum(Iij, row, num_segments=num_atoms)
    A = jax.ops.segment_sum(Aij, row, num_segments=num_atoms)
    S = jax.ops.segment_sum(Sij, row, num_segments=num_atoms)
    T = I + A + S
    tn = (T ** 2).sum((-2, -1))
    mu = tn.mean(-1, keepdims=True)
    var = tn.var(-1, keepdims=True)
    h = (tn - mu) / jnp.sqrt(var + 1e-5) * ln_g + ln_b
    h = h @ mlp1_w + mlp1_b
    h = h * jax.nn.sigmoid(h)
    norm = (h @ mlp2_w + mlp2_b).reshape(-1, H, 3)
    I2 = jnp.einsum('nhij,hg->ngij', I, linI_w) * norm[..., 0][:, :, None, None]
    A2 = jnp.einsum('nhij,hg->ngij', A, linA_w) * norm[..., 1][:, :, None, None]
    S2 = jnp.einsum('nhij,hg->ngij', S, linS_w) * norm[..., 2][:, :, None, None]
    return I2 + A2 + S2

if __name__ == "__main__":
    import jax
    _d = setup_inputs()
    print(jax.jit(kernel)(*tuple(_d.values())))

</pallas_src>

<mosaic_0001>
#map = affine_map<(d0, d1) -> (0, 0, 0)>
module attributes {stable_mosaic.version = 14 : i64} {
  func.func @k(%arg0: i32, %arg1: i32, %arg2: memref<10x81920x128xf32, #tpu.memory_space<hbm>>, %arg3: memref<16x40x128xi32, #tpu.memory_space<hbm>>, %arg4: memref<10x10240x128xf32, #tpu.memory_space<hbm>>, %arg5: memref<10240x128xf32, #tpu.memory_space<vmem_shared>>, %arg6: memref<128x128xf32, #tpu.memory_space<vmem>>, %arg7: memref<128x128xf32, #tpu.memory_space<vmem>>, %arg8: memref<40x128xi32, #tpu.memory_space<vmem>>, %arg9: memref<64x128xf32, #tpu.memory_space<vmem>>, %arg10: memref<!tpu.dma_semaphore, #tpu.memory_space<semaphore_mem>>, %arg11: memref<!tpu.dma_semaphore, #tpu.memory_space<semaphore_mem>>, %arg12: memref<!tpu.dma_semaphore, #tpu.memory_space<semaphore_mem>>, %arg13: memref<!tpu.dma_semaphore, #tpu.memory_space<semaphore_mem>>, %arg14: memref<!tpu.dma_semaphore, #tpu.memory_space<semaphore_mem>>) attributes {dimension_semantics = [#tpu.dimension_semantics<core_parallel>, #tpu.dimension_semantics<subcore_parallel>], iteration_bounds = array<i64: 2, 16>, scalar_prefetch = 0 : i64, scratch_operands = 10 : i64, tpu.core_type = #tpu.core_type<sc_vector_subcore>, window_params = [{transform_indices = #map}, {transform_indices = #map}, {transform_indices = #map}]} {
    "tpu.region"() ({
      %run_scoped3A = tpu.sem_alloc : memref<!tpu.dma_semaphore, #tpu.memory_space<semaphore_mem>>
      %dma_start3A_302 = arith.constant 0 : i32
      %dma_start3A_303 = arith.constant 0 : i32
      %dma_start3A_304 = tpu.memref_slice %arg3[%arg1, %dma_start3A_302, %dma_start3A_303] : memref<16x40x128xi32, #tpu.memory_space<hbm>> -> memref<1x40x128xi32, #tpu.memory_space<hbm>>
      %dma_start3A_305 = tpu.memref_squeeze %dma_start3A_304 : memref<1x40x128xi32, #tpu.memory_space<hbm>> -> memref<40x128xi32, #tpu.memory_space<hbm>>
      %dma_start3A_306 = arith.constant 0 : i32
      %dma_start3A_307 = arith.constant 0 : i32
      %dma_start3A_308 = tpu.memref_slice %arg3[%arg1, %dma_start3A_306, %dma_start3A_307] : memref<16x40x128xi32, #tpu.memory_space<hbm>> -> memref<1x40x128xi32, #tpu.memory_space<hbm>>
      %dma_start3A_309 = tpu.memref_squeeze %dma_start3A_308 : memref<1x40x128xi32, #tpu.memory_space<hbm>> -> memref<40x128xi32, #tpu.memory_space<hbm>>
      tpu.enqueue_dma source(%dma_start3A_309 : memref<40x128xi32, #tpu.memory_space<hbm>>) target(%arg8 : memref<40x128xi32, #tpu.memory_space<vmem>>) target_semaphore(%run_scoped3A : memref<!tpu.dma_semaphore, #tpu.memory_space<semaphore_mem>>)
      %dma_wait3A_310 = arith.constant 0 : i32
      %dma_wait3A_311 = arith.constant 0 : i32
      %dma_wait3A_312 = tpu.memref_slice %arg3[%arg1, %dma_wait3A_310, %dma_wait3A_311] : memref<16x40x128xi32, #tpu.memory_space<hbm>> -> memref<1x40x128xi32, #tpu.memory_space<hbm>>
      %dma_wait3A_313 = tpu.memref_squeeze %dma_wait3A_312 : memref<1x40x128xi32, #tpu.memory_space<hbm>> -> memref<40x128xi32, #tpu.memory_space<hbm>>
      %dma_wait3A_314 = arith.constant 0 : i32
      %dma_wait3A_315 = arith.constant 0 : i32
      %dma_wait3A_316 = tpu.memref_slice %arg3[%arg1, %dma_wait3A_314, %dma_wait3A_315] : memref<16x40x128xi32, #tpu.memory_space<hbm>> -> memref<1x40x128xi32, #tpu.memory_space<hbm>>
      %dma_wait3A_317 = tpu.memref_squeeze %dma_wait3A_316 : memref<1x40x128xi32, #tpu.memory_space<hbm>> -> memref<40x128xi32, #tpu.memory_space<hbm>>
      tpu.wait_dma2 semaphore(%run_scoped3A : memref<!tpu.dma_semaphore, #tpu.memory_space<semaphore_mem>>) src(%dma_wait3A_317 : memref<40x128xi32, #tpu.memory_space<hbm>>) dst(%arg8 : memref<40x128xi32, #tpu.memory_space<vmem>>)
      tpu.yield
    }) : () -> ()
    %scan3A = arith.constant 0 : i32
    %scan3A_0 = arith.constant 64 : i32
    %scan3A_1 = arith.addi %scan3A, %scan3A_0 : i32
    %scan3A_2 = arith.constant 1 : i32
    scf.for %scan3A_302 = %scan3A to %scan3A_1 step %scan3A_2  : i32 {
      %mul3A_303 = arith.constant 1 : i32
      %mul3A_304 = arith.muli %scan3A_302, %mul3A_303 : i32
      %add3A_305 = arith.constant 0 : i32
      %add3A_306 = arith.addi %add3A_305, %mul3A_304 : i32
      %broadcast_in_dim3A = arith.constant 0.000000e+00 : f32
      %broadcast_in_dim3A_307 = vector.broadcast %broadcast_in_dim3A : f32 to vector<16xf32>
      %swap3A = arith.index_cast %add3A_306 : i32 to index
      %swap3A_308 = arith.constant 0 : index
      %swap3A_309 = tpu.vector_load %arg9[%swap3A, %swap3A_308] {strides = array<i32>} : memref<64x128xf32, #tpu.memory_space<vmem>>, vector<16xf32>,
      tpu.vector_store %arg9[%swap3A, %swap3A_308], %broadcast_in_dim3A_307 {strides = array<i32>} : memref<64x128xf32, #tpu.memory_space<vmem>>, vector<16xf32>,
      %broadcast_in_dim3A_310 = arith.constant 0.000000e+00 : f32
      %broadcast_in_dim3A_311 = vector.broadcast %broadcast_in_dim3A_310 : f32 to vector<16xf32>
      %swap3A_312 = arith.index_cast %add3A_306 : i32 to index
      %swap3A_313 = arith.constant 16 : index
      %swap3A_314 = tpu.vector_load %arg9[%swap3A_312, %swap3A_313] {strides = array<i32>} : memref<64x128xf32, #tpu.memory_space<vmem>>, vector<16xf32>,
      tpu.vector_store %arg9[%swap3A_312, %swap3A_313], %broadcast_in_dim3A_311 {strides = array<i32>} : memref<64x128xf32, #tpu.memory_space<vmem>>, vector<16xf32>,
      %broadcast_in_dim3A_315 = arith.constant 0.000000e+00 : f32
      %broadcast_in_dim3A_316 = vector.broadcast %broadcast_in_dim3A_315 : f32 to vector<16xf32>
      %swap3A_317 = arith.index_cast %add3A_306 : i32 to index
      %swap3A_318 = arith.constant 32 : index
      %swap3A_319 = tpu.vector_load %arg9[%swap3A_317, %swap3A_318] {strides = array<i32>} : memref<64x128xf32, #tpu.memory_space<vmem>>, vector<16xf32>,
      tpu.vector_store %arg9[%swap3A_317, %swap3A_318], %broadcast_in_dim3A_316 {strides = array<i32>} : memref<64x128xf32, #tpu.memory_space<vmem>>, vector<16xf32>,
      %broadcast_in_dim3A_320 = arith.constant 0.000000e+00 : f32
      %broadcast_in_dim3A_321 = vector.broadcast %broadcast_in_dim3A_320 : f32 to vector<16xf32>
      %swap3A_322 = arith.index_cast %add3A_306 : i32 to index
      %swap3A_323 = arith.constant 48 : index
      %swap3A_324 = tpu.vector_load %arg9[%swap3A_322, %swap3A_323] {strides = array<i32>} : memref<64x128xf32, #tpu.memory_space<vmem>>, vector<16xf32>,
      tpu.vector_store %arg9[%swap3A_322, %swap3A_323], %broadcast_in_dim3A_321 {strides = array<i32>} : memref<64x128xf32, #tpu.memory_space<vmem>>, vector<16xf32>,
      %broadcast_in_dim3A_325 = arith.constant 0.000000e+00 : f32
      %broadcast_in_dim3A_326 = vector.broadcast %broadcast_in_dim3A_325 : f32 to vector<16xf32>
      %swap3A_327 = arith.index_cast %add3A_306 : i32 to index
      %swap3A_328 = arith.constant 64 : index
      %swap3A_329 = tpu.vector_load %arg9[%swap3A_327, %swap3A_328] {strides = array<i32>} : memref<64x128xf32, #tpu.memory_space<vmem>>, vector<16xf32>,
      tpu.vector_store %arg9[%swap3A_327, %swap3A_328], %broadcast_in_dim3A_326 {strides = array<i32>} : memref<64x128xf32, #tpu.memory_space<vmem>>, vector<16xf32>,
      %broadcast_in_dim3A_330 = arith.constant 0.000000e+00 : f32
      %broadcast_in_dim3A_331 = vector.broadcast %broadcast_in_dim3A_330 : f32 to vector<16xf32>
      %swap3A_332 = arith.index_cast %add3A_306 : i32 to index
      %swap3A_333 = arith.constant 80 : index
      %swap3A_334 = tpu.vector_load %arg9[%swap3A_332, %swap3A_333] {strides = array<i32>} : memref<64x128xf32, #tpu.memory_space<vmem>>, vector<16xf32>,
      tpu.vector_store %arg9[%swap3A_332, %swap3A_333], %broadcast_in_dim3A_331 {strides = array<i32>} : memref<64x128xf32, #tpu.memory_space<vmem>>, vector<16xf32>,
      %broadcast_in_dim3A_335 = arith.constant 0.000000e+00 : f32
      %broadcast_in_dim3A_336 = vector.broadcast %broadcast_in_dim3A_335 : f32 to vector<16xf32>
      %swap3A_337 = arith.index_cast %add3A_306 : i32 to index
      %swap3A_338 = arith.constant 96 : index
      %swap3A_339 = tpu.vector_load %arg9[%swap3A_337, %swap3A_338] {strides = array<i32>} : memref<64x128xf32, #tpu.memory_space<vmem>>, vector<16xf32>,
      tpu.vector_store %arg9[%swap3A_337, %swap3A_338], %broadcast_in_dim3A_336 {strides = array<i32>} : memref<64x128xf32, #tpu.memory_space<vmem>>, vector<16xf32>,
      %broadcast_in_dim3A_340 = arith.constant 0.000000e+00 : f32
      %broadcast_in_dim3A_341 = vector.broadcast %broadcast_in_dim3A_340 : f32 to vector<16xf32>
      %swap3A_342 = arith.index_cast %add3A_306 : i32 to index
      %swap3A_343 = arith.constant 112 : index
      %swap3A_344 = tpu.vector_load %arg9[%swap3A_342, %swap3A_343] {strides = array<i32>} : memref<64x128xf32, #tpu.memory_space<vmem>>, vector<16xf32>,
      tpu.vector_store %arg9[%swap3A_342, %swap3A_343], %broadcast_in_dim3A_341 {strides = array<i32>} : memref<64x128xf32, #tpu.memory_space<vmem>>, vector<16xf32>,
    }
    %scan3A_3 = arith.constant 64 : i32
    %mul3A = arith.constant 640 : i32
    %mul3A_4 = arith.muli %arg1, %mul3A : i32
    %mul3A_5 = arith.constant 5 : i32
    %mul3A_6 = arith.muli %arg0, %mul3A_5 : i32
    %scan3A_7 = arith.constant 0 : i32
    %scan3A_8 = arith.constant 10 : i32
    %scan3A_9 = arith.addi %scan3A_7, %scan3A_8 : i32
    %scan3A_10 = arith.constant 1 : i32
    scf.for %scan3A_302 = %scan3A_7 to %scan3A_9 step %scan3A_10  : i32 {
      %mul3A_303 = arith.constant 1 : i32
      %mul3A_304 = arith.muli %scan3A_302, %mul3A_303 : i32
      %add3A_305 = arith.constant 0 : i32
      %add3A_306 = arith.addi %add3A_305, %mul3A_304 : i32
      %mul3A_307 = arith.constant 64 : i32
      %mul3A_308 = arith.muli %add3A_306, %mul3A_307 : i32
      %add3A_309 = arith.addi %mul3A_4, %mul3A_308 : i32
      %dma_start3A_310 = arith.constant 0 : i32
      %dma_start3A_311 = tpu.memref_slice %arg5[%add3A_309, %dma_start3A_310] : memref<10240x128xf32, #tpu.memory_space<vmem_shared>> -> memref<64x128xf32, #tpu.memory_space<vmem_shared>>
      %dma_start3A_312 = arith.constant 0 : i32
      %dma_start3A_313 = tpu.memref_slice %arg5[%add3A_309, %dma_start3A_312] : memref<10240x128xf32, #tpu.memory_space<vmem_shared>> -> memref<64x128xf32, #tpu.memory_space<vmem_shared>>
      tpu.enqueue_dma source(%arg9 : memref<64x128xf32, #tpu.memory_space<vmem>>) target(%dma_start3A_313 : memref<64x128xf32, #tpu.memory_space<vmem_shared>>) target_semaphore(%arg14 : memref<!tpu.dma_semaphore, #tpu.memory_space<semaphore_mem>>)
    }
    %scan3A_11 = arith.constant 10 : i32
    %scan3A_12 = arith.constant 0 : i32
    %scan3A_13 = arith.constant 10 : i32
    %scan3A_14 = arith.addi %scan3A_12, %scan3A_13 : i32
    %scan3A_15 = arith.constant 1 : i32
    scf.for %scan3A_302 = %scan3A_12 to %scan3A_14 step %scan3A_15  : i32 {
      %mul3A_303 = arith.constant 1 : i32
      %mul3A_304 = arith.muli %scan3A_302, %mul3A_303 : i32
      %add3A_305 = arith.constant 0 : i32
      %add3A_306 = arith.addi %add3A_305, %mul3A_304 : i32
      %dma_wait3A_307 = arith.constant 0 : i32
      %dma_wait3A_308 = tpu.memref_slice %arg5[%mul3A_4, %dma_wait3A_307] : memref<10240x128xf32, #tpu.memory_space<vmem_shared>> -> memref<64x128xf32, #tpu.memory_space<vmem_shared>>
      %dma_wait3A_309 = arith.constant 0 : i32
      %dma_wait3A_310 = tpu.memref_slice %arg5[%mul3A_4, %dma_wait3A_309] : memref<10240x128xf32, #tpu.memory_space<vmem_shared>> -> memref<64x128xf32, #tpu.memory_space<vmem_shared>>
      tpu.wait_dma2 semaphore(%arg14 : memref<!tpu.dma_semaphore, #tpu.memory_space<semaphore_mem>>) src(%arg9 : memref<64x128xf32, #tpu.memory_space<vmem>>) dst(%dma_wait3A_310 : memref<64x128xf32, #tpu.memory_space<vmem_shared>>)
    }
    %scan3A_16 = arith.constant 10 : i32
    %mul3A_17 = arith.constant 5 : i32
    %mul3A_18 = arith.muli %arg0, %mul3A_17 : i32
    %add3A = arith.constant 0 : i32
    %add3A_19 = arith.addi %mul3A_18, %add3A : i32
    %barrier3A = arith.constant 0 : index
    tpu.barrier barrier_id(%barrier3A)
    %mul3A_20 = arith.constant 5120 : i32
    %mul3A_21 = arith.muli %arg1, %mul3A_20 : i32
    %add3A_22 = arith.constant 0 : i32
    %add3A_23 = arith.addi %mul3A_21, %add3A_22 : i32
    %dma_start3A = arith.constant 0 : i32
    %dma_start3A_24 = tpu.memref_slice %arg2[%add3A_19, %add3A_23, %dma_start3A] : memref<10x81920x128xf32, #tpu.memory_space<hbm>> -> memref<1x128x128xf32, #tpu.memory_space<hbm>>
    %dma_start3A_25 = tpu.memref_squeeze %dma_start3A_24 : memref<1x128x128xf32, #tpu.memory_space<hbm>> -> memref<128x128xf32, #tpu.memory_space<hbm>>
    %dma_start3A_26 = arith.constant 0 : i32
    %dma_start3A_27 = tpu.memref_slice %arg2[%add3A_19, %add3A_23, %dma_start3A_26] : memref<10x81920x128xf32, #tpu.memory_space<hbm>> -> memref<1x128x128xf32, #tpu.memory_space<hbm>>
    %dma_start3A_28 = tpu.memref_squeeze %dma_start3A_27 : memref<1x128x128xf32, #tpu.memory_space<hbm>> -> memref<128x128xf32, #tpu.memory_space<hbm>>
    tpu.enqueue_dma source(%dma_start3A_28 : memref<128x128xf32, #tpu.memory_space<hbm>>) target(%arg6 : memref<128x128xf32, #tpu.memory_space<vmem>>) target_semaphore(%arg10 : memref<!tpu.dma_semaphore, #tpu.memory_space<semaphore_mem>>)
    %mul3A_29 = arith.constant 5120 : i32
    %mul3A_30 = arith.muli %arg1, %mul3A_29 : i32
    %add3A_31 = arith.constant 128 : i32
    %add3A_32 = arith.addi %mul3A_30, %add3A_31 : i32
    %dma_start3A_33 = arith.constant 0 : i32
    %dma_start3A_34 = tpu.memref_slice %arg2[%add3A_19, %add3A_32, %dma_start3A_33] : memref<10x81920x128xf32, #tpu.memory_space<hbm>> -> memref<1x128x128xf32, #tpu.memory_space<hbm>>
    %dma_start3A_35 = tpu.memref_squeeze %dma_start3A_34 : memref<1x128x128xf32, #tpu.memory_space<hbm>> -> memref<128x128xf32, #tpu.memory_space<hbm>>
    %dma_start3A_36 = arith.constant 0 : i32
    %dma_start3A_37 = tpu.memref_slice %arg2[%add3A_19, %add3A_32, %dma_start3A_36] : memref<10x81920x128xf32, #tpu.memory_space<hbm>> -> memref<1x128x128xf32, #tpu.memory_space<hbm>>
    %dma_start3A_38 = tpu.memref_squeeze %dma_start3A_37 : memref<1x128x128xf32, #tpu.memory_space<hbm>> -> memref<128x128xf32, #tpu.memory_space<hbm>>
    tpu.enqueue_dma source(%dma_start3A_38 : memref<128x128xf32, #tpu.memory_space<hbm>>) target(%arg7 : memref<128x128xf32, #tpu.memory_space<vmem>>) target_semaphore(%arg11 : memref<!tpu.dma_semaphore, #tpu.memory_space<semaphore_mem>>)
    %scan3A_39 = arith.constant 0 : i32
    %scan3A_40 = arith.constant 20 : i32
    %scan3A_41 = arith.addi %scan3A_39, %scan3A_40 : i32
    %scan3A_42 = arith.constant 1 : i32
    scf.for %scan3A_302 = %scan3A_39 to %scan3A_41 step %scan3A_42  : i32 {
      %mul3A_303 = arith.constant 2 : i32
      %mul3A_304 = arith.muli %scan3A_302, %mul3A_303 : i32
      %add3A_305 = arith.constant 0 : i32
      %add3A_306 = arith.addi %add3A_305, %mul3A_304 : i32
      %add3A_307 = arith.constant 0 : i32
      %add3A_308 = arith.addi %add3A_306, %add3A_307 : i32
      %dma_wait3A_309 = arith.constant 0 : i32
      %dma_wait3A_310 = arith.constant 0 : i32
      %dma_wait3A_311 = arith.constant 0 : i32
      %dma_wait3A_312 = tpu.memref_slice %arg2[%dma_wait3A_309, %dma_wait3A_310, %dma_wait3A_311] : memref<10x81920x128xf32, #tpu.memory_space<hbm>> -> memref<1x128x128xf32, #tpu.memory_space<hbm>>
      %dma_wait3A_313 = tpu.memref_squeeze %dma_wait3A_312 : memref<1x128x128xf32, #tpu.memory_space<hbm>> -> memref<128x128xf32, #tpu.memory_space<hbm>>
      %dma_wait3A_314 = arith.constant 0 : i32
      %dma_wait3A_315 = arith.constant 0 : i32
      %dma_wait3A_316 = tpu.memref_slice %arg2[%dma_wait3A_309, %dma_wait3A_314, %dma_wait3A_315] : memref<10x81920x128xf32, #tpu.memory_space<hbm>> -> memref<1x128x128xf32, #tpu.memory_space<hbm>>
      %dma_wait3A_317 = tpu.memref_squeeze %dma_wait3A_316 : memref<1x128x128xf32, #tpu.memory_space<hbm>> -> memref<128x128xf32, #tpu.memory_space<hbm>>
      tpu.wait_dma2 semaphore(%arg10 : memref<!tpu.dma_semaphore, #tpu.memory_space<semaphore_mem>>) src(%dma_wait3A_317 : memref<128x128xf32, #tpu.memory_space<hbm>>) dst(%arg6 : memref<128x128xf32, #tpu.memory_space<vmem>>)
      %dma_start3A_318 = arith.constant 0 : i32
      %dma_start3A_319 = tpu.memref_slice %arg8[%add3A_308, %dma_start3A_318] : memref<40x128xi32, #tpu.memory_space<vmem>> -> memref<1x128xi32, #tpu.memory_space<vmem>>
      %dma_start3A_320 = tpu.memref_squeeze %dma_start3A_319 : memref<1x128xi32, #tpu.memory_space<vmem>> -> memref<128xi32, #tpu.memory_space<vmem>>
      %dma_start3A_321 = arith.constant 0 : i32
      %dma_start3A_322 = arith.constant 0 : i32
      %dma_start3A_323 = tpu.memref_slice %arg5[%dma_start3A_321, %dma_start3A_322] : memref<10240x128xf32, #tpu.memory_space<vmem_shared>> -> memref<10240x128xf32, #tpu.memory_space<vmem_shared>>
      tpu.enqueue_indirect_dma source(%arg6 : memref<128x128xf32, #tpu.memory_space<vmem>>) target(%dma_start3A_323 : memref<10240x128xf32, #tpu.memory_space<vmem_shared>>) offsets(%dma_start3A_320 : memref<128xi32, #tpu.memory_space<vmem>>) semaphore(%arg12 : memref<!tpu.dma_semaphore, #tpu.memory_space<semaphore_mem>>) {add = true}
      %add3A_324 = arith.constant 2 : i32
      %add3A_325 = arith.addi %add3A_308, %add3A_324 : i32
      %lt3A = arith.constant 40 : i32
      %lt3A_326 = arith.cmpi slt, %add3A_325, %lt3A : i32
      %convert_element_type3A = arith.extui %lt3A_326 : i1 to i32
      %cond3A = arith.constant 0 : i32
      %cond3A_327 = arith.cmpi ne, %convert_element_type3A, %cond3A : i32
      scf.if %cond3A_327 {
        %dma_wait3A_352 = arith.constant 0 : i32
        %dma_wait3A_353 = arith.constant 0 : i32
        %dma_wait3A_354 = tpu.memref_slice %arg8[%dma_wait3A_352, %dma_wait3A_353] : memref<40x128xi32, #tpu.memory_space<vmem>> -> memref<1x128xi32, #tpu.memory_space<vmem>>
        %dma_wait3A_355 = tpu.memref_squeeze %dma_wait3A_354 : memref<1x128xi32, #tpu.memory_space<vmem>> -> memref<128xi32, #tpu.memory_space<vmem>>
        %dma_wait3A_356 = arith.constant 0 : i32
        %dma_wait3A_357 = arith.constant 0 : i32
        %dma_wait3A_358 = tpu.memref_slice %arg5[%dma_wait3A_356, %dma_wait3A_357] : memref<10240x128xf32, #tpu.memory_space<vmem_shared>> -> memref<10240x128xf32, #tpu.memory_space<vmem_shared>>
        tpu.wait_indirect_dma semaphore(%arg12 : memref<!tpu.dma_semaphore, #tpu.memory_space<semaphore_mem>>) src(%arg6 : memref<128x128xf32, #tpu.memory_space<vmem>>) dst(%dma_wait3A_358 : memref<10240x128xf32, #tpu.memory_space<vmem_shared>>)
        %mul3A_359 = arith.constant 5120 : i32
        %mul3A_360 = arith.muli %arg1, %mul3A_359 : i32
        %mul3A_361 = arith.constant 128 : i32
        %mul3A_362 = arith.muli %add3A_325, %mul3A_361 : i32
        %add3A_363 = arith.addi %mul3A_360, %mul3A_362 : i32
        %dma_start3A_364 = arith.constant 0 : i32
        %dma_start3A_365 = tpu.memref_slice %arg2[%add3A_19, %add3A_363, %dma_start3A_364] : memref<10x81920x128xf32, #tpu.memory_space<hbm>> -> memref<1x128x128xf32, #tpu.memory_space<hbm>>
        %dma_start3A_366 = tpu.memref_squeeze %dma_start3A_365 : memref<1x128x128xf32, #tpu.memory_space<hbm>> -> memref<128x128xf32, #tpu.memory_space<hbm>>
        %dma_start3A_367 = arith.constant 0 : i32
        %dma_start3A_368 = tpu.memref_slice %arg2[%add3A_19, %add3A_363, %dma_start3A_367] : memref<10x81920x128xf32, #tpu.memory_space<hbm>> -> memref<1x128x128xf32, #tpu.memory_space<hbm>>
        %dma_start3A_369 = tpu.memref_squeeze %dma_start3A_368 : memref<1x128x128xf32, #tpu.memory_space<hbm>> -> memref<128x128xf32, #tpu.memory_space<hbm>>
        tpu.enqueue_dma source(%dma_start3A_369 : memref<128x128xf32, #tpu.memory_space<hbm>>) target(%arg6 : memref<128x128xf32, #tpu.memory_space<vmem>>) target_semaphore(%arg10 : memref<!tpu.dma_semaphore, #tpu.memory_space<semaphore_mem>>)
      } else {
      }
      %add3A_328 = arith.constant 1 : i32
      %add3A_329 = arith.addi %add3A_306, %add3A_328 : i32
      %dma_wait3A_330 = arith.constant 0 : i32
      %dma_wait3A_331 = arith.constant 0 : i32
      %dma_wait3A_332 = arith.constant 0 : i32
      %dma_wait3A_333 = tpu.memref_slice %arg2[%dma_wait3A_330, %dma_wait3A_331, %dma_wait3A_332] : memref<10x81920x128xf32, #tpu.memory_space<hbm>> -> memref<1x128x128xf32, #tpu.memory_space<hbm>>
      %dma_wait3A_334 = tpu.memref_squeeze %dma_wait3A_333 : memref<1x128x128xf32, #tpu.memory_space<hbm>> -> memref<128x128xf32, #tpu.memory_space<hbm>>
      %dma_wait3A_335 = arith.constant 0 : i32
      %dma_wait3A_336 = arith.constant 0 : i32
      %dma_wait3A_337 = tpu.memref_slice %arg2[%dma_wait3A_330, %dma_wait3A_335, %dma_wait3A_336] : memref<10x81920x128xf32, #tpu.memory_space<hbm>> -> memref<1x128x128xf32, #tpu.memory_space<hbm>>
      %dma_wait3A_338 = tpu.memref_squeeze %dma_wait3A_337 : memref<1x128x128xf32, #tpu.memory_space<hbm>> -> memref<128x128xf32, #tpu.memory_space<hbm>>
      tpu.wait_dma2 semaphore(%arg11 : memref<!tpu.dma_semaphore, #tpu.memory_space<semaphore_mem>>) src(%dma_wait3A_338 : memref<128x128xf32, #tpu.memory_space<hbm>>) dst(%arg7 : memref<128x128xf32, #tpu.memory_space<vmem>>)
      %dma_start3A_339 = arith.constant 0 : i32
      %dma_start3A_340 = tpu.memref_slice %arg8[%add3A_329, %dma_start3A_339] : memref<40x128xi32, #tpu.memory_space<vmem>> -> memref<1x128xi32, #tpu.memory_space<vmem>>
      %dma_start3A_341 = tpu.memref_squeeze %dma_start3A_340 : memref<1x128xi32, #tpu.memory_space<vmem>> -> memref<128xi32, #tpu.memory_space<vmem>>
      %dma_start3A_342 = arith.constant 0 : i32
      %dma_start3A_343 = arith.constant 0 : i32
      %dma_start3A_344 = tpu.memref_slice %arg5[%dma_start3A_342, %dma_start3A_343] : memref<10240x128xf32, #tpu.memory_space<vmem_shared>> -> memref<10240x128xf32, #tpu.memory_space<vmem_shared>>
      tpu.enqueue_indirect_dma source(%arg7 : memref<128x128xf32, #tpu.memory_space<vmem>>) target(%dma_start3A_344 : memref<10240x128xf32, #tpu.memory_space<vmem_shared>>) offsets(%dma_start3A_341 : memref<128xi32, #tpu.memory_space<vmem>>) semaphore(%arg13 : memref<!tpu.dma_semaphore, #tpu.memory_space<semaphore_mem>>) {add = true}
      %add3A_345 = arith.constant 2 : i32
      %add3A_346 = arith.addi %add3A_329, %add3A_345 : i32
      %lt3A_347 = arith.constant 40 : i32
      %lt3A_348 = arith.cmpi slt, %add3A_346, %lt3A_347 : i32
      %convert_element_type3A_349 = arith.extui %lt3A_348 : i1 to i32
      %cond3A_350 = arith.constant 0 : i32
      %cond3A_351 = arith.cmpi ne, %convert_element_type3A_349, %cond3A_350 : i32
      scf.if %cond3A_351 {
        %dma_wait3A_352 = arith.constant 0 : i32
        %dma_wait3A_353 = arith.constant 0 : i32
        %dma_wait3A_354 = tpu.memref_slice %arg8[%dma_wait3A_352, %dma_wait3A_353] : memref<40x128xi32, #tpu.memory_space<vmem>> -> memref<1x128xi32, #tpu.memory_space<vmem>>
        %dma_wait3A_355 = tpu.memref_squeeze %dma_wait3A_354 : memref<1x128xi32, #tpu.memory_space<vmem>> -> memref<128xi32, #tpu.memory_space<vmem>>
        %dma_wait3A_356 = arith.constant 0 : i32
        %dma_wait3A_357 = arith.constant 0 : i32
        %dma_wait3A_358 = tpu.memref_slice %arg5[%dma_wait3A_356, %dma_wait3A_357] : memref<10240x128xf32, #tpu.memory_space<vmem_shared>> -> memref<10240x128xf32, #tpu.memory_space<vmem_shared>>
        tpu.wait_indirect_dma semaphore(%arg13 : memref<!tpu.dma_semaphore, #tpu.memory_space<semaphore_mem>>) src(%arg7 : memref<128x128xf32, #tpu.memory_space<vmem>>) dst(%dma_wait3A_358 : memref<10240x128xf32, #tpu.memory_space<vmem_shared>>)
        %mul3A_359 = arith.constant 5120 : i32
        %mul3A_360 = arith.muli %arg1, %mul3A_359 : i32
        %mul3A_361 = arith.constant 128 : i32
        %mul3A_362 = arith.muli %add3A_346, %mul3A_361 : i32
        %add3A_363 = arith.addi %mul3A_360, %mul3A_362 : i32
        %dma_start3A_364 = arith.constant 0 : i32
        %dma_start3A_365 = tpu.memref_slice %arg2[%add3A_19, %add3A_363, %dma_start3A_364] : memref<10x81920x128xf32, #tpu.memory_space<hbm>> -> memref<1x128x128xf32, #tpu.memory_space<hbm>>
        %dma_start3A_366 = tpu.memref_squeeze %dma_start3A_365 : memref<1x128x128xf32, #tpu.memory_space<hbm>> -> memref<128x128xf32, #tpu.memory_space<hbm>>
        %dma_start3A_367 = arith.constant 0 : i32
        %dma_start3A_368 = tpu.memref_slice %arg2[%add3A_19, %add3A_363, %dma_start3A_367] : memref<10x81920x128xf32, #tpu.memory_space<hbm>> -> memref<1x128x128xf32, #tpu.memory_space<hbm>>
        %dma_start3A_369 = tpu.memref_squeeze %dma_start3A_368 : memref<1x128x128xf32, #tpu.memory_space<hbm>> -> memref<128x128xf32, #tpu.memory_space<hbm>>
        tpu.enqueue_dma source(%dma_start3A_369 : memref<128x128xf32, #tpu.memory_space<hbm>>) target(%arg7 : memref<128x128xf32, #tpu.memory_space<vmem>>) target_semaphore(%arg11 : memref<!tpu.dma_semaphore, #tpu.memory_space<semaphore_mem>>)
      } else {
      }
    }
    %scan3A_43 = arith.constant 20 : i32
    %dma_wait3A = arith.constant 0 : i32
    %dma_wait3A_44 = arith.constant 0 : i32
    %dma_wait3A_45 = tpu.memref_slice %arg8[%dma_wait3A, %dma_wait3A_44] : memref<40x128xi32, #tpu.memory_space<vmem>> -> memref<1x128xi32, #tpu.memory_space<vmem>>
    %dma_wait3A_46 = tpu.memref_squeeze %dma_wait3A_45 : memref<1x128xi32, #tpu.memory_space<vmem>> -> memref<128xi32, #tpu.memory_space<vmem>>
    %dma_wait3A_47 = arith.constant 0 : i32
    %dma_wait3A_48 = arith.constant 0 : i32
    %dma_wait3A_49 = tpu.memref_slice %arg5[%dma_wait3A_47, %dma_wait3A_48] : memref<10240x128xf32, #tpu.memory_space<vmem_shared>> -> memref<10240x128xf32, #tpu.memory_space<vmem_shared>>
    tpu.wait_indirect_dma semaphore(%arg12 : memref<!tpu.dma_semaphore, #tpu.memory_space<semaphore_mem>>) src(%arg6 : memref<128x128xf32, #tpu.memory_space<vmem>>) dst(%dma_wait3A_49 : memref<10240x128xf32, #tpu.memory_space<vmem_shared>>)
    %dma_wait3A_50 = arith.constant 0 : i32
    %dma_wait3A_51 = arith.constant 0 : i32
    %dma_wait3A_52 = tpu.memref_slice %arg8[%dma_wait3A_50, %dma_wait3A_51] : memref<40x128xi32, #tpu.memory_space<vmem>> -> memref<1x128xi32, #tpu.memory_space<vmem>>
    %dma_wait3A_53 = tpu.memref_squeeze %dma_wait3A_52 : memref<1x128xi32, #tpu.memory_space<vmem>> -> memref<128xi32, #tpu.memory_space<vmem>>
    %dma_wait3A_54 = arith.constant 0 : i32
    %dma_wait3A_55 = arith.constant 0 : i32
    %dma_wait3A_56 = tpu.memref_slice %arg5[%dma_wait3A_54, %dma_wait3A_55] : memref<10240x128xf32, #tpu.memory_space<vmem_shared>> -> memref<10240x128xf32, #tpu.memory_space<vmem_shared>>
    tpu.wait_indirect_dma semaphore(%arg13 : memref<!tpu.dma_semaphore, #tpu.memory_space<semaphore_mem>>) src(%arg7 : memref<128x128xf32, #tpu.memory_space<vmem>>) dst(%dma_wait3A_56 : memref<10240x128xf32, #tpu.memory_space<vmem_shared>>)
    %barrier3A_57 = arith.constant 0 : index
    tpu.barrier barrier_id(%barrier3A_57)
    "tpu.region"() ({
      %run_scoped3A = tpu.sem_alloc : memref<!tpu.dma_semaphore, #tpu.memory_space<semaphore_mem>>
      %dma_start3A_302 = arith.constant 0 : i32
      %dma_start3A_303 = tpu.memref_slice %arg4[%add3A_19, %mul3A_4, %dma_start3A_302] : memref<10x10240x128xf32, #tpu.memory_space<hbm>> -> memref<1x640x128xf32, #tpu.memory_space<hbm>>
      %dma_start3A_304 = tpu.memref_squeeze %dma_start3A_303 : memref<1x640x128xf32, #tpu.memory_space<hbm>> -> memref<640x128xf32, #tpu.memory_space<hbm>>
      %dma_start3A_305 = arith.constant 0 : i32
      %dma_start3A_306 = tpu.memref_slice %arg5[%mul3A_4, %dma_start3A_305] : memref<10240x128xf32, #tpu.memory_space<vmem_shared>> -> memref<640x128xf32, #tpu.memory_space<vmem_shared>>
      tpu.enqueue_dma source(%dma_start3A_306 : memref<640x128xf32, #tpu.memory_space<vmem_shared>>) target(%dma_start3A_304 : memref<640x128xf32, #tpu.memory_space<hbm>>) target_semaphore(%run_scoped3A : memref<!tpu.dma_semaphore, #tpu.memory_space<semaphore_mem>>)
      %dma_wait3A_307 = arith.constant 0 : i32
      %dma_wait3A_308 = tpu.memref_slice %arg4[%add3A_19, %mul3A_4, %dma_wait3A_307] : memref<10x10240x128xf32, #tpu.memory_space<hbm>> -> memref<1x640x128xf32, #tpu.memory_space<hbm>>
      %dma_wait3A_309 = tpu.memref_squeeze %dma_wait3A_308 : memref<1x640x128xf32, #tpu.memory_space<hbm>> -> memref<640x128xf32, #tpu.memory_space<hbm>>
      %dma_wait3A_310 = arith.constant 0 : i32
      %dma_wait3A_311 = tpu.memref_slice %arg5[%mul3A_4, %dma_wait3A_310] : memref<10240x128xf32, #tpu.memory_space<vmem_shared>> -> memref<640x128xf32, #tpu.memory_space<vmem_shared>>
      tpu.wait_dma2 semaphore(%run_scoped3A : memref<!tpu.dma_semaphore, #tpu.memory_space<semaphore_mem>>) src(%dma_wait3A_311 : memref<640x128xf32, #tpu.memory_space<vmem_shared>>) dst(%dma_wait3A_309 : memref<640x128xf32, #tpu.memory_space<hbm>>)
      tpu.yield
    }) : () -> ()
    %mul3A_58 = arith.constant 5 : i32
    %mul3A_59 = arith.muli %arg0, %mul3A_58 : i32
    %add3A_60 = arith.constant 0 : i32
    %add3A_61 = arith.addi %mul3A_59, %add3A_60 : i32
    %add3A_62 = arith.constant 1 : i32
    %add3A_63 = arith.addi %add3A_61, %add3A_62 : i32
    %scan3A_64 = arith.constant 0 : i32
    %scan3A_65 = arith.constant 10 : i32
    %scan3A_66 = arith.addi %scan3A_64, %scan3A_65 : i32
    %scan3A_67 = arith.constant 1 : i32
    scf.for %scan3A_302 = %scan3A_64 to %scan3A_66 step %scan3A_67  : i32 {
      %mul3A_303 = arith.constant 1 : i32
      %mul3A_304 = arith.muli %scan3A_302, %mul3A_303 : i32
      %add3A_305 = arith.constant 0 : i32
      %add3A_306 = arith.addi %add3A_305, %mul3A_304 : i32
      %mul3A_307 = arith.constant 64 : i32
      %mul3A_308 = arith.muli %add3A_306, %mul3A_307 : i32
      %add3A_309 = arith.addi %mul3A_4, %mul3A_308 : i32
      %dma_start3A_310 = arith.constant 0 : i32
      %dma_start3A_311 = tpu.memref_slice %arg5[%add3A_309, %dma_start3A_310] : memref<10240x128xf32, #tpu.memory_space<vmem_shared>> -> memref<64x128xf32, #tpu.memory_space<vmem_shared>>
      %dma_start3A_312 = arith.constant 0 : i32
      %dma_start3A_313 = tpu.memref_slice %arg5[%add3A_309, %dma_start3A_312] : memref<10240x128xf32, #tpu.memory_space<vmem_shared>> -> memref<64x128xf32, #tpu.memory_space<vmem_shared>>
      tpu.enqueue_dma source(%arg9 : memref<64x128xf32, #tpu.memory_space<vmem>>) target(%dma_start3A_313 : memref<64x128xf32, #tpu.memory_space<vmem_shared>>) target_semaphore(%arg14 : memref<!tpu.dma_semaphore, #tpu.memory_space<semaphore_mem>>)
    }
    %scan3A_68 = arith.constant 10 : i32
    %scan3A_69 = arith.constant 0 : i32
    %scan3A_70 = arith.constant 10 : i32
    %scan3A_71 = arith.addi %scan3A_69, %scan3A_70 : i32
    %scan3A_72 = arith.constant 1 : i32
    scf.for %scan3A_302 = %scan3A_69 to %scan3A_71 step %scan3A_72  : i32 {
      %mul3A_303 = arith.constant 1 : i32
      %mul3A_304 = arith.muli %scan3A_302, %mul3A_303 : i32
      %add3A_305 = arith.constant 0 : i32
      %add3A_306 = arith.addi %add3A_305, %mul3A_304 : i32
      %dma_wait3A_307 = arith.constant 0 : i32
      %dma_wait3A_308 = tpu.memref_slice %arg5[%mul3A_4, %dma_wait3A_307] : memref<10240x128xf32, #tpu.memory_space<vmem_shared>> -> memref<64x128xf32, #tpu.memory_space<vmem_shared>>
      %dma_wait3A_309 = arith.constant 0 : i32
      %dma_wait3A_310 = tpu.memref_slice %arg5[%mul3A_4, %dma_wait3A_309] : memref<10240x128xf32, #tpu.memory_space<vmem_shared>> -> memref<64x128xf32, #tpu.memory_space<vmem_shared>>
      tpu.wait_dma2 semaphore(%arg14 : memref<!tpu.dma_semaphore, #tpu.memory_space<semaphore_mem>>) src(%arg9 : memref<64x128xf32, #tpu.memory_space<vmem>>) dst(%dma_wait3A_310 : memref<64x128xf32, #tpu.memory_space<vmem_shared>>)
    }
    %scan3A_73 = arith.constant 10 : i32
    %mul3A_74 = arith.constant 5 : i32
    %mul3A_75 = arith.muli %arg0, %mul3A_74 : i32
    %add3A_76 = arith.constant 1 : i32
    %add3A_77 = arith.addi %mul3A_75, %add3A_76 : i32
    %barrier3A_78 = arith.constant 0 : index
    tpu.barrier barrier_id(%barrier3A_78)
    %mul3A_79 = arith.constant 5120 : i32
    %mul3A_80 = arith.muli %arg1, %mul3A_79 : i32
    %add3A_81 = arith.constant 0 : i32
    %add3A_82 = arith.addi %mul3A_80, %add3A_81 : i32
    %dma_start3A_83 = arith.constant 0 : i32
    %dma_start3A_84 = tpu.memref_slice %arg2[%add3A_77, %add3A_82, %dma_start3A_83] : memref<10x81920x128xf32, #tpu.memory_space<hbm>> -> memref<1x128x128xf32, #tpu.memory_space<hbm>>
    %dma_start3A_85 = tpu.memref_squeeze %dma_start3A_84 : memref<1x128x128xf32, #tpu.memory_space<hbm>> -> memref<128x128xf32, #tpu.memory_space<hbm>>
    %dma_start3A_86 = arith.constant 0 : i32
    %dma_start3A_87 = tpu.memref_slice %arg2[%add3A_77, %add3A_82, %dma_start3A_86] : memref<10x81920x128xf32, #tpu.memory_space<hbm>> -> memref<1x128x128xf32, #tpu.memory_space<hbm>>
    %dma_start3A_88 = tpu.memref_squeeze %dma_start3A_87 : memref<1x128x128xf32, #tpu.memory_space<hbm>> -> memref<128x128xf32, #tpu.memory_space<hbm>>
    tpu.enqueue_dma source(%dma_start3A_88 : memref<128x128xf32, #tpu.memory_space<hbm>>) target(%arg6 : memref<128x128xf32, #tpu.memory_space<vmem>>) target_semaphore(%arg10 : memref<!tpu.dma_semaphore, #tpu.memory_space<semaphore_mem>>)
    %mul3A_89 = arith.constant 5120 : i32
    %mul3A_90 = arith.muli %arg1, %mul3A_89 : i32
    %add3A_91 = arith.constant 128 : i32
    %add3A_92 = arith.addi %mul3A_90, %add3A_91 : i32
    %dma_start3A_93 = arith.constant 0 : i32
    %dma_start3A_94 = tpu.memref_slice %arg2[%add3A_77, %add3A_92, %dma_start3A_93] : memref<10x81920x128xf32, #tpu.memory_space<hbm>> -> memref<1x128x128xf32, #tpu.memory_space<hbm>>
    %dma_start3A_95 = tpu.memref_squeeze %dma_start3A_94 : memref<1x128x128xf32, #tpu.memory_space<hbm>> -> memref<128x128xf32, #tpu.memory_space<hbm>>
    %dma_start3A_96 = arith.constant 0 : i32
    %dma_start3A_97 = tpu.memref_slice %arg2[%add3A_77, %add3A_92, %dma_start3A_96] : memref<10x81920x128xf32, #tpu.memory_space<hbm>> -> memref<1x128x128xf32, #tpu.memory_space<hbm>>
    %dma_start3A_98 = tpu.memref_squeeze %dma_start3A_97 : memref<1x128x128xf32, #tpu.memory_space<hbm>> -> memref<128x128xf32, #tpu.memory_space<hbm>>
    tpu.enqueue_dma source(%dma_start3A_98 : memref<128x128xf32, #tpu.memory_space<hbm>>) target(%arg7 : memref<128x128xf32, #tpu.memory_space<vmem>>) target_semaphore(%arg11 : memref<!tpu.dma_semaphore, #tpu.memory_space<semaphore_mem>>)
    %scan3A_99 = arith.constant 0 : i32
    %scan3A_100 = arith.constant 20 : i32
    %scan3A_101 = arith.addi %scan3A_99, %scan3A_100 : i32
    %scan3A_102 = arith.constant 1 : i32
    scf.for %scan3A_302 = %scan3A_99 to %scan3A_101 step %scan3A_102  : i32 {
      %mul3A_303 = arith.constant 2 : i32
      %mul3A_304 = arith.muli %scan3A_302, %mul3A_303 : i32
      %add3A_305 = arith.constant 0 : i32
      %add3A_306 = arith.addi %add3A_305, %mul3A_304 : i32
      %add3A_307 = arith.constant 0 : i32
      %add3A_308 = arith.addi %add3A_306, %add3A_307 : i32
      %dma_wait3A_309 = arith.constant 0 : i32
      %dma_wait3A_310 = arith.constant 0 : i32
      %dma_wait3A_311 = arith.constant 0 : i32
      %dma_wait3A_312 = tpu.memref_slice %arg2[%dma_wait3A_309, %dma_wait3A_310, %dma_wait3A_311] : memref<10x81920x128xf32, #tpu.memory_space<hbm>> -> memref<1x128x128xf32, #tpu.memory_space<hbm>>
      %dma_wait3A_313 = tpu.memref_squeeze %dma_wait3A_312 : memref<1x128x128xf32, #tpu.memory_space<hbm>> -> memref<128x128xf32, #tpu.memory_space<hbm>>
      %dma_wait3A_314 = arith.constant 0 : i32
      %dma_wait3A_315 = arith.constant 0 : i32
      %dma_wait3A_316 = tpu.memref_slice %arg2[%dma_wait3A_309, %dma_wait3A_314, %dma_wait3A_315] : memref<10x81920x128xf32, #tpu.memory_space<hbm>> -> memref<1x128x128xf32, #tpu.memory_space<hbm>>
      %dma_wait3A_317 = tpu.memref_squeeze %dma_wait3A_316 : memref<1x128x128xf32, #tpu.memory_space<hbm>> -> memref<128x128xf32, #tpu.memory_space<hbm>>
      tpu.wait_dma2 semaphore(%arg10 : memref<!tpu.dma_semaphore, #tpu.memory_space<semaphore_mem>>) src(%dma_wait3A_317 : memref<128x128xf32, #tpu.memory_space<hbm>>) dst(%arg6 : memref<128x128xf32, #tpu.memory_space<vmem>>)
      %dma_start3A_318 = arith.constant 0 : i32
      %dma_start3A_319 = tpu.memref_slice %arg8[%add3A_308, %dma_start3A_318] : memref<40x128xi32, #tpu.memory_space<vmem>> -> memref<1x128xi32, #tpu.memory_space<vmem>>
      %dma_start3A_320 = tpu.memref_squeeze %dma_start3A_319 : memref<1x128xi32, #tpu.memory_space<vmem>> -> memref<128xi32, #tpu.memory_space<vmem>>
      %dma_start3A_321 = arith.constant 0 : i32
      %dma_start3A_322 = arith.constant 0 : i32
      %dma_start3A_323 = tpu.memref_slice %arg5[%dma_start3A_321, %dma_start3A_322] : memref<10240x128xf32, #tpu.memory_space<vmem_shared>> -> memref<10240x128xf32, #tpu.memory_space<vmem_shared>>
      tpu.enqueue_indirect_dma source(%arg6 : memref<128x128xf32, #tpu.memory_space<vmem>>) target(%dma_start3A_323 : memref<10240x128xf32, #tpu.memory_space<vmem_shared>>) offsets(%dma_start3A_320 : memref<128xi32, #tpu.memory_space<vmem>>) semaphore(%arg12 : memref<!tpu.dma_semaphore, #tpu.memory_space<semaphore_mem>>) {add = true}
      %add3A_324 = arith.constant 2 : i32
      %add3A_325 = arith.addi %add3A_308, %add3A_324 : i32
      %lt3A = arith.constant 40 : i32
      %lt3A_326 = arith.cmpi slt, %add3A_325, %lt3A : i32
      %convert_element_type3A = arith.extui %lt3A_326 : i1 to i32
      %cond3A = arith.constant 0 : i32
      %cond3A_327 = arith.cmpi ne, %convert_element_type3A, %cond3A : i32
      scf.if %cond3A_327 {
        %dma_wait3A_352 = arith.constant 0 : i32
        %dma_wait3A_353 = arith.constant 0 : i32
        %dma_wait3A_354 = tpu.memref_slice %arg8[%dma_wait3A_352, %dma_wait3A_353] : memref<40x128xi32, #tpu.memory_space<vmem>> -> memref<1x128xi32, #tpu.memory_space<vmem>>
        %dma_wait3A_355 = tpu.memref_squeeze %dma_wait3A_354 : memref<1x128xi32, #tpu.memory_space<vmem>> -> memref<128xi32, #tpu.memory_space<vmem>>
        %dma_wait3A_356 = arith.constant 0 : i32
        %dma_wait3A_357 = arith.constant 0 : i32
        %dma_wait3A_358 = tpu.memref_slice %arg5[%dma_wait3A_356, %dma_wait3A_357] : memref<10240x128xf32, #tpu.memory_space<vmem_shared>> -> memref<10240x128xf32, #tpu.memory_space<vmem_shared>>
        tpu.wait_indirect_dma semaphore(%arg12 : memref<!tpu.dma_semaphore, #tpu.memory_space<semaphore_mem>>) src(%arg6 : memref<128x128xf32, #tpu.memory_space<vmem>>) dst(%dma_wait3A_358 : memref<10240x128xf32, #tpu.memory_space<vmem_shared>>)
        %mul3A_359 = arith.constant 5120 : i32
        %mul3A_360 = arith.muli %arg1, %mul3A_359 : i32
        %mul3A_361 = arith.constant 128 : i32
        %mul3A_362 = arith.muli %add3A_325, %mul3A_361 : i32
        %add3A_363 = arith.addi %mul3A_360, %mul3A_362 : i32
        %dma_start3A_364 = arith.constant 0 : i32
        %dma_start3A_365 = tpu.memref_slice %arg2[%add3A_77, %add3A_363, %dma_start3A_364] : memref<10x81920x128xf32, #tpu.memory_space<hbm>> -> memref<1x128x128xf32, #tpu.memory_space<hbm>>
        %dma_start3A_366 = tpu.memref_squeeze %dma_start3A_365 : memref<1x128x128xf32, #tpu.memory_space<hbm>> -> memref<128x128xf32, #tpu.memory_space<hbm>>
        %dma_start3A_367 = arith.constant 0 : i32
        %dma_start3A_368 = tpu.memref_slice %arg2[%add3A_77, %add3A_363, %dma_start3A_367] : memref<10x81920x128xf32, #tpu.memory_space<hbm>> -> memref<1x128x128xf32, #tpu.memory_space<hbm>>
        %dma_start3A_369 = tpu.memref_squeeze %dma_start3A_368 : memref<1x128x128xf32, #tpu.memory_space<hbm>> -> memref<128x128xf32, #tpu.memory_space<hbm>>
        tpu.enqueue_dma source(%dma_start3A_369 : memref<128x128xf32, #tpu.memory_space<hbm>>) target(%arg6 : memref<128x128xf32, #tpu.memory_space<vmem>>) target_semaphore(%arg10 : memref<!tpu.dma_semaphore, #tpu.memory_space<semaphore_mem>>)
      } else {
      }
      %add3A_328 = arith.constant 1 : i32
      %add3A_329 = arith.addi %add3A_306, %add3A_328 : i32
      %dma_wait3A_330 = arith.constant 0 : i32
      %dma_wait3A_331 = arith.constant 0 : i32
      %dma_wait3A_332 = arith.constant 0 : i32
      %dma_wait3A_333 = tpu.memref_slice %arg2[%dma_wait3A_330, %dma_wait3A_331, %dma_wait3A_332] : memref<10x81920x128xf32, #tpu.memory_space<hbm>> -> memref<1x128x128xf32, #tpu.memory_space<hbm>>
      %dma_wait3A_334 = tpu.memref_squeeze %dma_wait3A_333 : memref<1x128x128xf32, #tpu.memory_space<hbm>> -> memref<128x128xf32, #tpu.memory_space<hbm>>
      %dma_wait3A_335 = arith.constant 0 : i32
      %dma_wait3A_336 = arith.constant 0 : i32
      %dma_wait3A_337 = tpu.memref_slice %arg2[%dma_wait3A_330, %dma_wait3A_335, %dma_wait3A_336] : memref<10x81920x128xf32, #tpu.memory_space<hbm>> -> memref<1x128x128xf32, #tpu.memory_space<hbm>>
      %dma_wait3A_338 = tpu.memref_squeeze %dma_wait3A_337 : memref<1x128x128xf32, #tpu.memory_space<hbm>> -> memref<128x128xf32, #tpu.memory_space<hbm>>
      tpu.wait_dma2 semaphore(%arg11 : memref<!tpu.dma_semaphore, #tpu.memory_space<semaphore_mem>>) src(%dma_wait3A_338 : memref<128x128xf32, #tpu.memory_space<hbm>>) dst(%arg7 : memref<128x128xf32, #tpu.memory_space<vmem>>)
      %dma_start3A_339 = arith.constant 0 : i32
      %dma_start3A_340 = tpu.memref_slice %arg8[%add3A_329, %dma_start3A_339] : memref<40x128xi32, #tpu.memory_space<vmem>> -> memref<1x128xi32, #tpu.memory_space<vmem>>
      %dma_start3A_341 = tpu.memref_squeeze %dma_start3A_340 : memref<1x128xi32, #tpu.memory_space<vmem>> -> memref<128xi32, #tpu.memory_space<vmem>>
      %dma_start3A_342 = arith.constant 0 : i32
      %dma_start3A_343 = arith.constant 0 : i32
      %dma_start3A_344 = tpu.memref_slice %arg5[%dma_start3A_342, %dma_start3A_343] : memref<10240x128xf32, #tpu.memory_space<vmem_shared>> -> memref<10240x128xf32, #tpu.memory_space<vmem_shared>>
      tpu.enqueue_indirect_dma source(%arg7 : memref<128x128xf32, #tpu.memory_space<vmem>>) target(%dma_start3A_344 : memref<10240x128xf32, #tpu.memory_space<vmem_shared>>) offsets(%dma_start3A_341 : memref<128xi32, #tpu.memory_space<vmem>>) semaphore(%arg13 : memref<!tpu.dma_semaphore, #tpu.memory_space<semaphore_mem>>) {add = true}
      %add3A_345 = arith.constant 2 : i32
      %add3A_346 = arith.addi %add3A_329, %add3A_345 : i32
      %lt3A_347 = arith.constant 40 : i32
      %lt3A_348 = arith.cmpi slt, %add3A_346, %lt3A_347 : i32
      %convert_element_type3A_349 = arith.extui %lt3A_348 : i1 to i32
      %cond3A_350 = arith.constant 0 : i32
      %cond3A_351 = arith.cmpi ne, %convert_element_type3A_349, %cond3A_350 : i32
      scf.if %cond3A_351 {
        %dma_wait3A_352 = arith.constant 0 : i32
        %dma_wait3A_353 = arith.constant 0 : i32
        %dma_wait3A_354 = tpu.memref_slice %arg8[%dma_wait3A_352, %dma_wait3A_353] : memref<40x128xi32, #tpu.memory_space<vmem>> -> memref<1x128xi32, #tpu.memory_space<vmem>>
        %dma_wait3A_355 = tpu.memref_squeeze %dma_wait3A_354 : memref<1x128xi32, #tpu.memory_space<vmem>> -> memref<128xi32, #tpu.memory_space<vmem>>
        %dma_wait3A_356 = arith.constant 0 : i32
        %dma_wait3A_357 = arith.constant 0 : i32
        %dma_wait3A_358 = tpu.memref_slice %arg5[%dma_wait3A_356, %dma_wait3A_357] : memref<10240x128xf32, #tpu.memory_space<vmem_shared>> -> memref<10240x128xf32, #tpu.memory_space<vmem_shared>>
        tpu.wait_indirect_dma semaphore(%arg13 : memref<!tpu.dma_semaphore, #tpu.memory_space<semaphore_mem>>) src(%arg7 : memref<128x128xf32, #tpu.memory_space<vmem>>) dst(%dma_wait3A_358 : memref<10240x128xf32, #tpu.memory_space<vmem_shared>>)
        %mul3A_359 = arith.constant 5120 : i32
        %mul3A_360 = arith.muli %arg1, %mul3A_359 : i32
        %mul3A_361 = arith.constant 128 : i32
        %mul3A_362 = arith.muli %add3A_346, %mul3A_361 : i32
        %add3A_363 = arith.addi %mul3A_360, %mul3A_362 : i32
        %dma_start3A_364 = arith.constant 0 : i32
        %dma_start3A_365 = tpu.memref_slice %arg2[%add3A_77, %add3A_363, %dma_start3A_364] : memref<10x81920x128xf32, #tpu.memory_space<hbm>> -> memref<1x128x128xf32, #tpu.memory_space<hbm>>
        %dma_start3A_366 = tpu.memref_squeeze %dma_start3A_365 : memref<1x128x128xf32, #tpu.memory_space<hbm>> -> memref<128x128xf32, #tpu.memory_space<hbm>>
        %dma_start3A_367 = arith.constant 0 : i32
        %dma_start3A_368 = tpu.memref_slice %arg2[%add3A_77, %add3A_363, %dma_start3A_367] : memref<10x81920x128xf32, #tpu.memory_space<hbm>> -> memref<1x128x128xf32, #tpu.memory_space<hbm>>
        %dma_start3A_369 = tpu.memref_squeeze %dma_start3A_368 : memref<1x128x128xf32, #tpu.memory_space<hbm>> -> memref<128x128xf32, #tpu.memory_space<hbm>>
        tpu.enqueue_dma source(%dma_start3A_369 : memref<128x128xf32, #tpu.memory_space<hbm>>) target(%arg7 : memref<128x128xf32, #tpu.memory_space<vmem>>) target_semaphore(%arg11 : memref<!tpu.dma_semaphore, #tpu.memory_space<semaphore_mem>>)
      } else {
      }
    }
    %scan3A_103 = arith.constant 20 : i32
    %dma_wait3A_104 = arith.constant 0 : i32
    %dma_wait3A_105 = arith.constant 0 : i32
    %dma_wait3A_106 = tpu.memref_slice %arg8[%dma_wait3A_104, %dma_wait3A_105] : memref<40x128xi32, #tpu.memory_space<vmem>> -> memref<1x128xi32, #tpu.memory_space<vmem>>
    %dma_wait3A_107 = tpu.memref_squeeze %dma_wait3A_106 : memref<1x128xi32, #tpu.memory_space<vmem>> -> memref<128xi32, #tpu.memory_space<vmem>>
    %dma_wait3A_108 = arith.constant 0 : i32
    %dma_wait3A_109 = arith.constant 0 : i32
    %dma_wait3A_110 = tpu.memref_slice %arg5[%dma_wait3A_108, %dma_wait3A_109] : memref<10240x128xf32, #tpu.memory_space<vmem_shared>> -> memref<10240x128xf32, #tpu.memory_space<vmem_shared>>
    tpu.wait_indirect_dma semaphore(%arg12 : memref<!tpu.dma_semaphore, #tpu.memory_space<semaphore_mem>>) src(%arg6 : memref<128x128xf32, #tpu.memory_space<vmem>>) dst(%dma_wait3A_110 : memref<10240x128xf32, #tpu.memory_space<vmem_shared>>)
    %dma_wait3A_111 = arith.constant 0 : i32
    %dma_wait3A_112 = arith.constant 0 : i32
    %dma_wait3A_113 = tpu.memref_slice %arg8[%dma_wait3A_111, %dma_wait3A_112] : memref<40x128xi32, #tpu.memory_space<vmem>> -> memref<1x128xi32, #tpu.memory_space<vmem>>
    %dma_wait3A_114 = tpu.memref_squeeze %dma_wait3A_113 : memref<1x128xi32, #tpu.memory_space<vmem>> -> memref<128xi32, #tpu.memory_space<vmem>>
    %dma_wait3A_115 = arith.constant 0 : i32
    %dma_wait3A_116 = arith.constant 0 : i32
    %dma_wait3A_117 = tpu.memref_slice %arg5[%dma_wait3A_115, %dma_wait3A_116] : memref<10240x128xf32, #tpu.memory_space<vmem_shared>> -> memref<10240x128xf32, #tpu.memory_space<vmem_shared>>
    tpu.wait_indirect_dma semaphore(%arg13 : memref<!tpu.dma_semaphore, #tpu.memory_space<semaphore_mem>>) src(%arg7 : memref<128x128xf32, #tpu.memory_space<vmem>>) dst(%dma_wait3A_117 : memref<10240x128xf32, #tpu.memory_space<vmem_shared>>)
    %barrier3A_118 = arith.constant 0 : index
    tpu.barrier barrier_id(%barrier3A_118)
    "tpu.region"() ({
      %run_scoped3A = tpu.sem_alloc : memref<!tpu.dma_semaphore, #tpu.memory_space<semaphore_mem>>
      %dma_start3A_302 = arith.constant 0 : i32
      %dma_start3A_303 = tpu.memref_slice %arg4[%add3A_77, %mul3A_4, %dma_start3A_302] : memref<10x10240x128xf32, #tpu.memory_space<hbm>> -> memref<1x640x128xf32, #tpu.memory_space<hbm>>
      %dma_start3A_304 = tpu.memref_squeeze %dma_start3A_303 : memref<1x640x128xf32, #tpu.memory_space<hbm>> -> memref<640x128xf32, #tpu.memory_space<hbm>>
      %dma_start3A_305 = arith.constant 0 : i32
      %dma_start3A_306 = tpu.memref_slice %arg5[%mul3A_4, %dma_start3A_305] : memref<10240x128xf32, #tpu.memory_space<vmem_shared>> -> memref<640x128xf32, #tpu.memory_space<vmem_shared>>
      tpu.enqueue_dma source(%dma_start3A_306 : memref<640x128xf32, #tpu.memory_space<vmem_shared>>) target(%dma_start3A_304 : memref<640x128xf32, #tpu.memory_space<hbm>>) target_semaphore(%run_scoped3A : memref<!tpu.dma_semaphore, #tpu.memory_space<semaphore_mem>>)
      %dma_wait3A_307 = arith.constant 0 : i32
      %dma_wait3A_308 = tpu.memref_slice %arg4[%add3A_77, %mul3A_4, %dma_wait3A_307] : memref<10x10240x128xf32, #tpu.memory_space<hbm>> -> memref<1x640x128xf32, #tpu.memory_space<hbm>>
      %dma_wait3A_309 = tpu.memref_squeeze %dma_wait3A_308 : memref<1x640x128xf32, #tpu.memory_space<hbm>> -> memref<640x128xf32, #tpu.memory_space<hbm>>
      %dma_wait3A_310 = arith.constant 0 : i32
      %dma_wait3A_311 = tpu.memref_slice %arg5[%mul3A_4, %dma_wait3A_310] : memref<10240x128xf32, #tpu.memory_space<vmem_shared>> -> memref<640x128xf32, #tpu.memory_space<vmem_shared>>
      tpu.wait_dma2 semaphore(%run_scoped3A : memref<!tpu.dma_semaphore, #tpu.memory_space<semaphore_mem>>) src(%dma_wait3A_311 : memref<640x128xf32, #tpu.memory_space<vmem_shared>>) dst(%dma_wait3A_309 : memref<640x128xf32, #tpu.memory_space<hbm>>)
      tpu.yield
    }) : () -> ()
    %mul3A_119 = arith.constant 5 : i32
    %mul3A_120 = arith.muli %arg0, %mul3A_119 : i32
    %add3A_121 = arith.constant 1 : i32
    %add3A_122 = arith.addi %mul3A_120, %add3A_121 : i32
    %add3A_123 = arith.constant 1 : i32
    %add3A_124 = arith.addi %add3A_122, %add3A_123 : i32
    %scan3A_125 = arith.constant 0 : i32
    %scan3A_126 = arith.constant 10 : i32
    %scan3A_127 = arith.addi %scan3A_125, %scan3A_126 : i32
    %scan3A_128 = arith.constant 1 : i32
    scf.for %scan3A_302 = %scan3A_125 to %scan3A_127 step %scan3A_128  : i32 {
      %mul3A_303 = arith.constant 1 : i32
      %mul3A_304 = arith.muli %scan3A_302, %mul3A_303 : i32
      %add3A_305 = arith.constant 0 : i32
      %add3A_306 = arith.addi %add3A_305, %mul3A_304 : i32
      %mul3A_307 = arith.constant 64 : i32
      %mul3A_308 = arith.muli %add3A_306, %mul3A_307 : i32
      %add3A_309 = arith.addi %mul3A_4, %mul3A_308 : i32
      %dma_start3A_310 = arith.constant 0 : i32
      %dma_start3A_311 = tpu.memref_slice %arg5[%add3A_309, %dma_start3A_310] : memref<10240x128xf32, #tpu.memory_space<vmem_shared>> -> memref<64x128xf32, #tpu.memory_space<vmem_shared>>
      %dma_start3A_312 = arith.constant 0 : i32
      %dma_start3A_313 = tpu.memref_slice %arg5[%add3A_309, %dma_start3A_312] : memref<10240x128xf32, #tpu.memory_space<vmem_shared>> -> memref<64x128xf32, #tpu.memory_space<vmem_shared>>
      tpu.enqueue_dma source(%arg9 : memref<64x128xf32, #tpu.memory_space<vmem>>) target(%dma_start3A_313 : memref<64x128xf32, #tpu.memory_space<vmem_shared>>) target_semaphore(%arg14 : memref<!tpu.dma_semaphore, #tpu.memory_space<semaphore_mem>>)
    }
    %scan3A_129 = arith.constant 10 : i32
    %scan3A_130 = arith.constant 0 : i32
    %scan3A_131 = arith.constant 10 : i32
    %scan3A_132 = arith.addi %scan3A_130, %scan3A_131 : i32
    %scan3A_133 = arith.constant 1 : i32
    scf.for %scan3A_302 = %scan3A_130 to %scan3A_132 step %scan3A_133  : i32 {
      %mul3A_303 = arith.constant 1 : i32
      %mul3A_304 = arith.muli %scan3A_302, %mul3A_303 : i32
      %add3A_305 = arith.constant 0 : i32
      %add3A_306 = arith.addi %add3A_305, %mul3A_304 : i32
      %dma_wait3A_307 = arith.constant 0 : i32
      %dma_wait3A_308 = tpu.memref_slice %arg5[%mul3A_4, %dma_wait3A_307] : memref<10240x128xf32, #tpu.memory_space<vmem_shared>> -> memref<64x128xf32, #tpu.memory_space<vmem_shared>>
      %dma_wait3A_309 = arith.constant 0 : i32
      %dma_wait3A_310 = tpu.memref_slice %arg5[%mul3A_4, %dma_wait3A_309] : memref<10240x128xf32, #tpu.memory_space<vmem_shared>> -> memref<64x128xf32, #tpu.memory_space<vmem_shared>>
      tpu.wait_dma2 semaphore(%arg14 : memref<!tpu.dma_semaphore, #tpu.memory_space<semaphore_mem>>) src(%arg9 : memref<64x128xf32, #tpu.memory_space<vmem>>) dst(%dma_wait3A_310 : memref<64x128xf32, #tpu.memory_space<vmem_shared>>)
    }
    %scan3A_134 = arith.constant 10 : i32
    %mul3A_135 = arith.constant 5 : i32
    %mul3A_136 = arith.muli %arg0, %mul3A_135 : i32
    %add3A_137 = arith.constant 2 : i32
    %add3A_138 = arith.addi %mul3A_136, %add3A_137 : i32
    %barrier3A_139 = arith.constant 0 : index
    tpu.barrier barrier_id(%barrier3A_139)
    %mul3A_140 = arith.constant 5120 : i32
    %mul3A_141 = arith.muli %arg1, %mul3A_140 : i32
    %add3A_142 = arith.constant 0 : i32
    %add3A_143 = arith.addi %mul3A_141, %add3A_142 : i32
    %dma_start3A_144 = arith.constant 0 : i32
    %dma_start3A_145 = tpu.memref_slice %arg2[%add3A_138, %add3A_143, %dma_start3A_144] : memref<10x81920x128xf32, #tpu.memory_space<hbm>> -> memref<1x128x128xf32, #tpu.memory_space<hbm>>
    %dma_start3A_146 = tpu.memref_squeeze %dma_start3A_145 : memref<1x128x128xf32, #tpu.memory_space<hbm>> -> memref<128x128xf32, #tpu.memory_space<hbm>>
    %dma_start3A_147 = arith.constant 0 : i32
    %dma_start3A_148 = tpu.memref_slice %arg2[%add3A_138, %add3A_143, %dma_start3A_147] : memref<10x81920x128xf32, #tpu.memory_space<hbm>> -> memref<1x128x128xf32, #tpu.memory_space<hbm>>
    %dma_start3A_149 = tpu.memref_squeeze %dma_start3A_148 : memref<1x128x128xf32, #tpu.memory_space<hbm>> -> memref<128x128xf32, #tpu.memory_space<hbm>>
    tpu.enqueue_dma source(%dma_start3A_149 : memref<128x128xf32, #tpu.memory_space<hbm>>) target(%arg6 : memref<128x128xf32, #tpu.memory_space<vmem>>) target_semaphore(%arg10 : memref<!tpu.dma_semaphore, #tpu.memory_space<semaphore_mem>>)
    %mul3A_150 = arith.constant 5120 : i32
    %mul3A_151 = arith.muli %arg1, %mul3A_150 : i32
    %add3A_152 = arith.constant 128 : i32
    %add3A_153 = arith.addi %mul3A_151, %add3A_152 : i32
    %dma_start3A_154 = arith.constant 0 : i32
    %dma_start3A_155 = tpu.memref_slice %arg2[%add3A_138, %add3A_153, %dma_start3A_154] : memref<10x81920x128xf32, #tpu.memory_space<hbm>> -> memref<1x128x128xf32, #tpu.memory_space<hbm>>
    %dma_start3A_156 = tpu.memref_squeeze %dma_start3A_155 : memref<1x128x128xf32, #tpu.memory_space<hbm>> -> memref<128x128xf32, #tpu.memory_space<hbm>>
    %dma_start3A_157 = arith.constant 0 : i32
    %dma_start3A_158 = tpu.memref_slice %arg2[%add3A_138, %add3A_153, %dma_start3A_157] : memref<10x81920x128xf32, #tpu.memory_space<hbm>> -> memref<1x128x128xf32, #tpu.memory_space<hbm>>
    %dma_start3A_159 = tpu.memref_squeeze %dma_start3A_158 : memref<1x128x128xf32, #tpu.memory_space<hbm>> -> memref<128x128xf32, #tpu.memory_space<hbm>>
    tpu.enqueue_dma source(%dma_start3A_159 : memref<128x128xf32, #tpu.memory_space<hbm>>) target(%arg7 : memref<128x128xf32, #tpu.memory_space<vmem>>) target_semaphore(%arg11 : memref<!tpu.dma_semaphore, #tpu.memory_space<semaphore_mem>>)
    %scan3A_160 = arith.constant 0 : i32
    %scan3A_161 = arith.constant 20 : i32
    %scan3A_162 = arith.addi %scan3A_160, %scan3A_161 : i32
    %scan3A_163 = arith.constant 1 : i32
    scf.for %scan3A_302 = %scan3A_160 to %scan3A_162 step %scan3A_163  : i32 {
      %mul3A_303 = arith.constant 2 : i32
      %mul3A_304 = arith.muli %scan3A_302, %mul3A_303 : i32
      %add3A_305 = arith.constant 0 : i32
      %add3A_306 = arith.addi %add3A_305, %mul3A_304 : i32
      %add3A_307 = arith.constant 0 : i32
      %add3A_308 = arith.addi %add3A_306, %add3A_307 : i32
      %dma_wait3A_309 = arith.constant 0 : i32
      %dma_wait3A_310 = arith.constant 0 : i32
      %dma_wait3A_311 = arith.constant 0 : i32
      %dma_wait3A_312 = tpu.memref_slice %arg2[%dma_wait3A_309, %dma_wait3A_310, %dma_wait3A_311] : memref<10x81920x128xf32, #tpu.memory_space<hbm>> -> memref<1x128x128xf32, #tpu.memory_space<hbm>>
      %dma_wait3A_313 = tpu.memref_squeeze %dma_wait3A_312 : memref<1x128x128xf32, #tpu.memory_space<hbm>> -> memref<128x128xf32, #tpu.memory_space<hbm>>
      %dma_wait3A_314 = arith.constant 0 : i32
      %dma_wait3A_315 = arith.constant 0 : i32
      %dma_wait3A_316 = tpu.memref_slice %arg2[%dma_wait3A_309, %dma_wait3A_314, %dma_wait3A_315] : memref<10x81920x128xf32, #tpu.memory_space<hbm>> -> memref<1x128x128xf32, #tpu.memory_space<hbm>>
      %dma_wait3A_317 = tpu.memref_squeeze %dma_wait3A_316 : memref<1x128x128xf32, #tpu.memory_space<hbm>> -> memref<128x128xf32, #tpu.memory_space<hbm>>
      tpu.wait_dma2 semaphore(%arg10 : memref<!tpu.dma_semaphore, #tpu.memory_space<semaphore_mem>>) src(%dma_wait3A_317 : memref<128x128xf32, #tpu.memory_space<hbm>>) dst(%arg6 : memref<128x128xf32, #tpu.memory_space<vmem>>)
      %dma_start3A_318 = arith.constant 0 : i32
      %dma_start3A_319 = tpu.memref_slice %arg8[%add3A_308, %dma_start3A_318] : memref<40x128xi32, #tpu.memory_space<vmem>> -> memref<1x128xi32, #tpu.memory_space<vmem>>
      %dma_start3A_320 = tpu.memref_squeeze %dma_start3A_319 : memref<1x128xi32, #tpu.memory_space<vmem>> -> memref<128xi32, #tpu.memory_space<vmem>>
      %dma_start3A_321 = arith.constant 0 : i32
      %dma_start3A_322 = arith.constant 0 : i32
      %dma_start3A_323 = tpu.memref_slice %arg5[%dma_start3A_321, %dma_start3A_322] : memref<10240x128xf32, #tpu.memory_space<vmem_shared>> -> memref<10240x128xf32, #tpu.memory_space<vmem_shared>>
      tpu.enqueue_indirect_dma source(%arg6 : memref<128x128xf32, #tpu.memory_space<vmem>>) target(%dma_start3A_323 : memref<10240x128xf32, #tpu.memory_space<vmem_shared>>) offsets(%dma_start3A_320 : memref<128xi32, #tpu.memory_space<vmem>>) semaphore(%arg12 : memref<!tpu.dma_semaphore, #tpu.memory_space<semaphore_mem>>) {add = true}
      %add3A_324 = arith.constant 2 : i32
      %add3A_325 = arith.addi %add3A_308, %add3A_324 : i32
      %lt3A = arith.constant 40 : i32
      %lt3A_326 = arith.cmpi slt, %add3A_325, %lt3A : i32
      %convert_element_type3A = arith.extui %lt3A_326 : i1 to i32
      %cond3A = arith.constant 0 : i32
      %cond3A_327 = arith.cmpi ne, %convert_element_type3A, %cond3A : i32
      scf.if %cond3A_327 {
        %dma_wait3A_352 = arith.constant 0 : i32
        %dma_wait3A_353 = arith.constant 0 : i32
        %dma_wait3A_354 = tpu.memref_slice %arg8[%dma_wait3A_352, %dma_wait3A_353] : memref<40x128xi32, #tpu.memory_space<vmem>> -> memref<1x128xi32, #tpu.memory_space<vmem>>
        %dma_wait3A_355 = tpu.memref_squeeze %dma_wait3A_354 : memref<1x128xi32, #tpu.memory_space<vmem>> -> memref<128xi32, #tpu.memory_space<vmem>>
        %dma_wait3A_356 = arith.constant 0 : i32
        %dma_wait3A_357 = arith.constant 0 : i32
        %dma_wait3A_358 = tpu.memref_slice %arg5[%dma_wait3A_356, %dma_wait3A_357] : memref<10240x128xf32, #tpu.memory_space<vmem_shared>> -> memref<10240x128xf32, #tpu.memory_space<vmem_shared>>
        tpu.wait_indirect_dma semaphore(%arg12 : memref<!tpu.dma_semaphore, #tpu.memory_space<semaphore_mem>>) src(%arg6 : memref<128x128xf32, #tpu.memory_space<vmem>>) dst(%dma_wait3A_358 : memref<10240x128xf32, #tpu.memory_space<vmem_shared>>)
        %mul3A_359 = arith.constant 5120 : i32
        %mul3A_360 = arith.muli %arg1, %mul3A_359 : i32
        %mul3A_361 = arith.constant 128 : i32
        %mul3A_362 = arith.muli %add3A_325, %mul3A_361 : i32
        %add3A_363 = arith.addi %mul3A_360, %mul3A_362 : i32
        %dma_start3A_364 = arith.constant 0 : i32
        %dma_start3A_365 = tpu.memref_slice %arg2[%add3A_138, %add3A_363, %dma_start3A_364] : memref<10x81920x128xf32, #tpu.memory_space<hbm>> -> memref<1x128x128xf32, #tpu.memory_space<hbm>>
        %dma_start3A_366 = tpu.memref_squeeze %dma_start3A_365 : memref<1x128x128xf32, #tpu.memory_space<hbm>> -> memref<128x128xf32, #tpu.memory_space<hbm>>
        %dma_start3A_367 = arith.constant 0 : i32
        %dma_start3A_368 = tpu.memref_slice %arg2[%add3A_138, %add3A_363, %dma_start3A_367] : memref<10x81920x128xf32, #tpu.memory_space<hbm>> -> memref<1x128x128xf32, #tpu.memory_space<hbm>>
        %dma_start3A_369 = tpu.memref_squeeze %dma_start3A_368 : memref<1x128x128xf32, #tpu.memory_space<hbm>> -> memref<128x128xf32, #tpu.memory_space<hbm>>
        tpu.enqueue_dma source(%dma_start3A_369 : memref<128x128xf32, #tpu.memory_space<hbm>>) target(%arg6 : memref<128x128xf32, #tpu.memory_space<vmem>>) target_semaphore(%arg10 : memref<!tpu.dma_semaphore, #tpu.memory_space<semaphore_mem>>)
      } else {
      }
      %add3A_328 = arith.constant 1 : i32
      %add3A_329 = arith.addi %add3A_306, %add3A_328 : i32
      %dma_wait3A_330 = arith.constant 0 : i32
      %dma_wait3A_331 = arith.constant 0 : i32
      %dma_wait3A_332 = arith.constant 0 : i32
      %dma_wait3A_333 = tpu.memref_slice %arg2[%dma_wait3A_330, %dma_wait3A_331, %dma_wait3A_332] : memref<10x81920x128xf32, #tpu.memory_space<hbm>> -> memref<1x128x128xf32, #tpu.memory_space<hbm>>
      %dma_wait3A_334 = tpu.memref_squeeze %dma_wait3A_333 : memref<1x128x128xf32, #tpu.memory_space<hbm>> -> memref<128x128xf32, #tpu.memory_space<hbm>>
      %dma_wait3A_335 = arith.constant 0 : i32
      %dma_wait3A_336 = arith.constant 0 : i32
      %dma_wait3A_337 = tpu.memref_slice %arg2[%dma_wait3A_330, %dma_wait3A_335, %dma_wait3A_336] : memref<10x81920x128xf32, #tpu.memory_space<hbm>> -> memref<1x128x128xf32, #tpu.memory_space<hbm>>
      %dma_wait3A_338 = tpu.memref_squeeze %dma_wait3A_337 : memref<1x128x128xf32, #tpu.memory_space<hbm>> -> memref<128x128xf32, #tpu.memory_space<hbm>>
      tpu.wait_dma2 semaphore(%arg11 : memref<!tpu.dma_semaphore, #tpu.memory_space<semaphore_mem>>) src(%dma_wait3A_338 : memref<128x128xf32, #tpu.memory_space<hbm>>) dst(%arg7 : memref<128x128xf32, #tpu.memory_space<vmem>>)
      %dma_start3A_339 = arith.constant 0 : i32
      %dma_start3A_340 = tpu.memref_slice %arg8[%add3A_329, %dma_start3A_339] : memref<40x128xi32, #tpu.memory_space<vmem>> -> memref<1x128xi32, #tpu.memory_space<vmem>>
      %dma_start3A_341 = tpu.memref_squeeze %dma_start3A_340 : memref<1x128xi32, #tpu.memory_space<vmem>> -> memref<128xi32, #tpu.memory_space<vmem>>
      %dma_start3A_342 = arith.constant 0 : i32
      %dma_start3A_343 = arith.constant 0 : i32
      %dma_start3A_344 = tpu.memref_slice %arg5[%dma_start3A_342, %dma_start3A_343] : memref<10240x128xf32, #tpu.memory_space<vmem_shared>> -> memref<10240x128xf32, #tpu.memory_space<vmem_shared>>
      tpu.enqueue_indirect_dma source(%arg7 : memref<128x128xf32, #tpu.memory_space<vmem>>) target(%dma_start3A_344 : memref<10240x128xf32, #tpu.memory_space<vmem_shared>>) offsets(%dma_start3A_341 : memref<128xi32, #tpu.memory_space<vmem>>) semaphore(%arg13 : memref<!tpu.dma_semaphore, #tpu.memory_space<semaphore_mem>>) {add = true}
      %add3A_345 = arith.constant 2 : i32
      %add3A_346 = arith.addi %add3A_329, %add3A_345 : i32
      %lt3A_347 = arith.constant 40 : i32
      %lt3A_348 = arith.cmpi slt, %add3A_346, %lt3A_347 : i32
      %convert_element_type3A_349 = arith.extui %lt3A_348 : i1 to i32
      %cond3A_350 = arith.constant 0 : i32
      %cond3A_351 = arith.cmpi ne, %convert_element_type3A_349, %cond3A_350 : i32
      scf.if %cond3A_351 {
        %dma_wait3A_352 = arith.constant 0 : i32
        %dma_wait3A_353 = arith.constant 0 : i32
        %dma_wait3A_354 = tpu.memref_slice %arg8[%dma_wait3A_352, %dma_wait3A_353] : memref<40x128xi32, #tpu.memory_space<vmem>> -> memref<1x128xi32, #tpu.memory_space<vmem>>
        %dma_wait3A_355 = tpu.memref_squeeze %dma_wait3A_354 : memref<1x128xi32, #tpu.memory_space<vmem>> -> memref<128xi32, #tpu.memory_space<vmem>>
        %dma_wait3A_356 = arith.constant 0 : i32
        %dma_wait3A_357 = arith.constant 0 : i32
        %dma_wait3A_358 = tpu.memref_slice %arg5[%dma_wait3A_356, %dma_wait3A_357] : memref<10240x128xf32, #tpu.memory_space<vmem_shared>> -> memref<10240x128xf32, #tpu.memory_space<vmem_shared>>
        tpu.wait_indirect_dma semaphore(%arg13 : memref<!tpu.dma_semaphore, #tpu.memory_space<semaphore_mem>>) src(%arg7 : memref<128x128xf32, #tpu.memory_space<vmem>>) dst(%dma_wait3A_358 : memref<10240x128xf32, #tpu.memory_space<vmem_shared>>)
        %mul3A_359 = arith.constant 5120 : i32
        %mul3A_360 = arith.muli %arg1, %mul3A_359 : i32
        %mul3A_361 = arith.constant 128 : i32
        %mul3A_362 = arith.muli %add3A_346, %mul3A_361 : i32
        %add3A_363 = arith.addi %mul3A_360, %mul3A_362 : i32
        %dma_start3A_364 = arith.constant 0 : i32
        %dma_start3A_365 = tpu.memref_slice %arg2[%add3A_138, %add3A_363, %dma_start3A_364] : memref<10x81920x128xf32, #tpu.memory_space<hbm>> -> memref<1x128x128xf32, #tpu.memory_space<hbm>>
        %dma_start3A_366 = tpu.memref_squeeze %dma_start3A_365 : memref<1x128x128xf32, #tpu.memory_space<hbm>> -> memref<128x128xf32, #tpu.memory_space<hbm>>
        %dma_start3A_367 = arith.constant 0 : i32
        %dma_start3A_368 = tpu.memref_slice %arg2[%add3A_138, %add3A_363, %dma_start3A_367] : memref<10x81920x128xf32, #tpu.memory_space<hbm>> -> memref<1x128x128xf32, #tpu.memory_space<hbm>>
        %dma_start3A_369 = tpu.memref_squeeze %dma_start3A_368 : memref<1x128x128xf32, #tpu.memory_space<hbm>> -> memref<128x128xf32, #tpu.memory_space<hbm>>
        tpu.enqueue_dma source(%dma_start3A_369 : memref<128x128xf32, #tpu.memory_space<hbm>>) target(%arg7 : memref<128x128xf32, #tpu.memory_space<vmem>>) target_semaphore(%arg11 : memref<!tpu.dma_semaphore, #tpu.memory_space<semaphore_mem>>)
      } else {
      }
    }
    %scan3A_164 = arith.constant 20 : i32
    %dma_wait3A_165 = arith.constant 0 : i32
    %dma_wait3A_166 = arith.constant 0 : i32
    %dma_wait3A_167 = tpu.memref_slice %arg8[%dma_wait3A_165, %dma_wait3A_166] : memref<40x128xi32, #tpu.memory_space<vmem>> -> memref<1x128xi32, #tpu.memory_space<vmem>>
    %dma_wait3A_168 = tpu.memref_squeeze %dma_wait3A_167 : memref<1x128xi32, #tpu.memory_space<vmem>> -> memref<128xi32, #tpu.memory_space<vmem>>
    %dma_wait3A_169 = arith.constant 0 : i32
    %dma_wait3A_170 = arith.constant 0 : i32
    %dma_wait3A_171 = tpu.memref_slice %arg5[%dma_wait3A_169, %dma_wait3A_170] : memref<10240x128xf32, #tpu.memory_space<vmem_shared>> -> memref<10240x128xf32, #tpu.memory_space<vmem_shared>>
    tpu.wait_indirect_dma semaphore(%arg12 : memref<!tpu.dma_semaphore, #tpu.memory_space<semaphore_mem>>) src(%arg6 : memref<128x128xf32, #tpu.memory_space<vmem>>) dst(%dma_wait3A_171 : memref<10240x128xf32, #tpu.memory_space<vmem_shared>>)
    %dma_wait3A_172 = arith.constant 0 : i32
    %dma_wait3A_173 = arith.constant 0 : i32
    %dma_wait3A_174 = tpu.memref_slice %arg8[%dma_wait3A_172, %dma_wait3A_173] : memref<40x128xi32, #tpu.memory_space<vmem>> -> memref<1x128xi32, #tpu.memory_space<vmem>>
    %dma_wait3A_175 = tpu.memref_squeeze %dma_wait3A_174 : memref<1x128xi32, #tpu.memory_space<vmem>> -> memref<128xi32, #tpu.memory_space<vmem>>
    %dma_wait3A_176 = arith.constant 0 : i32
    %dma_wait3A_177 = arith.constant 0 : i32
    %dma_wait3A_178 = tpu.memref_slice %arg5[%dma_wait3A_176, %dma_wait3A_177] : memref<10240x128xf32, #tpu.memory_space<vmem_shared>> -> memref<10240x128xf32, #tpu.memory_space<vmem_shared>>
    tpu.wait_indirect_dma semaphore(%arg13 : memref<!tpu.dma_semaphore, #tpu.memory_space<semaphore_mem>>) src(%arg7 : memref<128x128xf32, #tpu.memory_space<vmem>>) dst(%dma_wait3A_178 : memref<10240x128xf32, #tpu.memory_space<vmem_shared>>)
    %barrier3A_179 = arith.constant 0 : index
    tpu.barrier barrier_id(%barrier3A_179)
    "tpu.region"() ({
      %run_scoped3A = tpu.sem_alloc : memref<!tpu.dma_semaphore, #tpu.memory_space<semaphore_mem>>
      %dma_start3A_302 = arith.constant 0 : i32
      %dma_start3A_303 = tpu.memref_slice %arg4[%add3A_138, %mul3A_4, %dma_start3A_302] : memref<10x10240x128xf32, #tpu.memory_space<hbm>> -> memref<1x640x128xf32, #tpu.memory_space<hbm>>
      %dma_start3A_304 = tpu.memref_squeeze %dma_start3A_303 : memref<1x640x128xf32, #tpu.memory_space<hbm>> -> memref<640x128xf32, #tpu.memory_space<hbm>>
      %dma_start3A_305 = arith.constant 0 : i32
      %dma_start3A_306 = tpu.memref_slice %arg5[%mul3A_4, %dma_start3A_305] : memref<10240x128xf32, #tpu.memory_space<vmem_shared>> -> memref<640x128xf32, #tpu.memory_space<vmem_shared>>
      tpu.enqueue_dma source(%dma_start3A_306 : memref<640x128xf32, #tpu.memory_space<vmem_shared>>) target(%dma_start3A_304 : memref<640x128xf32, #tpu.memory_space<hbm>>) target_semaphore(%run_scoped3A : memref<!tpu.dma_semaphore, #tpu.memory_space<semaphore_mem>>)
      %dma_wait3A_307 = arith.constant 0 : i32
      %dma_wait3A_308 = tpu.memref_slice %arg4[%add3A_138, %mul3A_4, %dma_wait3A_307] : memref<10x10240x128xf32, #tpu.memory_space<hbm>> -> memref<1x640x128xf32, #tpu.memory_space<hbm>>
      %dma_wait3A_309 = tpu.memref_squeeze %dma_wait3A_308 : memref<1x640x128xf32, #tpu.memory_space<hbm>> -> memref<640x128xf32, #tpu.memory_space<hbm>>
      %dma_wait3A_310 = arith.constant 0 : i32
      %dma_wait3A_311 = tpu.memref_slice %arg5[%mul3A_4, %dma_wait3A_310] : memref<10240x128xf32, #tpu.memory_space<vmem_shared>> -> memref<640x128xf32, #tpu.memory_space<vmem_shared>>
      tpu.wait_dma2 semaphore(%run_scoped3A : memref<!tpu.dma_semaphore, #tpu.memory_space<semaphore_mem>>) src(%dma_wait3A_311 : memref<640x128xf32, #tpu.memory_space<vmem_shared>>) dst(%dma_wait3A_309 : memref<640x128xf32, #tpu.memory_space<hbm>>)
      tpu.yield
    }) : () -> ()
    %mul3A_180 = arith.constant 5 : i32
    %mul3A_181 = arith.muli %arg0, %mul3A_180 : i32
    %add3A_182 = arith.constant 2 : i32
    %add3A_183 = arith.addi %mul3A_181, %add3A_182 : i32
    %add3A_184 = arith.constant 1 : i32
    %add3A_185 = arith.addi %add3A_183, %add3A_184 : i32
    %scan3A_186 = arith.constant 0 : i32
    %scan3A_187 = arith.constant 10 : i32
    %scan3A_188 = arith.addi %scan3A_186, %scan3A_187 : i32
    %scan3A_189 = arith.constant 1 : i32
    scf.for %scan3A_302 = %scan3A_186 to %scan3A_188 step %scan3A_189  : i32 {
      %mul3A_303 = arith.constant 1 : i32
      %mul3A_304 = arith.muli %scan3A_302, %mul3A_303 : i32
      %add3A_305 = arith.constant 0 : i32
      %add3A_306 = arith.addi %add3A_305, %mul3A_304 : i32
      %mul3A_307 = arith.constant 64 : i32
      %mul3A_308 = arith.muli %add3A_306, %mul3A_307 : i32
      %add3A_309 = arith.addi %mul3A_4, %mul3A_308 : i32
      %dma_start3A_310 = arith.constant 0 : i32
      %dma_start3A_311 = tpu.memref_slice %arg5[%add3A_309, %dma_start3A_310] : memref<10240x128xf32, #tpu.memory_space<vmem_shared>> -> memref<64x128xf32, #tpu.memory_space<vmem_shared>>
      %dma_start3A_312 = arith.constant 0 : i32
      %dma_start3A_313 = tpu.memref_slice %arg5[%add3A_309, %dma_start3A_312] : memref<10240x128xf32, #tpu.memory_space<vmem_shared>> -> memref<64x128xf32, #tpu.memory_space<vmem_shared>>
      tpu.enqueue_dma source(%arg9 : memref<64x128xf32, #tpu.memory_space<vmem>>) target(%dma_start3A_313 : memref<64x128xf32, #tpu.memory_space<vmem_shared>>) target_semaphore(%arg14 : memref<!tpu.dma_semaphore, #tpu.memory_space<semaphore_mem>>)
    }
    %scan3A_190 = arith.constant 10 : i32
    %scan3A_191 = arith.constant 0 : i32
    %scan3A_192 = arith.constant 10 : i32
    %scan3A_193 = arith.addi %scan3A_191, %scan3A_192 : i32
    %scan3A_194 = arith.constant 1 : i32
    scf.for %scan3A_302 = %scan3A_191 to %scan3A_193 step %scan3A_194  : i32 {
      %mul3A_303 = arith.constant 1 : i32
      %mul3A_304 = arith.muli %scan3A_302, %mul3A_303 : i32
      %add3A_305 = arith.constant 0 : i32
      %add3A_306 = arith.addi %add3A_305, %mul3A_304 : i32
      %dma_wait3A_307 = arith.constant 0 : i32
      %dma_wait3A_308 = tpu.memref_slice %arg5[%mul3A_4, %dma_wait3A_307] : memref<10240x128xf32, #tpu.memory_space<vmem_shared>> -> memref<64x128xf32, #tpu.memory_space<vmem_shared>>
      %dma_wait3A_309 = arith.constant 0 : i32
      %dma_wait3A_310 = tpu.memref_slice %arg5[%mul3A_4, %dma_wait3A_309] : memref<10240x128xf32, #tpu.memory_space<vmem_shared>> -> memref<64x128xf32, #tpu.memory_space<vmem_shared>>
      tpu.wait_dma2 semaphore(%arg14 : memref<!tpu.dma_semaphore, #tpu.memory_space<semaphore_mem>>) src(%arg9 : memref<64x128xf32, #tpu.memory_space<vmem>>) dst(%dma_wait3A_310 : memref<64x128xf32, #tpu.memory_space<vmem_shared>>)
    }
    %scan3A_195 = arith.constant 10 : i32
    %mul3A_196 = arith.constant 5 : i32
    %mul3A_197 = arith.muli %arg0, %mul3A_196 : i32
    %add3A_198 = arith.constant 3 : i32
    %add3A_199 = arith.addi %mul3A_197, %add3A_198 : i32
    %barrier3A_200 = arith.constant 0 : index
    tpu.barrier barrier_id(%barrier3A_200)
    %mul3A_201 = arith.constant 5120 : i32
    %mul3A_202 = arith.muli %arg1, %mul3A_201 : i32
    %add3A_203 = arith.constant 0 : i32
    %add3A_204 = arith.addi %mul3A_202, %add3A_203 : i32
    %dma_start3A_205 = arith.constant 0 : i32
    %dma_start3A_206 = tpu.memref_slice %arg2[%add3A_199, %add3A_204, %dma_start3A_205] : memref<10x81920x128xf32, #tpu.memory_space<hbm>> -> memref<1x128x128xf32, #tpu.memory_space<hbm>>
    %dma_start3A_207 = tpu.memref_squeeze %dma_start3A_206 : memref<1x128x128xf32, #tpu.memory_space<hbm>> -> memref<128x128xf32, #tpu.memory_space<hbm>>
    %dma_start3A_208 = arith.constant 0 : i32
    %dma_start3A_209 = tpu.memref_slice %arg2[%add3A_199, %add3A_204, %dma_start3A_208] : memref<10x81920x128xf32, #tpu.memory_space<hbm>> -> memref<1x128x128xf32, #tpu.memory_space<hbm>>
    %dma_start3A_210 = tpu.memref_squeeze %dma_start3A_209 : memref<1x128x128xf32, #tpu.memory_space<hbm>> -> memref<128x128xf32, #tpu.memory_space<hbm>>
    tpu.enqueue_dma source(%dma_start3A_210 : memref<128x128xf32, #tpu.memory_space<hbm>>) target(%arg6 : memref<128x128xf32, #tpu.memory_space<vmem>>) target_semaphore(%arg10 : memref<!tpu.dma_semaphore, #tpu.memory_space<semaphore_mem>>)
    %mul3A_211 = arith.constant 5120 : i32
    %mul3A_212 = arith.muli %arg1, %mul3A_211 : i32
    %add3A_213 = arith.constant 128 : i32
    %add3A_214 = arith.addi %mul3A_212, %add3A_213 : i32
    %dma_start3A_215 = arith.constant 0 : i32
    %dma_start3A_216 = tpu.memref_slice %arg2[%add3A_199, %add3A_214, %dma_start3A_215] : memref<10x81920x128xf32, #tpu.memory_space<hbm>> -> memref<1x128x128xf32, #tpu.memory_space<hbm>>
    %dma_start3A_217 = tpu.memref_squeeze %dma_start3A_216 : memref<1x128x128xf32, #tpu.memory_space<hbm>> -> memref<128x128xf32, #tpu.memory_space<hbm>>
    %dma_start3A_218 = arith.constant 0 : i32
    %dma_start3A_219 = tpu.memref_slice %arg2[%add3A_199, %add3A_214, %dma_start3A_218] : memref<10x81920x128xf32, #tpu.memory_space<hbm>> -> memref<1x128x128xf32, #tpu.memory_space<hbm>>
    %dma_start3A_220 = tpu.memref_squeeze %dma_start3A_219 : memref<1x128x128xf32, #tpu.memory_space<hbm>> -> memref<128x128xf32, #tpu.memory_space<hbm>>
    tpu.enqueue_dma source(%dma_start3A_220 : memref<128x128xf32, #tpu.memory_space<hbm>>) target(%arg7 : memref<128x128xf32, #tpu.memory_space<vmem>>) target_semaphore(%arg11 : memref<!tpu.dma_semaphore, #tpu.memory_space<semaphore_mem>>)
    %scan3A_221 = arith.constant 0 : i32
    %scan3A_222 = arith.constant 20 : i32
    %scan3A_223 = arith.addi %scan3A_221, %scan3A_222 : i32
    %scan3A_224 = arith.constant 1 : i32
    scf.for %scan3A_302 = %scan3A_221 to %scan3A_223 step %scan3A_224  : i32 {
      %mul3A_303 = arith.constant 2 : i32
      %mul3A_304 = arith.muli %scan3A_302, %mul3A_303 : i32
      %add3A_305 = arith.constant 0 : i32
      %add3A_306 = arith.addi %add3A_305, %mul3A_304 : i32
      %add3A_307 = arith.constant 0 : i32
      %add3A_308 = arith.addi %add3A_306, %add3A_307 : i32
      %dma_wait3A_309 = arith.constant 0 : i32
      %dma_wait3A_310 = arith.constant 0 : i32
      %dma_wait3A_311 = arith.constant 0 : i32
      %dma_wait3A_312 = tpu.memref_slice %arg2[%dma_wait3A_309, %dma_wait3A_310, %dma_wait3A_311] : memref<10x81920x128xf32, #tpu.memory_space<hbm>> -> memref<1x128x128xf32, #tpu.memory_space<hbm>>
      %dma_wait3A_313 = tpu.memref_squeeze %dma_wait3A_312 : memref<1x128x128xf32, #tpu.memory_space<hbm>> -> memref<128x128xf32, #tpu.memory_space<hbm>>
      %dma_wait3A_314 = arith.constant 0 : i32
      %dma_wait3A_315 = arith.constant 0 : i32
      %dma_wait3A_316 = tpu.memref_slice %arg2[%dma_wait3A_309, %dma_wait3A_314, %dma_wait3A_315] : memref<10x81920x128xf32, #tpu.memory_space<hbm>> -> memref<1x128x128xf32, #tpu.memory_space<hbm>>
      %dma_wait3A_317 = tpu.memref_squeeze %dma_wait3A_316 : memref<1x128x128xf32, #tpu.memory_space<hbm>> -> memref<128x128xf32, #tpu.memory_space<hbm>>
      tpu.wait_dma2 semaphore(%arg10 : memref<!tpu.dma_semaphore, #tpu.memory_space<semaphore_mem>>) src(%dma_wait3A_317 : memref<128x128xf32, #tpu.memory_space<hbm>>) dst(%arg6 : memref<128x128xf32, #tpu.memory_space<vmem>>)
      %dma_start3A_318 = arith.constant 0 : i32
      %dma_start3A_319 = tpu.memref_slice %arg8[%add3A_308, %dma_start3A_318] : memref<40x128xi32, #tpu.memory_space<vmem>> -> memref<1x128xi32, #tpu.memory_space<vmem>>
      %dma_start3A_320 = tpu.memref_squeeze %dma_start3A_319 : memref<1x128xi32, #tpu.memory_space<vmem>> -> memref<128xi32, #tpu.memory_space<vmem>>
      %dma_start3A_321 = arith.constant 0 : i32
      %dma_start3A_322 = arith.constant 0 : i32
      %dma_start3A_323 = tpu.memref_slice %arg5[%dma_start3A_321, %dma_start3A_322] : memref<10240x128xf32, #tpu.memory_space<vmem_shared>> -> memref<10240x128xf32, #tpu.memory_space<vmem_shared>>
      tpu.enqueue_indirect_dma source(%arg6 : memref<128x128xf32, #tpu.memory_space<vmem>>) target(%dma_start3A_323 : memref<10240x128xf32, #tpu.memory_space<vmem_shared>>) offsets(%dma_start3A_320 : memref<128xi32, #tpu.memory_space<vmem>>) semaphore(%arg12 : memref<!tpu.dma_semaphore, #tpu.memory_space<semaphore_mem>>) {add = true}
      %add3A_324 = arith.constant 2 : i32
      %add3A_325 = arith.addi %add3A_308, %add3A_324 : i32
      %lt3A = arith.constant 40 : i32
      %lt3A_326 = arith.cmpi slt, %add3A_325, %lt3A : i32
      %convert_element_type3A = arith.extui %lt3A_326 : i1 to i32
      %cond3A = arith.constant 0 : i32
      %cond3A_327 = arith.cmpi ne, %convert_element_type3A, %cond3A : i32
      scf.if %cond3A_327 {
        %dma_wait3A_352 = arith.constant 0 : i32
        %dma_wait3A_353 = arith.constant 0 : i32
        %dma_wait3A_354 = tpu.memref_slice %arg8[%dma_wait3A_352, %dma_wait3A_353] : memref<40x128xi32, #tpu.memory_space<vmem>> -> memref<1x128xi32, #tpu.memory_space<vmem>>
        %dma_wait3A_355 = tpu.memref_squeeze %dma_wait3A_354 : memref<1x128xi32, #tpu.memory_space<vmem>> -> memref<128xi32, #tpu.memory_space<vmem>>
        %dma_wait3A_356 = arith.constant 0 : i32
        %dma_wait3A_357 = arith.constant 0 : i32
        %dma_wait3A_358 = tpu.memref_slice %arg5[%dma_wait3A_356, %dma_wait3A_357] : memref<10240x128xf32, #tpu.memory_space<vmem_shared>> -> memref<10240x128xf32, #tpu.memory_space<vmem_shared>>
        tpu.wait_indirect_dma semaphore(%arg12 : memref<!tpu.dma_semaphore, #tpu.memory_space<semaphore_mem>>) src(%arg6 : memref<128x128xf32, #tpu.memory_space<vmem>>) dst(%dma_wait3A_358 : memref<10240x128xf32, #tpu.memory_space<vmem_shared>>)
        %mul3A_359 = arith.constant 5120 : i32
        %mul3A_360 = arith.muli %arg1, %mul3A_359 : i32
        %mul3A_361 = arith.constant 128 : i32
        %mul3A_362 = arith.muli %add3A_325, %mul3A_361 : i32
        %add3A_363 = arith.addi %mul3A_360, %mul3A_362 : i32
        %dma_start3A_364 = arith.constant 0 : i32
        %dma_start3A_365 = tpu.memref_slice %arg2[%add3A_199, %add3A_363, %dma_start3A_364] : memref<10x81920x128xf32, #tpu.memory_space<hbm>> -> memref<1x128x128xf32, #tpu.memory_space<hbm>>
        %dma_start3A_366 = tpu.memref_squeeze %dma_start3A_365 : memref<1x128x128xf32, #tpu.memory_space<hbm>> -> memref<128x128xf32, #tpu.memory_space<hbm>>
        %dma_start3A_367 = arith.constant 0 : i32
        %dma_start3A_368 = tpu.memref_slice %arg2[%add3A_199, %add3A_363, %dma_start3A_367] : memref<10x81920x128xf32, #tpu.memory_space<hbm>> -> memref<1x128x128xf32, #tpu.memory_space<hbm>>
        %dma_start3A_369 = tpu.memref_squeeze %dma_start3A_368 : memref<1x128x128xf32, #tpu.memory_space<hbm>> -> memref<128x128xf32, #tpu.memory_space<hbm>>
        tpu.enqueue_dma source(%dma_start3A_369 : memref<128x128xf32, #tpu.memory_space<hbm>>) target(%arg6 : memref<128x128xf32, #tpu.memory_space<vmem>>) target_semaphore(%arg10 : memref<!tpu.dma_semaphore, #tpu.memory_space<semaphore_mem>>)
      } else {
      }
      %add3A_328 = arith.constant 1 : i32
      %add3A_329 = arith.addi %add3A_306, %add3A_328 : i32
      %dma_wait3A_330 = arith.constant 0 : i32
      %dma_wait3A_331 = arith.constant 0 : i32
      %dma_wait3A_332 = arith.constant 0 : i32
      %dma_wait3A_333 = tpu.memref_slice %arg2[%dma_wait3A_330, %dma_wait3A_331, %dma_wait3A_332] : memref<10x81920x128xf32, #tpu.memory_space<hbm>> -> memref<1x128x128xf32, #tpu.memory_space<hbm>>
      %dma_wait3A_334 = tpu.memref_squeeze %dma_wait3A_333 : memref<1x128x128xf32, #tpu.memory_space<hbm>> -> memref<128x128xf32, #tpu.memory_space<hbm>>
      %dma_wait3A_335 = arith.constant 0 : i32
      %dma_wait3A_336 = arith.constant 0 : i32
      %dma_wait3A_337 = tpu.memref_slice %arg2[%dma_wait3A_330, %dma_wait3A_335, %dma_wait3A_336] : memref<10x81920x128xf32, #tpu.memory_space<hbm>> -> memref<1x128x128xf32, #tpu.memory_space<hbm>>
      %dma_wait3A_338 = tpu.memref_squeeze %dma_wait3A_337 : memref<1x128x128xf32, #tpu.memory_space<hbm>> -> memref<128x128xf32, #tpu.memory_space<hbm>>
      tpu.wait_dma2 semaphore(%arg11 : memref<!tpu.dma_semaphore, #tpu.memory_space<semaphore_mem>>) src(%dma_wait3A_338 : memref<128x128xf32, #tpu.memory_space<hbm>>) dst(%arg7 : memref<128x128xf32, #tpu.memory_space<vmem>>)
      %dma_start3A_339 = arith.constant 0 : i32
      %dma_start3A_340 = tpu.memref_slice %arg8[%add3A_329, %dma_start3A_339] : memref<40x128xi32, #tpu.memory_space<vmem>> -> memref<1x128xi32, #tpu.memory_space<vmem>>
      %dma_start3A_341 = tpu.memref_squeeze %dma_start3A_340 : memref<1x128xi32, #tpu.memory_space<vmem>> -> memref<128xi32, #tpu.memory_space<vmem>>
      %dma_start3A_342 = arith.constant 0 : i32
      %dma_start3A_343 = arith.constant 0 : i32
      %dma_start3A_344 = tpu.memref_slice %arg5[%dma_start3A_342, %dma_start3A_343] : memref<10240x128xf32, #tpu.memory_space<vmem_shared>> -> memref<10240x128xf32, #tpu.memory_space<vmem_shared>>
      tpu.enqueue_indirect_dma source(%arg7 : memref<128x128xf32, #tpu.memory_space<vmem>>) target(%dma_start3A_344 : memref<10240x128xf32, #tpu.memory_space<vmem_shared>>) offsets(%dma_start3A_341 : memref<128xi32, #tpu.memory_space<vmem>>) semaphore(%arg13 : memref<!tpu.dma_semaphore, #tpu.memory_space<semaphore_mem>>) {add = true}
      %add3A_345 = arith.constant 2 : i32
      %add3A_346 = arith.addi %add3A_329, %add3A_345 : i32
      %lt3A_347 = arith.constant 40 : i32
      %lt3A_348 = arith.cmpi slt, %add3A_346, %lt3A_347 : i32
      %convert_element_type3A_349 = arith.extui %lt3A_348 : i1 to i32
      %cond3A_350 = arith.constant 0 : i32
      %cond3A_351 = arith.cmpi ne, %convert_element_type3A_349, %cond3A_350 : i32
      scf.if %cond3A_351 {
        %dma_wait3A_352 = arith.constant 0 : i32
        %dma_wait3A_353 = arith.constant 0 : i32
        %dma_wait3A_354 = tpu.memref_slice %arg8[%dma_wait3A_352, %dma_wait3A_353] : memref<40x128xi32, #tpu.memory_space<vmem>> -> memref<1x128xi32, #tpu.memory_space<vmem>>
        %dma_wait3A_355 = tpu.memref_squeeze %dma_wait3A_354 : memref<1x128xi32, #tpu.memory_space<vmem>> -> memref<128xi32, #tpu.memory_space<vmem>>
        %dma_wait3A_356 = arith.constant 0 : i32
        %dma_wait3A_357 = arith.constant 0 : i32
        %dma_wait3A_358 = tpu.memref_slice %arg5[%dma_wait3A_356, %dma_wait3A_357] : memref<10240x128xf32, #tpu.memory_space<vmem_shared>> -> memref<10240x128xf32, #tpu.memory_space<vmem_shared>>
        tpu.wait_indirect_dma semaphore(%arg13 : memref<!tpu.dma_semaphore, #tpu.memory_space<semaphore_mem>>) src(%arg7 : memref<128x128xf32, #tpu.memory_space<vmem>>) dst(%dma_wait3A_358 : memref<10240x128xf32, #tpu.memory_space<vmem_shared>>)
        %mul3A_359 = arith.constant 5120 : i32
        %mul3A_360 = arith.muli %arg1, %mul3A_359 : i32
        %mul3A_361 = arith.constant 128 : i32
        %mul3A_362 = arith.muli %add3A_346, %mul3A_361 : i32
        %add3A_363 = arith.addi %mul3A_360, %mul3A_362 : i32
        %dma_start3A_364 = arith.constant 0 : i32
        %dma_start3A_365 = tpu.memref_slice %arg2[%add3A_199, %add3A_363, %dma_start3A_364] : memref<10x81920x128xf32, #tpu.memory_space<hbm>> -> memref<1x128x128xf32, #tpu.memory_space<hbm>>
        %dma_start3A_366 = tpu.memref_squeeze %dma_start3A_365 : memref<1x128x128xf32, #tpu.memory_space<hbm>> -> memref<128x128xf32, #tpu.memory_space<hbm>>
        %dma_start3A_367 = arith.constant 0 : i32
        %dma_start3A_368 = tpu.memref_slice %arg2[%add3A_199, %add3A_363, %dma_start3A_367] : memref<10x81920x128xf32, #tpu.memory_space<hbm>> -> memref<1x128x128xf32, #tpu.memory_space<hbm>>
        %dma_start3A_369 = tpu.memref_squeeze %dma_start3A_368 : memref<1x128x128xf32, #tpu.memory_space<hbm>> -> memref<128x128xf32, #tpu.memory_space<hbm>>
        tpu.enqueue_dma source(%dma_start3A_369 : memref<128x128xf32, #tpu.memory_space<hbm>>) target(%arg7 : memref<128x128xf32, #tpu.memory_space<vmem>>) target_semaphore(%arg11 : memref<!tpu.dma_semaphore, #tpu.memory_space<semaphore_mem>>)
      } else {
      }
    }
    %scan3A_225 = arith.constant 20 : i32
    %dma_wait3A_226 = arith.constant 0 : i32
    %dma_wait3A_227 = arith.constant 0 : i32
    %dma_wait3A_228 = tpu.memref_slice %arg8[%dma_wait3A_226, %dma_wait3A_227] : memref<40x128xi32, #tpu.memory_space<vmem>> -> memref<1x128xi32, #tpu.memory_space<vmem>>
    %dma_wait3A_229 = tpu.memref_squeeze %dma_wait3A_228 : memref<1x128xi32, #tpu.memory_space<vmem>> -> memref<128xi32, #tpu.memory_space<vmem>>
    %dma_wait3A_230 = arith.constant 0 : i32
    %dma_wait3A_231 = arith.constant 0 : i32
    %dma_wait3A_232 = tpu.memref_slice %arg5[%dma_wait3A_230, %dma_wait3A_231] : memref<10240x128xf32, #tpu.memory_space<vmem_shared>> -> memref<10240x128xf32, #tpu.memory_space<vmem_shared>>
    tpu.wait_indirect_dma semaphore(%arg12 : memref<!tpu.dma_semaphore, #tpu.memory_space<semaphore_mem>>) src(%arg6 : memref<128x128xf32, #tpu.memory_space<vmem>>) dst(%dma_wait3A_232 : memref<10240x128xf32, #tpu.memory_space<vmem_shared>>)
    %dma_wait3A_233 = arith.constant 0 : i32
    %dma_wait3A_234 = arith.constant 0 : i32
    %dma_wait3A_235 = tpu.memref_slice %arg8[%dma_wait3A_233, %dma_wait3A_234] : memref<40x128xi32, #tpu.memory_space<vmem>> -> memref<1x128xi32, #tpu.memory_space<vmem>>
    %dma_wait3A_236 = tpu.memref_squeeze %dma_wait3A_235 : memref<1x128xi32, #tpu.memory_space<vmem>> -> memref<128xi32, #tpu.memory_space<vmem>>
    %dma_wait3A_237 = arith.constant 0 : i32
    %dma_wait3A_238 = arith.constant 0 : i32
    %dma_wait3A_239 = tpu.memref_slice %arg5[%dma_wait3A_237, %dma_wait3A_238] : memref<10240x128xf32, #tpu.memory_space<vmem_shared>> -> memref<10240x128xf32, #tpu.memory_space<vmem_shared>>
    tpu.wait_indirect_dma semaphore(%arg13 : memref<!tpu.dma_semaphore, #tpu.memory_space<semaphore_mem>>) src(%arg7 : memref<128x128xf32, #tpu.memory_space<vmem>>) dst(%dma_wait3A_239 : memref<10240x128xf32, #tpu.memory_space<vmem_shared>>)
    %barrier3A_240 = arith.constant 0 : index
    tpu.barrier barrier_id(%barrier3A_240)
    "tpu.region"() ({
      %run_scoped3A = tpu.sem_alloc : memref<!tpu.dma_semaphore, #tpu.memory_space<semaphore_mem>>
      %dma_start3A_302 = arith.constant 0 : i32
      %dma_start3A_303 = tpu.memref_slice %arg4[%add3A_199, %mul3A_4, %dma_start3A_302] : memref<10x10240x128xf32, #tpu.memory_space<hbm>> -> memref<1x640x128xf32, #tpu.memory_space<hbm>>
      %dma_start3A_304 = tpu.memref_squeeze %dma_start3A_303 : memref<1x640x128xf32, #tpu.memory_space<hbm>> -> memref<640x128xf32, #tpu.memory_space<hbm>>
      %dma_start3A_305 = arith.constant 0 : i32
      %dma_start3A_306 = tpu.memref_slice %arg5[%mul3A_4, %dma_start3A_305] : memref<10240x128xf32, #tpu.memory_space<vmem_shared>> -> memref<640x128xf32, #tpu.memory_space<vmem_shared>>
      tpu.enqueue_dma source(%dma_start3A_306 : memref<640x128xf32, #tpu.memory_space<vmem_shared>>) target(%dma_start3A_304 : memref<640x128xf32, #tpu.memory_space<hbm>>) target_semaphore(%run_scoped3A : memref<!tpu.dma_semaphore, #tpu.memory_space<semaphore_mem>>)
      %dma_wait3A_307 = arith.constant 0 : i32
      %dma_wait3A_308 = tpu.memref_slice %arg4[%add3A_199, %mul3A_4, %dma_wait3A_307] : memref<10x10240x128xf32, #tpu.memory_space<hbm>> -> memref<1x640x128xf32, #tpu.memory_space<hbm>>
      %dma_wait3A_309 = tpu.memref_squeeze %dma_wait3A_308 : memref<1x640x128xf32, #tpu.memory_space<hbm>> -> memref<640x128xf32, #tpu.memory_space<hbm>>
      %dma_wait3A_310 = arith.constant 0 : i32
      %dma_wait3A_311 = tpu.memref_slice %arg5[%mul3A_4, %dma_wait3A_310] : memref<10240x128xf32, #tpu.memory_space<vmem_shared>> -> memref<640x128xf32, #tpu.memory_space<vmem_shared>>
      tpu.wait_dma2 semaphore(%run_scoped3A : memref<!tpu.dma_semaphore, #tpu.memory_space<semaphore_mem>>) src(%dma_wait3A_311 : memref<640x128xf32, #tpu.memory_space<vmem_shared>>) dst(%dma_wait3A_309 : memref<640x128xf32, #tpu.memory_space<hbm>>)
      tpu.yield
    }) : () -> ()
    %mul3A_241 = arith.constant 5 : i32
    %mul3A_242 = arith.muli %arg0, %mul3A_241 : i32
    %add3A_243 = arith.constant 3 : i32
    %add3A_244 = arith.addi %mul3A_242, %add3A_243 : i32
    %add3A_245 = arith.constant 1 : i32
    %add3A_246 = arith.addi %add3A_244, %add3A_245 : i32
    %scan3A_247 = arith.constant 0 : i32
    %scan3A_248 = arith.constant 10 : i32
    %scan3A_249 = arith.addi %scan3A_247, %scan3A_248 : i32
    %scan3A_250 = arith.constant 1 : i32
    scf.for %scan3A_302 = %scan3A_247 to %scan3A_249 step %scan3A_250  : i32 {
      %mul3A_303 = arith.constant 1 : i32
      %mul3A_304 = arith.muli %scan3A_302, %mul3A_303 : i32
      %add3A_305 = arith.constant 0 : i32
      %add3A_306 = arith.addi %add3A_305, %mul3A_304 : i32
      %mul3A_307 = arith.constant 64 : i32
      %mul3A_308 = arith.muli %add3A_306, %mul3A_307 : i32
      %add3A_309 = arith.addi %mul3A_4, %mul3A_308 : i32
      %dma_start3A_310 = arith.constant 0 : i32
      %dma_start3A_311 = tpu.memref_slice %arg5[%add3A_309, %dma_start3A_310] : memref<10240x128xf32, #tpu.memory_space<vmem_shared>> -> memref<64x128xf32, #tpu.memory_space<vmem_shared>>
      %dma_start3A_312 = arith.constant 0 : i32
      %dma_start3A_313 = tpu.memref_slice %arg5[%add3A_309, %dma_start3A_312] : memref<10240x128xf32, #tpu.memory_space<vmem_shared>> -> memref<64x128xf32, #tpu.memory_space<vmem_shared>>
      tpu.enqueue_dma source(%arg9 : memref<64x128xf32, #tpu.memory_space<vmem>>) target(%dma_start3A_313 : memref<64x128xf32, #tpu.memory_space<vmem_shared>>) target_semaphore(%arg14 : memref<!tpu.dma_semaphore, #tpu.memory_space<semaphore_mem>>)
    }
    %scan3A_251 = arith.constant 10 : i32
    %scan3A_252 = arith.constant 0 : i32
    %scan3A_253 = arith.constant 10 : i32
    %scan3A_254 = arith.addi %scan3A_252, %scan3A_253 : i32
    %scan3A_255 = arith.constant 1 : i32
    scf.for %scan3A_302 = %scan3A_252 to %scan3A_254 step %scan3A_255  : i32 {
      %mul3A_303 = arith.constant 1 : i32
      %mul3A_304 = arith.muli %scan3A_302, %mul3A_303 : i32
      %add3A_305 = arith.constant 0 : i32
      %add3A_306 = arith.addi %add3A_305, %mul3A_304 : i32
      %dma_wait3A_307 = arith.constant 0 : i32
      %dma_wait3A_308 = tpu.memref_slice %arg5[%mul3A_4, %dma_wait3A_307] : memref<10240x128xf32, #tpu.memory_space<vmem_shared>> -> memref<64x128xf32, #tpu.memory_space<vmem_shared>>
      %dma_wait3A_309 = arith.constant 0 : i32
      %dma_wait3A_310 = tpu.memref_slice %arg5[%mul3A_4, %dma_wait3A_309] : memref<10240x128xf32, #tpu.memory_space<vmem_shared>> -> memref<64x128xf32, #tpu.memory_space<vmem_shared>>
      tpu.wait_dma2 semaphore(%arg14 : memref<!tpu.dma_semaphore, #tpu.memory_space<semaphore_mem>>) src(%arg9 : memref<64x128xf32, #tpu.memory_space<vmem>>) dst(%dma_wait3A_310 : memref<64x128xf32, #tpu.memory_space<vmem_shared>>)
    }
    %scan3A_256 = arith.constant 10 : i32
    %mul3A_257 = arith.constant 5 : i32
    %mul3A_258 = arith.muli %arg0, %mul3A_257 : i32
    %add3A_259 = arith.constant 4 : i32
    %add3A_260 = arith.addi %mul3A_258, %add3A_259 : i32
    %barrier3A_261 = arith.constant 0 : index
    tpu.barrier barrier_id(%barrier3A_261)
    %mul3A_262 = arith.constant 5120 : i32
    %mul3A_263 = arith.muli %arg1, %mul3A_262 : i32
    %add3A_264 = arith.constant 0 : i32
    %add3A_265 = arith.addi %mul3A_263, %add3A_264 : i32
    %dma_start3A_266 = arith.constant 0 : i32
    %dma_start3A_267 = tpu.memref_slice %arg2[%add3A_260, %add3A_265, %dma_start3A_266] : memref<10x81920x128xf32, #tpu.memory_space<hbm>> -> memref<1x128x128xf32, #tpu.memory_space<hbm>>
    %dma_start3A_268 = tpu.memref_squeeze %dma_start3A_267 : memref<1x128x128xf32, #tpu.memory_space<hbm>> -> memref<128x128xf32, #tpu.memory_space<hbm>>
    %dma_start3A_269 = arith.constant 0 : i32
    %dma_start3A_270 = tpu.memref_slice %arg2[%add3A_260, %add3A_265, %dma_start3A_269] : memref<10x81920x128xf32, #tpu.memory_space<hbm>> -> memref<1x128x128xf32, #tpu.memory_space<hbm>>
    %dma_start3A_271 = tpu.memref_squeeze %dma_start3A_270 : memref<1x128x128xf32, #tpu.memory_space<hbm>> -> memref<128x128xf32, #tpu.memory_space<hbm>>
    tpu.enqueue_dma source(%dma_start3A_271 : memref<128x128xf32, #tpu.memory_space<hbm>>) target(%arg6 : memref<128x128xf32, #tpu.memory_space<vmem>>) target_semaphore(%arg10 : memref<!tpu.dma_semaphore, #tpu.memory_space<semaphore_mem>>)
    %mul3A_272 = arith.constant 5120 : i32
    %mul3A_273 = arith.muli %arg1, %mul3A_272 : i32
    %add3A_274 = arith.constant 128 : i32
    %add3A_275 = arith.addi %mul3A_273, %add3A_274 : i32
    %dma_start3A_276 = arith.constant 0 : i32
    %dma_start3A_277 = tpu.memref_slice %arg2[%add3A_260, %add3A_275, %dma_start3A_276] : memref<10x81920x128xf32, #tpu.memory_space<hbm>> -> memref<1x128x128xf32, #tpu.memory_space<hbm>>
    %dma_start3A_278 = tpu.memref_squeeze %dma_start3A_277 : memref<1x128x128xf32, #tpu.memory_space<hbm>> -> memref<128x128xf32, #tpu.memory_space<hbm>>
    %dma_start3A_279 = arith.constant 0 : i32
    %dma_start3A_280 = tpu.memref_slice %arg2[%add3A_260, %add3A_275, %dma_start3A_279] : memref<10x81920x128xf32, #tpu.memory_space<hbm>> -> memref<1x128x128xf32, #tpu.memory_space<hbm>>
    %dma_start3A_281 = tpu.memref_squeeze %dma_start3A_280 : memref<1x128x128xf32, #tpu.memory_space<hbm>> -> memref<128x128xf32, #tpu.memory_space<hbm>>
    tpu.enqueue_dma source(%dma_start3A_281 : memref<128x128xf32, #tpu.memory_space<hbm>>) target(%arg7 : memref<128x128xf32, #tpu.memory_space<vmem>>) target_semaphore(%arg11 : memref<!tpu.dma_semaphore, #tpu.memory_space<semaphore_mem>>)
    %scan3A_282 = arith.constant 0 : i32
    %scan3A_283 = arith.constant 20 : i32
    %scan3A_284 = arith.addi %scan3A_282, %scan3A_283 : i32
    %scan3A_285 = arith.constant 1 : i32
    scf.for %scan3A_302 = %scan3A_282 to %scan3A_284 step %scan3A_285  : i32 {
      %mul3A_303 = arith.constant 2 : i32
      %mul3A_304 = arith.muli %scan3A_302, %mul3A_303 : i32
      %add3A_305 = arith.constant 0 : i32
      %add3A_306 = arith.addi %add3A_305, %mul3A_304 : i32
      %add3A_307 = arith.constant 0 : i32
      %add3A_308 = arith.addi %add3A_306, %add3A_307 : i32
      %dma_wait3A_309 = arith.constant 0 : i32
      %dma_wait3A_310 = arith.constant 0 : i32
      %dma_wait3A_311 = arith.constant 0 : i32
      %dma_wait3A_312 = tpu.memref_slice %arg2[%dma_wait3A_309, %dma_wait3A_310, %dma_wait3A_311] : memref<10x81920x128xf32, #tpu.memory_space<hbm>> -> memref<1x128x128xf32, #tpu.memory_space<hbm>>
      %dma_wait3A_313 = tpu.memref_squeeze %dma_wait3A_312 : memref<1x128x128xf32, #tpu.memory_space<hbm>> -> memref<128x128xf32, #tpu.memory_space<hbm>>
      %dma_wait3A_314 = arith.constant 0 : i32
      %dma_wait3A_315 = arith.constant 0 : i32
      %dma_wait3A_316 = tpu.memref_slice %arg2[%dma_wait3A_309, %dma_wait3A_314, %dma_wait3A_315] : memref<10x81920x128xf32, #tpu.memory_space<hbm>> -> memref<1x128x128xf32, #tpu.memory_space<hbm>>
      %dma_wait3A_317 = tpu.memref_squeeze %dma_wait3A_316 : memref<1x128x128xf32, #tpu.memory_space<hbm>> -> memref<128x128xf32, #tpu.memory_space<hbm>>
      tpu.wait_dma2 semaphore(%arg10 : memref<!tpu.dma_semaphore, #tpu.memory_space<semaphore_mem>>) src(%dma_wait3A_317 : memref<128x128xf32, #tpu.memory_space<hbm>>) dst(%arg6 : memref<128x128xf32, #tpu.memory_space<vmem>>)
      %dma_start3A_318 = arith.constant 0 : i32
      %dma_start3A_319 = tpu.memref_slice %arg8[%add3A_308, %dma_start3A_318] : memref<40x128xi32, #tpu.memory_space<vmem>> -> memref<1x128xi32, #tpu.memory_space<vmem>>
      %dma_start3A_320 = tpu.memref_squeeze %dma_start3A_319 : memref<1x128xi32, #tpu.memory_space<vmem>> -> memref<128xi32, #tpu.memory_space<vmem>>
      %dma_start3A_321 = arith.constant 0 : i32
      %dma_start3A_322 = arith.constant 0 : i32
      %dma_start3A_323 = tpu.memref_slice %arg5[%dma_start3A_321, %dma_start3A_322] : memref<10240x128xf32, #tpu.memory_space<vmem_shared>> -> memref<10240x128xf32, #tpu.memory_space<vmem_shared>>
      tpu.enqueue_indirect_dma source(%arg6 : memref<128x128xf32, #tpu.memory_space<vmem>>) target(%dma_start3A_323 : memref<10240x128xf32, #tpu.memory_space<vmem_shared>>) offsets(%dma_start3A_320 : memref<128xi32, #tpu.memory_space<vmem>>) semaphore(%arg12 : memref<!tpu.dma_semaphore, #tpu.memory_space<semaphore_mem>>) {add = true}
      %add3A_324 = arith.constant 2 : i32
      %add3A_325 = arith.addi %add3A_308, %add3A_324 : i32
      %lt3A = arith.constant 40 : i32
      %lt3A_326 = arith.cmpi slt, %add3A_325, %lt3A : i32
      %convert_element_type3A = arith.extui %lt3A_326 : i1 to i32
      %cond3A = arith.constant 0 : i32
      %cond3A_327 = arith.cmpi ne, %convert_element_type3A, %cond3A : i32
      scf.if %cond3A_327 {
        %dma_wait3A_352 = arith.constant 0 : i32
        %dma_wait3A_353 = arith.constant 0 : i32
        %dma_wait3A_354 = tpu.memref_slice %arg8[%dma_wait3A_352, %dma_wait3A_353] : memref<40x128xi32, #tpu.memory_space<vmem>> -> memref<1x128xi32, #tpu.memory_space<vmem>>
        %dma_wait3A_355 = tpu.memref_squeeze %dma_wait3A_354 : memref<1x128xi32, #tpu.memory_space<vmem>> -> memref<128xi32, #tpu.memory_space<vmem>>
        %dma_wait3A_356 = arith.constant 0 : i32
        %dma_wait3A_357 = arith.constant 0 : i32
        %dma_wait3A_358 = tpu.memref_slice %arg5[%dma_wait3A_356, %dma_wait3A_357] : memref<10240x128xf32, #tpu.memory_space<vmem_shared>> -> memref<10240x128xf32, #tpu.memory_space<vmem_shared>>
        tpu.wait_indirect_dma semaphore(%arg12 : memref<!tpu.dma_semaphore, #tpu.memory_space<semaphore_mem>>) src(%arg6 : memref<128x128xf32, #tpu.memory_space<vmem>>) dst(%dma_wait3A_358 : memref<10240x128xf32, #tpu.memory_space<vmem_shared>>)
        %mul3A_359 = arith.constant 5120 : i32
        %mul3A_360 = arith.muli %arg1, %mul3A_359 : i32
        %mul3A_361 = arith.constant 128 : i32
        %mul3A_362 = arith.muli %add3A_325, %mul3A_361 : i32
        %add3A_363 = arith.addi %mul3A_360, %mul3A_362 : i32
        %dma_start3A_364 = arith.constant 0 : i32
        %dma_start3A_365 = tpu.memref_slice %arg2[%add3A_260, %add3A_363, %dma_start3A_364] : memref<10x81920x128xf32, #tpu.memory_space<hbm>> -> memref<1x128x128xf32, #tpu.memory_space<hbm>>
        %dma_start3A_366 = tpu.memref_squeeze %dma_start3A_365 : memref<1x128x128xf32, #tpu.memory_space<hbm>> -> memref<128x128xf32, #tpu.memory_space<hbm>>
        %dma_start3A_367 = arith.constant 0 : i32
        %dma_start3A_368 = tpu.memref_slice %arg2[%add3A_260, %add3A_363, %dma_start3A_367] : memref<10x81920x128xf32, #tpu.memory_space<hbm>> -> memref<1x128x128xf32, #tpu.memory_space<hbm>>
        %dma_start3A_369 = tpu.memref_squeeze %dma_start3A_368 : memref<1x128x128xf32, #tpu.memory_space<hbm>> -> memref<128x128xf32, #tpu.memory_space<hbm>>
        tpu.enqueue_dma source(%dma_start3A_369 : memref<128x128xf32, #tpu.memory_space<hbm>>) target(%arg6 : memref<128x128xf32, #tpu.memory_space<vmem>>) target_semaphore(%arg10 : memref<!tpu.dma_semaphore, #tpu.memory_space<semaphore_mem>>)
      } else {
      }
      %add3A_328 = arith.constant 1 : i32
      %add3A_329 = arith.addi %add3A_306, %add3A_328 : i32
      %dma_wait3A_330 = arith.constant 0 : i32
      %dma_wait3A_331 = arith.constant 0 : i32
      %dma_wait3A_332 = arith.constant 0 : i32
      %dma_wait3A_333 = tpu.memref_slice %arg2[%dma_wait3A_330, %dma_wait3A_331, %dma_wait3A_332] : memref<10x81920x128xf32, #tpu.memory_space<hbm>> -> memref<1x128x128xf32, #tpu.memory_space<hbm>>
      %dma_wait3A_334 = tpu.memref_squeeze %dma_wait3A_333 : memref<1x128x128xf32, #tpu.memory_space<hbm>> -> memref<128x128xf32, #tpu.memory_space<hbm>>
      %dma_wait3A_335 = arith.constant 0 : i32
      %dma_wait3A_336 = arith.constant 0 : i32
      %dma_wait3A_337 = tpu.memref_slice %arg2[%dma_wait3A_330, %dma_wait3A_335, %dma_wait3A_336] : memref<10x81920x128xf32, #tpu.memory_space<hbm>> -> memref<1x128x128xf32, #tpu.memory_space<hbm>>
      %dma_wait3A_338 = tpu.memref_squeeze %dma_wait3A_337 : memref<1x128x128xf32, #tpu.memory_space<hbm>> -> memref<128x128xf32, #tpu.memory_space<hbm>>
      tpu.wait_dma2 semaphore(%arg11 : memref<!tpu.dma_semaphore, #tpu.memory_space<semaphore_mem>>) src(%dma_wait3A_338 : memref<128x128xf32, #tpu.memory_space<hbm>>) dst(%arg7 : memref<128x128xf32, #tpu.memory_space<vmem>>)
      %dma_start3A_339 = arith.constant 0 : i32
      %dma_start3A_340 = tpu.memref_slice %arg8[%add3A_329, %dma_start3A_339] : memref<40x128xi32, #tpu.memory_space<vmem>> -> memref<1x128xi32, #tpu.memory_space<vmem>>
      %dma_start3A_341 = tpu.memref_squeeze %dma_start3A_340 : memref<1x128xi32, #tpu.memory_space<vmem>> -> memref<128xi32, #tpu.memory_space<vmem>>
      %dma_start3A_342 = arith.constant 0 : i32
      %dma_start3A_343 = arith.constant 0 : i32
      %dma_start3A_344 = tpu.memref_slice %arg5[%dma_start3A_342, %dma_start3A_343] : memref<10240x128xf32, #tpu.memory_space<vmem_shared>> -> memref<10240x128xf32, #tpu.memory_space<vmem_shared>>
      tpu.enqueue_indirect_dma source(%arg7 : memref<128x128xf32, #tpu.memory_space<vmem>>) target(%dma_start3A_344 : memref<10240x128xf32, #tpu.memory_space<vmem_shared>>) offsets(%dma_start3A_341 : memref<128xi32, #tpu.memory_space<vmem>>) semaphore(%arg13 : memref<!tpu.dma_semaphore, #tpu.memory_space<semaphore_mem>>) {add = true}
      %add3A_345 = arith.constant 2 : i32
      %add3A_346 = arith.addi %add3A_329, %add3A_345 : i32
      %lt3A_347 = arith.constant 40 : i32
      %lt3A_348 = arith.cmpi slt, %add3A_346, %lt3A_347 : i32
      %convert_element_type3A_349 = arith.extui %lt3A_348 : i1 to i32
      %cond3A_350 = arith.constant 0 : i32
      %cond3A_351 = arith.cmpi ne, %convert_element_type3A_349, %cond3A_350 : i32
      scf.if %cond3A_351 {
        %dma_wait3A_352 = arith.constant 0 : i32
        %dma_wait3A_353 = arith.constant 0 : i32
        %dma_wait3A_354 = tpu.memref_slice %arg8[%dma_wait3A_352, %dma_wait3A_353] : memref<40x128xi32, #tpu.memory_space<vmem>> -> memref<1x128xi32, #tpu.memory_space<vmem>>
        %dma_wait3A_355 = tpu.memref_squeeze %dma_wait3A_354 : memref<1x128xi32, #tpu.memory_space<vmem>> -> memref<128xi32, #tpu.memory_space<vmem>>
        %dma_wait3A_356 = arith.constant 0 : i32
        %dma_wait3A_357 = arith.constant 0 : i32
        %dma_wait3A_358 = tpu.memref_slice %arg5[%dma_wait3A_356, %dma_wait3A_357] : memref<10240x128xf32, #tpu.memory_space<vmem_shared>> -> memref<10240x128xf32, #tpu.memory_space<vmem_shared>>
        tpu.wait_indirect_dma semaphore(%arg13 : memref<!tpu.dma_semaphore, #tpu.memory_space<semaphore_mem>>) src(%arg7 : memref<128x128xf32, #tpu.memory_space<vmem>>) dst(%dma_wait3A_358 : memref<10240x128xf32, #tpu.memory_space<vmem_shared>>)
        %mul3A_359 = arith.constant 5120 : i32
        %mul3A_360 = arith.muli %arg1, %mul3A_359 : i32
        %mul3A_361 = arith.constant 128 : i32
        %mul3A_362 = arith.muli %add3A_346, %mul3A_361 : i32
        %add3A_363 = arith.addi %mul3A_360, %mul3A_362 : i32
        %dma_start3A_364 = arith.constant 0 : i32
        %dma_start3A_365 = tpu.memref_slice %arg2[%add3A_260, %add3A_363, %dma_start3A_364] : memref<10x81920x128xf32, #tpu.memory_space<hbm>> -> memref<1x128x128xf32, #tpu.memory_space<hbm>>
        %dma_start3A_366 = tpu.memref_squeeze %dma_start3A_365 : memref<1x128x128xf32, #tpu.memory_space<hbm>> -> memref<128x128xf32, #tpu.memory_space<hbm>>
        %dma_start3A_367 = arith.constant 0 : i32
        %dma_start3A_368 = tpu.memref_slice %arg2[%add3A_260, %add3A_363, %dma_start3A_367] : memref<10x81920x128xf32, #tpu.memory_space<hbm>> -> memref<1x128x128xf32, #tpu.memory_space<hbm>>
        %dma_start3A_369 = tpu.memref_squeeze %dma_start3A_368 : memref<1x128x128xf32, #tpu.memory_space<hbm>> -> memref<128x128xf32, #tpu.memory_space<hbm>>
        tpu.enqueue_dma source(%dma_start3A_369 : memref<128x128xf32, #tpu.memory_space<hbm>>) target(%arg7 : memref<128x128xf32, #tpu.memory_space<vmem>>) target_semaphore(%arg11 : memref<!tpu.dma_semaphore, #tpu.memory_space<semaphore_mem>>)
      } else {
      }
    }
    %scan3A_286 = arith.constant 20 : i32
    %dma_wait3A_287 = arith.constant 0 : i32
    %dma_wait3A_288 = arith.constant 0 : i32
    %dma_wait3A_289 = tpu.memref_slice %arg8[%dma_wait3A_287, %dma_wait3A_288] : memref<40x128xi32, #tpu.memory_space<vmem>> -> memref<1x128xi32, #tpu.memory_space<vmem>>
    %dma_wait3A_290 = tpu.memref_squeeze %dma_wait3A_289 : memref<1x128xi32, #tpu.memory_space<vmem>> -> memref<128xi32, #tpu.memory_space<vmem>>
    %dma_wait3A_291 = arith.constant 0 : i32
    %dma_wait3A_292 = arith.constant 0 : i32
    %dma_wait3A_293 = tpu.memref_slice %arg5[%dma_wait3A_291, %dma_wait3A_292] : memref<10240x128xf32, #tpu.memory_space<vmem_shared>> -> memref<10240x128xf32, #tpu.memory_space<vmem_shared>>
    tpu.wait_indirect_dma semaphore(%arg12 : memref<!tpu.dma_semaphore, #tpu.memory_space<semaphore_mem>>) src(%arg6 : memref<128x128xf32, #tpu.memory_space<vmem>>) dst(%dma_wait3A_293 : memref<10240x128xf32, #tpu.memory_space<vmem_shared>>)
    %dma_wait3A_294 = arith.constant 0 : i32
    %dma_wait3A_295 = arith.constant 0 : i32
    %dma_wait3A_296 = tpu.memref_slice %arg8[%dma_wait3A_294, %dma_wait3A_295] : memref<40x128xi32, #tpu.memory_space<vmem>> -> memref<1x128xi32, #tpu.memory_space<vmem>>
    %dma_wait3A_297 = tpu.memref_squeeze %dma_wait3A_296 : memref<1x128xi32, #tpu.memory_space<vmem>> -> memref<128xi32, #tpu.memory_space<vmem>>
    %dma_wait3A_298 = arith.constant 0 : i32
    %dma_wait3A_299 = arith.constant 0 : i32
    %dma_wait3A_300 = tpu.memref_slice %arg5[%dma_wait3A_298, %dma_wait3A_299] : memref<10240x128xf32, #tpu.memory_space<vmem_shared>> -> memref<10240x128xf32, #tpu.memory_space<vmem_shared>>
    tpu.wait_indirect_dma semaphore(%arg13 : memref<!tpu.dma_semaphore, #tpu.memory_space<semaphore_mem>>) src(%arg7 : memref<128x128xf32, #tpu.memory_space<vmem>>) dst(%dma_wait3A_300 : memref<10240x128xf32, #tpu.memory_space<vmem_shared>>)
    %barrier3A_301 = arith.constant 0 : index
    tpu.barrier barrier_id(%barrier3A_301)
    "tpu.region"() ({
      %run_scoped3A = tpu.sem_alloc : memref<!tpu.dma_semaphore, #tpu.memory_space<semaphore_mem>>
      %dma_start3A_302 = arith.constant 0 : i32
      %dma_start3A_303 = tpu.memref_slice %arg4[%add3A_260, %mul3A_4, %dma_start3A_302] : memref<10x10240x128xf32, #tpu.memory_space<hbm>> -> memref<1x640x128xf32, #tpu.memory_space<hbm>>
      %dma_start3A_304 = tpu.memref_squeeze %dma_start3A_303 : memref<1x640x128xf32, #tpu.memory_space<hbm>> -> memref<640x128xf32, #tpu.memory_space<hbm>>
      %dma_start3A_305 = arith.constant 0 : i32
      %dma_start3A_306 = tpu.memref_slice %arg5[%mul3A_4, %dma_start3A_305] : memref<10240x128xf32, #tpu.memory_space<vmem_shared>> -> memref<640x128xf32, #tpu.memory_space<vmem_shared>>
      tpu.enqueue_dma source(%dma_start3A_306 : memref<640x128xf32, #tpu.memory_space<vmem_shared>>) target(%dma_start3A_304 : memref<640x128xf32, #tpu.memory_space<hbm>>) target_semaphore(%run_scoped3A : memref<!tpu.dma_semaphore, #tpu.memory_space<semaphore_mem>>)
      %dma_wait3A_307 = arith.constant 0 : i32
      %dma_wait3A_308 = tpu.memref_slice %arg4[%add3A_260, %mul3A_4, %dma_wait3A_307] : memref<10x10240x128xf32, #tpu.memory_space<hbm>> -> memref<1x640x128xf32, #tpu.memory_space<hbm>>
      %dma_wait3A_309 = tpu.memref_squeeze %dma_wait3A_308 : memref<1x640x128xf32, #tpu.memory_space<hbm>> -> memref<640x128xf32, #tpu.memory_space<hbm>>
      %dma_wait3A_310 = arith.constant 0 : i32
      %dma_wait3A_311 = tpu.memref_slice %arg5[%mul3A_4, %dma_wait3A_310] : memref<10240x128xf32, #tpu.memory_space<vmem_shared>> -> memref<640x128xf32, #tpu.memory_space<vmem_shared>>
      tpu.wait_dma2 semaphore(%run_scoped3A : memref<!tpu.dma_semaphore, #tpu.memory_space<semaphore_mem>>) src(%dma_wait3A_311 : memref<640x128xf32, #tpu.memory_space<vmem_shared>>) dst(%dma_wait3A_309 : memref<640x128xf32, #tpu.memory_space<hbm>>)
      tpu.yield
    }) : () -> ()
    return
  }
}

#map = affine_map<(d0, d1) -> (0)>
module attributes {stable_mosaic.version = 14 : i64} {
  func.func @k(%arg0: i32, %arg1: i32, %arg2: memref<10000xi32, #tpu.memory_space<hbm>>, %arg3: memref<327680xi32, #tpu.memory_space<hbm>>, %arg4: memref<327680xi32, #tpu.memory_space<hbm>>, %arg5: memref<10000xi32, #tpu.memory_space<vmem>>, %arg6: memref<10240xi32, #tpu.memory_space<vmem>>, %arg7: memref<10240xi32, #tpu.memory_space<vmem>>) attributes {dimension_semantics = [#tpu.dimension_semantics<core_parallel>, #tpu.dimension_semantics<subcore_parallel>], iteration_bounds = array<i64: 2, 16>, scalar_prefetch = 0 : i64, scratch_operands = 3 : i64, tpu.core_type = #tpu.core_type<sc_vector_subcore>, window_params = [{transform_indices = #map}, {transform_indices = #map}, {transform_indices = #map}]} {
    %mul3A = arith.constant 2 : i32
    %mul3A_0 = arith.muli %arg1, %mul3A : i32
    %add3A = arith.addi %mul3A_0, %arg0 : i32
    %mul3A_1 = arith.constant 10240 : i32
    %mul3A_2 = arith.muli %add3A, %mul3A_1 : i32
    "tpu.region"() ({
      %run_scoped3A = tpu.sem_alloc : memref<!tpu.dma_semaphore, #tpu.memory_space<semaphore_mem>>
      tpu.enqueue_dma source(%arg2 : memref<10000xi32, #tpu.memory_space<hbm>>) target(%arg5 : memref<10000xi32, #tpu.memory_space<vmem>>) target_semaphore(%run_scoped3A : memref<!tpu.dma_semaphore, #tpu.memory_space<semaphore_mem>>)
      tpu.wait_dma2 semaphore(%run_scoped3A : memref<!tpu.dma_semaphore, #tpu.memory_space<semaphore_mem>>) src(%arg2 : memref<10000xi32, #tpu.memory_space<hbm>>) dst(%arg5 : memref<10000xi32, #tpu.memory_space<vmem>>)
      tpu.yield
    }) : () -> ()
    "tpu.region"() ({
      %run_scoped3A = tpu.sem_alloc : memref<!tpu.dma_semaphore, #tpu.memory_space<semaphore_mem>>
      %dma_start3A = tpu.memref_slice %arg3[%mul3A_2] : memref<327680xi32, #tpu.memory_space<hbm>> -> memref<10240xi32, #tpu.memory_space<hbm>>
      %dma_start3A_7 = tpu.memref_slice %arg3[%mul3A_2] : memref<327680xi32, #tpu.memory_space<hbm>> -> memref<10240xi32, #tpu.memory_space<hbm>>
      tpu.enqueue_dma source(%dma_start3A_7 : memref<10240xi32, #tpu.memory_space<hbm>>) target(%arg6 : memref<10240xi32, #tpu.memory_space<vmem>>) target_semaphore(%run_scoped3A : memref<!tpu.dma_semaphore, #tpu.memory_space<semaphore_mem>>)
      %dma_wait3A = tpu.memref_slice %arg3[%mul3A_2] : memref<327680xi32, #tpu.memory_space<hbm>> -> memref<10240xi32, #tpu.memory_space<hbm>>
      %dma_wait3A_8 = tpu.memref_slice %arg3[%mul3A_2] : memref<327680xi32, #tpu.memory_space<hbm>> -> memref<10240xi32, #tpu.memory_space<hbm>>
      tpu.wait_dma2 semaphore(%run_scoped3A : memref<!tpu.dma_semaphore, #tpu.memory_space<semaphore_mem>>) src(%dma_wait3A_8 : memref<10240xi32, #tpu.memory_space<hbm>>) dst(%arg6 : memref<10240xi32, #tpu.memory_space<vmem>>)
      tpu.yield
    }) : () -> ()
    %scan3A = arith.constant 0 : i32
    %scan3A_3 = arith.constant 640 : i32
    %scan3A_4 = arith.addi %scan3A, %scan3A_3 : i32
    %scan3A_5 = arith.constant 1 : i32
    scf.for %scan3A_7 = %scan3A to %scan3A_4 step %scan3A_5  : i32 {
      %mul3A_8 = arith.constant 1 : i32
      %mul3A_9 = arith.muli %scan3A_7, %mul3A_8 : i32
      %add3A_10 = arith.constant 0 : i32
      %add3A_11 = arith.addi %add3A_10, %mul3A_9 : i32
      %mul3A_12 = arith.constant 16 : i32
      %mul3A_13 = arith.muli %add3A_11, %mul3A_12 : i32
      %get3A = arith.index_cast %mul3A_13 : i32 to index
      %get3A_14 = tpu.vector_load %arg6[%get3A] {strides = array<i32>} : memref<10240xi32, #tpu.memory_space<vmem>>, vector<16xi32>,
      %gather3A = tpu.vector_load_idx %arg5[%get3A_14] : memref<10000xi32, #tpu.memory_space<vmem>>[vector<16xi32>], vector<16xi32>,
      %mul3A_15 = arith.constant 16 : i32
      %mul3A_16 = arith.muli %add3A_11, %mul3A_15 : i32
      %swap3A = arith.index_cast %mul3A_16 : i32 to index
      %swap3A_17 = tpu.vector_load %arg7[%swap3A] {strides = array<i32>} : memref<10240xi32, #tpu.memory_space<vmem>>, vector<16xi32>,
      tpu.vector_store %arg7[%swap3A], %gather3A {strides = array<i32>} : memref<10240xi32, #tpu.memory_space<vmem>>, vector<16xi32>,
    }
    %scan3A_6 = arith.constant 640 : i32
    "tpu.region"() ({
      %run_scoped3A = tpu.sem_alloc : memref<!tpu.dma_semaphore, #tpu.memory_space<semaphore_mem>>
      %dma_start3A = tpu.memref_slice %arg4[%mul3A_2] : memref<327680xi32, #tpu.memory_space<hbm>> -> memref<10240xi32, #tpu.memory_space<hbm>>
      %dma_start3A_7 = tpu.memref_slice %arg4[%mul3A_2] : memref<327680xi32, #tpu.memory_space<hbm>> -> memref<10240xi32, #tpu.memory_space<hbm>>
      tpu.enqueue_dma source(%arg7 : memref<10240xi32, #tpu.memory_space<vmem>>) target(%dma_start3A_7 : memref<10240xi32, #tpu.memory_space<hbm>>) target_semaphore(%run_scoped3A : memref<!tpu.dma_semaphore, #tpu.memory_space<semaphore_mem>>)
      %dma_wait3A = tpu.memref_slice %arg4[%mul3A_2] : memref<327680xi32, #tpu.memory_space<hbm>> -> memref<10240xi32, #tpu.memory_space<hbm>>
      %dma_wait3A_8 = tpu.memref_slice %arg4[%mul3A_2] : memref<327680xi32, #tpu.memory_space<hbm>> -> memref<10240xi32, #tpu.memory_space<hbm>>
      tpu.wait_dma2 semaphore(%run_scoped3A : memref<!tpu.dma_semaphore, #tpu.memory_space<semaphore_mem>>) src(%arg7 : memref<10240xi32, #tpu.memory_space<vmem>>) dst(%dma_wait3A_8 : memref<10240xi32, #tpu.memory_space<hbm>>)
      tpu.yield
    }) : () -> ()
    return
  }
}

#map = affine_map<(d0, d1) -> (0, 0, 0)>
module attributes {stable_mosaic.version = 14 : i64} {
  func.func @k(%arg0: i32, %arg1: i32, %arg2: memref<10x81920x128xf32, #tpu.memory_space<hbm>>, %arg3: memref<16x40x128xi32, #tpu.memory_space<hbm>>, %arg4: memref<10x10240x128xf32, #tpu.memory_space<hbm>>, %arg5: memref<10x10240x128xf32, #tpu.memory_space<hbm>>, %arg6: memref<10240x128xf32, #tpu.memory_space<vmem_shared>>, %arg7: memref<128x128xf32, #tpu.memory_space<vmem>>, %arg8: memref<128x128xf32, #tpu.memory_space<vmem>>, %arg9: memref<40x128xi32, #tpu.memory_space<vmem>>, %arg10: memref<64x128xf32, #tpu.memory_space<vmem>>, %arg11: memref<!tpu.dma_semaphore, #tpu.memory_space<semaphore_mem>>, %arg12: memref<!tpu.dma_semaphore, #tpu.memory_space<semaphore_mem>>, %arg13: memref<!tpu.dma_semaphore, #tpu.memory_space<semaphore_mem>>, %arg14: memref<!tpu.dma_semaphore, #tpu.memory_space<semaphore_mem>>, %arg15: memref<!tpu.dma_semaphore, #tpu.memory_space<semaphore_mem>>) attributes {dimension_semantics = [#tpu.dimension_semantics<core_parallel>, #tpu.dimension_semantics<subcore_parallel>], iteration_bounds = array<i64: 2, 16>, scalar_prefetch = 0 : i64, scratch_operands = 10 : i64, tpu.core_type = #tpu.core_type<sc_vector_subcore>, window_params = [{transform_indices = #map}, {transform_indices = #map}, {transform_indices = #map}, {transform_indices = #map}]} {
    "tpu.region"() ({
      %run_scoped3A = tpu.sem_alloc : memref<!tpu.dma_semaphore, #tpu.memory_space<semaphore_mem>>
      %dma_start3A_302 = arith.constant 0 : i32
      %dma_start3A_303 = arith.constant 0 : i32
      %dma_start3A_304 = tpu.memref_slice %arg3[%arg1, %dma_start3A_302, %dma_start3A_303] : memref<16x40x128xi32, #tpu.memory_space<hbm>> -> memref<1x40x128xi32, #tpu.memory_space<hbm>>
      %dma_start3A_305 = tpu.memref_squeeze %dma_start3A_304 : memref<1x40x128xi32, #tpu.memory_space<hbm>> -> memref<40x128xi32, #tpu.memory_space<hbm>>
      %dma_start3A_306 = arith.constant 0 : i32
      %dma_start3A_307 = arith.constant 0 : i32
      %dma_start3A_308 = tpu.memref_slice %arg3[%arg1, %dma_start3A_306, %dma_start3A_307] : memref<16x40x128xi32, #tpu.memory_space<hbm>> -> memref<1x40x128xi32, #tpu.memory_space<hbm>>
      %dma_start3A_309 = tpu.memref_squeeze %dma_start3A_308 : memref<1x40x128xi32, #tpu.memory_space<hbm>> -> memref<40x128xi32, #tpu.memory_space<hbm>>
      tpu.enqueue_dma source(%dma_start3A_309 : memref<40x128xi32, #tpu.memory_space<hbm>>) target(%arg9 : memref<40x128xi32, #tpu.memory_space<vmem>>) target_semaphore(%run_scoped3A : memref<!tpu.dma_semaphore, #tpu.memory_space<semaphore_mem>>)
      %dma_wait3A_310 = arith.constant 0 : i32
      %dma_wait3A_311 = arith.constant 0 : i32
      %dma_wait3A_312 = tpu.memref_slice %arg3[%arg1, %dma_wait3A_310, %dma_wait3A_311] : memref<16x40x128xi32, #tpu.memory_space<hbm>> -> memref<1x40x128xi32, #tpu.memory_space<hbm>>
      %dma_wait3A_313 = tpu.memref_squeeze %dma_wait3A_312 : memref<1x40x128xi32, #tpu.memory_space<hbm>> -> memref<40x128xi32, #tpu.memory_space<hbm>>
      %dma_wait3A_314 = arith.constant 0 : i32
      %dma_wait3A_315 = arith.constant 0 : i32
      %dma_wait3A_316 = tpu.memref_slice %arg3[%arg1, %dma_wait3A_314, %dma_wait3A_315] : memref<16x40x128xi32, #tpu.memory_space<hbm>> -> memref<1x40x128xi32, #tpu.memory_space<hbm>>
      %dma_wait3A_317 = tpu.memref_squeeze %dma_wait3A_316 : memref<1x40x128xi32, #tpu.memory_space<hbm>> -> memref<40x128xi32, #tpu.memory_space<hbm>>
      tpu.wait_dma2 semaphore(%run_scoped3A : memref<!tpu.dma_semaphore, #tpu.memory_space<semaphore_mem>>) src(%dma_wait3A_317 : memref<40x128xi32, #tpu.memory_space<hbm>>) dst(%arg9 : memref<40x128xi32, #tpu.memory_space<vmem>>)
      tpu.yield
    }) : () -> ()
    %scan3A = arith.constant 0 : i32
    %scan3A_0 = arith.constant 64 : i32
    %scan3A_1 = arith.addi %scan3A, %scan3A_0 : i32
    %scan3A_2 = arith.constant 1 : i32
    scf.for %scan3A_302 = %scan3A to %scan3A_1 step %scan3A_2  : i32 {
      %mul3A_303 = arith.constant 1 : i32
      %mul3A_304 = arith.muli %scan3A_302, %mul3A_303 : i32
      %add3A_305 = arith.constant 0 : i32
      %add3A_306 = arith.addi %add3A_305, %mul3A_304 : i32
      %broadcast_in_dim3A = arith.constant 0.000000e+00 : f32
      %broadcast_in_dim3A_307 = vector.broadcast %broadcast_in_dim3A : f32 to vector<16xf32>
      %swap3A = arith.index_cast %add3A_306 : i32 to index
      %swap3A_308 = arith.constant 0 : index
      %swap3A_309 = tpu.vector_load %arg10[%swap3A, %swap3A_308] {strides = array<i32>} : memref<64x128xf32, #tpu.memory_space<vmem>>, vector<16xf32>,
      tpu.vector_store %arg10[%swap3A, %swap3A_308], %broadcast_in_dim3A_307 {strides = array<i32>} : memref<64x128xf32, #tpu.memory_space<vmem>>, vector<16xf32>,
      %broadcast_in_dim3A_310 = arith.constant 0.000000e+00 : f32
      %broadcast_in_dim3A_311 = vector.broadcast %broadcast_in_dim3A_310 : f32 to vector<16xf32>
      %swap3A_312 = arith.index_cast %add3A_306 : i32 to index
      %swap3A_313 = arith.constant 16 : index
      %swap3A_314 = tpu.vector_load %arg10[%swap3A_312, %swap3A_313] {strides = array<i32>} : memref<64x128xf32, #tpu.memory_space<vmem>>, vector<16xf32>,
      tpu.vector_store %arg10[%swap3A_312, %swap3A_313], %broadcast_in_dim3A_311 {strides = array<i32>} : memref<64x128xf32, #tpu.memory_space<vmem>>, vector<16xf32>,
      %broadcast_in_dim3A_315 = arith.constant 0.000000e+00 : f32
      %broadcast_in_dim3A_316 = vector.broadcast %broadcast_in_dim3A_315 : f32 to vector<16xf32>
      %swap3A_317 = arith.index_cast %add3A_306 : i32 to index
      %swap3A_318 = arith.constant 32 : index
      %swap3A_319 = tpu.vector_load %arg10[%swap3A_317, %swap3A_318] {strides = array<i32>} : memref<64x128xf32, #tpu.memory_space<vmem>>, vector<16xf32>,
      tpu.vector_store %arg10[%swap3A_317, %swap3A_318], %broadcast_in_dim3A_316 {strides = array<i32>} : memref<64x128xf32, #tpu.memory_space<vmem>>, vector<16xf32>,
      %broadcast_in_dim3A_320 = arith.constant 0.000000e+00 : f32
      %broadcast_in_dim3A_321 = vector.broadcast %broadcast_in_dim3A_320 : f32 to vector<16xf32>
      %swap3A_322 = arith.index_cast %add3A_306 : i32 to index
      %swap3A_323 = arith.constant 48 : index
      %swap3A_324 = tpu.vector_load %arg10[%swap3A_322, %swap3A_323] {strides = array<i32>} : memref<64x128xf32, #tpu.memory_space<vmem>>, vector<16xf32>,
      tpu.vector_store %arg10[%swap3A_322, %swap3A_323], %broadcast_in_dim3A_321 {strides = array<i32>} : memref<64x128xf32, #tpu.memory_space<vmem>>, vector<16xf32>,
      %broadcast_in_dim3A_325 = arith.constant 0.000000e+00 : f32
      %broadcast_in_dim3A_326 = vector.broadcast %broadcast_in_dim3A_325 : f32 to vector<16xf32>
      %swap3A_327 = arith.index_cast %add3A_306 : i32 to index
      %swap3A_328 = arith.constant 64 : index
      %swap3A_329 = tpu.vector_load %arg10[%swap3A_327, %swap3A_328] {strides = array<i32>} : memref<64x128xf32, #tpu.memory_space<vmem>>, vector<16xf32>,
      tpu.vector_store %arg10[%swap3A_327, %swap3A_328], %broadcast_in_dim3A_326 {strides = array<i32>} : memref<64x128xf32, #tpu.memory_space<vmem>>, vector<16xf32>,
      %broadcast_in_dim3A_330 = arith.constant 0.000000e+00 : f32
      %broadcast_in_dim3A_331 = vector.broadcast %broadcast_in_dim3A_330 : f32 to vector<16xf32>
      %swap3A_332 = arith.index_cast %add3A_306 : i32 to index
      %swap3A_333 = arith.constant 80 : index
      %swap3A_334 = tpu.vector_load %arg10[%swap3A_332, %swap3A_333] {strides = array<i32>} : memref<64x128xf32, #tpu.memory_space<vmem>>, vector<16xf32>,
      tpu.vector_store %arg10[%swap3A_332, %swap3A_333], %broadcast_in_dim3A_331 {strides = array<i32>} : memref<64x128xf32, #tpu.memory_space<vmem>>, vector<16xf32>,
      %broadcast_in_dim3A_335 = arith.constant 0.000000e+00 : f32
      %broadcast_in_dim3A_336 = vector.broadcast %broadcast_in_dim3A_335 : f32 to vector<16xf32>
      %swap3A_337 = arith.index_cast %add3A_306 : i32 to index
      %swap3A_338 = arith.constant 96 : index
      %swap3A_339 = tpu.vector_load %arg10[%swap3A_337, %swap3A_338] {strides = array<i32>} : memref<64x128xf32, #tpu.memory_space<vmem>>, vector<16xf32>,
      tpu.vector_store %arg10[%swap3A_337, %swap3A_338], %broadcast_in_dim3A_336 {strides = array<i32>} : memref<64x128xf32, #tpu.memory_space<vmem>>, vector<16xf32>,
      %broadcast_in_dim3A_340 = arith.constant 0.000000e+00 : f32
      %broadcast_in_dim3A_341 = vector.broadcast %broadcast_in_dim3A_340 : f32 to vector<16xf32>
      %swap3A_342 = arith.index_cast %add3A_306 : i32 to index
      %swap3A_343 = arith.constant 112 : index
      %swap3A_344 = tpu.vector_load %arg10[%swap3A_342, %swap3A_343] {strides = array<i32>} : memref<64x128xf32, #tpu.memory_space<vmem>>, vector<16xf32>,
      tpu.vector_store %arg10[%swap3A_342, %swap3A_343], %broadcast_in_dim3A_341 {strides = array<i32>} : memref<64x128xf32, #tpu.memory_space<vmem>>, vector<16xf32>,
    }
    %scan3A_3 = arith.constant 64 : i32
    %mul3A = arith.constant 640 : i32
    %mul3A_4 = arith.muli %arg1, %mul3A : i32
    %mul3A_5 = arith.constant 5 : i32
    %mul3A_6 = arith.muli %arg0, %mul3A_5 : i32
    %dma_start3A = arith.constant 0 : i32
    %dma_start3A_7 = tpu.memref_slice %arg6[%mul3A_4, %dma_start3A] : memref<10240x128xf32, #tpu.memory_space<vmem_shared>> -> memref<640x128xf32, #tpu.memory_space<vmem_shared>>
    %dma_start3A_8 = arith.constant 0 : i32
    %dma_start3A_9 = tpu.memref_slice %arg4[%mul3A_6, %mul3A_4, %dma_start3A_8] : memref<10x10240x128xf32, #tpu.memory_space<hbm>> -> memref<1x640x128xf32, #tpu.memory_space<hbm>>
    %dma_start3A_10 = tpu.memref_squeeze %dma_start3A_9 : memref<1x640x128xf32, #tpu.memory_space<hbm>> -> memref<640x128xf32, #tpu.memory_space<hbm>>
    tpu.enqueue_dma source(%dma_start3A_10 : memref<640x128xf32, #tpu.memory_space<hbm>>) target(%dma_start3A_7 : memref<640x128xf32, #tpu.memory_space<vmem_shared>>) target_semaphore(%arg15 : memref<!tpu.dma_semaphore, #tpu.memory_space<semaphore_mem>>)
    %dma_wait3A = arith.constant 0 : i32
    %dma_wait3A_11 = tpu.memref_slice %arg6[%mul3A_4, %dma_wait3A] : memref<10240x128xf32, #tpu.memory_space<vmem_shared>> -> memref<640x128xf32, #tpu.memory_space<vmem_shared>>
    %dma_wait3A_12 = arith.constant 0 : i32
    %dma_wait3A_13 = tpu.memref_slice %arg4[%mul3A_6, %mul3A_4, %dma_wait3A_12] : memref<10x10240x128xf32, #tpu.memory_space<hbm>> -> memref<1x640x128xf32, #tpu.memory_space<hbm>>
    %dma_wait3A_14 = tpu.memref_squeeze %dma_wait3A_13 : memref<1x640x128xf32, #tpu.memory_space<hbm>> -> memref<640x128xf32, #tpu.memory_space<hbm>>
    tpu.wait_dma2 semaphore(%arg15 : memref<!tpu.dma_semaphore, #tpu.memory_space<semaphore_mem>>) src(%dma_wait3A_14 : memref<640x128xf32, #tpu.memory_space<hbm>>) dst(%dma_wait3A_11 : memref<640x128xf32, #tpu.memory_space<vmem_shared>>)
    %mul3A_15 = arith.constant 5 : i32
    %mul3A_16 = arith.muli %arg0, %mul3A_15 : i32
    %add3A = arith.constant 0 : i32
    %add3A_17 = arith.addi %mul3A_16, %add3A : i32
    %barrier3A = arith.constant 0 : index
    tpu.barrier barrier_id(%barrier3A)
    %mul3A_18 = arith.constant 5120 : i32
    %mul3A_19 = arith.muli %arg1, %mul3A_18 : i32
    %add3A_20 = arith.constant 0 : i32
    %add3A_21 = arith.addi %mul3A_19, %add3A_20 : i32
    %dma_start3A_22 = arith.constant 0 : i32
    %dma_start3A_23 = tpu.memref_slice %arg2[%add3A_17, %add3A_21, %dma_start3A_22] : memref<10x81920x128xf32, #tpu.memory_space<hbm>> -> memref<1x128x128xf32, #tpu.memory_space<hbm>>
    %dma_start3A_24 = tpu.memref_squeeze %dma_start3A_23 : memref<1x128x128xf32, #tpu.memory_space<hbm>> -> memref<128x128xf32, #tpu.memory_space<hbm>>
    %dma_start3A_25 = arith.constant 0 : i32
    %dma_start3A_26 = tpu.memref_slice %arg2[%add3A_17, %add3A_21, %dma_start3A_25] : memref<10x81920x128xf32, #tpu.memory_space<hbm>> -> memref<1x128x128xf32, #tpu.memory_space<hbm>>
    %dma_start3A_27 = tpu.memref_squeeze %dma_start3A_26 : memref<1x128x128xf32, #tpu.memory_space<hbm>> -> memref<128x128xf32, #tpu.memory_space<hbm>>
    tpu.enqueue_dma source(%dma_start3A_27 : memref<128x128xf32, #tpu.memory_space<hbm>>) target(%arg7 : memref<128x128xf32, #tpu.memory_space<vmem>>) target_semaphore(%arg11 : memref<!tpu.dma_semaphore, #tpu.memory_space<semaphore_mem>>)
    %mul3A_28 = arith.constant 5120 : i32
    %mul3A_29 = arith.muli %arg1, %mul3A_28 : i32
    %add3A_30 = arith.constant 128 : i32
    %add3A_31 = arith.addi %mul3A_29, %add3A_30 : i32
    %dma_start3A_32 = arith.constant 0 : i32
    %dma_start3A_33 = tpu.memref_slice %arg2[%add3A_17, %add3A_31, %dma_start3A_32] : memref<10x81920x128xf32, #tpu.memory_space<hbm>> -> memref<1x128x128xf32, #tpu.memory_space<hbm>>
    %dma_start3A_34 = tpu.memref_squeeze %dma_start3A_33 : memref<1x128x128xf32, #tpu.memory_space<hbm>> -> memref<128x128xf32, #tpu.memory_space<hbm>>
    %dma_start3A_35 = arith.constant 0 : i32
    %dma_start3A_36 = tpu.memref_slice %arg2[%add3A_17, %add3A_31, %dma_start3A_35] : memref<10x81920x128xf32, #tpu.memory_space<hbm>> -> memref<1x128x128xf32, #tpu.memory_space<hbm>>
    %dma_start3A_37 = tpu.memref_squeeze %dma_start3A_36 : memref<1x128x128xf32, #tpu.memory_space<hbm>> -> memref<128x128xf32, #tpu.memory_space<hbm>>
    tpu.enqueue_dma source(%dma_start3A_37 : memref<128x128xf32, #tpu.memory_space<hbm>>) target(%arg8 : memref<128x128xf32, #tpu.memory_space<vmem>>) target_semaphore(%arg12 : memref<!tpu.dma_semaphore, #tpu.memory_space<semaphore_mem>>)
    %scan3A_38 = arith.constant 0 : i32
    %scan3A_39 = arith.constant 20 : i32
    %scan3A_40 = arith.addi %scan3A_38, %scan3A_39 : i32
    %scan3A_41 = arith.constant 1 : i32
    scf.for %scan3A_302 = %scan3A_38 to %scan3A_40 step %scan3A_41  : i32 {
      %mul3A_303 = arith.constant 2 : i32
      %mul3A_304 = arith.muli %scan3A_302, %mul3A_303 : i32
      %add3A_305 = arith.constant 0 : i32
      %add3A_306 = arith.addi %add3A_305, %mul3A_304 : i32
      %add3A_307 = arith.constant 0 : i32
      %add3A_308 = arith.addi %add3A_306, %add3A_307 : i32
      %dma_wait3A_309 = arith.constant 0 : i32
      %dma_wait3A_310 = arith.constant 0 : i32
      %dma_wait3A_311 = arith.constant 0 : i32
      %dma_wait3A_312 = tpu.memref_slice %arg2[%dma_wait3A_309, %dma_wait3A_310, %dma_wait3A_311] : memref<10x81920x128xf32, #tpu.memory_space<hbm>> -> memref<1x128x128xf32, #tpu.memory_space<hbm>>
      %dma_wait3A_313 = tpu.memref_squeeze %dma_wait3A_312 : memref<1x128x128xf32, #tpu.memory_space<hbm>> -> memref<128x128xf32, #tpu.memory_space<hbm>>
      %dma_wait3A_314 = arith.constant 0 : i32
      %dma_wait3A_315 = arith.constant 0 : i32
      %dma_wait3A_316 = tpu.memref_slice %arg2[%dma_wait3A_309, %dma_wait3A_314, %dma_wait3A_315] : memref<10x81920x128xf32, #tpu.memory_space<hbm>> -> memref<1x128x128xf32, #tpu.memory_space<hbm>>
      %dma_wait3A_317 = tpu.memref_squeeze %dma_wait3A_316 : memref<1x128x128xf32, #tpu.memory_space<hbm>> -> memref<128x128xf32, #tpu.memory_space<hbm>>
      tpu.wait_dma2 semaphore(%arg11 : memref<!tpu.dma_semaphore, #tpu.memory_space<semaphore_mem>>) src(%dma_wait3A_317 : memref<128x128xf32, #tpu.memory_space<hbm>>) dst(%arg7 : memref<128x128xf32, #tpu.memory_space<vmem>>)
      %dma_start3A_318 = arith.constant 0 : i32
      %dma_start3A_319 = tpu.memref_slice %arg9[%add3A_308, %dma_start3A_318] : memref<40x128xi32, #tpu.memory_space<vmem>> -> memref<1x128xi32, #tpu.memory_space<vmem>>
      %dma_start3A_320 = tpu.memref_squeeze %dma_start3A_319 : memref<1x128xi32, #tpu.memory_space<vmem>> -> memref<128xi32, #tpu.memory_space<vmem>>
      %dma_start3A_321 = arith.constant 0 : i32
      %dma_start3A_322 = arith.constant 0 : i32
      %dma_start3A_323 = tpu.memref_slice %arg6[%dma_start3A_321, %dma_start3A_322] : memref<10240x128xf32, #tpu.memory_space<vmem_shared>> -> memref<10240x128xf32, #tpu.memory_space<vmem_shared>>
      tpu.enqueue_indirect_dma source(%arg7 : memref<128x128xf32, #tpu.memory_space<vmem>>) target(%dma_start3A_323 : memref<10240x128xf32, #tpu.memory_space<vmem_shared>>) offsets(%dma_start3A_320 : memref<128xi32, #tpu.memory_space<vmem>>) semaphore(%arg13 : memref<!tpu.dma_semaphore, #tpu.memory_space<semaphore_mem>>) {add = true}
      %add3A_324 = arith.constant 2 : i32
      %add3A_325 = arith.addi %add3A_308, %add3A_324 : i32
      %lt3A = arith.constant 40 : i32
      %lt3A_326 = arith.cmpi slt, %add3A_325, %lt3A : i32
      %convert_element_type3A = arith.extui %lt3A_326 : i1 to i32
      %cond3A = arith.constant 0 : i32
      %cond3A_327 = arith.cmpi ne, %convert_element_type3A, %cond3A : i32
      scf.if %cond3A_327 {
        %dma_wait3A_352 = arith.constant 0 : i32
        %dma_wait3A_353 = arith.constant 0 : i32
        %dma_wait3A_354 = tpu.memref_slice %arg9[%dma_wait3A_352, %dma_wait3A_353] : memref<40x128xi32, #tpu.memory_space<vmem>> -> memref<1x128xi32, #tpu.memory_space<vmem>>
        %dma_wait3A_355 = tpu.memref_squeeze %dma_wait3A_354 : memref<1x128xi32, #tpu.memory_space<vmem>> -> memref<128xi32, #tpu.memory_space<vmem>>
        %dma_wait3A_356 = arith.constant 0 : i32
        %dma_wait3A_357 = arith.constant 0 : i32
        %dma_wait3A_358 = tpu.memref_slice %arg6[%dma_wait3A_356, %dma_wait3A_357] : memref<10240x128xf32, #tpu.memory_space<vmem_shared>> -> memref<10240x128xf32, #tpu.memory_space<vmem_shared>>
        tpu.wait_indirect_dma semaphore(%arg13 : memref<!tpu.dma_semaphore, #tpu.memory_space<semaphore_mem>>) src(%arg7 : memref<128x128xf32, #tpu.memory_space<vmem>>) dst(%dma_wait3A_358 : memref<10240x128xf32, #tpu.memory_space<vmem_shared>>)
        %mul3A_359 = arith.constant 5120 : i32
        %mul3A_360 = arith.muli %arg1, %mul3A_359 : i32
        %mul3A_361 = arith.constant 128 : i32
        %mul3A_362 = arith.muli %add3A_325, %mul3A_361 : i32
        %add3A_363 = arith.addi %mul3A_360, %mul3A_362 : i32
        %dma_start3A_364 = arith.constant 0 : i32
        %dma_start3A_365 = tpu.memref_slice %arg2[%add3A_17, %add3A_363, %dma_start3A_364] : memref<10x81920x128xf32, #tpu.memory_space<hbm>> -> memref<1x128x128xf32, #tpu.memory_space<hbm>>
        %dma_start3A_366 = tpu.memref_squeeze %dma_start3A_365 : memref<1x128x128xf32, #tpu.memory_space<hbm>> -> memref<128x128xf32, #tpu.memory_space<hbm>>
        %dma_start3A_367 = arith.constant 0 : i32
        %dma_start3A_368 = tpu.memref_slice %arg2[%add3A_17, %add3A_363, %dma_start3A_367] : memref<10x81920x128xf32, #tpu.memory_space<hbm>> -> memref<1x128x128xf32, #tpu.memory_space<hbm>>
        %dma_start3A_369 = tpu.memref_squeeze %dma_start3A_368 : memref<1x128x128xf32, #tpu.memory_space<hbm>> -> memref<128x128xf32, #tpu.memory_space<hbm>>
        tpu.enqueue_dma source(%dma_start3A_369 : memref<128x128xf32, #tpu.memory_space<hbm>>) target(%arg7 : memref<128x128xf32, #tpu.memory_space<vmem>>) target_semaphore(%arg11 : memref<!tpu.dma_semaphore, #tpu.memory_space<semaphore_mem>>)
      } else {
      }
      %add3A_328 = arith.constant 1 : i32
      %add3A_329 = arith.addi %add3A_306, %add3A_328 : i32
      %dma_wait3A_330 = arith.constant 0 : i32
      %dma_wait3A_331 = arith.constant 0 : i32
      %dma_wait3A_332 = arith.constant 0 : i32
      %dma_wait3A_333 = tpu.memref_slice %arg2[%dma_wait3A_330, %dma_wait3A_331, %dma_wait3A_332] : memref<10x81920x128xf32, #tpu.memory_space<hbm>> -> memref<1x128x128xf32, #tpu.memory_space<hbm>>
      %dma_wait3A_334 = tpu.memref_squeeze %dma_wait3A_333 : memref<1x128x128xf32, #tpu.memory_space<hbm>> -> memref<128x128xf32, #tpu.memory_space<hbm>>
      %dma_wait3A_335 = arith.constant 0 : i32
      %dma_wait3A_336 = arith.constant 0 : i32
      %dma_wait3A_337 = tpu.memref_slice %arg2[%dma_wait3A_330, %dma_wait3A_335, %dma_wait3A_336] : memref<10x81920x128xf32, #tpu.memory_space<hbm>> -> memref<1x128x128xf32, #tpu.memory_space<hbm>>
      %dma_wait3A_338 = tpu.memref_squeeze %dma_wait3A_337 : memref<1x128x128xf32, #tpu.memory_space<hbm>> -> memref<128x128xf32, #tpu.memory_space<hbm>>
      tpu.wait_dma2 semaphore(%arg12 : memref<!tpu.dma_semaphore, #tpu.memory_space<semaphore_mem>>) src(%dma_wait3A_338 : memref<128x128xf32, #tpu.memory_space<hbm>>) dst(%arg8 : memref<128x128xf32, #tpu.memory_space<vmem>>)
      %dma_start3A_339 = arith.constant 0 : i32
      %dma_start3A_340 = tpu.memref_slice %arg9[%add3A_329, %dma_start3A_339] : memref<40x128xi32, #tpu.memory_space<vmem>> -> memref<1x128xi32, #tpu.memory_space<vmem>>
      %dma_start3A_341 = tpu.memref_squeeze %dma_start3A_340 : memref<1x128xi32, #tpu.memory_space<vmem>> -> memref<128xi32, #tpu.memory_space<vmem>>
      %dma_start3A_342 = arith.constant 0 : i32
      %dma_start3A_343 = arith.constant 0 : i32
      %dma_start3A_344 = tpu.memref_slice %arg6[%dma_start3A_342, %dma_start3A_343] : memref<10240x128xf32, #tpu.memory_space<vmem_shared>> -> memref<10240x128xf32, #tpu.memory_space<vmem_shared>>
      tpu.enqueue_indirect_dma source(%arg8 : memref<128x128xf32, #tpu.memory_space<vmem>>) target(%dma_start3A_344 : memref<10240x128xf32, #tpu.memory_space<vmem_shared>>) offsets(%dma_start3A_341 : memref<128xi32, #tpu.memory_space<vmem>>) semaphore(%arg14 : memref<!tpu.dma_semaphore, #tpu.memory_space<semaphore_mem>>) {add = true}
      %add3A_345 = arith.constant 2 : i32
      %add3A_346 = arith.addi %add3A_329, %add3A_345 : i32
      %lt3A_347 = arith.constant 40 : i32
      %lt3A_348 = arith.cmpi slt, %add3A_346, %lt3A_347 : i32
      %convert_element_type3A_349 = arith.extui %lt3A_348 : i1 to i32
      %cond3A_350 = arith.constant 0 : i32
      %cond3A_351 = arith.cmpi ne, %convert_element_type3A_349, %cond3A_350 : i32
      scf.if %cond3A_351 {
        %dma_wait3A_352 = arith.constant 0 : i32
        %dma_wait3A_353 = arith.constant 0 : i32
        %dma_wait3A_354 = tpu.memref_slice %arg9[%dma_wait3A_352, %dma_wait3A_353] : memref<40x128xi32, #tpu.memory_space<vmem>> -> memref<1x128xi32, #tpu.memory_space<vmem>>
        %dma_wait3A_355 = tpu.memref_squeeze %dma_wait3A_354 : memref<1x128xi32, #tpu.memory_space<vmem>> -> memref<128xi32, #tpu.memory_space<vmem>>
        %dma_wait3A_356 = arith.constant 0 : i32
        %dma_wait3A_357 = arith.constant 0 : i32
        %dma_wait3A_358 = tpu.memref_slice %arg6[%dma_wait3A_356, %dma_wait3A_357] : memref<10240x128xf32, #tpu.memory_space<vmem_shared>> -> memref<10240x128xf32, #tpu.memory_space<vmem_shared>>
        tpu.wait_indirect_dma semaphore(%arg14 : memref<!tpu.dma_semaphore, #tpu.memory_space<semaphore_mem>>) src(%arg8 : memref<128x128xf32, #tpu.memory_space<vmem>>) dst(%dma_wait3A_358 : memref<10240x128xf32, #tpu.memory_space<vmem_shared>>)
        %mul3A_359 = arith.constant 5120 : i32
        %mul3A_360 = arith.muli %arg1, %mul3A_359 : i32
        %mul3A_361 = arith.constant 128 : i32
        %mul3A_362 = arith.muli %add3A_346, %mul3A_361 : i32
        %add3A_363 = arith.addi %mul3A_360, %mul3A_362 : i32
        %dma_start3A_364 = arith.constant 0 : i32
        %dma_start3A_365 = tpu.memref_slice %arg2[%add3A_17, %add3A_363, %dma_start3A_364] : memref<10x81920x128xf32, #tpu.memory_space<hbm>> -> memref<1x128x128xf32, #tpu.memory_space<hbm>>
        %dma_start3A_366 = tpu.memref_squeeze %dma_start3A_365 : memref<1x128x128xf32, #tpu.memory_space<hbm>> -> memref<128x128xf32, #tpu.memory_space<hbm>>
        %dma_start3A_367 = arith.constant 0 : i32
        %dma_start3A_368 = tpu.memref_slice %arg2[%add3A_17, %add3A_363, %dma_start3A_367] : memref<10x81920x128xf32, #tpu.memory_space<hbm>> -> memref<1x128x128xf32, #tpu.memory_space<hbm>>
        %dma_start3A_369 = tpu.memref_squeeze %dma_start3A_368 : memref<1x128x128xf32, #tpu.memory_space<hbm>> -> memref<128x128xf32, #tpu.memory_space<hbm>>
        tpu.enqueue_dma source(%dma_start3A_369 : memref<128x128xf32, #tpu.memory_space<hbm>>) target(%arg8 : memref<128x128xf32, #tpu.memory_space<vmem>>) target_semaphore(%arg12 : memref<!tpu.dma_semaphore, #tpu.memory_space<semaphore_mem>>)
      } else {
      }
    }
    %scan3A_42 = arith.constant 20 : i32
    %dma_wait3A_43 = arith.constant 0 : i32
    %dma_wait3A_44 = arith.constant 0 : i32
    %dma_wait3A_45 = tpu.memref_slice %arg9[%dma_wait3A_43, %dma_wait3A_44] : memref<40x128xi32, #tpu.memory_space<vmem>> -> memref<1x128xi32, #tpu.memory_space<vmem>>
    %dma_wait3A_46 = tpu.memref_squeeze %dma_wait3A_45 : memref<1x128xi32, #tpu.memory_space<vmem>> -> memref<128xi32, #tpu.memory_space<vmem>>
    %dma_wait3A_47 = arith.constant 0 : i32
    %dma_wait3A_48 = arith.constant 0 : i32
    %dma_wait3A_49 = tpu.memref_slice %arg6[%dma_wait3A_47, %dma_wait3A_48] : memref<10240x128xf32, #tpu.memory_space<vmem_shared>> -> memref<10240x128xf32, #tpu.memory_space<vmem_shared>>
    tpu.wait_indirect_dma semaphore(%arg13 : memref<!tpu.dma_semaphore, #tpu.memory_space<semaphore_mem>>) src(%arg7 : memref<128x128xf32, #tpu.memory_space<vmem>>) dst(%dma_wait3A_49 : memref<10240x128xf32, #tpu.memory_space<vmem_shared>>)
    %dma_wait3A_50 = arith.constant 0 : i32
    %dma_wait3A_51 = arith.constant 0 : i32
    %dma_wait3A_52 = tpu.memref_slice %arg9[%dma_wait3A_50, %dma_wait3A_51] : memref<40x128xi32, #tpu.memory_space<vmem>> -> memref<1x128xi32, #tpu.memory_space<vmem>>
    %dma_wait3A_53 = tpu.memref_squeeze %dma_wait3A_52 : memref<1x128xi32, #tpu.memory_space<vmem>> -> memref<128xi32, #tpu.memory_space<vmem>>
    %dma_wait3A_54 = arith.constant 0 : i32
    %dma_wait3A_55 = arith.constant 0 : i32
    %dma_wait3A_56 = tpu.memref_slice %arg6[%dma_wait3A_54, %dma_wait3A_55] : memref<10240x128xf32, #tpu.memory_space<vmem_shared>> -> memref<10240x128xf32, #tpu.memory_space<vmem_shared>>
    tpu.wait_indirect_dma semaphore(%arg14 : memref<!tpu.dma_semaphore, #tpu.memory_space<semaphore_mem>>) src(%arg8 : memref<128x128xf32, #tpu.memory_space<vmem>>) dst(%dma_wait3A_56 : memref<10240x128xf32, #tpu.memory_space<vmem_shared>>)
    %barrier3A_57 = arith.constant 0 : index
    tpu.barrier barrier_id(%barrier3A_57)
    "tpu.region"() ({
      %run_scoped3A = tpu.sem_alloc : memref<!tpu.dma_semaphore, #tpu.memory_space<semaphore_mem>>
      %dma_start3A_302 = arith.constant 0 : i32
      %dma_start3A_303 = tpu.memref_slice %arg5[%add3A_17, %mul3A_4, %dma_start3A_302] : memref<10x10240x128xf32, #tpu.memory_space<hbm>> -> memref<1x640x128xf32, #tpu.memory_space<hbm>>
      %dma_start3A_304 = tpu.memref_squeeze %dma_start3A_303 : memref<1x640x128xf32, #tpu.memory_space<hbm>> -> memref<640x128xf32, #tpu.memory_space<hbm>>
      %dma_start3A_305 = arith.constant 0 : i32
      %dma_start3A_306 = tpu.memref_slice %arg6[%mul3A_4, %dma_start3A_305] : memref<10240x128xf32, #tpu.memory_space<vmem_shared>> -> memref<640x128xf32, #tpu.memory_space<vmem_shared>>
      tpu.enqueue_dma source(%dma_start3A_306 : memref<640x128xf32, #tpu.memory_space<vmem_shared>>) target(%dma_start3A_304 : memref<640x128xf32, #tpu.memory_space<hbm>>) target_semaphore(%run_scoped3A : memref<!tpu.dma_semaphore, #tpu.memory_space<semaphore_mem>>)
      %dma_wait3A_307 = arith.constant 0 : i32
      %dma_wait3A_308 = tpu.memref_slice %arg5[%add3A_17, %mul3A_4, %dma_wait3A_307] : memref<10x10240x128xf32, #tpu.memory_space<hbm>> -> memref<1x640x128xf32, #tpu.memory_space<hbm>>
      %dma_wait3A_309 = tpu.memref_squeeze %dma_wait3A_308 : memref<1x640x128xf32, #tpu.memory_space<hbm>> -> memref<640x128xf32, #tpu.memory_space<hbm>>
      %dma_wait3A_310 = arith.constant 0 : i32
      %dma_wait3A_311 = tpu.memref_slice %arg6[%mul3A_4, %dma_wait3A_310] : memref<10240x128xf32, #tpu.memory_space<vmem_shared>> -> memref<640x128xf32, #tpu.memory_space<vmem_shared>>
      tpu.wait_dma2 semaphore(%run_scoped3A : memref<!tpu.dma_semaphore, #tpu.memory_space<semaphore_mem>>) src(%dma_wait3A_311 : memref<640x128xf32, #tpu.memory_space<vmem_shared>>) dst(%dma_wait3A_309 : memref<640x128xf32, #tpu.memory_space<hbm>>)
      tpu.yield
    }) : () -> ()
    %mul3A_58 = arith.constant 5 : i32
    %mul3A_59 = arith.muli %arg0, %mul3A_58 : i32
    %add3A_60 = arith.constant 0 : i32
    %add3A_61 = arith.addi %mul3A_59, %add3A_60 : i32
    %add3A_62 = arith.constant 1 : i32
    %add3A_63 = arith.addi %add3A_61, %add3A_62 : i32
    %dma_start3A_64 = arith.constant 0 : i32
    %dma_start3A_65 = tpu.memref_slice %arg6[%mul3A_4, %dma_start3A_64] : memref<10240x128xf32, #tpu.memory_space<vmem_shared>> -> memref<640x128xf32, #tpu.memory_space<vmem_shared>>
    %dma_start3A_66 = arith.constant 0 : i32
    %dma_start3A_67 = tpu.memref_slice %arg4[%add3A_63, %mul3A_4, %dma_start3A_66] : memref<10x10240x128xf32, #tpu.memory_space<hbm>> -> memref<1x640x128xf32, #tpu.memory_space<hbm>>
    %dma_start3A_68 = tpu.memref_squeeze %dma_start3A_67 : memref<1x640x128xf32, #tpu.memory_space<hbm>> -> memref<640x128xf32, #tpu.memory_space<hbm>>
    tpu.enqueue_dma source(%dma_start3A_68 : memref<640x128xf32, #tpu.memory_space<hbm>>) target(%dma_start3A_65 : memref<640x128xf32, #tpu.memory_space<vmem_shared>>) target_semaphore(%arg15 : memref<!tpu.dma_semaphore, #tpu.memory_space<semaphore_mem>>)
    %dma_wait3A_69 = arith.constant 0 : i32
    %dma_wait3A_70 = tpu.memref_slice %arg6[%mul3A_4, %dma_wait3A_69] : memref<10240x128xf32, #tpu.memory_space<vmem_shared>> -> memref<640x128xf32, #tpu.memory_space<vmem_shared>>
    %dma_wait3A_71 = arith.constant 0 : i32
    %dma_wait3A_72 = tpu.memref_slice %arg4[%add3A_63, %mul3A_4, %dma_wait3A_71] : memref<10x10240x128xf32, #tpu.memory_space<hbm>> -> memref<1x640x128xf32, #tpu.memory_space<hbm>>
    %dma_wait3A_73 = tpu.memref_squeeze %dma_wait3A_72 : memref<1x640x128xf32, #tpu.memory_space<hbm>> -> memref<640x128xf32, #tpu.memory_space<hbm>>
    tpu.wait_dma2 semaphore(%arg15 : memref<!tpu.dma_semaphore, #tpu.memory_space<semaphore_mem>>) src(%dma_wait3A_73 : memref<640x128xf32, #tpu.memory_space<hbm>>) dst(%dma_wait3A_70 : memref<640x128xf32, #tpu.memory_space<vmem_shared>>)
    %mul3A_74 = arith.constant 5 : i32
    %mul3A_75 = arith.muli %arg0, %mul3A_74 : i32
    %add3A_76 = arith.constant 1 : i32
    %add3A_77 = arith.addi %mul3A_75, %add3A_76 : i32
    %barrier3A_78 = arith.constant 0 : index
    tpu.barrier barrier_id(%barrier3A_78)
    %mul3A_79 = arith.constant 5120 : i32
    %mul3A_80 = arith.muli %arg1, %mul3A_79 : i32
    %add3A_81 = arith.constant 0 : i32
    %add3A_82 = arith.addi %mul3A_80, %add3A_81 : i32
    %dma_start3A_83 = arith.constant 0 : i32
    %dma_start3A_84 = tpu.memref_slice %arg2[%add3A_77, %add3A_82, %dma_start3A_83] : memref<10x81920x128xf32, #tpu.memory_space<hbm>> -> memref<1x128x128xf32, #tpu.memory_space<hbm>>
    %dma_start3A_85 = tpu.memref_squeeze %dma_start3A_84 : memref<1x128x128xf32, #tpu.memory_space<hbm>> -> memref<128x128xf32, #tpu.memory_space<hbm>>
    %dma_start3A_86 = arith.constant 0 : i32
    %dma_start3A_87 = tpu.memref_slice %arg2[%add3A_77, %add3A_82, %dma_start3A_86] : memref<10x81920x128xf32, #tpu.memory_space<hbm>> -> memref<1x128x128xf32, #tpu.memory_space<hbm>>
    %dma_start3A_88 = tpu.memref_squeeze %dma_start3A_87 : memref<1x128x128xf32, #tpu.memory_space<hbm>> -> memref<128x128xf32, #tpu.memory_space<hbm>>
    tpu.enqueue_dma source(%dma_start3A_88 : memref<128x128xf32, #tpu.memory_space<hbm>>) target(%arg7 : memref<128x128xf32, #tpu.memory_space<vmem>>) target_semaphore(%arg11 : memref<!tpu.dma_semaphore, #tpu.memory_space<semaphore_mem>>)
    %mul3A_89 = arith.constant 5120 : i32
    %mul3A_90 = arith.muli %arg1, %mul3A_89 : i32
    %add3A_91 = arith.constant 128 : i32
    %add3A_92 = arith.addi %mul3A_90, %add3A_91 : i32
    %dma_start3A_93 = arith.constant 0 : i32
    %dma_start3A_94 = tpu.memref_slice %arg2[%add3A_77, %add3A_92, %dma_start3A_93] : memref<10x81920x128xf32, #tpu.memory_space<hbm>> -> memref<1x128x128xf32, #tpu.memory_space<hbm>>
    %dma_start3A_95 = tpu.memref_squeeze %dma_start3A_94 : memref<1x128x128xf32, #tpu.memory_space<hbm>> -> memref<128x128xf32, #tpu.memory_space<hbm>>
    %dma_start3A_96 = arith.constant 0 : i32
    %dma_start3A_97 = tpu.memref_slice %arg2[%add3A_77, %add3A_92, %dma_start3A_96] : memref<10x81920x128xf32, #tpu.memory_space<hbm>> -> memref<1x128x128xf32, #tpu.memory_space<hbm>>
    %dma_start3A_98 = tpu.memref_squeeze %dma_start3A_97 : memref<1x128x128xf32, #tpu.memory_space<hbm>> -> memref<128x128xf32, #tpu.memory_space<hbm>>
    tpu.enqueue_dma source(%dma_start3A_98 : memref<128x128xf32, #tpu.memory_space<hbm>>) target(%arg8 : memref<128x128xf32, #tpu.memory_space<vmem>>) target_semaphore(%arg12 : memref<!tpu.dma_semaphore, #tpu.memory_space<semaphore_mem>>)
    %scan3A_99 = arith.constant 0 : i32
    %scan3A_100 = arith.constant 20 : i32
    %scan3A_101 = arith.addi %scan3A_99, %scan3A_100 : i32
    %scan3A_102 = arith.constant 1 : i32
    scf.for %scan3A_302 = %scan3A_99 to %scan3A_101 step %scan3A_102  : i32 {
      %mul3A_303 = arith.constant 2 : i32
      %mul3A_304 = arith.muli %scan3A_302, %mul3A_303 : i32
      %add3A_305 = arith.constant 0 : i32
      %add3A_306 = arith.addi %add3A_305, %mul3A_304 : i32
      %add3A_307 = arith.constant 0 : i32
      %add3A_308 = arith.addi %add3A_306, %add3A_307 : i32
      %dma_wait3A_309 = arith.constant 0 : i32
      %dma_wait3A_310 = arith.constant 0 : i32
      %dma_wait3A_311 = arith.constant 0 : i32
      %dma_wait3A_312 = tpu.memref_slice %arg2[%dma_wait3A_309, %dma_wait3A_310, %dma_wait3A_311] : memref<10x81920x128xf32, #tpu.memory_space<hbm>> -> memref<1x128x128xf32, #tpu.memory_space<hbm>>
      %dma_wait3A_313 = tpu.memref_squeeze %dma_wait3A_312 : memref<1x128x128xf32, #tpu.memory_space<hbm>> -> memref<128x128xf32, #tpu.memory_space<hbm>>
      %dma_wait3A_314 = arith.constant 0 : i32
      %dma_wait3A_315 = arith.constant 0 : i32
      %dma_wait3A_316 = tpu.memref_slice %arg2[%dma_wait3A_309, %dma_wait3A_314, %dma_wait3A_315] : memref<10x81920x128xf32, #tpu.memory_space<hbm>> -> memref<1x128x128xf32, #tpu.memory_space<hbm>>
      %dma_wait3A_317 = tpu.memref_squeeze %dma_wait3A_316 : memref<1x128x128xf32, #tpu.memory_space<hbm>> -> memref<128x128xf32, #tpu.memory_space<hbm>>
      tpu.wait_dma2 semaphore(%arg11 : memref<!tpu.dma_semaphore, #tpu.memory_space<semaphore_mem>>) src(%dma_wait3A_317 : memref<128x128xf32, #tpu.memory_space<hbm>>) dst(%arg7 : memref<128x128xf32, #tpu.memory_space<vmem>>)
      %dma_start3A_318 = arith.constant 0 : i32
      %dma_start3A_319 = tpu.memref_slice %arg9[%add3A_308, %dma_start3A_318] : memref<40x128xi32, #tpu.memory_space<vmem>> -> memref<1x128xi32, #tpu.memory_space<vmem>>
      %dma_start3A_320 = tpu.memref_squeeze %dma_start3A_319 : memref<1x128xi32, #tpu.memory_space<vmem>> -> memref<128xi32, #tpu.memory_space<vmem>>
      %dma_start3A_321 = arith.constant 0 : i32
      %dma_start3A_322 = arith.constant 0 : i32
      %dma_start3A_323 = tpu.memref_slice %arg6[%dma_start3A_321, %dma_start3A_322] : memref<10240x128xf32, #tpu.memory_space<vmem_shared>> -> memref<10240x128xf32, #tpu.memory_space<vmem_shared>>
      tpu.enqueue_indirect_dma source(%arg7 : memref<128x128xf32, #tpu.memory_space<vmem>>) target(%dma_start3A_323 : memref<10240x128xf32, #tpu.memory_space<vmem_shared>>) offsets(%dma_start3A_320 : memref<128xi32, #tpu.memory_space<vmem>>) semaphore(%arg13 : memref<!tpu.dma_semaphore, #tpu.memory_space<semaphore_mem>>) {add = true}
      %add3A_324 = arith.constant 2 : i32
      %add3A_325 = arith.addi %add3A_308, %add3A_324 : i32
      %lt3A = arith.constant 40 : i32
      %lt3A_326 = arith.cmpi slt, %add3A_325, %lt3A : i32
      %convert_element_type3A = arith.extui %lt3A_326 : i1 to i32
      %cond3A = arith.constant 0 : i32
      %cond3A_327 = arith.cmpi ne, %convert_element_type3A, %cond3A : i32
      scf.if %cond3A_327 {
        %dma_wait3A_352 = arith.constant 0 : i32
        %dma_wait3A_353 = arith.constant 0 : i32
        %dma_wait3A_354 = tpu.memref_slice %arg9[%dma_wait3A_352, %dma_wait3A_353] : memref<40x128xi32, #tpu.memory_space<vmem>> -> memref<1x128xi32, #tpu.memory_space<vmem>>
        %dma_wait3A_355 = tpu.memref_squeeze %dma_wait3A_354 : memref<1x128xi32, #tpu.memory_space<vmem>> -> memref<128xi32, #tpu.memory_space<vmem>>
        %dma_wait3A_356 = arith.constant 0 : i32
        %dma_wait3A_357 = arith.constant 0 : i32
        %dma_wait3A_358 = tpu.memref_slice %arg6[%dma_wait3A_356, %dma_wait3A_357] : memref<10240x128xf32, #tpu.memory_space<vmem_shared>> -> memref<10240x128xf32, #tpu.memory_space<vmem_shared>>
        tpu.wait_indirect_dma semaphore(%arg13 : memref<!tpu.dma_semaphore, #tpu.memory_space<semaphore_mem>>) src(%arg7 : memref<128x128xf32, #tpu.memory_space<vmem>>) dst(%dma_wait3A_358 : memref<10240x128xf32, #tpu.memory_space<vmem_shared>>)
        %mul3A_359 = arith.constant 5120 : i32
        %mul3A_360 = arith.muli %arg1, %mul3A_359 : i32
        %mul3A_361 = arith.constant 128 : i32
        %mul3A_362 = arith.muli %add3A_325, %mul3A_361 : i32
        %add3A_363 = arith.addi %mul3A_360, %mul3A_362 : i32
        %dma_start3A_364 = arith.constant 0 : i32
        %dma_start3A_365 = tpu.memref_slice %arg2[%add3A_77, %add3A_363, %dma_start3A_364] : memref<10x81920x128xf32, #tpu.memory_space<hbm>> -> memref<1x128x128xf32, #tpu.memory_space<hbm>>
        %dma_start3A_366 = tpu.memref_squeeze %dma_start3A_365 : memref<1x128x128xf32, #tpu.memory_space<hbm>> -> memref<128x128xf32, #tpu.memory_space<hbm>>
        %dma_start3A_367 = arith.constant 0 : i32
        %dma_start3A_368 = tpu.memref_slice %arg2[%add3A_77, %add3A_363, %dma_start3A_367] : memref<10x81920x128xf32, #tpu.memory_space<hbm>> -> memref<1x128x128xf32, #tpu.memory_space<hbm>>
        %dma_start3A_369 = tpu.memref_squeeze %dma_start3A_368 : memref<1x128x128xf32, #tpu.memory_space<hbm>> -> memref<128x128xf32, #tpu.memory_space<hbm>>
        tpu.enqueue_dma source(%dma_start3A_369 : memref<128x128xf32, #tpu.memory_space<hbm>>) target(%arg7 : memref<128x128xf32, #tpu.memory_space<vmem>>) target_semaphore(%arg11 : memref<!tpu.dma_semaphore, #tpu.memory_space<semaphore_mem>>)
      } else {
      }
      %add3A_328 = arith.constant 1 : i32
      %add3A_329 = arith.addi %add3A_306, %add3A_328 : i32
      %dma_wait3A_330 = arith.constant 0 : i32
      %dma_wait3A_331 = arith.constant 0 : i32
      %dma_wait3A_332 = arith.constant 0 : i32
      %dma_wait3A_333 = tpu.memref_slice %arg2[%dma_wait3A_330, %dma_wait3A_331, %dma_wait3A_332] : memref<10x81920x128xf32, #tpu.memory_space<hbm>> -> memref<1x128x128xf32, #tpu.memory_space<hbm>>
      %dma_wait3A_334 = tpu.memref_squeeze %dma_wait3A_333 : memref<1x128x128xf32, #tpu.memory_space<hbm>> -> memref<128x128xf32, #tpu.memory_space<hbm>>
      %dma_wait3A_335 = arith.constant 0 : i32
      %dma_wait3A_336 = arith.constant 0 : i32
      %dma_wait3A_337 = tpu.memref_slice %arg2[%dma_wait3A_330, %dma_wait3A_335, %dma_wait3A_336] : memref<10x81920x128xf32, #tpu.memory_space<hbm>> -> memref<1x128x128xf32, #tpu.memory_space<hbm>>
      %dma_wait3A_338 = tpu.memref_squeeze %dma_wait3A_337 : memref<1x128x128xf32, #tpu.memory_space<hbm>> -> memref<128x128xf32, #tpu.memory_space<hbm>>
      tpu.wait_dma2 semaphore(%arg12 : memref<!tpu.dma_semaphore, #tpu.memory_space<semaphore_mem>>) src(%dma_wait3A_338 : memref<128x128xf32, #tpu.memory_space<hbm>>) dst(%arg8 : memref<128x128xf32, #tpu.memory_space<vmem>>)
      %dma_start3A_339 = arith.constant 0 : i32
      %dma_start3A_340 = tpu.memref_slice %arg9[%add3A_329, %dma_start3A_339] : memref<40x128xi32, #tpu.memory_space<vmem>> -> memref<1x128xi32, #tpu.memory_space<vmem>>
      %dma_start3A_341 = tpu.memref_squeeze %dma_start3A_340 : memref<1x128xi32, #tpu.memory_space<vmem>> -> memref<128xi32, #tpu.memory_space<vmem>>
      %dma_start3A_342 = arith.constant 0 : i32
      %dma_start3A_343 = arith.constant 0 : i32
      %dma_start3A_344 = tpu.memref_slice %arg6[%dma_start3A_342, %dma_start3A_343] : memref<10240x128xf32, #tpu.memory_space<vmem_shared>> -> memref<10240x128xf32, #tpu.memory_space<vmem_shared>>
      tpu.enqueue_indirect_dma source(%arg8 : memref<128x128xf32, #tpu.memory_space<vmem>>) target(%dma_start3A_344 : memref<10240x128xf32, #tpu.memory_space<vmem_shared>>) offsets(%dma_start3A_341 : memref<128xi32, #tpu.memory_space<vmem>>) semaphore(%arg14 : memref<!tpu.dma_semaphore, #tpu.memory_space<semaphore_mem>>) {add = true}
      %add3A_345 = arith.constant 2 : i32
      %add3A_346 = arith.addi %add3A_329, %add3A_345 : i32
      %lt3A_347 = arith.constant 40 : i32
      %lt3A_348 = arith.cmpi slt, %add3A_346, %lt3A_347 : i32
      %convert_element_type3A_349 = arith.extui %lt3A_348 : i1 to i32
      %cond3A_350 = arith.constant 0 : i32
      %cond3A_351 = arith.cmpi ne, %convert_element_type3A_349, %cond3A_350 : i32
      scf.if %cond3A_351 {
        %dma_wait3A_352 = arith.constant 0 : i32
        %dma_wait3A_353 = arith.constant 0 : i32
        %dma_wait3A_354 = tpu.memref_slice %arg9[%dma_wait3A_352, %dma_wait3A_353] : memref<40x128xi32, #tpu.memory_space<vmem>> -> memref<1x128xi32, #tpu.memory_space<vmem>>
        %dma_wait3A_355 = tpu.memref_squeeze %dma_wait3A_354 : memref<1x128xi32, #tpu.memory_space<vmem>> -> memref<128xi32, #tpu.memory_space<vmem>>
        %dma_wait3A_356 = arith.constant 0 : i32
        %dma_wait3A_357 = arith.constant 0 : i32
        %dma_wait3A_358 = tpu.memref_slice %arg6[%dma_wait3A_356, %dma_wait3A_357] : memref<10240x128xf32, #tpu.memory_space<vmem_shared>> -> memref<10240x128xf32, #tpu.memory_space<vmem_shared>>
        tpu.wait_indirect_dma semaphore(%arg14 : memref<!tpu.dma_semaphore, #tpu.memory_space<semaphore_mem>>) src(%arg8 : memref<128x128xf32, #tpu.memory_space<vmem>>) dst(%dma_wait3A_358 : memref<10240x128xf32, #tpu.memory_space<vmem_shared>>)
        %mul3A_359 = arith.constant 5120 : i32
        %mul3A_360 = arith.muli %arg1, %mul3A_359 : i32
        %mul3A_361 = arith.constant 128 : i32
        %mul3A_362 = arith.muli %add3A_346, %mul3A_361 : i32
        %add3A_363 = arith.addi %mul3A_360, %mul3A_362 : i32
        %dma_start3A_364 = arith.constant 0 : i32
        %dma_start3A_365 = tpu.memref_slice %arg2[%add3A_77, %add3A_363, %dma_start3A_364] : memref<10x81920x128xf32, #tpu.memory_space<hbm>> -> memref<1x128x128xf32, #tpu.memory_space<hbm>>
        %dma_start3A_366 = tpu.memref_squeeze %dma_start3A_365 : memref<1x128x128xf32, #tpu.memory_space<hbm>> -> memref<128x128xf32, #tpu.memory_space<hbm>>
        %dma_start3A_367 = arith.constant 0 : i32
        %dma_start3A_368 = tpu.memref_slice %arg2[%add3A_77, %add3A_363, %dma_start3A_367] : memref<10x81920x128xf32, #tpu.memory_space<hbm>> -> memref<1x128x128xf32, #tpu.memory_space<hbm>>
        %dma_start3A_369 = tpu.memref_squeeze %dma_start3A_368 : memref<1x128x128xf32, #tpu.memory_space<hbm>> -> memref<128x128xf32, #tpu.memory_space<hbm>>
        tpu.enqueue_dma source(%dma_start3A_369 : memref<128x128xf32, #tpu.memory_space<hbm>>) target(%arg8 : memref<128x128xf32, #tpu.memory_space<vmem>>) target_semaphore(%arg12 : memref<!tpu.dma_semaphore, #tpu.memory_space<semaphore_mem>>)
      } else {
      }
    }
    %scan3A_103 = arith.constant 20 : i32
    %dma_wait3A_104 = arith.constant 0 : i32
    %dma_wait3A_105 = arith.constant 0 : i32
    %dma_wait3A_106 = tpu.memref_slice %arg9[%dma_wait3A_104, %dma_wait3A_105] : memref<40x128xi32, #tpu.memory_space<vmem>> -> memref<1x128xi32, #tpu.memory_space<vmem>>
    %dma_wait3A_107 = tpu.memref_squeeze %dma_wait3A_106 : memref<1x128xi32, #tpu.memory_space<vmem>> -> memref<128xi32, #tpu.memory_space<vmem>>
    %dma_wait3A_108 = arith.constant 0 : i32
    %dma_wait3A_109 = arith.constant 0 : i32
    %dma_wait3A_110 = tpu.memref_slice %arg6[%dma_wait3A_108, %dma_wait3A_109] : memref<10240x128xf32, #tpu.memory_space<vmem_shared>> -> memref<10240x128xf32, #tpu.memory_space<vmem_shared>>
    tpu.wait_indirect_dma semaphore(%arg13 : memref<!tpu.dma_semaphore, #tpu.memory_space<semaphore_mem>>) src(%arg7 : memref<128x128xf32, #tpu.memory_space<vmem>>) dst(%dma_wait3A_110 : memref<10240x128xf32, #tpu.memory_space<vmem_shared>>)
    %dma_wait3A_111 = arith.constant 0 : i32
    %dma_wait3A_112 = arith.constant 0 : i32
    %dma_wait3A_113 = tpu.memref_slice %arg9[%dma_wait3A_111, %dma_wait3A_112] : memref<40x128xi32, #tpu.memory_space<vmem>> -> memref<1x128xi32, #tpu.memory_space<vmem>>
    %dma_wait3A_114 = tpu.memref_squeeze %dma_wait3A_113 : memref<1x128xi32, #tpu.memory_space<vmem>> -> memref<128xi32, #tpu.memory_space<vmem>>
    %dma_wait3A_115 = arith.constant 0 : i32
    %dma_wait3A_116 = arith.constant 0 : i32
    %dma_wait3A_117 = tpu.memref_slice %arg6[%dma_wait3A_115, %dma_wait3A_116] : memref<10240x128xf32, #tpu.memory_space<vmem_shared>> -> memref<10240x128xf32, #tpu.memory_space<vmem_shared>>
    tpu.wait_indirect_dma semaphore(%arg14 : memref<!tpu.dma_semaphore, #tpu.memory_space<semaphore_mem>>) src(%arg8 : memref<128x128xf32, #tpu.memory_space<vmem>>) dst(%dma_wait3A_117 : memref<10240x128xf32, #tpu.memory_space<vmem_shared>>)
    %barrier3A_118 = arith.constant 0 : index
    tpu.barrier barrier_id(%barrier3A_118)
    "tpu.region"() ({
      %run_scoped3A = tpu.sem_alloc : memref<!tpu.dma_semaphore, #tpu.memory_space<semaphore_mem>>
      %dma_start3A_302 = arith.constant 0 : i32
      %dma_start3A_303 = tpu.memref_slice %arg5[%add3A_77, %mul3A_4, %dma_start3A_302] : memref<10x10240x128xf32, #tpu.memory_space<hbm>> -> memref<1x640x128xf32, #tpu.memory_space<hbm>>
      %dma_start3A_304 = tpu.memref_squeeze %dma_start3A_303 : memref<1x640x128xf32, #tpu.memory_space<hbm>> -> memref<640x128xf32, #tpu.memory_space<hbm>>
      %dma_start3A_305 = arith.constant 0 : i32
      %dma_start3A_306 = tpu.memref_slice %arg6[%mul3A_4, %dma_start3A_305] : memref<10240x128xf32, #tpu.memory_space<vmem_shared>> -> memref<640x128xf32, #tpu.memory_space<vmem_shared>>
      tpu.enqueue_dma source(%dma_start3A_306 : memref<640x128xf32, #tpu.memory_space<vmem_shared>>) target(%dma_start3A_304 : memref<640x128xf32, #tpu.memory_space<hbm>>) target_semaphore(%run_scoped3A : memref<!tpu.dma_semaphore, #tpu.memory_space<semaphore_mem>>)
      %dma_wait3A_307 = arith.constant 0 : i32
      %dma_wait3A_308 = tpu.memref_slice %arg5[%add3A_77, %mul3A_4, %dma_wait3A_307] : memref<10x10240x128xf32, #tpu.memory_space<hbm>> -> memref<1x640x128xf32, #tpu.memory_space<hbm>>
      %dma_wait3A_309 = tpu.memref_squeeze %dma_wait3A_308 : memref<1x640x128xf32, #tpu.memory_space<hbm>> -> memref<640x128xf32, #tpu.memory_space<hbm>>
      %dma_wait3A_310 = arith.constant 0 : i32
      %dma_wait3A_311 = tpu.memref_slice %arg6[%mul3A_4, %dma_wait3A_310] : memref<10240x128xf32, #tpu.memory_space<vmem_shared>> -> memref<640x128xf32, #tpu.memory_space<vmem_shared>>
      tpu.wait_dma2 semaphore(%run_scoped3A : memref<!tpu.dma_semaphore, #tpu.memory_space<semaphore_mem>>) src(%dma_wait3A_311 : memref<640x128xf32, #tpu.memory_space<vmem_shared>>) dst(%dma_wait3A_309 : memref<640x128xf32, #tpu.memory_space<hbm>>)
      tpu.yield
    }) : () -> ()
    %mul3A_119 = arith.constant 5 : i32
    %mul3A_120 = arith.muli %arg0, %mul3A_119 : i32
    %add3A_121 = arith.constant 1 : i32
    %add3A_122 = arith.addi %mul3A_120, %add3A_121 : i32
    %add3A_123 = arith.constant 1 : i32
    %add3A_124 = arith.addi %add3A_122, %add3A_123 : i32
    %dma_start3A_125 = arith.constant 0 : i32
    %dma_start3A_126 = tpu.memref_slice %arg6[%mul3A_4, %dma_start3A_125] : memref<10240x128xf32, #tpu.memory_space<vmem_shared>> -> memref<640x128xf32, #tpu.memory_space<vmem_shared>>
    %dma_start3A_127 = arith.constant 0 : i32
    %dma_start3A_128 = tpu.memref_slice %arg4[%add3A_124, %mul3A_4, %dma_start3A_127] : memref<10x10240x128xf32, #tpu.memory_space<hbm>> -> memref<1x640x128xf32, #tpu.memory_space<hbm>>
    %dma_start3A_129 = tpu.memref_squeeze %dma_start3A_128 : memref<1x640x128xf32, #tpu.memory_space<hbm>> -> memref<640x128xf32, #tpu.memory_space<hbm>>
    tpu.enqueue_dma source(%dma_start3A_129 : memref<640x128xf32, #tpu.memory_space<hbm>>) target(%dma_start3A_126 : memref<640x128xf32, #tpu.memory_space<vmem_shared>>) target_semaphore(%arg15 : memref<!tpu.dma_semaphore, #tpu.memory_space<semaphore_mem>>)
    %dma_wait3A_130 = arith.constant 0 : i32
    %dma_wait3A_131 = tpu.memref_slice %arg6[%mul3A_4, %dma_wait3A_130] : memref<10240x128xf32, #tpu.memory_space<vmem_shared>> -> memref<640x128xf32, #tpu.memory_space<vmem_shared>>
    %dma_wait3A_132 = arith.constant 0 : i32
    %dma_wait3A_133 = tpu.memref_slice %arg4[%add3A_124, %mul3A_4, %dma_wait3A_132] : memref<10x10240x128xf32, #tpu.memory_space<hbm>> -> memref<1x640x128xf32, #tpu.memory_space<hbm>>
    %dma_wait3A_134 = tpu.memref_squeeze %dma_wait3A_133 : memref<1x640x128xf32, #tpu.memory_space<hbm>> -> memref<640x128xf32, #tpu.memory_space<hbm>>
    tpu.wait_dma2 semaphore(%arg15 : memref<!tpu.dma_semaphore, #tpu.memory_space<semaphore_mem>>) src(%dma_wait3A_134 : memref<640x128xf32, #tpu.memory_space<hbm>>) dst(%dma_wait3A_131 : memref<640x128xf32, #tpu.memory_space<vmem_shared>>)
    %mul3A_135 = arith.constant 5 : i32
    %mul3A_136 = arith.muli %arg0, %mul3A_135 : i32
    %add3A_137 = arith.constant 2 : i32
    %add3A_138 = arith.addi %mul3A_136, %add3A_137 : i32
    %barrier3A_139 = arith.constant 0 : index
    tpu.barrier barrier_id(%barrier3A_139)
    %mul3A_140 = arith.constant 5120 : i32
    %mul3A_141 = arith.muli %arg1, %mul3A_140 : i32
    %add3A_142 = arith.constant 0 : i32
    %add3A_143 = arith.addi %mul3A_141, %add3A_142 : i32
    %dma_start3A_144 = arith.constant 0 : i32
    %dma_start3A_145 = tpu.memref_slice %arg2[%add3A_138, %add3A_143, %dma_start3A_144] : memref<10x81920x128xf32, #tpu.memory_space<hbm>> -> memref<1x128x128xf32, #tpu.memory_space<hbm>>
    %dma_start3A_146 = tpu.memref_squeeze %dma_start3A_145 : memref<1x128x128xf32, #tpu.memory_space<hbm>> -> memref<128x128xf32, #tpu.memory_space<hbm>>
    %dma_start3A_147 = arith.constant 0 : i32
    %dma_start3A_148 = tpu.memref_slice %arg2[%add3A_138, %add3A_143, %dma_start3A_147] : memref<10x81920x128xf32, #tpu.memory_space<hbm>> -> memref<1x128x128xf32, #tpu.memory_space<hbm>>
    %dma_start3A_149 = tpu.memref_squeeze %dma_start3A_148 : memref<1x128x128xf32, #tpu.memory_space<hbm>> -> memref<128x128xf32, #tpu.memory_space<hbm>>
    tpu.enqueue_dma source(%dma_start3A_149 : memref<128x128xf32, #tpu.memory_space<hbm>>) target(%arg7 : memref<128x128xf32, #tpu.memory_space<vmem>>) target_semaphore(%arg11 : memref<!tpu.dma_semaphore, #tpu.memory_space<semaphore_mem>>)
    %mul3A_150 = arith.constant 5120 : i32
    %mul3A_151 = arith.muli %arg1, %mul3A_150 : i32
    %add3A_152 = arith.constant 128 : i32
    %add3A_153 = arith.addi %mul3A_151, %add3A_152 : i32
    %dma_start3A_154 = arith.constant 0 : i32
    %dma_start3A_155 = tpu.memref_slice %arg2[%add3A_138, %add3A_153, %dma_start3A_154] : memref<10x81920x128xf32, #tpu.memory_space<hbm>> -> memref<1x128x128xf32, #tpu.memory_space<hbm>>
    %dma_start3A_156 = tpu.memref_squeeze %dma_start3A_155 : memref<1x128x128xf32, #tpu.memory_space<hbm>> -> memref<128x128xf32, #tpu.memory_space<hbm>>
    %dma_start3A_157 = arith.constant 0 : i32
    %dma_start3A_158 = tpu.memref_slice %arg2[%add3A_138, %add3A_153, %dma_start3A_157] : memref<10x81920x128xf32, #tpu.memory_space<hbm>> -> memref<1x128x128xf32, #tpu.memory_space<hbm>>
    %dma_start3A_159 = tpu.memref_squeeze %dma_start3A_158 : memref<1x128x128xf32, #tpu.memory_space<hbm>> -> memref<128x128xf32, #tpu.memory_space<hbm>>
    tpu.enqueue_dma source(%dma_start3A_159 : memref<128x128xf32, #tpu.memory_space<hbm>>) target(%arg8 : memref<128x128xf32, #tpu.memory_space<vmem>>) target_semaphore(%arg12 : memref<!tpu.dma_semaphore, #tpu.memory_space<semaphore_mem>>)
    %scan3A_160 = arith.constant 0 : i32
    %scan3A_161 = arith.constant 20 : i32
    %scan3A_162 = arith.addi %scan3A_160, %scan3A_161 : i32
    %scan3A_163 = arith.constant 1 : i32
    scf.for %scan3A_302 = %scan3A_160 to %scan3A_162 step %scan3A_163  : i32 {
      %mul3A_303 = arith.constant 2 : i32
      %mul3A_304 = arith.muli %scan3A_302, %mul3A_303 : i32
      %add3A_305 = arith.constant 0 : i32
      %add3A_306 = arith.addi %add3A_305, %mul3A_304 : i32
      %add3A_307 = arith.constant 0 : i32
      %add3A_308 = arith.addi %add3A_306, %add3A_307 : i32
      %dma_wait3A_309 = arith.constant 0 : i32
      %dma_wait3A_310 = arith.constant 0 : i32
      %dma_wait3A_311 = arith.constant 0 : i32
      %dma_wait3A_312 = tpu.memref_slice %arg2[%dma_wait3A_309, %dma_wait3A_310, %dma_wait3A_311] : memref<10x81920x128xf32, #tpu.memory_space<hbm>> -> memref<1x128x128xf32, #tpu.memory_space<hbm>>
      %dma_wait3A_313 = tpu.memref_squeeze %dma_wait3A_312 : memref<1x128x128xf32, #tpu.memory_space<hbm>> -> memref<128x128xf32, #tpu.memory_space<hbm>>
      %dma_wait3A_314 = arith.constant 0 : i32
      %dma_wait3A_315 = arith.constant 0 : i32
      %dma_wait3A_316 = tpu.memref_slice %arg2[%dma_wait3A_309, %dma_wait3A_314, %dma_wait3A_315] : memref<10x81920x128xf32, #tpu.memory_space<hbm>> -> memref<1x128x128xf32, #tpu.memory_space<hbm>>
      %dma_wait3A_317 = tpu.memref_squeeze %dma_wait3A_316 : memref<1x128x128xf32, #tpu.memory_space<hbm>> -> memref<128x128xf32, #tpu.memory_space<hbm>>
      tpu.wait_dma2 semaphore(%arg11 : memref<!tpu.dma_semaphore, #tpu.memory_space<semaphore_mem>>) src(%dma_wait3A_317 : memref<128x128xf32, #tpu.memory_space<hbm>>) dst(%arg7 : memref<128x128xf32, #tpu.memory_space<vmem>>)
      %dma_start3A_318 = arith.constant 0 : i32
      %dma_start3A_319 = tpu.memref_slice %arg9[%add3A_308, %dma_start3A_318] : memref<40x128xi32, #tpu.memory_space<vmem>> -> memref<1x128xi32, #tpu.memory_space<vmem>>
      %dma_start3A_320 = tpu.memref_squeeze %dma_start3A_319 : memref<1x128xi32, #tpu.memory_space<vmem>> -> memref<128xi32, #tpu.memory_space<vmem>>
      %dma_start3A_321 = arith.constant 0 : i32
      %dma_start3A_322 = arith.constant 0 : i32
      %dma_start3A_323 = tpu.memref_slice %arg6[%dma_start3A_321, %dma_start3A_322] : memref<10240x128xf32, #tpu.memory_space<vmem_shared>> -> memref<10240x128xf32, #tpu.memory_space<vmem_shared>>
      tpu.enqueue_indirect_dma source(%arg7 : memref<128x128xf32, #tpu.memory_space<vmem>>) target(%dma_start3A_323 : memref<10240x128xf32, #tpu.memory_space<vmem_shared>>) offsets(%dma_start3A_320 : memref<128xi32, #tpu.memory_space<vmem>>) semaphore(%arg13 : memref<!tpu.dma_semaphore, #tpu.memory_space<semaphore_mem>>) {add = true}
      %add3A_324 = arith.constant 2 : i32
      %add3A_325 = arith.addi %add3A_308, %add3A_324 : i32
      %lt3A = arith.constant 40 : i32
      %lt3A_326 = arith.cmpi slt, %add3A_325, %lt3A : i32
      %convert_element_type3A = arith.extui %lt3A_326 : i1 to i32
      %cond3A = arith.constant 0 : i32
      %cond3A_327 = arith.cmpi ne, %convert_element_type3A, %cond3A : i32
      scf.if %cond3A_327 {
        %dma_wait3A_352 = arith.constant 0 : i32
        %dma_wait3A_353 = arith.constant 0 : i32
        %dma_wait3A_354 = tpu.memref_slice %arg9[%dma_wait3A_352, %dma_wait3A_353] : memref<40x128xi32, #tpu.memory_space<vmem>> -> memref<1x128xi32, #tpu.memory_space<vmem>>
        %dma_wait3A_355 = tpu.memref_squeeze %dma_wait3A_354 : memref<1x128xi32, #tpu.memory_space<vmem>> -> memref<128xi32, #tpu.memory_space<vmem>>
        %dma_wait3A_356 = arith.constant 0 : i32
        %dma_wait3A_357 = arith.constant 0 : i32
        %dma_wait3A_358 = tpu.memref_slice %arg6[%dma_wait3A_356, %dma_wait3A_357] : memref<10240x128xf32, #tpu.memory_space<vmem_shared>> -> memref<10240x128xf32, #tpu.memory_space<vmem_shared>>
        tpu.wait_indirect_dma semaphore(%arg13 : memref<!tpu.dma_semaphore, #tpu.memory_space<semaphore_mem>>) src(%arg7 : memref<128x128xf32, #tpu.memory_space<vmem>>) dst(%dma_wait3A_358 : memref<10240x128xf32, #tpu.memory_space<vmem_shared>>)
        %mul3A_359 = arith.constant 5120 : i32
        %mul3A_360 = arith.muli %arg1, %mul3A_359 : i32
        %mul3A_361 = arith.constant 128 : i32
        %mul3A_362 = arith.muli %add3A_325, %mul3A_361 : i32
        %add3A_363 = arith.addi %mul3A_360, %mul3A_362 : i32
        %dma_start3A_364 = arith.constant 0 : i32
        %dma_start3A_365 = tpu.memref_slice %arg2[%add3A_138, %add3A_363, %dma_start3A_364] : memref<10x81920x128xf32, #tpu.memory_space<hbm>> -> memref<1x128x128xf32, #tpu.memory_space<hbm>>
        %dma_start3A_366 = tpu.memref_squeeze %dma_start3A_365 : memref<1x128x128xf32, #tpu.memory_space<hbm>> -> memref<128x128xf32, #tpu.memory_space<hbm>>
        %dma_start3A_367 = arith.constant 0 : i32
        %dma_start3A_368 = tpu.memref_slice %arg2[%add3A_138, %add3A_363, %dma_start3A_367] : memref<10x81920x128xf32, #tpu.memory_space<hbm>> -> memref<1x128x128xf32, #tpu.memory_space<hbm>>
        %dma_start3A_369 = tpu.memref_squeeze %dma_start3A_368 : memref<1x128x128xf32, #tpu.memory_space<hbm>> -> memref<128x128xf32, #tpu.memory_space<hbm>>
        tpu.enqueue_dma source(%dma_start3A_369 : memref<128x128xf32, #tpu.memory_space<hbm>>) target(%arg7 : memref<128x128xf32, #tpu.memory_space<vmem>>) target_semaphore(%arg11 : memref<!tpu.dma_semaphore, #tpu.memory_space<semaphore_mem>>)
      } else {
      }
      %add3A_328 = arith.constant 1 : i32
      %add3A_329 = arith.addi %add3A_306, %add3A_328 : i32
      %dma_wait3A_330 = arith.constant 0 : i32
      %dma_wait3A_331 = arith.constant 0 : i32
      %dma_wait3A_332 = arith.constant 0 : i32
      %dma_wait3A_333 = tpu.memref_slice %arg2[%dma_wait3A_330, %dma_wait3A_331, %dma_wait3A_332] : memref<10x81920x128xf32, #tpu.memory_space<hbm>> -> memref<1x128x128xf32, #tpu.memory_space<hbm>>
      %dma_wait3A_334 = tpu.memref_squeeze %dma_wait3A_333 : memref<1x128x128xf32, #tpu.memory_space<hbm>> -> memref<128x128xf32, #tpu.memory_space<hbm>>
      %dma_wait3A_335 = arith.constant 0 : i32
      %dma_wait3A_336 = arith.constant 0 : i32
      %dma_wait3A_337 = tpu.memref_slice %arg2[%dma_wait3A_330, %dma_wait3A_335, %dma_wait3A_336] : memref<10x81920x128xf32, #tpu.memory_space<hbm>> -> memref<1x128x128xf32, #tpu.memory_space<hbm>>
      %dma_wait3A_338 = tpu.memref_squeeze %dma_wait3A_337 : memref<1x128x128xf32, #tpu.memory_space<hbm>> -> memref<128x128xf32, #tpu.memory_space<hbm>>
      tpu.wait_dma2 semaphore(%arg12 : memref<!tpu.dma_semaphore, #tpu.memory_space<semaphore_mem>>) src(%dma_wait3A_338 : memref<128x128xf32, #tpu.memory_space<hbm>>) dst(%arg8 : memref<128x128xf32, #tpu.memory_space<vmem>>)
      %dma_start3A_339 = arith.constant 0 : i32
      %dma_start3A_340 = tpu.memref_slice %arg9[%add3A_329, %dma_start3A_339] : memref<40x128xi32, #tpu.memory_space<vmem>> -> memref<1x128xi32, #tpu.memory_space<vmem>>
      %dma_start3A_341 = tpu.memref_squeeze %dma_start3A_340 : memref<1x128xi32, #tpu.memory_space<vmem>> -> memref<128xi32, #tpu.memory_space<vmem>>
      %dma_start3A_342 = arith.constant 0 : i32
      %dma_start3A_343 = arith.constant 0 : i32
      %dma_start3A_344 = tpu.memref_slice %arg6[%dma_start3A_342, %dma_start3A_343] : memref<10240x128xf32, #tpu.memory_space<vmem_shared>> -> memref<10240x128xf32, #tpu.memory_space<vmem_shared>>
      tpu.enqueue_indirect_dma source(%arg8 : memref<128x128xf32, #tpu.memory_space<vmem>>) target(%dma_start3A_344 : memref<10240x128xf32, #tpu.memory_space<vmem_shared>>) offsets(%dma_start3A_341 : memref<128xi32, #tpu.memory_space<vmem>>) semaphore(%arg14 : memref<!tpu.dma_semaphore, #tpu.memory_space<semaphore_mem>>) {add = true}
      %add3A_345 = arith.constant 2 : i32
      %add3A_346 = arith.addi %add3A_329, %add3A_345 : i32
      %lt3A_347 = arith.constant 40 : i32
      %lt3A_348 = arith.cmpi slt, %add3A_346, %lt3A_347 : i32
      %convert_element_type3A_349 = arith.extui %lt3A_348 : i1 to i32
      %cond3A_350 = arith.constant 0 : i32
      %cond3A_351 = arith.cmpi ne, %convert_element_type3A_349, %cond3A_350 : i32
      scf.if %cond3A_351 {
        %dma_wait3A_352 = arith.constant 0 : i32
        %dma_wait3A_353 = arith.constant 0 : i32
        %dma_wait3A_354 = tpu.memref_slice %arg9[%dma_wait3A_352, %dma_wait3A_353] : memref<40x128xi32, #tpu.memory_space<vmem>> -> memref<1x128xi32, #tpu.memory_space<vmem>>
        %dma_wait3A_355 = tpu.memref_squeeze %dma_wait3A_354 : memref<1x128xi32, #tpu.memory_space<vmem>> -> memref<128xi32, #tpu.memory_space<vmem>>
        %dma_wait3A_356 = arith.constant 0 : i32
        %dma_wait3A_357 = arith.constant 0 : i32
        %dma_wait3A_358 = tpu.memref_slice %arg6[%dma_wait3A_356, %dma_wait3A_357] : memref<10240x128xf32, #tpu.memory_space<vmem_shared>> -> memref<10240x128xf32, #tpu.memory_space<vmem_shared>>
        tpu.wait_indirect_dma semaphore(%arg14 : memref<!tpu.dma_semaphore, #tpu.memory_space<semaphore_mem>>) src(%arg8 : memref<128x128xf32, #tpu.memory_space<vmem>>) dst(%dma_wait3A_358 : memref<10240x128xf32, #tpu.memory_space<vmem_shared>>)
        %mul3A_359 = arith.constant 5120 : i32
        %mul3A_360 = arith.muli %arg1, %mul3A_359 : i32
        %mul3A_361 = arith.constant 128 : i32
        %mul3A_362 = arith.muli %add3A_346, %mul3A_361 : i32
        %add3A_363 = arith.addi %mul3A_360, %mul3A_362 : i32
        %dma_start3A_364 = arith.constant 0 : i32
        %dma_start3A_365 = tpu.memref_slice %arg2[%add3A_138, %add3A_363, %dma_start3A_364] : memref<10x81920x128xf32, #tpu.memory_space<hbm>> -> memref<1x128x128xf32, #tpu.memory_space<hbm>>
        %dma_start3A_366 = tpu.memref_squeeze %dma_start3A_365 : memref<1x128x128xf32, #tpu.memory_space<hbm>> -> memref<128x128xf32, #tpu.memory_space<hbm>>
        %dma_start3A_367 = arith.constant 0 : i32
        %dma_start3A_368 = tpu.memref_slice %arg2[%add3A_138, %add3A_363, %dma_start3A_367] : memref<10x81920x128xf32, #tpu.memory_space<hbm>> -> memref<1x128x128xf32, #tpu.memory_space<hbm>>
        %dma_start3A_369 = tpu.memref_squeeze %dma_start3A_368 : memref<1x128x128xf32, #tpu.memory_space<hbm>> -> memref<128x128xf32, #tpu.memory_space<hbm>>
        tpu.enqueue_dma source(%dma_start3A_369 : memref<128x128xf32, #tpu.memory_space<hbm>>) target(%arg8 : memref<128x128xf32, #tpu.memory_space<vmem>>) target_semaphore(%arg12 : memref<!tpu.dma_semaphore, #tpu.memory_space<semaphore_mem>>)
      } else {
      }
    }
    %scan3A_164 = arith.constant 20 : i32
    %dma_wait3A_165 = arith.constant 0 : i32
    %dma_wait3A_166 = arith.constant 0 : i32
    %dma_wait3A_167 = tpu.memref_slice %arg9[%dma_wait3A_165, %dma_wait3A_166] : memref<40x128xi32, #tpu.memory_space<vmem>> -> memref<1x128xi32, #tpu.memory_space<vmem>>
    %dma_wait3A_168 = tpu.memref_squeeze %dma_wait3A_167 : memref<1x128xi32, #tpu.memory_space<vmem>> -> memref<128xi32, #tpu.memory_space<vmem>>
    %dma_wait3A_169 = arith.constant 0 : i32
    %dma_wait3A_170 = arith.constant 0 : i32
    %dma_wait3A_171 = tpu.memref_slice %arg6[%dma_wait3A_169, %dma_wait3A_170] : memref<10240x128xf32, #tpu.memory_space<vmem_shared>> -> memref<10240x128xf32, #tpu.memory_space<vmem_shared>>
    tpu.wait_indirect_dma semaphore(%arg13 : memref<!tpu.dma_semaphore, #tpu.memory_space<semaphore_mem>>) src(%arg7 : memref<128x128xf32, #tpu.memory_space<vmem>>) dst(%dma_wait3A_171 : memref<10240x128xf32, #tpu.memory_space<vmem_shared>>)
    %dma_wait3A_172 = arith.constant 0 : i32
    %dma_wait3A_173 = arith.constant 0 : i32
    %dma_wait3A_174 = tpu.memref_slice %arg9[%dma_wait3A_172, %dma_wait3A_173] : memref<40x128xi32, #tpu.memory_space<vmem>> -> memref<1x128xi32, #tpu.memory_space<vmem>>
    %dma_wait3A_175 = tpu.memref_squeeze %dma_wait3A_174 : memref<1x128xi32, #tpu.memory_space<vmem>> -> memref<128xi32, #tpu.memory_space<vmem>>
    %dma_wait3A_176 = arith.constant 0 : i32
    %dma_wait3A_177 = arith.constant 0 : i32
    %dma_wait3A_178 = tpu.memref_slice %arg6[%dma_wait3A_176, %dma_wait3A_177] : memref<10240x128xf32, #tpu.memory_space<vmem_shared>> -> memref<10240x128xf32, #tpu.memory_space<vmem_shared>>
    tpu.wait_indirect_dma semaphore(%arg14 : memref<!tpu.dma_semaphore, #tpu.memory_space<semaphore_mem>>) src(%arg8 : memref<128x128xf32, #tpu.memory_space<vmem>>) dst(%dma_wait3A_178 : memref<10240x128xf32, #tpu.memory_space<vmem_shared>>)
    %barrier3A_179 = arith.constant 0 : index
    tpu.barrier barrier_id(%barrier3A_179)
    "tpu.region"() ({
      %run_scoped3A = tpu.sem_alloc : memref<!tpu.dma_semaphore, #tpu.memory_space<semaphore_mem>>
      %dma_start3A_302 = arith.constant 0 : i32
      %dma_start3A_303 = tpu.memref_slice %arg5[%add3A_138, %mul3A_4, %dma_start3A_302] : memref<10x10240x128xf32, #tpu.memory_space<hbm>> -> memref<1x640x128xf32, #tpu.memory_space<hbm>>
      %dma_start3A_304 = tpu.memref_squeeze %dma_start3A_303 : memref<1x640x128xf32, #tpu.memory_space<hbm>> -> memref<640x128xf32, #tpu.memory_space<hbm>>
      %dma_start3A_305 = arith.constant 0 : i32
      %dma_start3A_306 = tpu.memref_slice %arg6[%mul3A_4, %dma_start3A_305] : memref<10240x128xf32, #tpu.memory_space<vmem_shared>> -> memref<640x128xf32, #tpu.memory_space<vmem_shared>>
      tpu.enqueue_dma source(%dma_start3A_306 : memref<640x128xf32, #tpu.memory_space<vmem_shared>>) target(%dma_start3A_304 : memref<640x128xf32, #tpu.memory_space<hbm>>) target_semaphore(%run_scoped3A : memref<!tpu.dma_semaphore, #tpu.memory_space<semaphore_mem>>)
      %dma_wait3A_307 = arith.constant 0 : i32
      %dma_wait3A_308 = tpu.memref_slice %arg5[%add3A_138, %mul3A_4, %dma_wait3A_307] : memref<10x10240x128xf32, #tpu.memory_space<hbm>> -> memref<1x640x128xf32, #tpu.memory_space<hbm>>
      %dma_wait3A_309 = tpu.memref_squeeze %dma_wait3A_308 : memref<1x640x128xf32, #tpu.memory_space<hbm>> -> memref<640x128xf32, #tpu.memory_space<hbm>>
      %dma_wait3A_310 = arith.constant 0 : i32
      %dma_wait3A_311 = tpu.memref_slice %arg6[%mul3A_4, %dma_wait3A_310] : memref<10240x128xf32, #tpu.memory_space<vmem_shared>> -> memref<640x128xf32, #tpu.memory_space<vmem_shared>>
      tpu.wait_dma2 semaphore(%run_scoped3A : memref<!tpu.dma_semaphore, #tpu.memory_space<semaphore_mem>>) src(%dma_wait3A_311 : memref<640x128xf32, #tpu.memory_space<vmem_shared>>) dst(%dma_wait3A_309 : memref<640x128xf32, #tpu.memory_space<hbm>>)
      tpu.yield
    }) : () -> ()
    %mul3A_180 = arith.constant 5 : i32
    %mul3A_181 = arith.muli %arg0, %mul3A_180 : i32
    %add3A_182 = arith.constant 2 : i32
    %add3A_183 = arith.addi %mul3A_181, %add3A_182 : i32
    %add3A_184 = arith.constant 1 : i32
    %add3A_185 = arith.addi %add3A_183, %add3A_184 : i32
    %dma_start3A_186 = arith.constant 0 : i32
    %dma_start3A_187 = tpu.memref_slice %arg6[%mul3A_4, %dma_start3A_186] : memref<10240x128xf32, #tpu.memory_space<vmem_shared>> -> memref<640x128xf32, #tpu.memory_space<vmem_shared>>
    %dma_start3A_188 = arith.constant 0 : i32
    %dma_start3A_189 = tpu.memref_slice %arg4[%add3A_185, %mul3A_4, %dma_start3A_188] : memref<10x10240x128xf32, #tpu.memory_space<hbm>> -> memref<1x640x128xf32, #tpu.memory_space<hbm>>
    %dma_start3A_190 = tpu.memref_squeeze %dma_start3A_189 : memref<1x640x128xf32, #tpu.memory_space<hbm>> -> memref<640x128xf32, #tpu.memory_space<hbm>>
    tpu.enqueue_dma source(%dma_start3A_190 : memref<640x128xf32, #tpu.memory_space<hbm>>) target(%dma_start3A_187 : memref<640x128xf32, #tpu.memory_space<vmem_shared>>) target_semaphore(%arg15 : memref<!tpu.dma_semaphore, #tpu.memory_space<semaphore_mem>>)
    %dma_wait3A_191 = arith.constant 0 : i32
    %dma_wait3A_192 = tpu.memref_slice %arg6[%mul3A_4, %dma_wait3A_191] : memref<10240x128xf32, #tpu.memory_space<vmem_shared>> -> memref<640x128xf32, #tpu.memory_space<vmem_shared>>
    %dma_wait3A_193 = arith.constant 0 : i32
    %dma_wait3A_194 = tpu.memref_slice %arg4[%add3A_185, %mul3A_4, %dma_wait3A_193] : memref<10x10240x128xf32, #tpu.memory_space<hbm>> -> memref<1x640x128xf32, #tpu.memory_space<hbm>>
    %dma_wait3A_195 = tpu.memref_squeeze %dma_wait3A_194 : memref<1x640x128xf32, #tpu.memory_space<hbm>> -> memref<640x128xf32, #tpu.memory_space<hbm>>
    tpu.wait_dma2 semaphore(%arg15 : memref<!tpu.dma_semaphore, #tpu.memory_space<semaphore_mem>>) src(%dma_wait3A_195 : memref<640x128xf32, #tpu.memory_space<hbm>>) dst(%dma_wait3A_192 : memref<640x128xf32, #tpu.memory_space<vmem_shared>>)
    %mul3A_196 = arith.constant 5 : i32
    %mul3A_197 = arith.muli %arg0, %mul3A_196 : i32
    %add3A_198 = arith.constant 3 : i32
    %add3A_199 = arith.addi %mul3A_197, %add3A_198 : i32
    %barrier3A_200 = arith.constant 0 : index
    tpu.barrier barrier_id(%barrier3A_200)
    %mul3A_201 = arith.constant 5120 : i32
    %mul3A_202 = arith.muli %arg1, %mul3A_201 : i32
    %add3A_203 = arith.constant 0 : i32
    %add3A_204 = arith.addi %mul3A_202, %add3A_203 : i32
    %dma_start3A_205 = arith.constant 0 : i32
    %dma_start3A_206 = tpu.memref_slice %arg2[%add3A_199, %add3A_204, %dma_start3A_205] : memref<10x81920x128xf32, #tpu.memory_space<hbm>> -> memref<1x128x128xf32, #tpu.memory_space<hbm>>
    %dma_start3A_207 = tpu.memref_squeeze %dma_start3A_206 : memref<1x128x128xf32, #tpu.memory_space<hbm>> -> memref<128x128xf32, #tpu.memory_space<hbm>>
    %dma_start3A_208 = arith.constant 0 : i32
    %dma_start3A_209 = tpu.memref_slice %arg2[%add3A_199, %add3A_204, %dma_start3A_208] : memref<10x81920x128xf32, #tpu.memory_space<hbm>> -> memref<1x128x128xf32, #tpu.memory_space<hbm>>
    %dma_start3A_210 = tpu.memref_squeeze %dma_start3A_209 : memref<1x128x128xf32, #tpu.memory_space<hbm>> -> memref<128x128xf32, #tpu.memory_space<hbm>>
    tpu.enqueue_dma source(%dma_start3A_210 : memref<128x128xf32, #tpu.memory_space<hbm>>) target(%arg7 : memref<128x128xf32, #tpu.memory_space<vmem>>) target_semaphore(%arg11 : memref<!tpu.dma_semaphore, #tpu.memory_space<semaphore_mem>>)
    %mul3A_211 = arith.constant 5120 : i32
    %mul3A_212 = arith.muli %arg1, %mul3A_211 : i32
    %add3A_213 = arith.constant 128 : i32
    %add3A_214 = arith.addi %mul3A_212, %add3A_213 : i32
    %dma_start3A_215 = arith.constant 0 : i32
    %dma_start3A_216 = tpu.memref_slice %arg2[%add3A_199, %add3A_214, %dma_start3A_215] : memref<10x81920x128xf32, #tpu.memory_space<hbm>> -> memref<1x128x128xf32, #tpu.memory_space<hbm>>
    %dma_start3A_217 = tpu.memref_squeeze %dma_start3A_216 : memref<1x128x128xf32, #tpu.memory_space<hbm>> -> memref<128x128xf32, #tpu.memory_space<hbm>>
    %dma_start3A_218 = arith.constant 0 : i32
    %dma_start3A_219 = tpu.memref_slice %arg2[%add3A_199, %add3A_214, %dma_start3A_218] : memref<10x81920x128xf32, #tpu.memory_space<hbm>> -> memref<1x128x128xf32, #tpu.memory_space<hbm>>
    %dma_start3A_220 = tpu.memref_squeeze %dma_start3A_219 : memref<1x128x128xf32, #tpu.memory_space<hbm>> -> memref<128x128xf32, #tpu.memory_space<hbm>>
    tpu.enqueue_dma source(%dma_start3A_220 : memref<128x128xf32, #tpu.memory_space<hbm>>) target(%arg8 : memref<128x128xf32, #tpu.memory_space<vmem>>) target_semaphore(%arg12 : memref<!tpu.dma_semaphore, #tpu.memory_space<semaphore_mem>>)
    %scan3A_221 = arith.constant 0 : i32
    %scan3A_222 = arith.constant 20 : i32
    %scan3A_223 = arith.addi %scan3A_221, %scan3A_222 : i32
    %scan3A_224 = arith.constant 1 : i32
    scf.for %scan3A_302 = %scan3A_221 to %scan3A_223 step %scan3A_224  : i32 {
      %mul3A_303 = arith.constant 2 : i32
      %mul3A_304 = arith.muli %scan3A_302, %mul3A_303 : i32
      %add3A_305 = arith.constant 0 : i32
      %add3A_306 = arith.addi %add3A_305, %mul3A_304 : i32
      %add3A_307 = arith.constant 0 : i32
      %add3A_308 = arith.addi %add3A_306, %add3A_307 : i32
      %dma_wait3A_309 = arith.constant 0 : i32
      %dma_wait3A_310 = arith.constant 0 : i32
      %dma_wait3A_311 = arith.constant 0 : i32
      %dma_wait3A_312 = tpu.memref_slice %arg2[%dma_wait3A_309, %dma_wait3A_310, %dma_wait3A_311] : memref<10x81920x128xf32, #tpu.memory_space<hbm>> -> memref<1x128x128xf32, #tpu.memory_space<hbm>>
      %dma_wait3A_313 = tpu.memref_squeeze %dma_wait3A_312 : memref<1x128x128xf32, #tpu.memory_space<hbm>> -> memref<128x128xf32, #tpu.memory_space<hbm>>
      %dma_wait3A_314 = arith.constant 0 : i32
      %dma_wait3A_315 = arith.constant 0 : i32
      %dma_wait3A_316 = tpu.memref_slice %arg2[%dma_wait3A_309, %dma_wait3A_314, %dma_wait3A_315] : memref<10x81920x128xf32, #tpu.memory_space<hbm>> -> memref<1x128x128xf32, #tpu.memory_space<hbm>>
      %dma_wait3A_317 = tpu.memref_squeeze %dma_wait3A_316 : memref<1x128x128xf32, #tpu.memory_space<hbm>> -> memref<128x128xf32, #tpu.memory_space<hbm>>
      tpu.wait_dma2 semaphore(%arg11 : memref<!tpu.dma_semaphore, #tpu.memory_space<semaphore_mem>>) src(%dma_wait3A_317 : memref<128x128xf32, #tpu.memory_space<hbm>>) dst(%arg7 : memref<128x128xf32, #tpu.memory_space<vmem>>)
      %dma_start3A_318 = arith.constant 0 : i32
      %dma_start3A_319 = tpu.memref_slice %arg9[%add3A_308, %dma_start3A_318] : memref<40x128xi32, #tpu.memory_space<vmem>> -> memref<1x128xi32, #tpu.memory_space<vmem>>
      %dma_start3A_320 = tpu.memref_squeeze %dma_start3A_319 : memref<1x128xi32, #tpu.memory_space<vmem>> -> memref<128xi32, #tpu.memory_space<vmem>>
      %dma_start3A_321 = arith.constant 0 : i32
      %dma_start3A_322 = arith.constant 0 : i32
      %dma_start3A_323 = tpu.memref_slice %arg6[%dma_start3A_321, %dma_start3A_322] : memref<10240x128xf32, #tpu.memory_space<vmem_shared>> -> memref<10240x128xf32, #tpu.memory_space<vmem_shared>>
      tpu.enqueue_indirect_dma source(%arg7 : memref<128x128xf32, #tpu.memory_space<vmem>>) target(%dma_start3A_323 : memref<10240x128xf32, #tpu.memory_space<vmem_shared>>) offsets(%dma_start3A_320 : memref<128xi32, #tpu.memory_space<vmem>>) semaphore(%arg13 : memref<!tpu.dma_semaphore, #tpu.memory_space<semaphore_mem>>) {add = true}
      %add3A_324 = arith.constant 2 : i32
      %add3A_325 = arith.addi %add3A_308, %add3A_324 : i32
      %lt3A = arith.constant 40 : i32
      %lt3A_326 = arith.cmpi slt, %add3A_325, %lt3A : i32
      %convert_element_type3A = arith.extui %lt3A_326 : i1 to i32
      %cond3A = arith.constant 0 : i32
      %cond3A_327 = arith.cmpi ne, %convert_element_type3A, %cond3A : i32
      scf.if %cond3A_327 {
        %dma_wait3A_352 = arith.constant 0 : i32
        %dma_wait3A_353 = arith.constant 0 : i32
        %dma_wait3A_354 = tpu.memref_slice %arg9[%dma_wait3A_352, %dma_wait3A_353] : memref<40x128xi32, #tpu.memory_space<vmem>> -> memref<1x128xi32, #tpu.memory_space<vmem>>
        %dma_wait3A_355 = tpu.memref_squeeze %dma_wait3A_354 : memref<1x128xi32, #tpu.memory_space<vmem>> -> memref<128xi32, #tpu.memory_space<vmem>>
        %dma_wait3A_356 = arith.constant 0 : i32
        %dma_wait3A_357 = arith.constant 0 : i32
        %dma_wait3A_358 = tpu.memref_slice %arg6[%dma_wait3A_356, %dma_wait3A_357] : memref<10240x128xf32, #tpu.memory_space<vmem_shared>> -> memref<10240x128xf32, #tpu.memory_space<vmem_shared>>
        tpu.wait_indirect_dma semaphore(%arg13 : memref<!tpu.dma_semaphore, #tpu.memory_space<semaphore_mem>>) src(%arg7 : memref<128x128xf32, #tpu.memory_space<vmem>>) dst(%dma_wait3A_358 : memref<10240x128xf32, #tpu.memory_space<vmem_shared>>)
        %mul3A_359 = arith.constant 5120 : i32
        %mul3A_360 = arith.muli %arg1, %mul3A_359 : i32
        %mul3A_361 = arith.constant 128 : i32
        %mul3A_362 = arith.muli %add3A_325, %mul3A_361 : i32
        %add3A_363 = arith.addi %mul3A_360, %mul3A_362 : i32
        %dma_start3A_364 = arith.constant 0 : i32
        %dma_start3A_365 = tpu.memref_slice %arg2[%add3A_199, %add3A_363, %dma_start3A_364] : memref<10x81920x128xf32, #tpu.memory_space<hbm>> -> memref<1x128x128xf32, #tpu.memory_space<hbm>>
        %dma_start3A_366 = tpu.memref_squeeze %dma_start3A_365 : memref<1x128x128xf32, #tpu.memory_space<hbm>> -> memref<128x128xf32, #tpu.memory_space<hbm>>
        %dma_start3A_367 = arith.constant 0 : i32
        %dma_start3A_368 = tpu.memref_slice %arg2[%add3A_199, %add3A_363, %dma_start3A_367] : memref<10x81920x128xf32, #tpu.memory_space<hbm>> -> memref<1x128x128xf32, #tpu.memory_space<hbm>>
        %dma_start3A_369 = tpu.memref_squeeze %dma_start3A_368 : memref<1x128x128xf32, #tpu.memory_space<hbm>> -> memref<128x128xf32, #tpu.memory_space<hbm>>
        tpu.enqueue_dma source(%dma_start3A_369 : memref<128x128xf32, #tpu.memory_space<hbm>>) target(%arg7 : memref<128x128xf32, #tpu.memory_space<vmem>>) target_semaphore(%arg11 : memref<!tpu.dma_semaphore, #tpu.memory_space<semaphore_mem>>)
      } else {
      }
      %add3A_328 = arith.constant 1 : i32
      %add3A_329 = arith.addi %add3A_306, %add3A_328 : i32
      %dma_wait3A_330 = arith.constant 0 : i32
      %dma_wait3A_331 = arith.constant 0 : i32
      %dma_wait3A_332 = arith.constant 0 : i32
      %dma_wait3A_333 = tpu.memref_slice %arg2[%dma_wait3A_330, %dma_wait3A_331, %dma_wait3A_332] : memref<10x81920x128xf32, #tpu.memory_space<hbm>> -> memref<1x128x128xf32, #tpu.memory_space<hbm>>
      %dma_wait3A_334 = tpu.memref_squeeze %dma_wait3A_333 : memref<1x128x128xf32, #tpu.memory_space<hbm>> -> memref<128x128xf32, #tpu.memory_space<hbm>>
      %dma_wait3A_335 = arith.constant 0 : i32
      %dma_wait3A_336 = arith.constant 0 : i32
      %dma_wait3A_337 = tpu.memref_slice %arg2[%dma_wait3A_330, %dma_wait3A_335, %dma_wait3A_336] : memref<10x81920x128xf32, #tpu.memory_space<hbm>> -> memref<1x128x128xf32, #tpu.memory_space<hbm>>
      %dma_wait3A_338 = tpu.memref_squeeze %dma_wait3A_337 : memref<1x128x128xf32, #tpu.memory_space<hbm>> -> memref<128x128xf32, #tpu.memory_space<hbm>>
      tpu.wait_dma2 semaphore(%arg12 : memref<!tpu.dma_semaphore, #tpu.memory_space<semaphore_mem>>) src(%dma_wait3A_338 : memref<128x128xf32, #tpu.memory_space<hbm>>) dst(%arg8 : memref<128x128xf32, #tpu.memory_space<vmem>>)
      %dma_start3A_339 = arith.constant 0 : i32
      %dma_start3A_340 = tpu.memref_slice %arg9[%add3A_329, %dma_start3A_339] : memref<40x128xi32, #tpu.memory_space<vmem>> -> memref<1x128xi32, #tpu.memory_space<vmem>>
      %dma_start3A_341 = tpu.memref_squeeze %dma_start3A_340 : memref<1x128xi32, #tpu.memory_space<vmem>> -> memref<128xi32, #tpu.memory_space<vmem>>
      %dma_start3A_342 = arith.constant 0 : i32
      %dma_start3A_343 = arith.constant 0 : i32
      %dma_start3A_344 = tpu.memref_slice %arg6[%dma_start3A_342, %dma_start3A_343] : memref<10240x128xf32, #tpu.memory_space<vmem_shared>> -> memref<10240x128xf32, #tpu.memory_space<vmem_shared>>
      tpu.enqueue_indirect_dma source(%arg8 : memref<128x128xf32, #tpu.memory_space<vmem>>) target(%dma_start3A_344 : memref<10240x128xf32, #tpu.memory_space<vmem_shared>>) offsets(%dma_start3A_341 : memref<128xi32, #tpu.memory_space<vmem>>) semaphore(%arg14 : memref<!tpu.dma_semaphore, #tpu.memory_space<semaphore_mem>>) {add = true}
      %add3A_345 = arith.constant 2 : i32
      %add3A_346 = arith.addi %add3A_329, %add3A_345 : i32
      %lt3A_347 = arith.constant 40 : i32
      %lt3A_348 = arith.cmpi slt, %add3A_346, %lt3A_347 : i32
      %convert_element_type3A_349 = arith.extui %lt3A_348 : i1 to i32
      %cond3A_350 = arith.constant 0 : i32
      %cond3A_351 = arith.cmpi ne, %convert_element_type3A_349, %cond3A_350 : i32
      scf.if %cond3A_351 {
        %dma_wait3A_352 = arith.constant 0 : i32
        %dma_wait3A_353 = arith.constant 0 : i32
        %dma_wait3A_354 = tpu.memref_slice %arg9[%dma_wait3A_352, %dma_wait3A_353] : memref<40x128xi32, #tpu.memory_space<vmem>> -> memref<1x128xi32, #tpu.memory_space<vmem>>
        %dma_wait3A_355 = tpu.memref_squeeze %dma_wait3A_354 : memref<1x128xi32, #tpu.memory_space<vmem>> -> memref<128xi32, #tpu.memory_space<vmem>>
        %dma_wait3A_356 = arith.constant 0 : i32
        %dma_wait3A_357 = arith.constant 0 : i32
        %dma_wait3A_358 = tpu.memref_slice %arg6[%dma_wait3A_356, %dma_wait3A_357] : memref<10240x128xf32, #tpu.memory_space<vmem_shared>> -> memref<10240x128xf32, #tpu.memory_space<vmem_shared>>
        tpu.wait_indirect_dma semaphore(%arg14 : memref<!tpu.dma_semaphore, #tpu.memory_space<semaphore_mem>>) src(%arg8 : memref<128x128xf32, #tpu.memory_space<vmem>>) dst(%dma_wait3A_358 : memref<10240x128xf32, #tpu.memory_space<vmem_shared>>)
        %mul3A_359 = arith.constant 5120 : i32
        %mul3A_360 = arith.muli %arg1, %mul3A_359 : i32
        %mul3A_361 = arith.constant 128 : i32
        %mul3A_362 = arith.muli %add3A_346, %mul3A_361 : i32
        %add3A_363 = arith.addi %mul3A_360, %mul3A_362 : i32
        %dma_start3A_364 = arith.constant 0 : i32
        %dma_start3A_365 = tpu.memref_slice %arg2[%add3A_199, %add3A_363, %dma_start3A_364] : memref<10x81920x128xf32, #tpu.memory_space<hbm>> -> memref<1x128x128xf32, #tpu.memory_space<hbm>>
        %dma_start3A_366 = tpu.memref_squeeze %dma_start3A_365 : memref<1x128x128xf32, #tpu.memory_space<hbm>> -> memref<128x128xf32, #tpu.memory_space<hbm>>
        %dma_start3A_367 = arith.constant 0 : i32
        %dma_start3A_368 = tpu.memref_slice %arg2[%add3A_199, %add3A_363, %dma_start3A_367] : memref<10x81920x128xf32, #tpu.memory_space<hbm>> -> memref<1x128x128xf32, #tpu.memory_space<hbm>>
        %dma_start3A_369 = tpu.memref_squeeze %dma_start3A_368 : memref<1x128x128xf32, #tpu.memory_space<hbm>> -> memref<128x128xf32, #tpu.memory_space<hbm>>
        tpu.enqueue_dma source(%dma_start3A_369 : memref<128x128xf32, #tpu.memory_space<hbm>>) target(%arg8 : memref<128x128xf32, #tpu.memory_space<vmem>>) target_semaphore(%arg12 : memref<!tpu.dma_semaphore, #tpu.memory_space<semaphore_mem>>)
      } else {
      }
    }
    %scan3A_225 = arith.constant 20 : i32
    %dma_wait3A_226 = arith.constant 0 : i32
    %dma_wait3A_227 = arith.constant 0 : i32
    %dma_wait3A_228 = tpu.memref_slice %arg9[%dma_wait3A_226, %dma_wait3A_227] : memref<40x128xi32, #tpu.memory_space<vmem>> -> memref<1x128xi32, #tpu.memory_space<vmem>>
    %dma_wait3A_229 = tpu.memref_squeeze %dma_wait3A_228 : memref<1x128xi32, #tpu.memory_space<vmem>> -> memref<128xi32, #tpu.memory_space<vmem>>
    %dma_wait3A_230 = arith.constant 0 : i32
    %dma_wait3A_231 = arith.constant 0 : i32
    %dma_wait3A_232 = tpu.memref_slice %arg6[%dma_wait3A_230, %dma_wait3A_231] : memref<10240x128xf32, #tpu.memory_space<vmem_shared>> -> memref<10240x128xf32, #tpu.memory_space<vmem_shared>>
    tpu.wait_indirect_dma semaphore(%arg13 : memref<!tpu.dma_semaphore, #tpu.memory_space<semaphore_mem>>) src(%arg7 : memref<128x128xf32, #tpu.memory_space<vmem>>) dst(%dma_wait3A_232 : memref<10240x128xf32, #tpu.memory_space<vmem_shared>>)
    %dma_wait3A_233 = arith.constant 0 : i32
    %dma_wait3A_234 = arith.constant 0 : i32
    %dma_wait3A_235 = tpu.memref_slice %arg9[%dma_wait3A_233, %dma_wait3A_234] : memref<40x128xi32, #tpu.memory_space<vmem>> -> memref<1x128xi32, #tpu.memory_space<vmem>>
    %dma_wait3A_236 = tpu.memref_squeeze %dma_wait3A_235 : memref<1x128xi32, #tpu.memory_space<vmem>> -> memref<128xi32, #tpu.memory_space<vmem>>
    %dma_wait3A_237 = arith.constant 0 : i32
    %dma_wait3A_238 = arith.constant 0 : i32
    %dma_wait3A_239 = tpu.memref_slice %arg6[%dma_wait3A_237, %dma_wait3A_238] : memref<10240x128xf32, #tpu.memory_space<vmem_shared>> -> memref<10240x128xf32, #tpu.memory_space<vmem_shared>>
    tpu.wait_indirect_dma semaphore(%arg14 : memref<!tpu.dma_semaphore, #tpu.memory_space<semaphore_mem>>) src(%arg8 : memref<128x128xf32, #tpu.memory_space<vmem>>) dst(%dma_wait3A_239 : memref<10240x128xf32, #tpu.memory_space<vmem_shared>>)
    %barrier3A_240 = arith.constant 0 : index
    tpu.barrier barrier_id(%barrier3A_240)
    "tpu.region"() ({
      %run_scoped3A = tpu.sem_alloc : memref<!tpu.dma_semaphore, #tpu.memory_space<semaphore_mem>>
      %dma_start3A_302 = arith.constant 0 : i32
      %dma_start3A_303 = tpu.memref_slice %arg5[%add3A_199, %mul3A_4, %dma_start3A_302] : memref<10x10240x128xf32, #tpu.memory_space<hbm>> -> memref<1x640x128xf32, #tpu.memory_space<hbm>>
      %dma_start3A_304 = tpu.memref_squeeze %dma_start3A_303 : memref<1x640x128xf32, #tpu.memory_space<hbm>> -> memref<640x128xf32, #tpu.memory_space<hbm>>
      %dma_start3A_305 = arith.constant 0 : i32
      %dma_start3A_306 = tpu.memref_slice %arg6[%mul3A_4, %dma_start3A_305] : memref<10240x128xf32, #tpu.memory_space<vmem_shared>> -> memref<640x128xf32, #tpu.memory_space<vmem_shared>>
      tpu.enqueue_dma source(%dma_start3A_306 : memref<640x128xf32, #tpu.memory_space<vmem_shared>>) target(%dma_start3A_304 : memref<640x128xf32, #tpu.memory_space<hbm>>) target_semaphore(%run_scoped3A : memref<!tpu.dma_semaphore, #tpu.memory_space<semaphore_mem>>)
      %dma_wait3A_307 = arith.constant 0 : i32
      %dma_wait3A_308 = tpu.memref_slice %arg5[%add3A_199, %mul3A_4, %dma_wait3A_307] : memref<10x10240x128xf32, #tpu.memory_space<hbm>> -> memref<1x640x128xf32, #tpu.memory_space<hbm>>
      %dma_wait3A_309 = tpu.memref_squeeze %dma_wait3A_308 : memref<1x640x128xf32, #tpu.memory_space<hbm>> -> memref<640x128xf32, #tpu.memory_space<hbm>>
      %dma_wait3A_310 = arith.constant 0 : i32
      %dma_wait3A_311 = tpu.memref_slice %arg6[%mul3A_4, %dma_wait3A_310] : memref<10240x128xf32, #tpu.memory_space<vmem_shared>> -> memref<640x128xf32, #tpu.memory_space<vmem_shared>>
      tpu.wait_dma2 semaphore(%run_scoped3A : memref<!tpu.dma_semaphore, #tpu.memory_space<semaphore_mem>>) src(%dma_wait3A_311 : memref<640x128xf32, #tpu.memory_space<vmem_shared>>) dst(%dma_wait3A_309 : memref<640x128xf32, #tpu.memory_space<hbm>>)
      tpu.yield
    }) : () -> ()
    %mul3A_241 = arith.constant 5 : i32
    %mul3A_242 = arith.muli %arg0, %mul3A_241 : i32
    %add3A_243 = arith.constant 3 : i32
    %add3A_244 = arith.addi %mul3A_242, %add3A_243 : i32
    %add3A_245 = arith.constant 1 : i32
    %add3A_246 = arith.addi %add3A_244, %add3A_245 : i32
    %dma_start3A_247 = arith.constant 0 : i32
    %dma_start3A_248 = tpu.memref_slice %arg6[%mul3A_4, %dma_start3A_247] : memref<10240x128xf32, #tpu.memory_space<vmem_shared>> -> memref<640x128xf32, #tpu.memory_space<vmem_shared>>
    %dma_start3A_249 = arith.constant 0 : i32
    %dma_start3A_250 = tpu.memref_slice %arg4[%add3A_246, %mul3A_4, %dma_start3A_249] : memref<10x10240x128xf32, #tpu.memory_space<hbm>> -> memref<1x640x128xf32, #tpu.memory_space<hbm>>
    %dma_start3A_251 = tpu.memref_squeeze %dma_start3A_250 : memref<1x640x128xf32, #tpu.memory_space<hbm>> -> memref<640x128xf32, #tpu.memory_space<hbm>>
    tpu.enqueue_dma source(%dma_start3A_251 : memref<640x128xf32, #tpu.memory_space<hbm>>) target(%dma_start3A_248 : memref<640x128xf32, #tpu.memory_space<vmem_shared>>) target_semaphore(%arg15 : memref<!tpu.dma_semaphore, #tpu.memory_space<semaphore_mem>>)
    %dma_wait3A_252 = arith.constant 0 : i32
    %dma_wait3A_253 = tpu.memref_slice %arg6[%mul3A_4, %dma_wait3A_252] : memref<10240x128xf32, #tpu.memory_space<vmem_shared>> -> memref<640x128xf32, #tpu.memory_space<vmem_shared>>
    %dma_wait3A_254 = arith.constant 0 : i32
    %dma_wait3A_255 = tpu.memref_slice %arg4[%add3A_246, %mul3A_4, %dma_wait3A_254] : memref<10x10240x128xf32, #tpu.memory_space<hbm>> -> memref<1x640x128xf32, #tpu.memory_space<hbm>>
    %dma_wait3A_256 = tpu.memref_squeeze %dma_wait3A_255 : memref<1x640x128xf32, #tpu.memory_space<hbm>> -> memref<640x128xf32, #tpu.memory_space<hbm>>
    tpu.wait_dma2 semaphore(%arg15 : memref<!tpu.dma_semaphore, #tpu.memory_space<semaphore_mem>>) src(%dma_wait3A_256 : memref<640x128xf32, #tpu.memory_space<hbm>>) dst(%dma_wait3A_253 : memref<640x128xf32, #tpu.memory_space<vmem_shared>>)
    %mul3A_257 = arith.constant 5 : i32
    %mul3A_258 = arith.muli %arg0, %mul3A_257 : i32
    %add3A_259 = arith.constant 4 : i32
    %add3A_260 = arith.addi %mul3A_258, %add3A_259 : i32
    %barrier3A_261 = arith.constant 0 : index
    tpu.barrier barrier_id(%barrier3A_261)
    %mul3A_262 = arith.constant 5120 : i32
    %mul3A_263 = arith.muli %arg1, %mul3A_262 : i32
    %add3A_264 = arith.constant 0 : i32
    %add3A_265 = arith.addi %mul3A_263, %add3A_264 : i32
    %dma_start3A_266 = arith.constant 0 : i32
    %dma_start3A_267 = tpu.memref_slice %arg2[%add3A_260, %add3A_265, %dma_start3A_266] : memref<10x81920x128xf32, #tpu.memory_space<hbm>> -> memref<1x128x128xf32, #tpu.memory_space<hbm>>
    %dma_start3A_268 = tpu.memref_squeeze %dma_start3A_267 : memref<1x128x128xf32, #tpu.memory_space<hbm>> -> memref<128x128xf32, #tpu.memory_space<hbm>>
    %dma_start3A_269 = arith.constant 0 : i32
    %dma_start3A_270 = tpu.memref_slice %arg2[%add3A_260, %add3A_265, %dma_start3A_269] : memref<10x81920x128xf32, #tpu.memory_space<hbm>> -> memref<1x128x128xf32, #tpu.memory_space<hbm>>
    %dma_start3A_271 = tpu.memref_squeeze %dma_start3A_270 : memref<1x128x128xf32, #tpu.memory_space<hbm>> -> memref<128x128xf32, #tpu.memory_space<hbm>>
    tpu.enqueue_dma source(%dma_start3A_271 : memref<128x128xf32, #tpu.memory_space<hbm>>) target(%arg7 : memref<128x128xf32, #tpu.memory_space<vmem>>) target_semaphore(%arg11 : memref<!tpu.dma_semaphore, #tpu.memory_space<semaphore_mem>>)
    %mul3A_272 = arith.constant 5120 : i32
    %mul3A_273 = arith.muli %arg1, %mul3A_272 : i32
    %add3A_274 = arith.constant 128 : i32
    %add3A_275 = arith.addi %mul3A_273, %add3A_274 : i32
    %dma_start3A_276 = arith.constant 0 : i32
    %dma_start3A_277 = tpu.memref_slice %arg2[%add3A_260, %add3A_275, %dma_start3A_276] : memref<10x81920x128xf32, #tpu.memory_space<hbm>> -> memref<1x128x128xf32, #tpu.memory_space<hbm>>
    %dma_start3A_278 = tpu.memref_squeeze %dma_start3A_277 : memref<1x128x128xf32, #tpu.memory_space<hbm>> -> memref<128x128xf32, #tpu.memory_space<hbm>>
    %dma_start3A_279 = arith.constant 0 : i32
    %dma_start3A_280 = tpu.memref_slice %arg2[%add3A_260, %add3A_275, %dma_start3A_279] : memref<10x81920x128xf32, #tpu.memory_space<hbm>> -> memref<1x128x128xf32, #tpu.memory_space<hbm>>
    %dma_start3A_281 = tpu.memref_squeeze %dma_start3A_280 : memref<1x128x128xf32, #tpu.memory_space<hbm>> -> memref<128x128xf32, #tpu.memory_space<hbm>>
    tpu.enqueue_dma source(%dma_start3A_281 : memref<128x128xf32, #tpu.memory_space<hbm>>) target(%arg8 : memref<128x128xf32, #tpu.memory_space<vmem>>) target_semaphore(%arg12 : memref<!tpu.dma_semaphore, #tpu.memory_space<semaphore_mem>>)
    %scan3A_282 = arith.constant 0 : i32
    %scan3A_283 = arith.constant 20 : i32
    %scan3A_284 = arith.addi %scan3A_282, %scan3A_283 : i32
    %scan3A_285 = arith.constant 1 : i32
    scf.for %scan3A_302 = %scan3A_282 to %scan3A_284 step %scan3A_285  : i32 {
      %mul3A_303 = arith.constant 2 : i32
      %mul3A_304 = arith.muli %scan3A_302, %mul3A_303 : i32
      %add3A_305 = arith.constant 0 : i32
      %add3A_306 = arith.addi %add3A_305, %mul3A_304 : i32
      %add3A_307 = arith.constant 0 : i32
      %add3A_308 = arith.addi %add3A_306, %add3A_307 : i32
      %dma_wait3A_309 = arith.constant 0 : i32
      %dma_wait3A_310 = arith.constant 0 : i32
      %dma_wait3A_311 = arith.constant 0 : i32
      %dma_wait3A_312 = tpu.memref_slice %arg2[%dma_wait3A_309, %dma_wait3A_310, %dma_wait3A_311] : memref<10x81920x128xf32, #tpu.memory_space<hbm>> -> memref<1x128x128xf32, #tpu.memory_space<hbm>>
      %dma_wait3A_313 = tpu.memref_squeeze %dma_wait3A_312 : memref<1x128x128xf32, #tpu.memory_space<hbm>> -> memref<128x128xf32, #tpu.memory_space<hbm>>
      %dma_wait3A_314 = arith.constant 0 : i32
      %dma_wait3A_315 = arith.constant 0 : i32
      %dma_wait3A_316 = tpu.memref_slice %arg2[%dma_wait3A_309, %dma_wait3A_314, %dma_wait3A_315] : memref<10x81920x128xf32, #tpu.memory_space<hbm>> -> memref<1x128x128xf32, #tpu.memory_space<hbm>>
      %dma_wait3A_317 = tpu.memref_squeeze %dma_wait3A_316 : memref<1x128x128xf32, #tpu.memory_space<hbm>> -> memref<128x128xf32, #tpu.memory_space<hbm>>
      tpu.wait_dma2 semaphore(%arg11 : memref<!tpu.dma_semaphore, #tpu.memory_space<semaphore_mem>>) src(%dma_wait3A_317 : memref<128x128xf32, #tpu.memory_space<hbm>>) dst(%arg7 : memref<128x128xf32, #tpu.memory_space<vmem>>)
      %dma_start3A_318 = arith.constant 0 : i32
      %dma_start3A_319 = tpu.memref_slice %arg9[%add3A_308, %dma_start3A_318] : memref<40x128xi32, #tpu.memory_space<vmem>> -> memref<1x128xi32, #tpu.memory_space<vmem>>
      %dma_start3A_320 = tpu.memref_squeeze %dma_start3A_319 : memref<1x128xi32, #tpu.memory_space<vmem>> -> memref<128xi32, #tpu.memory_space<vmem>>
      %dma_start3A_321 = arith.constant 0 : i32
      %dma_start3A_322 = arith.constant 0 : i32
      %dma_start3A_323 = tpu.memref_slice %arg6[%dma_start3A_321, %dma_start3A_322] : memref<10240x128xf32, #tpu.memory_space<vmem_shared>> -> memref<10240x128xf32, #tpu.memory_space<vmem_shared>>
      tpu.enqueue_indirect_dma source(%arg7 : memref<128x128xf32, #tpu.memory_space<vmem>>) target(%dma_start3A_323 : memref<10240x128xf32, #tpu.memory_space<vmem_shared>>) offsets(%dma_start3A_320 : memref<128xi32, #tpu.memory_space<vmem>>) semaphore(%arg13 : memref<!tpu.dma_semaphore, #tpu.memory_space<semaphore_mem>>) {add = true}
      %add3A_324 = arith.constant 2 : i32
      %add3A_325 = arith.addi %add3A_308, %add3A_324 : i32
      %lt3A = arith.constant 40 : i32
      %lt3A_326 = arith.cmpi slt, %add3A_325, %lt3A : i32
      %convert_element_type3A = arith.extui %lt3A_326 : i1 to i32
      %cond3A = arith.constant 0 : i32
      %cond3A_327 = arith.cmpi ne, %convert_element_type3A, %cond3A : i32
      scf.if %cond3A_327 {
        %dma_wait3A_352 = arith.constant 0 : i32
        %dma_wait3A_353 = arith.constant 0 : i32
        %dma_wait3A_354 = tpu.memref_slice %arg9[%dma_wait3A_352, %dma_wait3A_353] : memref<40x128xi32, #tpu.memory_space<vmem>> -> memref<1x128xi32, #tpu.memory_space<vmem>>
        %dma_wait3A_355 = tpu.memref_squeeze %dma_wait3A_354 : memref<1x128xi32, #tpu.memory_space<vmem>> -> memref<128xi32, #tpu.memory_space<vmem>>
        %dma_wait3A_356 = arith.constant 0 : i32
        %dma_wait3A_357 = arith.constant 0 : i32
        %dma_wait3A_358 = tpu.memref_slice %arg6[%dma_wait3A_356, %dma_wait3A_357] : memref<10240x128xf32, #tpu.memory_space<vmem_shared>> -> memref<10240x128xf32, #tpu.memory_space<vmem_shared>>
        tpu.wait_indirect_dma semaphore(%arg13 : memref<!tpu.dma_semaphore, #tpu.memory_space<semaphore_mem>>) src(%arg7 : memref<128x128xf32, #tpu.memory_space<vmem>>) dst(%dma_wait3A_358 : memref<10240x128xf32, #tpu.memory_space<vmem_shared>>)
        %mul3A_359 = arith.constant 5120 : i32
        %mul3A_360 = arith.muli %arg1, %mul3A_359 : i32
        %mul3A_361 = arith.constant 128 : i32
        %mul3A_362 = arith.muli %add3A_325, %mul3A_361 : i32
        %add3A_363 = arith.addi %mul3A_360, %mul3A_362 : i32
        %dma_start3A_364 = arith.constant 0 : i32
        %dma_start3A_365 = tpu.memref_slice %arg2[%add3A_260, %add3A_363, %dma_start3A_364] : memref<10x81920x128xf32, #tpu.memory_space<hbm>> -> memref<1x128x128xf32, #tpu.memory_space<hbm>>
        %dma_start3A_366 = tpu.memref_squeeze %dma_start3A_365 : memref<1x128x128xf32, #tpu.memory_space<hbm>> -> memref<128x128xf32, #tpu.memory_space<hbm>>
        %dma_start3A_367 = arith.constant 0 : i32
        %dma_start3A_368 = tpu.memref_slice %arg2[%add3A_260, %add3A_363, %dma_start3A_367] : memref<10x81920x128xf32, #tpu.memory_space<hbm>> -> memref<1x128x128xf32, #tpu.memory_space<hbm>>
        %dma_start3A_369 = tpu.memref_squeeze %dma_start3A_368 : memref<1x128x128xf32, #tpu.memory_space<hbm>> -> memref<128x128xf32, #tpu.memory_space<hbm>>
        tpu.enqueue_dma source(%dma_start3A_369 : memref<128x128xf32, #tpu.memory_space<hbm>>) target(%arg7 : memref<128x128xf32, #tpu.memory_space<vmem>>) target_semaphore(%arg11 : memref<!tpu.dma_semaphore, #tpu.memory_space<semaphore_mem>>)
      } else {
      }
      %add3A_328 = arith.constant 1 : i32
      %add3A_329 = arith.addi %add3A_306, %add3A_328 : i32
      %dma_wait3A_330 = arith.constant 0 : i32
      %dma_wait3A_331 = arith.constant 0 : i32
      %dma_wait3A_332 = arith.constant 0 : i32
      %dma_wait3A_333 = tpu.memref_slice %arg2[%dma_wait3A_330, %dma_wait3A_331, %dma_wait3A_332] : memref<10x81920x128xf32, #tpu.memory_space<hbm>> -> memref<1x128x128xf32, #tpu.memory_space<hbm>>
      %dma_wait3A_334 = tpu.memref_squeeze %dma_wait3A_333 : memref<1x128x128xf32, #tpu.memory_space<hbm>> -> memref<128x128xf32, #tpu.memory_space<hbm>>
      %dma_wait3A_335 = arith.constant 0 : i32
      %dma_wait3A_336 = arith.constant 0 : i32
      %dma_wait3A_337 = tpu.memref_slice %arg2[%dma_wait3A_330, %dma_wait3A_335, %dma_wait3A_336] : memref<10x81920x128xf32, #tpu.memory_space<hbm>> -> memref<1x128x128xf32, #tpu.memory_space<hbm>>
      %dma_wait3A_338 = tpu.memref_squeeze %dma_wait3A_337 : memref<1x128x128xf32, #tpu.memory_space<hbm>> -> memref<128x128xf32, #tpu.memory_space<hbm>>
      tpu.wait_dma2 semaphore(%arg12 : memref<!tpu.dma_semaphore, #tpu.memory_space<semaphore_mem>>) src(%dma_wait3A_338 : memref<128x128xf32, #tpu.memory_space<hbm>>) dst(%arg8 : memref<128x128xf32, #tpu.memory_space<vmem>>)
      %dma_start3A_339 = arith.constant 0 : i32
      %dma_start3A_340 = tpu.memref_slice %arg9[%add3A_329, %dma_start3A_339] : memref<40x128xi32, #tpu.memory_space<vmem>> -> memref<1x128xi32, #tpu.memory_space<vmem>>
      %dma_start3A_341 = tpu.memref_squeeze %dma_start3A_340 : memref<1x128xi32, #tpu.memory_space<vmem>> -> memref<128xi32, #tpu.memory_space<vmem>>
      %dma_start3A_342 = arith.constant 0 : i32
      %dma_start3A_343 = arith.constant 0 : i32
      %dma_start3A_344 = tpu.memref_slice %arg6[%dma_start3A_342, %dma_start3A_343] : memref<10240x128xf32, #tpu.memory_space<vmem_shared>> -> memref<10240x128xf32, #tpu.memory_space<vmem_shared>>
      tpu.enqueue_indirect_dma source(%arg8 : memref<128x128xf32, #tpu.memory_space<vmem>>) target(%dma_start3A_344 : memref<10240x128xf32, #tpu.memory_space<vmem_shared>>) offsets(%dma_start3A_341 : memref<128xi32, #tpu.memory_space<vmem>>) semaphore(%arg14 : memref<!tpu.dma_semaphore, #tpu.memory_space<semaphore_mem>>) {add = true}
      %add3A_345 = arith.constant 2 : i32
      %add3A_346 = arith.addi %add3A_329, %add3A_345 : i32
      %lt3A_347 = arith.constant 40 : i32
      %lt3A_348 = arith.cmpi slt, %add3A_346, %lt3A_347 : i32
      %convert_element_type3A_349 = arith.extui %lt3A_348 : i1 to i32
      %cond3A_350 = arith.constant 0 : i32
      %cond3A_351 = arith.cmpi ne, %convert_element_type3A_349, %cond3A_350 : i32
      scf.if %cond3A_351 {
        %dma_wait3A_352 = arith.constant 0 : i32
        %dma_wait3A_353 = arith.constant 0 : i32
        %dma_wait3A_354 = tpu.memref_slice %arg9[%dma_wait3A_352, %dma_wait3A_353] : memref<40x128xi32, #tpu.memory_space<vmem>> -> memref<1x128xi32, #tpu.memory_space<vmem>>
        %dma_wait3A_355 = tpu.memref_squeeze %dma_wait3A_354 : memref<1x128xi32, #tpu.memory_space<vmem>> -> memref<128xi32, #tpu.memory_space<vmem>>
        %dma_wait3A_356 = arith.constant 0 : i32
        %dma_wait3A_357 = arith.constant 0 : i32
        %dma_wait3A_358 = tpu.memref_slice %arg6[%dma_wait3A_356, %dma_wait3A_357] : memref<10240x128xf32, #tpu.memory_space<vmem_shared>> -> memref<10240x128xf32, #tpu.memory_space<vmem_shared>>
        tpu.wait_indirect_dma semaphore(%arg14 : memref<!tpu.dma_semaphore, #tpu.memory_space<semaphore_mem>>) src(%arg8 : memref<128x128xf32, #tpu.memory_space<vmem>>) dst(%dma_wait3A_358 : memref<10240x128xf32, #tpu.memory_space<vmem_shared>>)
        %mul3A_359 = arith.constant 5120 : i32
        %mul3A_360 = arith.muli %arg1, %mul3A_359 : i32
        %mul3A_361 = arith.constant 128 : i32
        %mul3A_362 = arith.muli %add3A_346, %mul3A_361 : i32
        %add3A_363 = arith.addi %mul3A_360, %mul3A_362 : i32
        %dma_start3A_364 = arith.constant 0 : i32
        %dma_start3A_365 = tpu.memref_slice %arg2[%add3A_260, %add3A_363, %dma_start3A_364] : memref<10x81920x128xf32, #tpu.memory_space<hbm>> -> memref<1x128x128xf32, #tpu.memory_space<hbm>>
        %dma_start3A_366 = tpu.memref_squeeze %dma_start3A_365 : memref<1x128x128xf32, #tpu.memory_space<hbm>> -> memref<128x128xf32, #tpu.memory_space<hbm>>
        %dma_start3A_367 = arith.constant 0 : i32
        %dma_start3A_368 = tpu.memref_slice %arg2[%add3A_260, %add3A_363, %dma_start3A_367] : memref<10x81920x128xf32, #tpu.memory_space<hbm>> -> memref<1x128x128xf32, #tpu.memory_space<hbm>>
        %dma_start3A_369 = tpu.memref_squeeze %dma_start3A_368 : memref<1x128x128xf32, #tpu.memory_space<hbm>> -> memref<128x128xf32, #tpu.memory_space<hbm>>
        tpu.enqueue_dma source(%dma_start3A_369 : memref<128x128xf32, #tpu.memory_space<hbm>>) target(%arg8 : memref<128x128xf32, #tpu.memory_space<vmem>>) target_semaphore(%arg12 : memref<!tpu.dma_semaphore, #tpu.memory_space<semaphore_mem>>)
      } else {
      }
    }
    %scan3A_286 = arith.constant 20 : i32
    %dma_wait3A_287 = arith.constant 0 : i32
    %dma_wait3A_288 = arith.constant 0 : i32
    %dma_wait3A_289 = tpu.memref_slice %arg9[%dma_wait3A_287, %dma_wait3A_288] : memref<40x128xi32, #tpu.memory_space<vmem>> -> memref<1x128xi32, #tpu.memory_space<vmem>>
    %dma_wait3A_290 = tpu.memref_squeeze %dma_wait3A_289 : memref<1x128xi32, #tpu.memory_space<vmem>> -> memref<128xi32, #tpu.memory_space<vmem>>
    %dma_wait3A_291 = arith.constant 0 : i32
    %dma_wait3A_292 = arith.constant 0 : i32
    %dma_wait3A_293 = tpu.memref_slice %arg6[%dma_wait3A_291, %dma_wait3A_292] : memref<10240x128xf32, #tpu.memory_space<vmem_shared>> -> memref<10240x128xf32, #tpu.memory_space<vmem_shared>>
    tpu.wait_indirect_dma semaphore(%arg13 : memref<!tpu.dma_semaphore, #tpu.memory_space<semaphore_mem>>) src(%arg7 : memref<128x128xf32, #tpu.memory_space<vmem>>) dst(%dma_wait3A_293 : memref<10240x128xf32, #tpu.memory_space<vmem_shared>>)
    %dma_wait3A_294 = arith.constant 0 : i32
    %dma_wait3A_295 = arith.constant 0 : i32
    %dma_wait3A_296 = tpu.memref_slice %arg9[%dma_wait3A_294, %dma_wait3A_295] : memref<40x128xi32, #tpu.memory_space<vmem>> -> memref<1x128xi32, #tpu.memory_space<vmem>>
    %dma_wait3A_297 = tpu.memref_squeeze %dma_wait3A_296 : memref<1x128xi32, #tpu.memory_space<vmem>> -> memref<128xi32, #tpu.memory_space<vmem>>
    %dma_wait3A_298 = arith.constant 0 : i32
    %dma_wait3A_299 = arith.constant 0 : i32
    %dma_wait3A_300 = tpu.memref_slice %arg6[%dma_wait3A_298, %dma_wait3A_299] : memref<10240x128xf32, #tpu.memory_space<vmem_shared>> -> memref<10240x128xf32, #tpu.memory_space<vmem_shared>>
    tpu.wait_indirect_dma semaphore(%arg14 : memref<!tpu.dma_semaphore, #tpu.memory_space<semaphore_mem>>) src(%arg8 : memref<128x128xf32, #tpu.memory_space<vmem>>) dst(%dma_wait3A_300 : memref<10240x128xf32, #tpu.memory_space<vmem_shared>>)
    %barrier3A_301 = arith.constant 0 : index
    tpu.barrier barrier_id(%barrier3A_301)
    "tpu.region"() ({
      %run_scoped3A = tpu.sem_alloc : memref<!tpu.dma_semaphore, #tpu.memory_space<semaphore_mem>>
      %dma_start3A_302 = arith.constant 0 : i32
      %dma_start3A_303 = tpu.memref_slice %arg5[%add3A_260, %mul3A_4, %dma_start3A_302] : memref<10x10240x128xf32, #tpu.memory_space<hbm>> -> memref<1x640x128xf32, #tpu.memory_space<hbm>>
      %dma_start3A_304 = tpu.memref_squeeze %dma_start3A_303 : memref<1x640x128xf32, #tpu.memory_space<hbm>> -> memref<640x128xf32, #tpu.memory_space<hbm>>
      %dma_start3A_305 = arith.constant 0 : i32
      %dma_start3A_306 = tpu.memref_slice %arg6[%mul3A_4, %dma_start3A_305] : memref<10240x128xf32, #tpu.memory_space<vmem_shared>> -> memref<640x128xf32, #tpu.memory_space<vmem_shared>>
      tpu.enqueue_dma source(%dma_start3A_306 : memref<640x128xf32, #tpu.memory_space<vmem_shared>>) target(%dma_start3A_304 : memref<640x128xf32, #tpu.memory_space<hbm>>) target_semaphore(%run_scoped3A : memref<!tpu.dma_semaphore, #tpu.memory_space<semaphore_mem>>)
      %dma_wait3A_307 = arith.constant 0 : i32
      %dma_wait3A_308 = tpu.memref_slice %arg5[%add3A_260, %mul3A_4, %dma_wait3A_307] : memref<10x10240x128xf32, #tpu.memory_space<hbm>> -> memref<1x640x128xf32, #tpu.memory_space<hbm>>
      %dma_wait3A_309 = tpu.memref_squeeze %dma_wait3A_308 : memref<1x640x128xf32, #tpu.memory_space<hbm>> -> memref<640x128xf32, #tpu.memory_space<hbm>>
      %dma_wait3A_310 = arith.constant 0 : i32
      %dma_wait3A_311 = tpu.memref_slice %arg6[%mul3A_4, %dma_wait3A_310] : memref<10240x128xf32, #tpu.memory_space<vmem_shared>> -> memref<640x128xf32, #tpu.memory_space<vmem_shared>>
      tpu.wait_dma2 semaphore(%run_scoped3A : memref<!tpu.dma_semaphore, #tpu.memory_space<semaphore_mem>>) src(%dma_wait3A_311 : memref<640x128xf32, #tpu.memory_space<vmem_shared>>) dst(%dma_wait3A_309 : memref<640x128xf32, #tpu.memory_space<hbm>>)
      tpu.yield
    }) : () -> ()
    return
  }
}

module attributes {stable_mosaic.version = 14 : i64} {
  func.func @body(%arg0: i32, %arg1: memref<6x1280xf32, #tpu.memory_space<vmem>>, %arg2: memref<1280x32xf32, #tpu.memory_space<vmem>>, %arg3: memref<128x128xf32, #tpu.memory_space<vmem>>, %arg4: memref<256x128xf32, #tpu.memory_space<vmem>>, %arg5: memref<1x128xf32, #tpu.memory_space<vmem>>, %arg6: memref<32x128xf32, #tpu.memory_space<vmem>>, %arg7: memref<1x128xf32, #tpu.memory_space<vmem>>, %arg8: memref<32x128xf32, #tpu.memory_space<vmem>>, %arg9: memref<1x128xf32, #tpu.memory_space<vmem>>, %arg10: memref<32x128xf32, #tpu.memory_space<vmem>>, %arg11: memref<1x128xf32, #tpu.memory_space<vmem>>, %arg12: memref<10x1280x128xf32, #tpu.memory_space<vmem>>) attributes {dimension_semantics = [#tpu.dimension_semantics<arbitrary>], iteration_bounds = array<i64: 64>, scalar_prefetch = 0 : i64, scratch_operands = 0 : i64, tpu.core_type = #tpu.core_type<tc>, window_params = [{transform_indices = @transform_0, window_bounds = array<i64: 6, 1280>}, {transform_indices = @transform_1, window_bounds = array<i64: 1280, 32>}, {pipeline_mode = #tpu.pipeline_mode<synchronous>, transform_indices = @transform_2, window_bounds = array<i64: 128, 128>}, {pipeline_mode = #tpu.pipeline_mode<synchronous>, transform_indices = @transform_3, window_bounds = array<i64: 256, 128>}, {pipeline_mode = #tpu.pipeline_mode<synchronous>, transform_indices = @transform_4, window_bounds = array<i64: 1, 128>}, {pipeline_mode = #tpu.pipeline_mode<synchronous>, transform_indices = @transform_5, window_bounds = array<i64: 32, 128>}, {pipeline_mode = #tpu.pipeline_mode<synchronous>, transform_indices = @transform_6, window_bounds = array<i64: 1, 128>}, {pipeline_mode = #tpu.pipeline_mode<synchronous>, transform_indices = @transform_7, window_bounds = array<i64: 32, 128>}, {pipeline_mode = #tpu.pipeline_mode<synchronous>, transform_indices = @transform_8, window_bounds = array<i64: 1, 128>}, {pipeline_mode = #tpu.pipeline_mode<synchronous>, transform_indices = @transform_9, window_bounds = array<i64: 32, 128>}, {pipeline_mode = #tpu.pipeline_mode<synchronous>, transform_indices = @transform_10, window_bounds = array<i64: 1, 128>}, {transform_indices = @transform_11, window_bounds = array<i64: 10, 1280, 128>}]} {
    %get3A = arith.constant 0 : index
    %get3A_0 = arith.constant 0 : index
    %get3A_1 = vector.load %arg3[%get3A, %get3A_0] : memref<128x128xf32, #tpu.memory_space<vmem>>, vector<128x128xf32>
    %get3A_2 = arith.constant 0 : index
    %get3A_3 = arith.constant 0 : index
    %get3A_4 = vector.load %arg4[%get3A_2, %get3A_3] : memref<256x128xf32, #tpu.memory_space<vmem>>, vector<128x128xf32>
    %dot_general3A = arith.constant dense<0.000000e+00> : vector<128x128xf32>
    %dot_general3A_5 = tpu.matmul %get3A_1, %get3A_4, %dot_general3A {dimension_numbers = #tpu.dot_dimension_numbers<[1], [0], [0], [1], [0, 0, 1, 1], [], []>, transpose_lhs_hint = false} : vector<128x128xf32>, vector<128x128xf32>, vector<128x128xf32> -> vector<128x128xf32>
    %get3A_6 = arith.constant 0 : index
    %get3A_7 = arith.constant 0 : index
    %get3A_8 = vector.load %arg3[%get3A_6, %get3A_7] : memref<128x128xf32, #tpu.memory_space<vmem>>, vector<128x128xf32>
    %get3A_9 = arith.constant 128 : index
    %get3A_10 = arith.constant 0 : index
    %get3A_11 = vector.load %arg4[%get3A_9, %get3A_10] : memref<256x128xf32, #tpu.memory_space<vmem>>, vector<128x128xf32>
    %dot_general3A_12 = arith.constant dense<0.000000e+00> : vector<128x128xf32>
    %dot_general3A_13 = tpu.matmul %get3A_8, %get3A_11, %dot_general3A_12 {dimension_numbers = #tpu.dot_dimension_numbers<[1], [0], [0], [1], [0, 0, 1, 1], [], []>, transpose_lhs_hint = false} : vector<128x128xf32>, vector<128x128xf32>, vector<128x128xf32> -> vector<128x128xf32>
    %broadcast_in_dim3A = arith.constant 1.000000e+00 : f32
    %broadcast_in_dim3A_14 = vector.broadcast %broadcast_in_dim3A : f32 to vector<1x128xf32>
    %get3A_15 = arith.constant 0 : index
    %get3A_16 = arith.constant 0 : index
    %get3A_17 = vector.load %arg1[%get3A_15, %get3A_16] : memref<6x1280xf32, #tpu.memory_space<vmem>>, vector<6x1280xf32>
    %slice3A = vector.extract_strided_slice %get3A_17 {offsets = [0, 0], sizes = [1, 1280], strides = [1, 1]} : vector<6x1280xf32> to vector<1x1280xf32>
    %dot_general3A_18 = arith.constant dense<0.000000e+00> : vector<1280x128xf32>
    %dot_general3A_19 = tpu.matmul %slice3A, %broadcast_in_dim3A_14, %dot_general3A_18 {dimension_numbers = #tpu.dot_dimension_numbers<[0], [0], [1], [1], [0, 1, 1, 1], [], []>, transpose_lhs_hint = false} : vector<1x1280xf32>, vector<1x128xf32>, vector<1280x128xf32> -> vector<1280x128xf32>
    %slice3A_20 = vector.extract_strided_slice %get3A_17 {offsets = [1, 0], sizes = [1, 1280], strides = [1, 1]} : vector<6x1280xf32> to vector<1x1280xf32>
    %dot_general3A_21 = arith.constant dense<0.000000e+00> : vector<1280x128xf32>
    %dot_general3A_22 = tpu.matmul %slice3A_20, %broadcast_in_dim3A_14, %dot_general3A_21 {dimension_numbers = #tpu.dot_dimension_numbers<[0], [0], [1], [1], [0, 1, 1, 1], [], []>, transpose_lhs_hint = false} : vector<1x1280xf32>, vector<1x128xf32>, vector<1280x128xf32> -> vector<1280x128xf32>
    %iota3A = tpu.iota {dimensions = array<i32: 1>} : vector<1280x128xi32>
    %convert_element_type3A = arith.sitofp %iota3A : vector<1280x128xi32> to vector<1280x128xf32>
    %eq3A = arith.cmpf oeq, %dot_general3A_19, %convert_element_type3A : vector<1280x128xf32>
    %convert_element_type3A_23 = arith.extui %eq3A : vector<1280x128xi1> to vector<1280x128xi32>
    %convert_element_type3A_24 = arith.sitofp %convert_element_type3A_23 : vector<1280x128xi32> to vector<1280x128xf32>
    %eq3A_25 = arith.cmpf oeq, %dot_general3A_22, %convert_element_type3A : vector<1280x128xf32>
    %convert_element_type3A_26 = arith.extui %eq3A_25 : vector<1280x128xi1> to vector<1280x128xi32>
    %convert_element_type3A_27 = arith.sitofp %convert_element_type3A_26 : vector<1280x128xi32> to vector<1280x128xf32>
    %dot_general3A_28 = arith.constant dense<0.000000e+00> : vector<1280x128xf32>
    %dot_general3A_29 = tpu.matmul %convert_element_type3A_24, %dot_general3A_5, %dot_general3A_28 {dimension_numbers = #tpu.dot_dimension_numbers<[1], [0], [0], [1], [0, 0, 1, 1], [], []>, transpose_lhs_hint = false} : vector<1280x128xf32>, vector<128x128xf32>, vector<1280x128xf32> -> vector<1280x128xf32>
    %dot_general3A_30 = arith.constant dense<0.000000e+00> : vector<1280x128xf32>
    %dot_general3A_31 = tpu.matmul %convert_element_type3A_27, %dot_general3A_13, %dot_general3A_30 {dimension_numbers = #tpu.dot_dimension_numbers<[1], [0], [0], [1], [0, 0, 1, 1], [], []>, transpose_lhs_hint = false} : vector<1280x128xf32>, vector<128x128xf32>, vector<1280x128xf32> -> vector<1280x128xf32>
    %add3A = arith.addf %dot_general3A_29, %dot_general3A_31 : vector<1280x128xf32>
    %get3A_32 = arith.constant 0 : index
    %get3A_33 = arith.constant 0 : index
    %get3A_34 = vector.load %arg5[%get3A_32, %get3A_33] : memref<1x128xf32, #tpu.memory_space<vmem>>, vector<1x128xf32>
    %add3A_35 = vector.broadcast %get3A_34 : vector<1x128xf32> to vector<1280x128xf32>
    %add3A_36 = arith.addf %add3A, %add3A_35 : vector<1280x128xf32>
    %slice3A_37 = vector.extract_strided_slice %get3A_17 {offsets = [2, 0], sizes = [1, 1280], strides = [1, 1]} : vector<6x1280xf32> to vector<1x1280xf32>
    %mul3A = arith.constant 0.628318548 : f32
    %mul3A_38 = vector.broadcast %mul3A : f32 to vector<1x1280xf32>
    %mul3A_39 = arith.mulf %slice3A_37, %mul3A_38 : vector<1x1280xf32>
    %cos3A = math.cos %mul3A_39 : vector<1x1280xf32>
    %add3A_40 = arith.constant 1.000000e+00 : f32
    %add3A_41 = vector.broadcast %add3A_40 : f32 to vector<1x1280xf32>
    %add3A_42 = arith.addf %cos3A, %add3A_41 : vector<1x1280xf32>
    %mul3A_43 = arith.constant 5.000000e-01 : f32
    %mul3A_44 = vector.broadcast %mul3A_43 : f32 to vector<1x1280xf32>
    %mul3A_45 = arith.mulf %mul3A_44, %add3A_42 : vector<1x1280xf32>
    %lt3A = arith.constant 5.000000e+00 : f32
    %lt3A_46 = vector.broadcast %lt3A : f32 to vector<1x1280xf32>
    %lt3A_47 = arith.cmpf olt, %slice3A_37, %lt3A_46 : vector<1x1280xf32>
    %jit3A = arith.constant 0.000000e+00 : f32
    %broadcast_in_dim3A_48 = vector.broadcast %jit3A : f32 to vector<1x1280xf32>
    %select_n3A = arith.select %lt3A_47, %mul3A_45, %broadcast_in_dim3A_48 : vector<1x1280xi1>, vector<1x1280xf32>
    %dot_general3A_49 = arith.constant dense<0.000000e+00> : vector<1280x128xf32>
    %dot_general3A_50 = tpu.matmul %select_n3A, %broadcast_in_dim3A_14, %dot_general3A_49 {dimension_numbers = #tpu.dot_dimension_numbers<[0], [0], [1], [1], [0, 1, 1, 1], [], []>, precision = #tpu.contract_precision<fp32>, transpose_lhs_hint = false} : vector<1x1280xf32>, vector<1x128xf32>, vector<1280x128xf32> -> vector<1280x128xf32>
    %mul3A_51 = arith.mulf %dot_general3A_50, %add3A_36 : vector<1280x128xf32>
    %get3A_52 = arith.constant 0 : index
    %get3A_53 = arith.constant 0 : index
    %get3A_54 = vector.load %arg2[%get3A_52, %get3A_53] : memref<1280x32xf32, #tpu.memory_space<vmem>>, vector<1280x32xf32>
    %get3A_55 = arith.constant 0 : index
    %get3A_56 = arith.constant 0 : index
    %get3A_57 = vector.load %arg6[%get3A_55, %get3A_56] : memref<32x128xf32, #tpu.memory_space<vmem>>, vector<32x128xf32>
    %dot_general3A_58 = arith.constant dense<0.000000e+00> : vector<1280x128xf32>
    %dot_general3A_59 = tpu.matmul %get3A_54, %get3A_57, %dot_general3A_58 {dimension_numbers = #tpu.dot_dimension_numbers<[1], [0], [0], [1], [0, 0, 1, 1], [], []>, transpose_lhs_hint = false} : vector<1280x32xf32>, vector<32x128xf32>, vector<1280x128xf32> -> vector<1280x128xf32>
    %get3A_60 = arith.constant 0 : index
    %get3A_61 = arith.constant 0 : index
    %get3A_62 = vector.load %arg7[%get3A_60, %get3A_61] : memref<1x128xf32, #tpu.memory_space<vmem>>, vector<1x128xf32>
    %add3A_63 = vector.broadcast %get3A_62 : vector<1x128xf32> to vector<1280x128xf32>
    %add3A_64 = arith.addf %dot_general3A_59, %add3A_63 : vector<1280x128xf32>
    %get3A_65 = arith.constant 0 : index
    %get3A_66 = arith.constant 0 : index
    %get3A_67 = vector.load %arg8[%get3A_65, %get3A_66] : memref<32x128xf32, #tpu.memory_space<vmem>>, vector<32x128xf32>
    %dot_general3A_68 = arith.constant dense<0.000000e+00> : vector<1280x128xf32>
    %dot_general3A_69 = tpu.matmul %get3A_54, %get3A_67, %dot_general3A_68 {dimension_numbers = #tpu.dot_dimension_numbers<[1], [0], [0], [1], [0, 0, 1, 1], [], []>, transpose_lhs_hint = false} : vector<1280x32xf32>, vector<32x128xf32>, vector<1280x128xf32> -> vector<1280x128xf32>
    %get3A_70 = arith.constant 0 : index
    %get3A_71 = arith.constant 0 : index
    %get3A_72 = vector.load %arg9[%get3A_70, %get3A_71] : memref<1x128xf32, #tpu.memory_space<vmem>>, vector<1x128xf32>
    %add3A_73 = vector.broadcast %get3A_72 : vector<1x128xf32> to vector<1280x128xf32>
    %add3A_74 = arith.addf %dot_general3A_69, %add3A_73 : vector<1280x128xf32>
    %get3A_75 = arith.constant 0 : index
    %get3A_76 = arith.constant 0 : index
    %get3A_77 = vector.load %arg10[%get3A_75, %get3A_76] : memref<32x128xf32, #tpu.memory_space<vmem>>, vector<32x128xf32>
    %dot_general3A_78 = arith.constant dense<0.000000e+00> : vector<1280x128xf32>
    %dot_general3A_79 = tpu.matmul %get3A_54, %get3A_77, %dot_general3A_78 {dimension_numbers = #tpu.dot_dimension_numbers<[1], [0], [0], [1], [0, 0, 1, 1], [], []>, transpose_lhs_hint = false} : vector<1280x32xf32>, vector<32x128xf32>, vector<1280x128xf32> -> vector<1280x128xf32>
    %get3A_80 = arith.constant 0 : index
    %get3A_81 = arith.constant 0 : index
    %get3A_82 = vector.load %arg11[%get3A_80, %get3A_81] : memref<1x128xf32, #tpu.memory_space<vmem>>, vector<1x128xf32>
    %add3A_83 = vector.broadcast %get3A_82 : vector<1x128xf32> to vector<1280x128xf32>
    %add3A_84 = arith.addf %dot_general3A_79, %add3A_83 : vector<1280x128xf32>
    %mul3A_85 = arith.mulf %add3A_64, %mul3A_51 : vector<1280x128xf32>
    %mul3A_86 = arith.mulf %add3A_74, %mul3A_51 : vector<1280x128xf32>
    %mul3A_87 = arith.mulf %add3A_84, %mul3A_51 : vector<1280x128xf32>
    %slice3A_88 = vector.extract_strided_slice %get3A_17 {offsets = [3, 0], sizes = [1, 1280], strides = [1, 1]} : vector<6x1280xf32> to vector<1x1280xf32>
    %dot_general3A_89 = arith.constant dense<0.000000e+00> : vector<1280x128xf32>
    %dot_general3A_90 = tpu.matmul %slice3A_88, %broadcast_in_dim3A_14, %dot_general3A_89 {dimension_numbers = #tpu.dot_dimension_numbers<[0], [0], [1], [1], [0, 1, 1, 1], [], []>, precision = #tpu.contract_precision<fp32>, transpose_lhs_hint = false} : vector<1x1280xf32>, vector<1x128xf32>, vector<1280x128xf32> -> vector<1280x128xf32>
    %slice3A_91 = vector.extract_strided_slice %get3A_17 {offsets = [4, 0], sizes = [1, 1280], strides = [1, 1]} : vector<6x1280xf32> to vector<1x1280xf32>
    %dot_general3A_92 = arith.constant dense<0.000000e+00> : vector<1280x128xf32>
    %dot_general3A_93 = tpu.matmul %slice3A_91, %broadcast_in_dim3A_14, %dot_general3A_92 {dimension_numbers = #tpu.dot_dimension_numbers<[0], [0], [1], [1], [0, 1, 1, 1], [], []>, precision = #tpu.contract_precision<fp32>, transpose_lhs_hint = false} : vector<1x1280xf32>, vector<1x128xf32>, vector<1280x128xf32> -> vector<1280x128xf32>
    %slice3A_94 = vector.extract_strided_slice %get3A_17 {offsets = [5, 0], sizes = [1, 1280], strides = [1, 1]} : vector<6x1280xf32> to vector<1x1280xf32>
    %dot_general3A_95 = arith.constant dense<0.000000e+00> : vector<1280x128xf32>
    %dot_general3A_96 = tpu.matmul %slice3A_94, %broadcast_in_dim3A_14, %dot_general3A_95 {dimension_numbers = #tpu.dot_dimension_numbers<[0], [0], [1], [1], [0, 1, 1, 1], [], []>, precision = #tpu.contract_precision<fp32>, transpose_lhs_hint = false} : vector<1x1280xf32>, vector<1x128xf32>, vector<1280x128xf32> -> vector<1280x128xf32>
    %swap3A = arith.constant 0 : index
    %swap3A_97 = arith.constant 0 : index
    %swap3A_98 = arith.constant 0 : index
    %swap3A_99 = vector.load %arg12[%swap3A, %swap3A_97, %swap3A_98] : memref<10x1280x128xf32, #tpu.memory_space<vmem>>, vector<1x1280x128xf32>
    %swap3A_100 = vector.shape_cast %swap3A_99 : vector<1x1280x128xf32> to vector<1280x128xf32>
    %swap3A_101 = vector.shape_cast %mul3A_85 : vector<1280x128xf32> to vector<1x1280x128xf32>
    tpu.vector_store %arg12[%swap3A, %swap3A_97, %swap3A_98], %swap3A_101 {strides = array<i32>} : memref<10x1280x128xf32, #tpu.memory_space<vmem>>, vector<1x1280x128xf32>,
    %mul3A_102 = arith.mulf %mul3A_86, %dot_general3A_90 : vector<1280x128xf32>
    %swap3A_103 = arith.constant 1 : index
    %swap3A_104 = arith.constant 0 : index
    %swap3A_105 = arith.constant 0 : index
    %swap3A_106 = vector.load %arg12[%swap3A_103, %swap3A_104, %swap3A_105] : memref<10x1280x128xf32, #tpu.memory_space<vmem>>, vector<1x1280x128xf32>
    %swap3A_107 = vector.shape_cast %swap3A_106 : vector<1x1280x128xf32> to vector<1280x128xf32>
    %swap3A_108 = vector.shape_cast %mul3A_102 : vector<1280x128xf32> to vector<1x1280x128xf32>
    tpu.vector_store %arg12[%swap3A_103, %swap3A_104, %swap3A_105], %swap3A_108 {strides = array<i32>} : memref<10x1280x128xf32, #tpu.memory_space<vmem>>, vector<1x1280x128xf32>,
    %mul3A_109 = arith.mulf %mul3A_86, %dot_general3A_93 : vector<1280x128xf32>
    %swap3A_110 = arith.constant 2 : index
    %swap3A_111 = arith.constant 0 : index
    %swap3A_112 = arith.constant 0 : index
    %swap3A_113 = vector.load %arg12[%swap3A_110, %swap3A_111, %swap3A_112] : memref<10x1280x128xf32, #tpu.memory_space<vmem>>, vector<1x1280x128xf32>
    %swap3A_114 = vector.shape_cast %swap3A_113 : vector<1x1280x128xf32> to vector<1280x128xf32>
    %swap3A_115 = vector.shape_cast %mul3A_109 : vector<1280x128xf32> to vector<1x1280x128xf32>
    tpu.vector_store %arg12[%swap3A_110, %swap3A_111, %swap3A_112], %swap3A_115 {strides = array<i32>} : memref<10x1280x128xf32, #tpu.memory_space<vmem>>, vector<1x1280x128xf32>,
    %mul3A_116 = arith.mulf %mul3A_86, %dot_general3A_96 : vector<1280x128xf32>
    %swap3A_117 = arith.constant 3 : index
    %swap3A_118 = arith.constant 0 : index
    %swap3A_119 = arith.constant 0 : index
    %swap3A_120 = vector.load %arg12[%swap3A_117, %swap3A_118, %swap3A_119] : memref<10x1280x128xf32, #tpu.memory_space<vmem>>, vector<1x1280x128xf32>
    %swap3A_121 = vector.shape_cast %swap3A_120 : vector<1x1280x128xf32> to vector<1280x128xf32>
    %swap3A_122 = vector.shape_cast %mul3A_116 : vector<1280x128xf32> to vector<1x1280x128xf32>
    tpu.vector_store %arg12[%swap3A_117, %swap3A_118, %swap3A_119], %swap3A_122 {strides = array<i32>} : memref<10x1280x128xf32, #tpu.memory_space<vmem>>, vector<1x1280x128xf32>,
    %mul3A_123 = arith.mulf %dot_general3A_90, %dot_general3A_90 : vector<1280x128xf32>
    %mul3A_124 = arith.mulf %mul3A_87, %mul3A_123 : vector<1280x128xf32>
    %swap3A_125 = arith.constant 4 : index
    %swap3A_126 = arith.constant 0 : index
    %swap3A_127 = arith.constant 0 : index
    %swap3A_128 = vector.load %arg12[%swap3A_125, %swap3A_126, %swap3A_127] : memref<10x1280x128xf32, #tpu.memory_space<vmem>>, vector<1x1280x128xf32>
    %swap3A_129 = vector.shape_cast %swap3A_128 : vector<1x1280x128xf32> to vector<1280x128xf32>
    %swap3A_130 = vector.shape_cast %mul3A_124 : vector<1280x128xf32> to vector<1x1280x128xf32>
    tpu.vector_store %arg12[%swap3A_125, %swap3A_126, %swap3A_127], %swap3A_130 {strides = array<i32>} : memref<10x1280x128xf32, #tpu.memory_space<vmem>>, vector<1x1280x128xf32>,
    %mul3A_131 = arith.mulf %dot_general3A_90, %dot_general3A_93 : vector<1280x128xf32>
    %mul3A_132 = arith.mulf %mul3A_87, %mul3A_131 : vector<1280x128xf32>
    %swap3A_133 = arith.constant 5 : index
    %swap3A_134 = arith.constant 0 : index
    %swap3A_135 = arith.constant 0 : index
    %swap3A_136 = vector.load %arg12[%swap3A_133, %swap3A_134, %swap3A_135] : memref<10x1280x128xf32, #tpu.memory_space<vmem>>, vector<1x1280x128xf32>
    %swap3A_137 = vector.shape_cast %swap3A_136 : vector<1x1280x128xf32> to vector<1280x128xf32>
    %swap3A_138 = vector.shape_cast %mul3A_132 : vector<1280x128xf32> to vector<1x1280x128xf32>
    tpu.vector_store %arg12[%swap3A_133, %swap3A_134, %swap3A_135], %swap3A_138 {strides = array<i32>} : memref<10x1280x128xf32, #tpu.memory_space<vmem>>, vector<1x1280x128xf32>,
    %mul3A_139 = arith.mulf %dot_general3A_90, %dot_general3A_96 : vector<1280x128xf32>
    %mul3A_140 = arith.mulf %mul3A_87, %mul3A_139 : vector<1280x128xf32>
    %swap3A_141 = arith.constant 6 : index
    %swap3A_142 = arith.constant 0 : index
    %swap3A_143 = arith.constant 0 : index
    %swap3A_144 = vector.load %arg12[%swap3A_141, %swap3A_142, %swap3A_143] : memref<10x1280x128xf32, #tpu.memory_space<vmem>>, vector<1x1280x128xf32>
    %swap3A_145 = vector.shape_cast %swap3A_144 : vector<1x1280x128xf32> to vector<1280x128xf32>
    %swap3A_146 = vector.shape_cast %mul3A_140 : vector<1280x128xf32> to vector<1x1280x128xf32>
    tpu.vector_store %arg12[%swap3A_141, %swap3A_142, %swap3A_143], %swap3A_146 {strides = array<i32>} : memref<10x1280x128xf32, #tpu.memory_space<vmem>>, vector<1x1280x128xf32>,
    %mul3A_147 = arith.mulf %dot_general3A_93, %dot_general3A_93 : vector<1280x128xf32>
    %mul3A_148 = arith.mulf %mul3A_87, %mul3A_147 : vector<1280x128xf32>
    %swap3A_149 = arith.constant 7 : index
    %swap3A_150 = arith.constant 0 : index
    %swap3A_151 = arith.constant 0 : index
    %swap3A_152 = vector.load %arg12[%swap3A_149, %swap3A_150, %swap3A_151] : memref<10x1280x128xf32, #tpu.memory_space<vmem>>, vector<1x1280x128xf32>
    %swap3A_153 = vector.shape_cast %swap3A_152 : vector<1x1280x128xf32> to vector<1280x128xf32>
    %swap3A_154 = vector.shape_cast %mul3A_148 : vector<1280x128xf32> to vector<1x1280x128xf32>
    tpu.vector_store %arg12[%swap3A_149, %swap3A_150, %swap3A_151], %swap3A_154 {strides = array<i32>} : memref<10x1280x128xf32, #tpu.memory_space<vmem>>, vector<1x1280x128xf32>,
    %mul3A_155 = arith.mulf %dot_general3A_93, %dot_general3A_96 : vector<1280x128xf32>
    %mul3A_156 = arith.mulf %mul3A_87, %mul3A_155 : vector<1280x128xf32>
    %swap3A_157 = arith.constant 8 : index
    %swap3A_158 = arith.constant 0 : index
    %swap3A_159 = arith.constant 0 : index
    %swap3A_160 = vector.load %arg12[%swap3A_157, %swap3A_158, %swap3A_159] : memref<10x1280x128xf32, #tpu.memory_space<vmem>>, vector<1x1280x128xf32>
    %swap3A_161 = vector.shape_cast %swap3A_160 : vector<1x1280x128xf32> to vector<1280x128xf32>
    %swap3A_162 = vector.shape_cast %mul3A_156 : vector<1280x128xf32> to vector<1x1280x128xf32>
    tpu.vector_store %arg12[%swap3A_157, %swap3A_158, %swap3A_159], %swap3A_162 {strides = array<i32>} : memref<10x1280x128xf32, #tpu.memory_space<vmem>>, vector<1x1280x128xf32>,
    %mul3A_163 = arith.mulf %dot_general3A_96, %dot_general3A_96 : vector<1280x128xf32>
    %mul3A_164 = arith.mulf %mul3A_87, %mul3A_163 : vector<1280x128xf32>
    %swap3A_165 = arith.constant 9 : index
    %swap3A_166 = arith.constant 0 : index
    %swap3A_167 = arith.constant 0 : index
    %swap3A_168 = vector.load %arg12[%swap3A_165, %swap3A_166, %swap3A_167] : memref<10x1280x128xf32, #tpu.memory_space<vmem>>, vector<1x1280x128xf32>
    %swap3A_169 = vector.shape_cast %swap3A_168 : vector<1x1280x128xf32> to vector<1280x128xf32>
    %swap3A_170 = vector.shape_cast %mul3A_164 : vector<1280x128xf32> to vector<1x1280x128xf32>
    tpu.vector_store %arg12[%swap3A_165, %swap3A_166, %swap3A_167], %swap3A_170 {strides = array<i32>} : memref<10x1280x128xf32, #tpu.memory_space<vmem>>, vector<1x1280x128xf32>,
    return
  }
  func.func @transform_0(%arg0: i32) -> (i32, i32) {
    %add3A = arith.constant 0 : i32
    %add3A_0 = arith.addi %arg0, %add3A : i32
    %c0_i32 = arith.constant 0 : i32
    %c0_i32_1 = arith.constant 0 : i32
    return %c0_i32, %add3A_0 : i32, i32
  }
  func.func @transform_1(%arg0: i32) -> (i32, i32) {
    %add3A = arith.constant 0 : i32
    %add3A_0 = arith.addi %arg0, %add3A : i32
    %min3A = arith.constant 124 : i32
    %min3A_1 = arith.minsi %add3A_0, %min3A : i32
    %c0_i32 = arith.constant 0 : i32
    %c0_i32_2 = arith.constant 0 : i32
    return %min3A_1, %c0_i32 : i32, i32
  }
  func.func @transform_2(%arg0: i32) -> (i32, i32) {
    %c0_i32 = arith.constant 0 : i32
    %c0_i32_0 = arith.constant 0 : i32
    %c0_i32_1 = arith.constant 0 : i32
    return %c0_i32, %c0_i32_0 : i32, i32
  }
  func.func @transform_3(%arg0: i32) -> (i32, i32) {
    %c0_i32 = arith.constant 0 : i32
    %c0_i32_0 = arith.constant 0 : i32
    %c0_i32_1 = arith.constant 0 : i32
    return %c0_i32, %c0_i32_0 : i32, i32
  }
  func.func @transform_4(%arg0: i32) -> (i32, i32) {
    %c0_i32 = arith.constant 0 : i32
    %c0_i32_0 = arith.constant 0 : i32
    %c0_i32_1 = arith.constant 0 : i32
    return %c0_i32, %c0_i32_0 : i32, i32
  }
  func.func @transform_5(%arg0: i32) -> (i32, i32) {
    %c0_i32 = arith.constant 0 : i32
    %c0_i32_0 = arith.constant 0 : i32
    %c0_i32_1 = arith.constant 0 : i32
    return %c0_i32, %c0_i32_0 : i32, i32
  }
  func.func @transform_6(%arg0: i32) -> (i32, i32) {
    %c0_i32 = arith.constant 0 : i32
    %c0_i32_0 = arith.constant 0 : i32
    %c0_i32_1 = arith.constant 0 : i32
    return %c0_i32, %c0_i32_0 : i32, i32
  }
  func.func @transform_7(%arg0: i32) -> (i32, i32) {
    %c0_i32 = arith.constant 0 : i32
    %c0_i32_0 = arith.constant 0 : i32
    %c0_i32_1 = arith.constant 0 : i32
    return %c0_i32, %c0_i32_0 : i32, i32
  }
  func.func @transform_8(%arg0: i32) -> (i32, i32) {
    %c0_i32 = arith.constant 0 : i32
    %c0_i32_0 = arith.constant 0 : i32
    %c0_i32_1 = arith.constant 0 : i32
    return %c0_i32, %c0_i32_0 : i32, i32
  }
  func.func @transform_9(%arg0: i32) -> (i32, i32) {
    %c0_i32 = arith.constant 0 : i32
    %c0_i32_0 = arith.constant 0 : i32
    %c0_i32_1 = arith.constant 0 : i32
    return %c0_i32, %c0_i32_0 : i32, i32
  }
  func.func @transform_10(%arg0: i32) -> (i32, i32) {
    %c0_i32 = arith.constant 0 : i32
    %c0_i32_0 = arith.constant 0 : i32
    %c0_i32_1 = arith.constant 0 : i32
    return %c0_i32, %c0_i32_0 : i32, i32
  }
  func.func @transform_11(%arg0: i32) -> (i32, i32, i32) {
    %c0_i32 = arith.constant 0 : i32
    %c0_i32_0 = arith.constant 0 : i32
    %c0_i32_1 = arith.constant 0 : i32
    return %c0_i32, %arg0, %c0_i32_0 : i32, i32, i32
  }
}

module attributes {stable_mosaic.version = 14 : i64} {
  func.func @body(%arg0: i32, %arg1: memref<6x1280xf32, #tpu.memory_space<vmem>>, %arg2: memref<1280x32xf32, #tpu.memory_space<vmem>>, %arg3: memref<128x128xf32, #tpu.memory_space<vmem>>, %arg4: memref<256x128xf32, #tpu.memory_space<vmem>>, %arg5: memref<1x128xf32, #tpu.memory_space<vmem>>, %arg6: memref<32x128xf32, #tpu.memory_space<vmem>>, %arg7: memref<1x128xf32, #tpu.memory_space<vmem>>, %arg8: memref<32x128xf32, #tpu.memory_space<vmem>>, %arg9: memref<1x128xf32, #tpu.memory_space<vmem>>, %arg10: memref<32x128xf32, #tpu.memory_space<vmem>>, %arg11: memref<1x128xf32, #tpu.memory_space<vmem>>, %arg12: memref<10x1280x128xf32, #tpu.memory_space<vmem>>) attributes {dimension_semantics = [#tpu.dimension_semantics<arbitrary>], iteration_bounds = array<i64: 64>, scalar_prefetch = 0 : i64, scratch_operands = 0 : i64, tpu.core_type = #tpu.core_type<tc>, window_params = [{transform_indices = @transform_0, window_bounds = array<i64: 6, 1280>}, {transform_indices = @transform_1, window_bounds = array<i64: 1280, 32>}, {pipeline_mode = #tpu.pipeline_mode<synchronous>, transform_indices = @transform_2, window_bounds = array<i64: 128, 128>}, {pipeline_mode = #tpu.pipeline_mode<synchronous>, transform_indices = @transform_3, window_bounds = array<i64: 256, 128>}, {pipeline_mode = #tpu.pipeline_mode<synchronous>, transform_indices = @transform_4, window_bounds = array<i64: 1, 128>}, {pipeline_mode = #tpu.pipeline_mode<synchronous>, transform_indices = @transform_5, window_bounds = array<i64: 32, 128>}, {pipeline_mode = #tpu.pipeline_mode<synchronous>, transform_indices = @transform_6, window_bounds = array<i64: 1, 128>}, {pipeline_mode = #tpu.pipeline_mode<synchronous>, transform_indices = @transform_7, window_bounds = array<i64: 32, 128>}, {pipeline_mode = #tpu.pipeline_mode<synchronous>, transform_indices = @transform_8, window_bounds = array<i64: 1, 128>}, {pipeline_mode = #tpu.pipeline_mode<synchronous>, transform_indices = @transform_9, window_bounds = array<i64: 32, 128>}, {pipeline_mode = #tpu.pipeline_mode<synchronous>, transform_indices = @transform_10, window_bounds = array<i64: 1, 128>}, {transform_indices = @transform_11, window_bounds = array<i64: 10, 1280, 128>}]} {
    %get3A = arith.constant 0 : index
    %get3A_0 = arith.constant 0 : index
    %get3A_1 = vector.load %arg3[%get3A, %get3A_0] : memref<128x128xf32, #tpu.memory_space<vmem>>, vector<128x128xf32>
    %get3A_2 = arith.constant 0 : index
    %get3A_3 = arith.constant 0 : index
    %get3A_4 = vector.load %arg4[%get3A_2, %get3A_3] : memref<256x128xf32, #tpu.memory_space<vmem>>, vector<128x128xf32>
    %dot_general3A = arith.constant dense<0.000000e+00> : vector<128x128xf32>
    %dot_general3A_5 = tpu.matmul %get3A_1, %get3A_4, %dot_general3A {dimension_numbers = #tpu.dot_dimension_numbers<[1], [0], [0], [1], [0, 0, 1, 1], [], []>, transpose_lhs_hint = false} : vector<128x128xf32>, vector<128x128xf32>, vector<128x128xf32> -> vector<128x128xf32>
    %get3A_6 = arith.constant 0 : index
    %get3A_7 = arith.constant 0 : index
    %get3A_8 = vector.load %arg3[%get3A_6, %get3A_7] : memref<128x128xf32, #tpu.memory_space<vmem>>, vector<128x128xf32>
    %get3A_9 = arith.constant 128 : index
    %get3A_10 = arith.constant 0 : index
    %get3A_11 = vector.load %arg4[%get3A_9, %get3A_10] : memref<256x128xf32, #tpu.memory_space<vmem>>, vector<128x128xf32>
    %dot_general3A_12 = arith.constant dense<0.000000e+00> : vector<128x128xf32>
    %dot_general3A_13 = tpu.matmul %get3A_8, %get3A_11, %dot_general3A_12 {dimension_numbers = #tpu.dot_dimension_numbers<[1], [0], [0], [1], [0, 0, 1, 1], [], []>, transpose_lhs_hint = false} : vector<128x128xf32>, vector<128x128xf32>, vector<128x128xf32> -> vector<128x128xf32>
    %broadcast_in_dim3A = arith.constant 1.000000e+00 : f32
    %broadcast_in_dim3A_14 = vector.broadcast %broadcast_in_dim3A : f32 to vector<1x128xf32>
    %get3A_15 = arith.constant 0 : index
    %get3A_16 = arith.constant 0 : index
    %get3A_17 = vector.load %arg1[%get3A_15, %get3A_16] : memref<6x1280xf32, #tpu.memory_space<vmem>>, vector<6x1280xf32>
    %slice3A = vector.extract_strided_slice %get3A_17 {offsets = [0, 0], sizes = [1, 1280], strides = [1, 1]} : vector<6x1280xf32> to vector<1x1280xf32>
    %dot_general3A_18 = arith.constant dense<0.000000e+00> : vector<1280x128xf32>
    %dot_general3A_19 = tpu.matmul %slice3A, %broadcast_in_dim3A_14, %dot_general3A_18 {dimension_numbers = #tpu.dot_dimension_numbers<[0], [0], [1], [1], [0, 1, 1, 1], [], []>, transpose_lhs_hint = false} : vector<1x1280xf32>, vector<1x128xf32>, vector<1280x128xf32> -> vector<1280x128xf32>
    %slice3A_20 = vector.extract_strided_slice %get3A_17 {offsets = [1, 0], sizes = [1, 1280], strides = [1, 1]} : vector<6x1280xf32> to vector<1x1280xf32>
    %dot_general3A_21 = arith.constant dense<0.000000e+00> : vector<1280x128xf32>
    %dot_general3A_22 = tpu.matmul %slice3A_20, %broadcast_in_dim3A_14, %dot_general3A_21 {dimension_numbers = #tpu.dot_dimension_numbers<[0], [0], [1], [1], [0, 1, 1, 1], [], []>, transpose_lhs_hint = false} : vector<1x1280xf32>, vector<1x128xf32>, vector<1280x128xf32> -> vector<1280x128xf32>
    %iota3A = tpu.iota {dimensions = array<i32: 1>} : vector<1280x128xi32>
    %convert_element_type3A = arith.sitofp %iota3A : vector<1280x128xi32> to vector<1280x128xf32>
    %eq3A = arith.cmpf oeq, %dot_general3A_19, %convert_element_type3A : vector<1280x128xf32>
    %convert_element_type3A_23 = arith.extui %eq3A : vector<1280x128xi1> to vector<1280x128xi32>
    %convert_element_type3A_24 = arith.sitofp %convert_element_type3A_23 : vector<1280x128xi32> to vector<1280x128xf32>
    %eq3A_25 = arith.cmpf oeq, %dot_general3A_22, %convert_element_type3A : vector<1280x128xf32>
    %convert_element_type3A_26 = arith.extui %eq3A_25 : vector<1280x128xi1> to vector<1280x128xi32>
    %convert_element_type3A_27 = arith.sitofp %convert_element_type3A_26 : vector<1280x128xi32> to vector<1280x128xf32>
    %dot_general3A_28 = arith.constant dense<0.000000e+00> : vector<1280x128xf32>
    %dot_general3A_29 = tpu.matmul %convert_element_type3A_24, %dot_general3A_5, %dot_general3A_28 {dimension_numbers = #tpu.dot_dimension_numbers<[1], [0], [0], [1], [0, 0, 1, 1], [], []>, transpose_lhs_hint = false} : vector<1280x128xf32>, vector<128x128xf32>, vector<1280x128xf32> -> vector<1280x128xf32>
    %dot_general3A_30 = arith.constant dense<0.000000e+00> : vector<1280x128xf32>
    %dot_general3A_31 = tpu.matmul %convert_element_type3A_27, %dot_general3A_13, %dot_general3A_30 {dimension_numbers = #tpu.dot_dimension_numbers<[1], [0], [0], [1], [0, 0, 1, 1], [], []>, transpose_lhs_hint = false} : vector<1280x128xf32>, vector<128x128xf32>, vector<1280x128xf32> -> vector<1280x128xf32>
    %add3A = arith.addf %dot_general3A_29, %dot_general3A_31 : vector<1280x128xf32>
    %get3A_32 = arith.constant 0 : index
    %get3A_33 = arith.constant 0 : index
    %get3A_34 = vector.load %arg5[%get3A_32, %get3A_33] : memref<1x128xf32, #tpu.memory_space<vmem>>, vector<1x128xf32>
    %add3A_35 = vector.broadcast %get3A_34 : vector<1x128xf32> to vector<1280x128xf32>
    %add3A_36 = arith.addf %add3A, %add3A_35 : vector<1280x128xf32>
    %slice3A_37 = vector.extract_strided_slice %get3A_17 {offsets = [2, 0], sizes = [1, 1280], strides = [1, 1]} : vector<6x1280xf32> to vector<1x1280xf32>
    %mul3A = arith.constant 0.628318548 : f32
    %mul3A_38 = vector.broadcast %mul3A : f32 to vector<1x1280xf32>
    %mul3A_39 = arith.mulf %slice3A_37, %mul3A_38 : vector<1x1280xf32>
    %cos3A = math.cos %mul3A_39 : vector<1x1280xf32>
    %add3A_40 = arith.constant 1.000000e+00 : f32
    %add3A_41 = vector.broadcast %add3A_40 : f32 to vector<1x1280xf32>
    %add3A_42 = arith.addf %cos3A, %add3A_41 : vector<1x1280xf32>
    %mul3A_43 = arith.constant 5.000000e-01 : f32
    %mul3A_44 = vector.broadcast %mul3A_43 : f32 to vector<1x1280xf32>
    %mul3A_45 = arith.mulf %mul3A_44, %add3A_42 : vector<1x1280xf32>
    %lt3A = arith.constant 5.000000e+00 : f32
    %lt3A_46 = vector.broadcast %lt3A : f32 to vector<1x1280xf32>
    %lt3A_47 = arith.cmpf olt, %slice3A_37, %lt3A_46 : vector<1x1280xf32>
    %jit3A = arith.constant 0.000000e+00 : f32
    %broadcast_in_dim3A_48 = vector.broadcast %jit3A : f32 to vector<1x1280xf32>
    %select_n3A = arith.select %lt3A_47, %mul3A_45, %broadcast_in_dim3A_48 : vector<1x1280xi1>, vector<1x1280xf32>
    %dot_general3A_49 = arith.constant dense<0.000000e+00> : vector<1280x128xf32>
    %dot_general3A_50 = tpu.matmul %select_n3A, %broadcast_in_dim3A_14, %dot_general3A_49 {dimension_numbers = #tpu.dot_dimension_numbers<[0], [0], [1], [1], [0, 1, 1, 1], [], []>, precision = #tpu.contract_precision<fp32>, transpose_lhs_hint = false} : vector<1x1280xf32>, vector<1x128xf32>, vector<1280x128xf32> -> vector<1280x128xf32>
    %mul3A_51 = arith.mulf %dot_general3A_50, %add3A_36 : vector<1280x128xf32>
    %get3A_52 = arith.constant 0 : index
    %get3A_53 = arith.constant 0 : index
    %get3A_54 = vector.load %arg2[%get3A_52, %get3A_53] : memref<1280x32xf32, #tpu.memory_space<vmem>>, vector<1280x32xf32>
    %get3A_55 = arith.constant 0 : index
    %get3A_56 = arith.constant 0 : index
    %get3A_57 = vector.load %arg6[%get3A_55, %get3A_56] : memref<32x128xf32, #tpu.memory_space<vmem>>, vector<32x128xf32>
    %dot_general3A_58 = arith.constant dense<0.000000e+00> : vector<1280x128xf32>
    %dot_general3A_59 = tpu.matmul %get3A_54, %get3A_57, %dot_general3A_58 {dimension_numbers = #tpu.dot_dimension_numbers<[1], [0], [0], [1], [0, 0, 1, 1], [], []>, transpose_lhs_hint = false} : vector<1280x32xf32>, vector<32x128xf32>, vector<1280x128xf32> -> vector<1280x128xf32>
    %get3A_60 = arith.constant 0 : index
    %get3A_61 = arith.constant 0 : index
    %get3A_62 = vector.load %arg7[%get3A_60, %get3A_61] : memref<1x128xf32, #tpu.memory_space<vmem>>, vector<1x128xf32>
    %add3A_63 = vector.broadcast %get3A_62 : vector<1x128xf32> to vector<1280x128xf32>
    %add3A_64 = arith.addf %dot_general3A_59, %add3A_63 : vector<1280x128xf32>
    %get3A_65 = arith.constant 0 : index
    %get3A_66 = arith.constant 0 : index
    %get3A_67 = vector.load %arg8[%get3A_65, %get3A_66] : memref<32x128xf32, #tpu.memory_space<vmem>>, vector<32x128xf32>
    %dot_general3A_68 = arith.constant dense<0.000000e+00> : vector<1280x128xf32>
    %dot_general3A_69 = tpu.matmul %get3A_54, %get3A_67, %dot_general3A_68 {dimension_numbers = #tpu.dot_dimension_numbers<[1], [0], [0], [1], [0, 0, 1, 1], [], []>, transpose_lhs_hint = false} : vector<1280x32xf32>, vector<32x128xf32>, vector<1280x128xf32> -> vector<1280x128xf32>
    %get3A_70 = arith.constant 0 : index
    %get3A_71 = arith.constant 0 : index
    %get3A_72 = vector.load %arg9[%get3A_70, %get3A_71] : memref<1x128xf32, #tpu.memory_space<vmem>>, vector<1x128xf32>
    %add3A_73 = vector.broadcast %get3A_72 : vector<1x128xf32> to vector<1280x128xf32>
    %add3A_74 = arith.addf %dot_general3A_69, %add3A_73 : vector<1280x128xf32>
    %get3A_75 = arith.constant 0 : index
    %get3A_76 = arith.constant 0 : index
    %get3A_77 = vector.load %arg10[%get3A_75, %get3A_76] : memref<32x128xf32, #tpu.memory_space<vmem>>, vector<32x128xf32>
    %dot_general3A_78 = arith.constant dense<0.000000e+00> : vector<1280x128xf32>
    %dot_general3A_79 = tpu.matmul %get3A_54, %get3A_77, %dot_general3A_78 {dimension_numbers = #tpu.dot_dimension_numbers<[1], [0], [0], [1], [0, 0, 1, 1], [], []>, transpose_lhs_hint = false} : vector<1280x32xf32>, vector<32x128xf32>, vector<1280x128xf32> -> vector<1280x128xf32>
    %get3A_80 = arith.constant 0 : index
    %get3A_81 = arith.constant 0 : index
    %get3A_82 = vector.load %arg11[%get3A_80, %get3A_81] : memref<1x128xf32, #tpu.memory_space<vmem>>, vector<1x128xf32>
    %add3A_83 = vector.broadcast %get3A_82 : vector<1x128xf32> to vector<1280x128xf32>
    %add3A_84 = arith.addf %dot_general3A_79, %add3A_83 : vector<1280x128xf32>
    %mul3A_85 = arith.mulf %add3A_64, %mul3A_51 : vector<1280x128xf32>
    %mul3A_86 = arith.mulf %add3A_74, %mul3A_51 : vector<1280x128xf32>
    %mul3A_87 = arith.mulf %add3A_84, %mul3A_51 : vector<1280x128xf32>
    %slice3A_88 = vector.extract_strided_slice %get3A_17 {offsets = [3, 0], sizes = [1, 1280], strides = [1, 1]} : vector<6x1280xf32> to vector<1x1280xf32>
    %dot_general3A_89 = arith.constant dense<0.000000e+00> : vector<1280x128xf32>
    %dot_general3A_90 = tpu.matmul %slice3A_88, %broadcast_in_dim3A_14, %dot_general3A_89 {dimension_numbers = #tpu.dot_dimension_numbers<[0], [0], [1], [1], [0, 1, 1, 1], [], []>, precision = #tpu.contract_precision<fp32>, transpose_lhs_hint = false} : vector<1x1280xf32>, vector<1x128xf32>, vector<1280x128xf32> -> vector<1280x128xf32>
    %slice3A_91 = vector.extract_strided_slice %get3A_17 {offsets = [4, 0], sizes = [1, 1280], strides = [1, 1]} : vector<6x1280xf32> to vector<1x1280xf32>
    %dot_general3A_92 = arith.constant dense<0.000000e+00> : vector<1280x128xf32>
    %dot_general3A_93 = tpu.matmul %slice3A_91, %broadcast_in_dim3A_14, %dot_general3A_92 {dimension_numbers = #tpu.dot_dimension_numbers<[0], [0], [1], [1], [0, 1, 1, 1], [], []>, precision = #tpu.contract_precision<fp32>, transpose_lhs_hint = false} : vector<1x1280xf32>, vector<1x128xf32>, vector<1280x128xf32> -> vector<1280x128xf32>
    %slice3A_94 = vector.extract_strided_slice %get3A_17 {offsets = [5, 0], sizes = [1, 1280], strides = [1, 1]} : vector<6x1280xf32> to vector<1x1280xf32>
    %dot_general3A_95 = arith.constant dense<0.000000e+00> : vector<1280x128xf32>
    %dot_general3A_96 = tpu.matmul %slice3A_94, %broadcast_in_dim3A_14, %dot_general3A_95 {dimension_numbers = #tpu.dot_dimension_numbers<[0], [0], [1], [1], [0, 1, 1, 1], [], []>, precision = #tpu.contract_precision<fp32>, transpose_lhs_hint = false} : vector<1x1280xf32>, vector<1x128xf32>, vector<1280x128xf32> -> vector<1280x128xf32>
    %swap3A = arith.constant 0 : index
    %swap3A_97 = arith.constant 0 : index
    %swap3A_98 = arith.constant 0 : index
    %swap3A_99 = vector.load %arg12[%swap3A, %swap3A_97, %swap3A_98] : memref<10x1280x128xf32, #tpu.memory_space<vmem>>, vector<1x1280x128xf32>
    %swap3A_100 = vector.shape_cast %swap3A_99 : vector<1x1280x128xf32> to vector<1280x128xf32>
    %swap3A_101 = vector.shape_cast %mul3A_85 : vector<1280x128xf32> to vector<1x1280x128xf32>
    tpu.vector_store %arg12[%swap3A, %swap3A_97, %swap3A_98], %swap3A_101 {strides = array<i32>} : memref<10x1280x128xf32, #tpu.memory_space<vmem>>, vector<1x1280x128xf32>,
    %mul3A_102 = arith.mulf %mul3A_86, %dot_general3A_90 : vector<1280x128xf32>
    %swap3A_103 = arith.constant 1 : index
    %swap3A_104 = arith.constant 0 : index
    %swap3A_105 = arith.constant 0 : index
    %swap3A_106 = vector.load %arg12[%swap3A_103, %swap3A_104, %swap3A_105] : memref<10x1280x128xf32, #tpu.memory_space<vmem>>, vector<1x1280x128xf32>
    %swap3A_107 = vector.shape_cast %swap3A_106 : vector<1x1280x128xf32> to vector<1280x128xf32>
    %swap3A_108 = vector.shape_cast %mul3A_102 : vector<1280x128xf32> to vector<1x1280x128xf32>
    tpu.vector_store %arg12[%swap3A_103, %swap3A_104, %swap3A_105], %swap3A_108 {strides = array<i32>} : memref<10x1280x128xf32, #tpu.memory_space<vmem>>, vector<1x1280x128xf32>,
    %mul3A_109 = arith.mulf %mul3A_86, %dot_general3A_93 : vector<1280x128xf32>
    %swap3A_110 = arith.constant 2 : index
    %swap3A_111 = arith.constant 0 : index
    %swap3A_112 = arith.constant 0 : index
    %swap3A_113 = vector.load %arg12[%swap3A_110, %swap3A_111, %swap3A_112] : memref<10x1280x128xf32, #tpu.memory_space<vmem>>, vector<1x1280x128xf32>
    %swap3A_114 = vector.shape_cast %swap3A_113 : vector<1x1280x128xf32> to vector<1280x128xf32>
    %swap3A_115 = vector.shape_cast %mul3A_109 : vector<1280x128xf32> to vector<1x1280x128xf32>
    tpu.vector_store %arg12[%swap3A_110, %swap3A_111, %swap3A_112], %swap3A_115 {strides = array<i32>} : memref<10x1280x128xf32, #tpu.memory_space<vmem>>, vector<1x1280x128xf32>,
    %mul3A_116 = arith.mulf %mul3A_86, %dot_general3A_96 : vector<1280x128xf32>
    %swap3A_117 = arith.constant 3 : index
    %swap3A_118 = arith.constant 0 : index
    %swap3A_119 = arith.constant 0 : index
    %swap3A_120 = vector.load %arg12[%swap3A_117, %swap3A_118, %swap3A_119] : memref<10x1280x128xf32, #tpu.memory_space<vmem>>, vector<1x1280x128xf32>
    %swap3A_121 = vector.shape_cast %swap3A_120 : vector<1x1280x128xf32> to vector<1280x128xf32>
    %swap3A_122 = vector.shape_cast %mul3A_116 : vector<1280x128xf32> to vector<1x1280x128xf32>
    tpu.vector_store %arg12[%swap3A_117, %swap3A_118, %swap3A_119], %swap3A_122 {strides = array<i32>} : memref<10x1280x128xf32, #tpu.memory_space<vmem>>, vector<1x1280x128xf32>,
    %mul3A_123 = arith.mulf %dot_general3A_90, %dot_general3A_90 : vector<1280x128xf32>
    %mul3A_124 = arith.mulf %mul3A_87, %mul3A_123 : vector<1280x128xf32>
    %swap3A_125 = arith.constant 4 : index
    %swap3A_126 = arith.constant 0 : index
    %swap3A_127 = arith.constant 0 : index
    %swap3A_128 = vector.load %arg12[%swap3A_125, %swap3A_126, %swap3A_127] : memref<10x1280x128xf32, #tpu.memory_space<vmem>>, vector<1x1280x128xf32>
    %swap3A_129 = vector.shape_cast %swap3A_128 : vector<1x1280x128xf32> to vector<1280x128xf32>
    %swap3A_130 = vector.shape_cast %mul3A_124 : vector<1280x128xf32> to vector<1x1280x128xf32>
    tpu.vector_store %arg12[%swap3A_125, %swap3A_126, %swap3A_127], %swap3A_130 {strides = array<i32>} : memref<10x1280x128xf32, #tpu.memory_space<vmem>>, vector<1x1280x128xf32>,
    %mul3A_131 = arith.mulf %dot_general3A_90, %dot_general3A_93 : vector<1280x128xf32>
    %mul3A_132 = arith.mulf %mul3A_87, %mul3A_131 : vector<1280x128xf32>
    %swap3A_133 = arith.constant 5 : index
    %swap3A_134 = arith.constant 0 : index
    %swap3A_135 = arith.constant 0 : index
    %swap3A_136 = vector.load %arg12[%swap3A_133, %swap3A_134, %swap3A_135] : memref<10x1280x128xf32, #tpu.memory_space<vmem>>, vector<1x1280x128xf32>
    %swap3A_137 = vector.shape_cast %swap3A_136 : vector<1x1280x128xf32> to vector<1280x128xf32>
    %swap3A_138 = vector.shape_cast %mul3A_132 : vector<1280x128xf32> to vector<1x1280x128xf32>
    tpu.vector_store %arg12[%swap3A_133, %swap3A_134, %swap3A_135], %swap3A_138 {strides = array<i32>} : memref<10x1280x128xf32, #tpu.memory_space<vmem>>, vector<1x1280x128xf32>,
    %mul3A_139 = arith.mulf %dot_general3A_90, %dot_general3A_96 : vector<1280x128xf32>
    %mul3A_140 = arith.mulf %mul3A_87, %mul3A_139 : vector<1280x128xf32>
    %swap3A_141 = arith.constant 6 : index
    %swap3A_142 = arith.constant 0 : index
    %swap3A_143 = arith.constant 0 : index
    %swap3A_144 = vector.load %arg12[%swap3A_141, %swap3A_142, %swap3A_143] : memref<10x1280x128xf32, #tpu.memory_space<vmem>>, vector<1x1280x128xf32>
    %swap3A_145 = vector.shape_cast %swap3A_144 : vector<1x1280x128xf32> to vector<1280x128xf32>
    %swap3A_146 = vector.shape_cast %mul3A_140 : vector<1280x128xf32> to vector<1x1280x128xf32>
    tpu.vector_store %arg12[%swap3A_141, %swap3A_142, %swap3A_143], %swap3A_146 {strides = array<i32>} : memref<10x1280x128xf32, #tpu.memory_space<vmem>>, vector<1x1280x128xf32>,
    %mul3A_147 = arith.mulf %dot_general3A_93, %dot_general3A_93 : vector<1280x128xf32>
    %mul3A_148 = arith.mulf %mul3A_87, %mul3A_147 : vector<1280x128xf32>
    %swap3A_149 = arith.constant 7 : index
    %swap3A_150 = arith.constant 0 : index
    %swap3A_151 = arith.constant 0 : index
    %swap3A_152 = vector.load %arg12[%swap3A_149, %swap3A_150, %swap3A_151] : memref<10x1280x128xf32, #tpu.memory_space<vmem>>, vector<1x1280x128xf32>
    %swap3A_153 = vector.shape_cast %swap3A_152 : vector<1x1280x128xf32> to vector<1280x128xf32>
    %swap3A_154 = vector.shape_cast %mul3A_148 : vector<1280x128xf32> to vector<1x1280x128xf32>
    tpu.vector_store %arg12[%swap3A_149, %swap3A_150, %swap3A_151], %swap3A_154 {strides = array<i32>} : memref<10x1280x128xf32, #tpu.memory_space<vmem>>, vector<1x1280x128xf32>,
    %mul3A_155 = arith.mulf %dot_general3A_93, %dot_general3A_96 : vector<1280x128xf32>
    %mul3A_156 = arith.mulf %mul3A_87, %mul3A_155 : vector<1280x128xf32>
    %swap3A_157 = arith.constant 8 : index
    %swap3A_158 = arith.constant 0 : index
    %swap3A_159 = arith.constant 0 : index
    %swap3A_160 = vector.load %arg12[%swap3A_157, %swap3A_158, %swap3A_159] : memref<10x1280x128xf32, #tpu.memory_space<vmem>>, vector<1x1280x128xf32>
    %swap3A_161 = vector.shape_cast %swap3A_160 : vector<1x1280x128xf32> to vector<1280x128xf32>
    %swap3A_162 = vector.shape_cast %mul3A_156 : vector<1280x128xf32> to vector<1x1280x128xf32>
    tpu.vector_store %arg12[%swap3A_157, %swap3A_158, %swap3A_159], %swap3A_162 {strides = array<i32>} : memref<10x1280x128xf32, #tpu.memory_space<vmem>>, vector<1x1280x128xf32>,
    %mul3A_163 = arith.mulf %dot_general3A_96, %dot_general3A_96 : vector<1280x128xf32>
    %mul3A_164 = arith.mulf %mul3A_87, %mul3A_163 : vector<1280x128xf32>
    %swap3A_165 = arith.constant 9 : index
    %swap3A_166 = arith.constant 0 : index
    %swap3A_167 = arith.constant 0 : index
    %swap3A_168 = vector.load %arg12[%swap3A_165, %swap3A_166, %swap3A_167] : memref<10x1280x128xf32, #tpu.memory_space<vmem>>, vector<1x1280x128xf32>
    %swap3A_169 = vector.shape_cast %swap3A_168 : vector<1x1280x128xf32> to vector<1280x128xf32>
    %swap3A_170 = vector.shape_cast %mul3A_164 : vector<1280x128xf32> to vector<1x1280x128xf32>
    tpu.vector_store %arg12[%swap3A_165, %swap3A_166, %swap3A_167], %swap3A_170 {strides = array<i32>} : memref<10x1280x128xf32, #tpu.memory_space<vmem>>, vector<1x1280x128xf32>,
    return
  }
  func.func @transform_0(%arg0: i32) -> (i32, i32) {
    %add3A = arith.constant 64 : i32
    %add3A_0 = arith.addi %arg0, %add3A : i32
    %c0_i32 = arith.constant 0 : i32
    %c0_i32_1 = arith.constant 0 : i32
    return %c0_i32, %add3A_0 : i32, i32
  }
  func.func @transform_1(%arg0: i32) -> (i32, i32) {
    %add3A = arith.constant 64 : i32
    %add3A_0 = arith.addi %arg0, %add3A : i32
    %min3A = arith.constant 124 : i32
    %min3A_1 = arith.minsi %add3A_0, %min3A : i32
    %c0_i32 = arith.constant 0 : i32
    %c0_i32_2 = arith.constant 0 : i32
    return %min3A_1, %c0_i32 : i32, i32
  }
  func.func @transform_2(%arg0: i32) -> (i32, i32) {
    %c0_i32 = arith.constant 0 : i32
    %c0_i32_0 = arith.constant 0 : i32
    %c0_i32_1 = arith.constant 0 : i32
    return %c0_i32, %c0_i32_0 : i32, i32
  }
  func.func @transform_3(%arg0: i32) -> (i32, i32) {
    %c0_i32 = arith.constant 0 : i32
    %c0_i32_0 = arith.constant 0 : i32
    %c0_i32_1 = arith.constant 0 : i32
    return %c0_i32, %c0_i32_0 : i32, i32
  }
  func.func @transform_4(%arg0: i32) -> (i32, i32) {
    %c0_i32 = arith.constant 0 : i32
    %c0_i32_0 = arith.constant 0 : i32
    %c0_i32_1 = arith.constant 0 : i32
    return %c0_i32, %c0_i32_0 : i32, i32
  }
  func.func @transform_5(%arg0: i32) -> (i32, i32) {
    %c0_i32 = arith.constant 0 : i32
    %c0_i32_0 = arith.constant 0 : i32
    %c0_i32_1 = arith.constant 0 : i32
    return %c0_i32, %c0_i32_0 : i32, i32
  }
  func.func @transform_6(%arg0: i32) -> (i32, i32) {
    %c0_i32 = arith.constant 0 : i32
    %c0_i32_0 = arith.constant 0 : i32
    %c0_i32_1 = arith.constant 0 : i32
    return %c0_i32, %c0_i32_0 : i32, i32
  }
  func.func @transform_7(%arg0: i32) -> (i32, i32) {
    %c0_i32 = arith.constant 0 : i32
    %c0_i32_0 = arith.constant 0 : i32
    %c0_i32_1 = arith.constant 0 : i32
    return %c0_i32, %c0_i32_0 : i32, i32
  }
  func.func @transform_8(%arg0: i32) -> (i32, i32) {
    %c0_i32 = arith.constant 0 : i32
    %c0_i32_0 = arith.constant 0 : i32
    %c0_i32_1 = arith.constant 0 : i32
    return %c0_i32, %c0_i32_0 : i32, i32
  }
  func.func @transform_9(%arg0: i32) -> (i32, i32) {
    %c0_i32 = arith.constant 0 : i32
    %c0_i32_0 = arith.constant 0 : i32
    %c0_i32_1 = arith.constant 0 : i32
    return %c0_i32, %c0_i32_0 : i32, i32
  }
  func.func @transform_10(%arg0: i32) -> (i32, i32) {
    %c0_i32 = arith.constant 0 : i32
    %c0_i32_0 = arith.constant 0 : i32
    %c0_i32_1 = arith.constant 0 : i32
    return %c0_i32, %c0_i32_0 : i32, i32
  }
  func.func @transform_11(%arg0: i32) -> (i32, i32, i32) {
    %c0_i32 = arith.constant 0 : i32
    %c0_i32_0 = arith.constant 0 : i32
    %c0_i32_1 = arith.constant 0 : i32
    return %c0_i32, %arg0, %c0_i32_0 : i32, i32, i32
  }
}

module attributes {stable_mosaic.version = 14 : i64} {
  func.func @body(%arg0: i32, %arg1: memref<10x1000x128xf32, #tpu.memory_space<vmem>>, %arg2: memref<1x128xf32, #tpu.memory_space<vmem>>, %arg3: memref<1x128xf32, #tpu.memory_space<vmem>>, %arg4: memref<128x256xf32, #tpu.memory_space<vmem>>, %arg5: memref<1x256xf32, #tpu.memory_space<vmem>>, %arg6: memref<256x384xf32, #tpu.memory_space<vmem>>, %arg7: memref<1x384xf32, #tpu.memory_space<vmem>>, %arg8: memref<128x128xf32, #tpu.memory_space<vmem>>, %arg9: memref<128x128xf32, #tpu.memory_space<vmem>>, %arg10: memref<128x128xf32, #tpu.memory_space<vmem>>, %arg11: memref<9x1000x128xf32, #tpu.memory_space<vmem>>) attributes {dimension_semantics = [#tpu.dimension_semantics<arbitrary>], iteration_bounds = array<i64: 10>, scalar_prefetch = 0 : i64, scratch_operands = 0 : i64, tpu.core_type = #tpu.core_type<tc>, window_params = [{transform_indices = @transform_0, window_bounds = array<i64: 10, 1000, 128>}, {pipeline_mode = #tpu.pipeline_mode<synchronous>, transform_indices = @transform_1, window_bounds = array<i64: 1, 128>}, {pipeline_mode = #tpu.pipeline_mode<synchronous>, transform_indices = @transform_2, window_bounds = array<i64: 1, 128>}, {pipeline_mode = #tpu.pipeline_mode<synchronous>, transform_indices = @transform_3, window_bounds = array<i64: 128, 256>}, {pipeline_mode = #tpu.pipeline_mode<synchronous>, transform_indices = @transform_4, window_bounds = array<i64: 1, 256>}, {pipeline_mode = #tpu.pipeline_mode<synchronous>, transform_indices = @transform_5, window_bounds = array<i64: 256, 384>}, {pipeline_mode = #tpu.pipeline_mode<synchronous>, transform_indices = @transform_6, window_bounds = array<i64: 1, 384>}, {pipeline_mode = #tpu.pipeline_mode<synchronous>, transform_indices = @transform_7, window_bounds = array<i64: 128, 128>}, {pipeline_mode = #tpu.pipeline_mode<synchronous>, transform_indices = @transform_8, window_bounds = array<i64: 128, 128>}, {pipeline_mode = #tpu.pipeline_mode<synchronous>, transform_indices = @transform_9, window_bounds = array<i64: 128, 128>}, {transform_indices = @transform_10, window_bounds = array<i64: 9, 1000, 128>}]} {
    %get3A = arith.constant 0 : index
    %get3A_0 = arith.constant 0 : index
    %get3A_1 = arith.constant 0 : index
    %get3A_2 = vector.load %arg1[%get3A, %get3A_0, %get3A_1] : memref<10x1000x128xf32, #tpu.memory_space<vmem>>, vector<1x1000x128xf32>
    %get3A_3 = vector.shape_cast %get3A_2 : vector<1x1000x128xf32> to vector<1000x128xf32>
    %get3A_4 = arith.constant 1 : index
    %get3A_5 = arith.constant 0 : index
    %get3A_6 = arith.constant 0 : index
    %get3A_7 = vector.load %arg1[%get3A_4, %get3A_5, %get3A_6] : memref<10x1000x128xf32, #tpu.memory_space<vmem>>, vector<1x1000x128xf32>
    %get3A_8 = vector.shape_cast %get3A_7 : vector<1x1000x128xf32> to vector<1000x128xf32>
    %get3A_9 = arith.constant 2 : index
    %get3A_10 = arith.constant 0 : index
    %get3A_11 = arith.constant 0 : index
    %get3A_12 = vector.load %arg1[%get3A_9, %get3A_10, %get3A_11] : memref<10x1000x128xf32, #tpu.memory_space<vmem>>, vector<1x1000x128xf32>
    %get3A_13 = vector.shape_cast %get3A_12 : vector<1x1000x128xf32> to vector<1000x128xf32>
    %get3A_14 = arith.constant 3 : index
    %get3A_15 = arith.constant 0 : index
    %get3A_16 = arith.constant 0 : index
    %get3A_17 = vector.load %arg1[%get3A_14, %get3A_15, %get3A_16] : memref<10x1000x128xf32, #tpu.memory_space<vmem>>, vector<1x1000x128xf32>
    %get3A_18 = vector.shape_cast %get3A_17 : vector<1x1000x128xf32> to vector<1000x128xf32>
    %get3A_19 = arith.constant 4 : index
    %get3A_20 = arith.constant 0 : index
    %get3A_21 = arith.constant 0 : index
    %get3A_22 = vector.load %arg1[%get3A_19, %get3A_20, %get3A_21] : memref<10x1000x128xf32, #tpu.memory_space<vmem>>, vector<1x1000x128xf32>
    %get3A_23 = vector.shape_cast %get3A_22 : vector<1x1000x128xf32> to vector<1000x128xf32>
    %get3A_24 = arith.constant 5 : index
    %get3A_25 = arith.constant 0 : index
    %get3A_26 = arith.constant 0 : index
    %get3A_27 = vector.load %arg1[%get3A_24, %get3A_25, %get3A_26] : memref<10x1000x128xf32, #tpu.memory_space<vmem>>, vector<1x1000x128xf32>
    %get3A_28 = vector.shape_cast %get3A_27 : vector<1x1000x128xf32> to vector<1000x128xf32>
    %get3A_29 = arith.constant 6 : index
    %get3A_30 = arith.constant 0 : index
    %get3A_31 = arith.constant 0 : index
    %get3A_32 = vector.load %arg1[%get3A_29, %get3A_30, %get3A_31] : memref<10x1000x128xf32, #tpu.memory_space<vmem>>, vector<1x1000x128xf32>
    %get3A_33 = vector.shape_cast %get3A_32 : vector<1x1000x128xf32> to vector<1000x128xf32>
    %get3A_34 = arith.constant 7 : index
    %get3A_35 = arith.constant 0 : index
    %get3A_36 = arith.constant 0 : index
    %get3A_37 = vector.load %arg1[%get3A_34, %get3A_35, %get3A_36] : memref<10x1000x128xf32, #tpu.memory_space<vmem>>, vector<1x1000x128xf32>
    %get3A_38 = vector.shape_cast %get3A_37 : vector<1x1000x128xf32> to vector<1000x128xf32>
    %get3A_39 = arith.constant 8 : index
    %get3A_40 = arith.constant 0 : index
    %get3A_41 = arith.constant 0 : index
    %get3A_42 = vector.load %arg1[%get3A_39, %get3A_40, %get3A_41] : memref<10x1000x128xf32, #tpu.memory_space<vmem>>, vector<1x1000x128xf32>
    %get3A_43 = vector.shape_cast %get3A_42 : vector<1x1000x128xf32> to vector<1000x128xf32>
    %get3A_44 = arith.constant 9 : index
    %get3A_45 = arith.constant 0 : index
    %get3A_46 = arith.constant 0 : index
    %get3A_47 = vector.load %arg1[%get3A_44, %get3A_45, %get3A_46] : memref<10x1000x128xf32, #tpu.memory_space<vmem>>, vector<1x1000x128xf32>
    %get3A_48 = vector.shape_cast %get3A_47 : vector<1x1000x128xf32> to vector<1000x128xf32>
    %add3A = arith.addf %get3A_3, %get3A_23 : vector<1000x128xf32>
    %integer_pow3A = arith.mulf %add3A, %add3A : vector<1000x128xf32>
    %add3A_49 = arith.addf %get3A_3, %get3A_38 : vector<1000x128xf32>
    %integer_pow3A_50 = arith.mulf %add3A_49, %add3A_49 : vector<1000x128xf32>
    %add3A_51 = arith.addf %integer_pow3A, %integer_pow3A_50 : vector<1000x128xf32>
    %add3A_52 = arith.addf %get3A_3, %get3A_48 : vector<1000x128xf32>
    %integer_pow3A_53 = arith.mulf %add3A_52, %add3A_52 : vector<1000x128xf32>
    %add3A_54 = arith.addf %add3A_51, %integer_pow3A_53 : vector<1000x128xf32>
    %mul3A = arith.mulf %get3A_28, %get3A_28 : vector<1000x128xf32>
    %mul3A_55 = arith.mulf %get3A_18, %get3A_18 : vector<1000x128xf32>
    %add3A_56 = arith.addf %mul3A, %mul3A_55 : vector<1000x128xf32>
    %mul3A_57 = arith.constant 2.000000e+00 : f32
    %mul3A_58 = vector.broadcast %mul3A_57 : f32 to vector<1000x128xf32>
    %mul3A_59 = arith.mulf %mul3A_58, %add3A_56 : vector<1000x128xf32>
    %add3A_60 = arith.addf %add3A_54, %mul3A_59 : vector<1000x128xf32>
    %mul3A_61 = arith.mulf %get3A_33, %get3A_33 : vector<1000x128xf32>
    %mul3A_62 = arith.mulf %get3A_13, %get3A_13 : vector<1000x128xf32>
    %add3A_63 = arith.addf %mul3A_61, %mul3A_62 : vector<1000x128xf32>
    %mul3A_64 = arith.constant 2.000000e+00 : f32
    %mul3A_65 = vector.broadcast %mul3A_64 : f32 to vector<1000x128xf32>
    %mul3A_66 = arith.mulf %mul3A_65, %add3A_63 : vector<1000x128xf32>
    %add3A_67 = arith.addf %add3A_60, %mul3A_66 : vector<1000x128xf32>
    %mul3A_68 = arith.mulf %get3A_43, %get3A_43 : vector<1000x128xf32>
    %mul3A_69 = arith.mulf %get3A_8, %get3A_8 : vector<1000x128xf32>
    %add3A_70 = arith.addf %mul3A_68, %mul3A_69 : vector<1000x128xf32>
    %mul3A_71 = arith.constant 2.000000e+00 : f32
    %mul3A_72 = vector.broadcast %mul3A_71 : f32 to vector<1000x128xf32>
    %mul3A_73 = arith.mulf %mul3A_72, %add3A_70 : vector<1000x128xf32>
    %add3A_74 = arith.addf %add3A_67, %mul3A_73 : vector<1000x128xf32>
    %reduce_sum3A = arith.constant dense<0.000000e+00> : vector<1000xf32>
    %reduce_sum3A_75 = vector.multi_reduction <add>, %add3A_74, %reduce_sum3A [1] : vector<1000x128xf32> to vector<1000xf32>
    %broadcast_in_dim3A = vector.shape_cast %reduce_sum3A_75 : vector<1000xf32> to vector<1000x1xf32>
    %div3A = arith.constant 1.280000e+02 : f32
    %div3A_76 = vector.broadcast %div3A : f32 to vector<1000x1xf32>
    %div3A_77 = arith.divf %broadcast_in_dim3A, %div3A_76 : vector<1000x1xf32>
    %sub3A = vector.broadcast %div3A_77 : vector<1000x1xf32> to vector<1000x128xf32>
    %sub3A_78 = arith.subf %add3A_74, %sub3A : vector<1000x128xf32>
    %integer_pow3A_79 = arith.mulf %sub3A_78, %sub3A_78 : vector<1000x128xf32>
    %reduce_sum3A_80 = arith.constant dense<0.000000e+00> : vector<1000xf32>
    %reduce_sum3A_81 = vector.multi_reduction <add>, %integer_pow3A_79, %reduce_sum3A_80 [1] : vector<1000x128xf32> to vector<1000xf32>
    %broadcast_in_dim3A_82 = vector.shape_cast %reduce_sum3A_81 : vector<1000xf32> to vector<1000x1xf32>
    %div3A_83 = arith.constant 1.280000e+02 : f32
    %div3A_84 = vector.broadcast %div3A_83 : f32 to vector<1000x1xf32>
    %div3A_85 = arith.divf %broadcast_in_dim3A_82, %div3A_84 : vector<1000x1xf32>
    %sub3A_86 = vector.broadcast %div3A_77 : vector<1000x1xf32> to vector<1000x128xf32>
    %sub3A_87 = arith.subf %add3A_74, %sub3A_86 : vector<1000x128xf32>
    %add3A_88 = arith.constant 9.99999974E-6 : f32
    %add3A_89 = vector.broadcast %add3A_88 : f32 to vector<1000x1xf32>
    %add3A_90 = arith.addf %div3A_85, %add3A_89 : vector<1000x1xf32>
    %rsqrt3A = math.rsqrt %add3A_90 : vector<1000x1xf32>
    %mul3A_91 = vector.broadcast %rsqrt3A : vector<1000x1xf32> to vector<1000x128xf32>
    %mul3A_92 = arith.mulf %sub3A_87, %mul3A_91 : vector<1000x128xf32>
    %get3A_93 = arith.constant 0 : index
    %get3A_94 = arith.constant 0 : index
    %get3A_95 = vector.load %arg2[%get3A_93, %get3A_94] : memref<1x128xf32, #tpu.memory_space<vmem>>, vector<1x128xf32>
    %mul3A_96 = vector.broadcast %get3A_95 : vector<1x128xf32> to vector<1000x128xf32>
    %mul3A_97 = arith.mulf %mul3A_92, %mul3A_96 : vector<1000x128xf32>
    %get3A_98 = arith.constant 0 : index
    %get3A_99 = arith.constant 0 : index
    %get3A_100 = vector.load %arg3[%get3A_98, %get3A_99] : memref<1x128xf32, #tpu.memory_space<vmem>>, vector<1x128xf32>
    %add3A_101 = vector.broadcast %get3A_100 : vector<1x128xf32> to vector<1000x128xf32>
    %add3A_102 = arith.addf %mul3A_97, %add3A_101 : vector<1000x128xf32>
    %get3A_103 = arith.constant 0 : index
    %get3A_104 = arith.constant 0 : index
    %get3A_105 = vector.load %arg4[%get3A_103, %get3A_104] : memref<128x256xf32, #tpu.memory_space<vmem>>, vector<128x256xf32>
    %dot_general3A = arith.constant dense<0.000000e+00> : vector<1000x256xf32>
    %dot_general3A_106 = tpu.matmul %add3A_102, %get3A_105, %dot_general3A {dimension_numbers = #tpu.dot_dimension_numbers<[1], [0], [0], [1], [0, 0, 1, 1], [], []>, transpose_lhs_hint = false} : vector<1000x128xf32>, vector<128x256xf32>, vector<1000x256xf32> -> vector<1000x256xf32>
    %get3A_107 = arith.constant 0 : index
    %get3A_108 = arith.constant 0 : index
    %get3A_109 = vector.load %arg5[%get3A_107, %get3A_108] : memref<1x256xf32, #tpu.memory_space<vmem>>, vector<1x256xf32>
    %add3A_110 = vector.broadcast %get3A_109 : vector<1x256xf32> to vector<1000x256xf32>
    %add3A_111 = arith.addf %dot_general3A_106, %add3A_110 : vector<1000x256xf32>
    %neg3A = arith.constant 0.000000e+00 : f32
    %neg3A_112 = vector.broadcast %neg3A : f32 to vector<1000x256xf32>
    %neg3A_113 = arith.subf %neg3A_112, %add3A_111 : vector<1000x256xf32>
    %exp3A = math.exp %neg3A_113 : vector<1000x256xf32>
    %add3A_114 = arith.constant 1.000000e+00 : f32
    %add3A_115 = vector.broadcast %add3A_114 : f32 to vector<1000x256xf32>
    %add3A_116 = arith.addf %add3A_115, %exp3A : vector<1000x256xf32>
    %div3A_117 = arith.divf %add3A_111, %add3A_116 : vector<1000x256xf32>
    %get3A_118 = arith.constant 0 : index
    %get3A_119 = arith.constant 0 : index
    %get3A_120 = vector.load %arg6[%get3A_118, %get3A_119] : memref<256x384xf32, #tpu.memory_space<vmem>>, vector<256x384xf32>
    %dot_general3A_121 = arith.constant dense<0.000000e+00> : vector<1000x384xf32>
    %dot_general3A_122 = tpu.matmul %div3A_117, %get3A_120, %dot_general3A_121 {dimension_numbers = #tpu.dot_dimension_numbers<[1], [0], [0], [1], [0, 0, 1, 1], [], []>, transpose_lhs_hint = false} : vector<1000x256xf32>, vector<256x384xf32>, vector<1000x384xf32> -> vector<1000x384xf32>
    %get3A_123 = arith.constant 0 : index
    %get3A_124 = arith.constant 0 : index
    %get3A_125 = vector.load %arg7[%get3A_123, %get3A_124] : memref<1x384xf32, #tpu.memory_space<vmem>>, vector<1x384xf32>
    %add3A_126 = vector.broadcast %get3A_125 : vector<1x384xf32> to vector<1000x384xf32>
    %add3A_127 = arith.addf %dot_general3A_122, %add3A_126 : vector<1000x384xf32>
    %slice3A = vector.extract_strided_slice %add3A_127 {offsets = [0, 0], sizes = [1000, 128], strides = [1, 1]} : vector<1000x384xf32> to vector<1000x128xf32>
    %slice3A_128 = vector.extract_strided_slice %add3A_127 {offsets = [0, 128], sizes = [1000, 128], strides = [1, 1]} : vector<1000x384xf32> to vector<1000x128xf32>
    %slice3A_129 = vector.extract_strided_slice %add3A_127 {offsets = [0, 256], sizes = [1000, 128], strides = [1, 1]} : vector<1000x384xf32> to vector<1000x128xf32>
    %get3A_130 = arith.constant 0 : index
    %get3A_131 = arith.constant 0 : index
    %get3A_132 = vector.load %arg8[%get3A_130, %get3A_131] : memref<128x128xf32, #tpu.memory_space<vmem>>, vector<128x128xf32>
    %dot_general3A_133 = arith.constant dense<0.000000e+00> : vector<1000x128xf32>
    %dot_general3A_134 = tpu.matmul %get3A_3, %get3A_132, %dot_general3A_133 {dimension_numbers = #tpu.dot_dimension_numbers<[1], [0], [0], [1], [0, 0, 1, 1], [], []>, transpose_lhs_hint = false} : vector<1000x128xf32>, vector<128x128xf32>, vector<1000x128xf32> -> vector<1000x128xf32>
    %mul3A_135 = arith.mulf %dot_general3A_134, %slice3A : vector<1000x128xf32>
    %get3A_136 = arith.constant 0 : index
    %get3A_137 = arith.constant 0 : index
    %get3A_138 = vector.load %arg9[%get3A_136, %get3A_137] : memref<128x128xf32, #tpu.memory_space<vmem>>, vector<128x128xf32>
    %dot_general3A_139 = arith.constant dense<0.000000e+00> : vector<1000x128xf32>
    %dot_general3A_140 = tpu.matmul %get3A_8, %get3A_138, %dot_general3A_139 {dimension_numbers = #tpu.dot_dimension_numbers<[1], [0], [0], [1], [0, 0, 1, 1], [], []>, transpose_lhs_hint = false} : vector<1000x128xf32>, vector<128x128xf32>, vector<1000x128xf32> -> vector<1000x128xf32>
    %mul3A_141 = arith.mulf %dot_general3A_140, %slice3A_128 : vector<1000x128xf32>
    %get3A_142 = arith.constant 0 : index
    %get3A_143 = arith.constant 0 : index
    %get3A_144 = vector.load %arg9[%get3A_142, %get3A_143] : memref<128x128xf32, #tpu.memory_space<vmem>>, vector<128x128xf32>
    %dot_general3A_145 = arith.constant dense<0.000000e+00> : vector<1000x128xf32>
    %dot_general3A_146 = tpu.matmul %get3A_13, %get3A_144, %dot_general3A_145 {dimension_numbers = #tpu.dot_dimension_numbers<[1], [0], [0], [1], [0, 0, 1, 1], [], []>, transpose_lhs_hint = false} : vector<1000x128xf32>, vector<128x128xf32>, vector<1000x128xf32> -> vector<1000x128xf32>
    %mul3A_147 = arith.mulf %dot_general3A_146, %slice3A_128 : vector<1000x128xf32>
    %get3A_148 = arith.constant 0 : index
    %get3A_149 = arith.constant 0 : index
    %get3A_150 = vector.load %arg9[%get3A_148, %get3A_149] : memref<128x128xf32, #tpu.memory_space<vmem>>, vector<128x128xf32>
    %dot_general3A_151 = arith.constant dense<0.000000e+00> : vector<1000x128xf32>
    %dot_general3A_152 = tpu.matmul %get3A_18, %get3A_150, %dot_general3A_151 {dimension_numbers = #tpu.dot_dimension_numbers<[1], [0], [0], [1], [0, 0, 1, 1], [], []>, transpose_lhs_hint = false} : vector<1000x128xf32>, vector<128x128xf32>, vector<1000x128xf32> -> vector<1000x128xf32>
    %mul3A_153 = arith.mulf %dot_general3A_152, %slice3A_128 : vector<1000x128xf32>
    %get3A_154 = arith.constant 0 : index
    %get3A_155 = arith.constant 0 : index
    %get3A_156 = vector.load %arg10[%get3A_154, %get3A_155] : memref<128x128xf32, #tpu.memory_space<vmem>>, vector<128x128xf32>
    %dot_general3A_157 = arith.constant dense<0.000000e+00> : vector<1000x128xf32>
    %dot_general3A_158 = tpu.matmul %get3A_23, %get3A_156, %dot_general3A_157 {dimension_numbers = #tpu.dot_dimension_numbers<[1], [0], [0], [1], [0, 0, 1, 1], [], []>, transpose_lhs_hint = false} : vector<1000x128xf32>, vector<128x128xf32>, vector<1000x128xf32> -> vector<1000x128xf32>
    %mul3A_159 = arith.mulf %dot_general3A_158, %slice3A_129 : vector<1000x128xf32>
    %get3A_160 = arith.constant 0 : index
    %get3A_161 = arith.constant 0 : index
    %get3A_162 = vector.load %arg10[%get3A_160, %get3A_161] : memref<128x128xf32, #tpu.memory_space<vmem>>, vector<128x128xf32>
    %dot_general3A_163 = arith.constant dense<0.000000e+00> : vector<1000x128xf32>
    %dot_general3A_164 = tpu.matmul %get3A_28, %get3A_162, %dot_general3A_163 {dimension_numbers = #tpu.dot_dimension_numbers<[1], [0], [0], [1], [0, 0, 1, 1], [], []>, transpose_lhs_hint = false} : vector<1000x128xf32>, vector<128x128xf32>, vector<1000x128xf32> -> vector<1000x128xf32>
    %mul3A_165 = arith.mulf %dot_general3A_164, %slice3A_129 : vector<1000x128xf32>
    %get3A_166 = arith.constant 0 : index
    %get3A_167 = arith.constant 0 : index
    %get3A_168 = vector.load %arg10[%get3A_166, %get3A_167] : memref<128x128xf32, #tpu.memory_space<vmem>>, vector<128x128xf32>
    %dot_general3A_169 = arith.constant dense<0.000000e+00> : vector<1000x128xf32>
    %dot_general3A_170 = tpu.matmul %get3A_33, %get3A_168, %dot_general3A_169 {dimension_numbers = #tpu.dot_dimension_numbers<[1], [0], [0], [1], [0, 0, 1, 1], [], []>, transpose_lhs_hint = false} : vector<1000x128xf32>, vector<128x128xf32>, vector<1000x128xf32> -> vector<1000x128xf32>
    %mul3A_171 = arith.mulf %dot_general3A_170, %slice3A_129 : vector<1000x128xf32>
    %get3A_172 = arith.constant 0 : index
    %get3A_173 = arith.constant 0 : index
    %get3A_174 = vector.load %arg10[%get3A_172, %get3A_173] : memref<128x128xf32, #tpu.memory_space<vmem>>, vector<128x128xf32>
    %dot_general3A_175 = arith.constant dense<0.000000e+00> : vector<1000x128xf32>
    %dot_general3A_176 = tpu.matmul %get3A_38, %get3A_174, %dot_general3A_175 {dimension_numbers = #tpu.dot_dimension_numbers<[1], [0], [0], [1], [0, 0, 1, 1], [], []>, transpose_lhs_hint = false} : vector<1000x128xf32>, vector<128x128xf32>, vector<1000x128xf32> -> vector<1000x128xf32>
    %mul3A_177 = arith.mulf %dot_general3A_176, %slice3A_129 : vector<1000x128xf32>
    %get3A_178 = arith.constant 0 : index
    %get3A_179 = arith.constant 0 : index
    %get3A_180 = vector.load %arg10[%get3A_178, %get3A_179] : memref<128x128xf32, #tpu.memory_space<vmem>>, vector<128x128xf32>
    %dot_general3A_181 = arith.constant dense<0.000000e+00> : vector<1000x128xf32>
    %dot_general3A_182 = tpu.matmul %get3A_43, %get3A_180, %dot_general3A_181 {dimension_numbers = #tpu.dot_dimension_numbers<[1], [0], [0], [1], [0, 0, 1, 1], [], []>, transpose_lhs_hint = false} : vector<1000x128xf32>, vector<128x128xf32>, vector<1000x128xf32> -> vector<1000x128xf32>
    %mul3A_183 = arith.mulf %dot_general3A_182, %slice3A_129 : vector<1000x128xf32>
    %get3A_184 = arith.constant 0 : index
    %get3A_185 = arith.constant 0 : index
    %get3A_186 = vector.load %arg10[%get3A_184, %get3A_185] : memref<128x128xf32, #tpu.memory_space<vmem>>, vector<128x128xf32>
    %dot_general3A_187 = arith.constant dense<0.000000e+00> : vector<1000x128xf32>
    %dot_general3A_188 = tpu.matmul %get3A_48, %get3A_186, %dot_general3A_187 {dimension_numbers = #tpu.dot_dimension_numbers<[1], [0], [0], [1], [0, 0, 1, 1], [], []>, transpose_lhs_hint = false} : vector<1000x128xf32>, vector<128x128xf32>, vector<1000x128xf32> -> vector<1000x128xf32>
    %mul3A_189 = arith.mulf %dot_general3A_188, %slice3A_129 : vector<1000x128xf32>
    %add3A_190 = arith.addf %mul3A_135, %mul3A_159 : vector<1000x128xf32>
    %swap3A = arith.constant 0 : index
    %swap3A_191 = arith.constant 0 : index
    %swap3A_192 = arith.constant 0 : index
    %swap3A_193 = vector.load %arg11[%swap3A, %swap3A_191, %swap3A_192] : memref<9x1000x128xf32, #tpu.memory_space<vmem>>, vector<1x1000x128xf32>
    %swap3A_194 = vector.shape_cast %swap3A_193 : vector<1x1000x128xf32> to vector<1000x128xf32>
    %swap3A_195 = vector.shape_cast %add3A_190 : vector<1000x128xf32> to vector<1x1000x128xf32>
    tpu.vector_store %arg11[%swap3A, %swap3A_191, %swap3A_192], %swap3A_195 {strides = array<i32>} : memref<9x1000x128xf32, #tpu.memory_space<vmem>>, vector<1x1000x128xf32>,
    %sub3A_196 = arith.subf %mul3A_165, %mul3A_153 : vector<1000x128xf32>
    %swap3A_197 = arith.constant 1 : index
    %swap3A_198 = arith.constant 0 : index
    %swap3A_199 = arith.constant 0 : index
    %swap3A_200 = vector.load %arg11[%swap3A_197, %swap3A_198, %swap3A_199] : memref<9x1000x128xf32, #tpu.memory_space<vmem>>, vector<1x1000x128xf32>
    %swap3A_201 = vector.shape_cast %swap3A_200 : vector<1x1000x128xf32> to vector<1000x128xf32>
    %swap3A_202 = vector.shape_cast %sub3A_196 : vector<1000x128xf32> to vector<1x1000x128xf32>
    tpu.vector_store %arg11[%swap3A_197, %swap3A_198, %swap3A_199], %swap3A_202 {strides = array<i32>} : memref<9x1000x128xf32, #tpu.memory_space<vmem>>, vector<1x1000x128xf32>,
    %add3A_203 = arith.addf %mul3A_171, %mul3A_147 : vector<1000x128xf32>
    %swap3A_204 = arith.constant 2 : index
    %swap3A_205 = arith.constant 0 : index
    %swap3A_206 = arith.constant 0 : index
    %swap3A_207 = vector.load %arg11[%swap3A_204, %swap3A_205, %swap3A_206] : memref<9x1000x128xf32, #tpu.memory_space<vmem>>, vector<1x1000x128xf32>
    %swap3A_208 = vector.shape_cast %swap3A_207 : vector<1x1000x128xf32> to vector<1000x128xf32>
    %swap3A_209 = vector.shape_cast %add3A_203 : vector<1000x128xf32> to vector<1x1000x128xf32>
    tpu.vector_store %arg11[%swap3A_204, %swap3A_205, %swap3A_206], %swap3A_209 {strides = array<i32>} : memref<9x1000x128xf32, #tpu.memory_space<vmem>>, vector<1x1000x128xf32>,
    %add3A_210 = arith.addf %mul3A_165, %mul3A_153 : vector<1000x128xf32>
    %swap3A_211 = arith.constant 3 : index
    %swap3A_212 = arith.constant 0 : index
    %swap3A_213 = arith.constant 0 : index
    %swap3A_214 = vector.load %arg11[%swap3A_211, %swap3A_212, %swap3A_213] : memref<9x1000x128xf32, #tpu.memory_space<vmem>>, vector<1x1000x128xf32>
    %swap3A_215 = vector.shape_cast %swap3A_214 : vector<1x1000x128xf32> to vector<1000x128xf32>
    %swap3A_216 = vector.shape_cast %add3A_210 : vector<1000x128xf32> to vector<1x1000x128xf32>
    tpu.vector_store %arg11[%swap3A_211, %swap3A_212, %swap3A_213], %swap3A_216 {strides = array<i32>} : memref<9x1000x128xf32, #tpu.memory_space<vmem>>, vector<1x1000x128xf32>,
    %add3A_217 = arith.addf %mul3A_135, %mul3A_177 : vector<1000x128xf32>
    %swap3A_218 = arith.constant 4 : index
    %swap3A_219 = arith.constant 0 : index
    %swap3A_220 = arith.constant 0 : index
    %swap3A_221 = vector.load %arg11[%swap3A_218, %swap3A_219, %swap3A_220] : memref<9x1000x128xf32, #tpu.memory_space<vmem>>, vector<1x1000x128xf32>
    %swap3A_222 = vector.shape_cast %swap3A_221 : vector<1x1000x128xf32> to vector<1000x128xf32>
    %swap3A_223 = vector.shape_cast %add3A_217 : vector<1000x128xf32> to vector<1x1000x128xf32>
    tpu.vector_store %arg11[%swap3A_218, %swap3A_219, %swap3A_220], %swap3A_223 {strides = array<i32>} : memref<9x1000x128xf32, #tpu.memory_space<vmem>>, vector<1x1000x128xf32>,
    %sub3A_224 = arith.subf %mul3A_183, %mul3A_141 : vector<1000x128xf32>
    %swap3A_225 = arith.constant 5 : index
    %swap3A_226 = arith.constant 0 : index
    %swap3A_227 = arith.constant 0 : index
    %swap3A_228 = vector.load %arg11[%swap3A_225, %swap3A_226, %swap3A_227] : memref<9x1000x128xf32, #tpu.memory_space<vmem>>, vector<1x1000x128xf32>
    %swap3A_229 = vector.shape_cast %swap3A_228 : vector<1x1000x128xf32> to vector<1000x128xf32>
    %swap3A_230 = vector.shape_cast %sub3A_224 : vector<1000x128xf32> to vector<1x1000x128xf32>
    tpu.vector_store %arg11[%swap3A_225, %swap3A_226, %swap3A_227], %swap3A_230 {strides = array<i32>} : memref<9x1000x128xf32, #tpu.memory_space<vmem>>, vector<1x1000x128xf32>,
    %sub3A_231 = arith.subf %mul3A_171, %mul3A_147 : vector<1000x128xf32>
    %swap3A_232 = arith.constant 6 : index
    %swap3A_233 = arith.constant 0 : index
    %swap3A_234 = arith.constant 0 : index
    %swap3A_235 = vector.load %arg11[%swap3A_232, %swap3A_233, %swap3A_234] : memref<9x1000x128xf32, #tpu.memory_space<vmem>>, vector<1x1000x128xf32>
    %swap3A_236 = vector.shape_cast %swap3A_235 : vector<1x1000x128xf32> to vector<1000x128xf32>
    %swap3A_237 = vector.shape_cast %sub3A_231 : vector<1000x128xf32> to vector<1x1000x128xf32>
    tpu.vector_store %arg11[%swap3A_232, %swap3A_233, %swap3A_234], %swap3A_237 {strides = array<i32>} : memref<9x1000x128xf32, #tpu.memory_space<vmem>>, vector<1x1000x128xf32>,
    %add3A_238 = arith.addf %mul3A_183, %mul3A_141 : vector<1000x128xf32>
    %swap3A_239 = arith.constant 7 : index
    %swap3A_240 = arith.constant 0 : index
    %swap3A_241 = arith.constant 0 : index
    %swap3A_242 = vector.load %arg11[%swap3A_239, %swap3A_240, %swap3A_241] : memref<9x1000x128xf32, #tpu.memory_space<vmem>>, vector<1x1000x128xf32>
    %swap3A_243 = vector.shape_cast %swap3A_242 : vector<1x1000x128xf32> to vector<1000x128xf32>
    %swap3A_244 = vector.shape_cast %add3A_238 : vector<1000x128xf32> to vector<1x1000x128xf32>
    tpu.vector_store %arg11[%swap3A_239, %swap3A_240, %swap3A_241], %swap3A_244 {strides = array<i32>} : memref<9x1000x128xf32, #tpu.memory_space<vmem>>, vector<1x1000x128xf32>,
    %add3A_245 = arith.addf %mul3A_135, %mul3A_189 : vector<1000x128xf32>
    %swap3A_246 = arith.constant 8 : index
    %swap3A_247 = arith.constant 0 : index
    %swap3A_248 = arith.constant 0 : index
    %swap3A_249 = vector.load %arg11[%swap3A_246, %swap3A_247, %swap3A_248] : memref<9x1000x128xf32, #tpu.memory_space<vmem>>, vector<1x1000x128xf32>
    %swap3A_250 = vector.shape_cast %swap3A_249 : vector<1x1000x128xf32> to vector<1000x128xf32>
    %swap3A_251 = vector.shape_cast %add3A_245 : vector<1000x128xf32> to vector<1x1000x128xf32>
    tpu.vector_store %arg11[%swap3A_246, %swap3A_247, %swap3A_248], %swap3A_251 {strides = array<i32>} : memref<9x1000x128xf32, #tpu.memory_space<vmem>>, vector<1x1000x128xf32>,
    return
  }
  func.func @transform_0(%arg0: i32) -> (i32, i32, i32) {
    %c0_i32 = arith.constant 0 : i32
    %c0_i32_0 = arith.constant 0 : i32
    %c0_i32_1 = arith.constant 0 : i32
    return %c0_i32, %arg0, %c0_i32_0 : i32, i32, i32
  }
  func.func @transform_1(%arg0: i32) -> (i32, i32) {
    %c0_i32 = arith.constant 0 : i32
    %c0_i32_0 = arith.constant 0 : i32
    %c0_i32_1 = arith.constant 0 : i32
    return %c0_i32, %c0_i32_0 : i32, i32
  }
  func.func @transform_2(%arg0: i32) -> (i32, i32) {
    %c0_i32 = arith.constant 0 : i32
    %c0_i32_0 = arith.constant 0 : i32
    %c0_i32_1 = arith.constant 0 : i32
    return %c0_i32, %c0_i32_0 : i32, i32
  }
  func.func @transform_3(%arg0: i32) -> (i32, i32) {
    %c0_i32 = arith.constant 0 : i32
    %c0_i32_0 = arith.constant 0 : i32
    %c0_i32_1 = arith.constant 0 : i32
    return %c0_i32, %c0_i32_0 : i32, i32
  }
  func.func @transform_4(%arg0: i32) -> (i32, i32) {
    %c0_i32 = arith.constant 0 : i32
    %c0_i32_0 = arith.constant 0 : i32
    %c0_i32_1 = arith.constant 0 : i32
    return %c0_i32, %c0_i32_0 : i32, i32
  }
  func.func @transform_5(%arg0: i32) -> (i32, i32) {
    %c0_i32 = arith.constant 0 : i32
    %c0_i32_0 = arith.constant 0 : i32
    %c0_i32_1 = arith.constant 0 : i32
    return %c0_i32, %c0_i32_0 : i32, i32
  }
  func.func @transform_6(%arg0: i32) -> (i32, i32) {
    %c0_i32 = arith.constant 0 : i32
    %c0_i32_0 = arith.constant 0 : i32
    %c0_i32_1 = arith.constant 0 : i32
    return %c0_i32, %c0_i32_0 : i32, i32
  }
  func.func @transform_7(%arg0: i32) -> (i32, i32) {
    %c0_i32 = arith.constant 0 : i32
    %c0_i32_0 = arith.constant 0 : i32
    %c0_i32_1 = arith.constant 0 : i32
    return %c0_i32, %c0_i32_0 : i32, i32
  }
  func.func @transform_8(%arg0: i32) -> (i32, i32) {
    %c0_i32 = arith.constant 0 : i32
    %c0_i32_0 = arith.constant 0 : i32
    %c0_i32_1 = arith.constant 0 : i32
    return %c0_i32, %c0_i32_0 : i32, i32
  }
  func.func @transform_9(%arg0: i32) -> (i32, i32) {
    %c0_i32 = arith.constant 0 : i32
    %c0_i32_0 = arith.constant 0 : i32
    %c0_i32_1 = arith.constant 0 : i32
    return %c0_i32, %c0_i32_0 : i32, i32
  }
  func.func @transform_10(%arg0: i32) -> (i32, i32, i32) {
    %c0_i32 = arith.constant 0 : i32
    %c0_i32_0 = arith.constant 0 : i32
    %c0_i32_1 = arith.constant 0 : i32
    return %c0_i32, %arg0, %c0_i32_0 : i32, i32, i32
  }
}

</mosaic_0001>

<sc_bundles>
// kernel: kernel.11.cloned.1.call-start
scs
__scs_entry_jumppad:
0x0: {  	(pc) =	sbr.rel $0x88, $3  }
0x1: {  	(tag) =	ssettag $0x0;
	lr =	simm.s32 $0x1  }
0x2: {  	[smem:$0x3F8A] =	sst lr;
	_ =	strace $0xD0000000  }
0x3: {  	_ = 	snop  }
0x4: {  	_ = 	snop  }
0x5: {  	_ = 	snop  }
0x6: {  	_ = 	snop  }
0x7: {  	_ = 	snop  }
__scs_overlays_trampoline_lowered:
0x8: {  	[smem:$0x3F99] =	sst s0  }
0x9: {  	[smem:$0x3F9A] =	sst s1  }
0xa: {  	[smem:$0x3F9B] =	sst s2  }
0xb: {  	[smem:$0x3F9C] =	sst s3  }
0xc: {  	[smem:$0x3F9D] =	sst s4  }
0xd: {  	[smem:$0x3F9E] =	sst s5  }
0xe: {  	[smem:$0x3F9F] =	sst s6  }
0xf: {  	[smem:$0x3FA0] =	sst s7  }
0x10: {  	[smem:$0x3FA1] =	sst s8  }
0x11: {  	[smem:$0x3FA2] =	sst s9;
	s0 =	simm.s32 @!p0 $0x0  }
0x12: {  	s1 =	sld [smem:$0x3F88];
	s0 =	simm.s32 @p0 $0x1  }
0x13: {  	[smem:$0x3FA3] =	sst s0;
	s0 =	simm.s32 @!p1 $0x0  }
0x14: {  	s2 =	sld [smem:$0x3F87];
	s0 =	simm.s32 @p1 $0x1  }
0x15: {  	[smem:$0x3FA4] =	sst s0;
	s0 =	simm.s32 @!p2 $0x0  }
0x16: {  	s3 =	sld [smem:$0x3FDB];
	s0 =	simm.s32 @p2 $0x1  }
0x17: {  	s4 =	simm.s32 $0x1BF5;
	[smem:$0x3FA6] =	sst s0  }
0x18: {  	s0 =	sld [smem:$0x3F89];
	_ =	swait.ge [sflag:s4], $0x0  }
0x19: {  	s7 =	sld [smem:$0x3F8A]  }
0x1a: {  	s8 =	sadd.s32 $0xFFFFE003, lr  }
0x1b: {  	s9 =	sadd.s32 $0xFFFFFEF7, lr;
	s5 =	simm.s32 $0xFFFFFFFF;
	p2 =	slt.u32 s8, $0xFFFFF086  }
0x1c: {  	p1 =	slt.u32 s9, $0xF7A;
	s5 =	simm.s32 @!p2 $0x0  }
0x1d: {  	s5 =	simm.s32 @p1 $0x1;
	p0 =	seq.s32 s7, s2  }
0x1e: {  	s7 =	smul.u32 @!p0 $0xF7A, s2;
	p2 =	seq.s32 @!p0 s5, $0x0  }
0x1f: {  	s9 =	smul.u32 $0xF7A, s1;
	s8 =	simm.s32 @!p0 $0x1BF5;
	p2 =	por !p2, p0  }
0x20: {  	[sflag:s8] =	ssyncset.s32 @!p0 $0xFFFFF086;
	s6 =	sadd.s32 @!p0 s3, s7;
	s7 =	simm.s32 @!p0 $0x108  }
0x21: {  	s3 =	sadd.s32 s3, s9;
	s6 =	sadd.s32 @!p0 $0x88, s6;
	s7 =	simm.s32 @p2 $0x1082  }
0x22: {  	[simem:s7], [sflag:s8] =	dma.local @!p0 [hbm:s6], $0xF7A  }
0x23: {  	s9 =	sor.u32 $0xD0000000, s2;
	s6 =	simm.s32 $0x108;
	_ =	swait.ge @!p0 [sflag:s8], $0x0  }
0x24: {  	s3 =	sadd.s32 $0x88, s3;
	s6 =	simm.s32 @!p1 $0x1082;
	[sflag:s4] =	ssyncset.s32 $0xFFFFF086  }
0x25: {  	[simem:s6], [sflag:s4] =	dma.local [hbm:s3], $0xF7A  }
0x26: {  	[smem:$0x3F8A] =	sst s1;
	(tag) =	ssettag s2;
	_ =	strace s9  }
0x27: {  	s1 =	sld [smem:$0x3F9A]  }
0x28: {  	s2 =	sld [smem:$0x3F9B]  }
0x29: {  	s4 =	sld [smem:$0x3F9D]  }
0x2a: {  	p0 =	seq.s32 s5, $0x0;
	s5 =	sld [smem:$0x3F9E]  }
0x2b: {  	s6 =	sld [smem:$0x3F9F]  }
0x2c: {  	s7 =	sld [smem:$0x3FA0]  }
0x2d: {  	s3 =	simm.s32 $0x108;
	s8 =	sld [smem:$0x3FA1]  }
0x2e: {  	s3 =	simm.s32 @!p0 $0x1082;
	s9 =	sld [smem:$0x3FA2]  }
0x2f: {  	lr =	sadd.s32 s0, s3;
	s0 =	sld [smem:$0x3F99]  }
0x30: {  	s3 =	sld [smem:$0x3F9C]  }
0x31: {  	[smem:$0x3FA5] =	sst s10  }
0x32: {  	s10 =	sld [smem:$0x3FA3];
	_ =	sdelay $0x3  }
0x33: {  	p0 =	seq.s32 s10, $0x1;
	s10 =	sld [smem:$0x3FA5];
	_ =	sdelay $0x3  }
0x34: {  	[smem:$0x3FA5] =	sst s10  }
0x35: {  	s10 =	sld [smem:$0x3FA4];
	_ =	sdelay $0x3  }
0x36: {  	p1 =	seq.s32 s10, $0x1;
	s10 =	sld [smem:$0x3FA5];
	_ =	sdelay $0x3  }
0x37: {  	[smem:$0x3FA5] =	sst s10  }
0x38: {  	s10 =	sld [smem:$0x3FA6]  }
0x39: {  	_ = 	snop;
	(pc) =	sbr.ind lr, $3  }
0x3a: {  	_ = 	snop  }
0x3b: {  	_ = 	snop  }
0x3c: {  	p2 =	seq.s32 s10, $0x1;
	s10 =	sld [smem:$0x3FA5]  }
0x3d: {  	_ =	shalt  }
0x3e: {  	_ =	shalt  }
0x3f: {  	_ =	shalt  }
0x40: {  	_ =	shalt  }
0x41: {  	_ =	shalt  }
0x42: {  	_ =	shalt  }
0x43: {  	_ =	shalt  }
0x44: {  	_ =	shalt  }
0x45: {  	_ =	shalt  }
0x46: {  	_ =	shalt  }
0x47: {  	_ =	shalt  }
0x48: {  	_ =	shalt  }
0x49: {  	_ =	shalt  }
0x4a: {  	_ =	shalt  }
0x4b: {  	_ =	shalt  }
0x4c: {  	_ =	shalt  }
0x4d: {  	_ =	shalt  }
0x4e: {  	_ =	shalt  }
0x4f: {  	_ =	shalt  }
0x50: {  	_ =	shalt  }
0x51: {  	_ =	shalt  }
0x52: {  	_ =	shalt  }
0x53: {  	_ =	shalt  }
0x54: {  	_ =	shalt  }
0x55: {  	_ =	shalt  }
0x56: {  	_ =	shalt  }
0x57: {  	_ =	shalt  }
0x58: {  	_ =	shalt  }
0x59: {  	_ =	shalt  }
0x5a: {  	_ =	shalt  }
0x5b: {  	_ =	shalt  }
0x5c: {  	_ =	shalt  }
0x5d: {  	_ =	shalt  }
0x5e: {  	_ =	shalt  }
0x5f: {  	_ =	shalt  }
0x60: {  	_ =	shalt  }
0x61: {  	_ =	shalt  }
0x62: {  	_ =	shalt  }
0x63: {  	_ =	shalt  }
0x64: {  	_ =	shalt  }
0x65: {  	_ =	shalt  }
0x66: {  	_ =	shalt  }
0x67: {  	_ =	shalt  }
0x68: {  	_ =	shalt  }
0x69: {  	_ =	shalt  }
0x6a: {  	_ =	shalt  }
0x6b: {  	_ =	shalt  }
0x6c: {  	_ =	shalt  }
0x6d: {  	_ =	shalt  }
0x6e: {  	_ =	shalt  }
0x6f: {  	_ =	shalt  }
0x70: {  	_ =	shalt  }
0x71: {  	_ =	shalt  }
0x72: {  	_ =	shalt  }
0x73: {  	_ =	shalt  }
0x74: {  	_ =	shalt  }
0x75: {  	_ =	shalt  }
0x76: {  	_ =	shalt  }
0x77: {  	_ =	shalt  }
0x78: {  	_ =	shalt  }
0x79: {  	_ =	shalt  }
0x7a: {  	_ =	shalt  }
0x7b: {  	_ =	shalt  }
0x7c: {  	_ =	shalt  }
0x7d: {  	_ =	shalt  }
0x7e: {  	_ =	shalt  }
0x7f: {  	_ =	shalt  }
0x80: {  	_ =	shalt  }
0x81: {  	_ =	shalt  }
0x82: {  	_ =	shalt  }
0x83: {  	_ =	shalt  }
0x84: {  	_ =	shalt  }
0x85: {  	_ =	shalt  }
0x86: {  	_ =	shalt  }
0x87: {  	_ =	shalt  }
.Lfunc_end0:
.L_simem_size_0:
called_computation.1_lowered:
.L_overlay_start_0:
0x88: {  	s2 =	sld [smem:$0x3FD9]  }
0x89: {  	s3 =	sld [smem:$0x3FFE];
	_ =	sdelay $0x1  }
0x8a: {  	s1 =	srdreg.scid  }
0x8b: {  	s0 =	sand.u32 $0x1, s1  }
0x8c: {  	s16 =	sshll.u32 s0, $0xA;
	s2 =	sadd.s32 s3, s2  }
0x8d: {  	s2 =	sadd.s32 s2, s16  }
0x8e: {  	[smem:$0x3FB1] =	sst s2  }
0x8f: {  	_ = 	snop  }
0x90: {  	(tm) =	ssettm $0x1  }
0x91: {  	s17 =	sld [smem:$0x3FFB];
	_ =	sdelay $0x3  }
0x92: {  	_ =	strace s17  }
0x93: {  	s2 =	sld [smem:$0x3FFC];
	_ =	sdelay $0x3  }
0x94: {  	_ =	strace s2  }
0x95: {  	s2 =	sld [smem:$0x3FFD];
	_ =	sdelay $0x3  }
0x96: {  	_ =	strace s2  }
0x97: {  	_ =	strace $0x8FFFFFFF  }
0x98: {  	s18 =	sld [smem:$0x3FDB];
	_ =	sdelay $0x1  }
0x99: {  	s19 =	simm.s32 $_scs_section_size  }
0x9a: {  	s4 =	simm.s32 $_size__tile_overlayer_lowered;
	s5 =	simm.s32 $_tile_overlayer_lowered  }
0x9b: {  	s22 =	simm.s32 $0x1BFF;
	s21 =	sshll.u32 s5, $0x1;
	s2 =	sadd.s32 s19, s18  }
0x9c: {  	s6 =	simm.s32 $0x0;
	s20 =	sshll.u32 s4, $0x1;
	s4 =	sadd.s32 s21, s2  }
0x9d: {  	[timem:s6], [sflag:s22] =	dma.local [hbm:s4], s20  }
0x9e: {  	_ =	swait.ge [sflag:s22], s20  }
0x9f: {  	s3 =	ssub.s32 $0x0, s20;
	[sflag:s22] =	ssyncset.done $0x0  }
0xa0: {  	[sflag:s22] =	ssyncadd.s32 s3;
	_ =	sdelay $0x1  }
0xa1: {  	s23 =	simm.s32 $0x1B8B  }
0xa2: {  	_ =	swait.ge [sflag:s23], $0x1  }
0xa3: {  	[sflag:s23] =	ssyncset.done $0x0  }
0xa4: {  	s25 =	simm.s32 $0x1B8E;
	s24 =	sld [smem:$0x3FFE];
	[sflag:s23] =	ssyncadd.s32 $0xFFFFFFFF  }
0xa5: {  	s26 =	simm.s32 $execute0_lowered;
	[smem:$0x3FD2] =	sst s25  }
0xa6: {  	s4 =	sshll.u32 s26, $0x1;
	_ =	strace $0x80000049;
	[dreg:$0x1] =	wrdreg $0xFFFFFFFF  }
0xa7: {  	s28 =	simm.s32 $_size_execute0_lowered;
	s2 =	sadd.s32 s2, s4;
	[dreg:$0x0] =	wrdreg $0x0  }
0xa8: {  	s4 =	sshll.u32 s28, $0x1;
	[dreg:$0x2] =	wrdreg s2  }
0xa9: {  	[dreg:$0x3] =	wrdreg s4  }
0xaa: {  	[dreg:$0x4] =	wrdreg $0xC0  }
0xab: {  	_ =	task [dreg:s6], $0x5FFFF  }
0xac: {  	[dreg:$0x1] =	wrdreg $0xFFFFFFFF  }
0xad: {  	[dreg:$0x0] =	wrdreg $0x60  }
0xae: {  	[dreg:$0x2] =	wrdreg s24  }
0xaf: {  	[dreg:$0x3] =	wrdreg $0x0  }
0xb0: {  	[dreg:$0x4] =	wrdreg $0x9  }
0xb1: {  	_ =	task.clear_ibuf [dreg:s6], $0x5FFFF;
	_ =	strace $0x90000049  }
0xb2: {  	s29 =	simm.s32 $0x9;
	_ =	strace $0x8000004B  }
0xb3: {  	_ =	swait.ge [sflag:s29], $0x1  }
0xb4: {  	[sflag:s29] =	ssyncadd.s32 $0xFFFFFFFF  }
0xb5: {  	_ =	strace $0x9000004B  }
0xb6: {  	_ =	sfence  }
0xb7: {  	s30 =	sld [smem:$0x0];
	_ =	sdelay $0x2  }
0xb8: {  	s31 =	sshll.u32 s1, $0xD;
	s1 =	sshrl.u32 s1, $0x2  }
0xb9: {  	s3 =	sand.u32 $0x4000, s31;
	s1 =	sadd.s32 s1, s30  }
0xba: {  	s0 =	sor.u32 s3, s0;
	s1 =	sshll.u32 s1, $0x11  }
0xbb: {  	s0 =	sor.u32 s1, s0  }
0xbc: {  	s0 =	sadd.s32 $0x8F2B, s0  }
0xbd: {  	[sflag:s0] =	ssyncadd.remote.s32 $0x1  }
0xbe: {  	_ =	sfence.sel $0xFFFF  }
0xbf: {  	[dreg:$0x0] =	wrdreg $0xFFFFFFFF;
	(pc) =	sbr.abs _section_cstart, $3  }
0xc0: {  	[dreg:$0x1] =	wrdreg $0xFFFFFFFF  }
0xc1: {  	_ =	task.clear_ibuf [dreg:s6], $0x2FFFF;
	_ =	strace $0x9FFFFFFF  }
0xc2: {  	(tm) =	ssettm $0x7FFFFFFF  }
0xc3: {  	_ =	shalt  }
tec
execute0_lowered:
.L_overlay_start_1:
0x0: {  	(tag) =	ssettag $0x1  }
0x1: {  	s16 =	stileid.u32  }
0x2: {  	s3 =	rddreg [dreg:$0x0];
	s4 =	smul.u32 $0x280, s16  }
0x3: {  	s0 =	srdreg.scid;
	s7 =	smul.u32 $0xA0000, s16  }
0x4: {  	s1 =	simm.s32 $0x0;
	s5 =	sand.u32 $0x1, s0;
	s11 =	smul.u32 $0x14000, s16  }
0x5: {  	s28 =	rddreg [dreg:$0x1];
	s30 =	simm.s32 $0x3;
	s6 =	smul.u32 $0x3200000, s5  }
0x6: {  	[smem:$0x7FF] =	sst s1;
	s2 =	sadd.s32 $0x287C00, s3;
	s9 =	smul.u32 $0x5, s5  }
0x7: {  	s8 =	sadd.s32 $0xF07C00, s3;
	s22 =	ssub.s32 $0x2, s5;
	s5 =	smul.u32 $0x640000, s5  }
0x8: {  	s0 =	sadd.s32 s4, s3;
	s10 =	sshrl.u32 s22, $0x1;
	s12 =	sor.u32 $0x4000, s7  }
0x9: {  	s4 =	sadd.s32 s7, s6;
	s9 =	sadd.s32 $0x1, s9;
	s14 =	sadd.s32 s6, s12  }
0xa: {  	s3 =	ssub.s32 s22, s10;
	s5 =	sadd.s32 s11, s5;
	s21 =	sadd.s32 $0x1E00000, s6  }
0xb: {  	s0 =	sadd.s32 $0x13C00, s0;
	s13 =	sshrl.u32 s4, $0x3;
	s15 =	smul.u32 $0xA00000, s9  }
0xc: {  	s24 =	sshrl.u32 s14, $0x3;
	s26 =	sshrl.u32 s5, $0x3;
	s9 =	smul.u32 $0x140000, s9  }
0xd: {  	s22 =	sadd.s32 $0x280000, s5;
	s23 =	sadd.s32 s2, s13;
	s10 =	sadd.s32 s2, s24  }
0xe: {  	s13 =	sadd.s32 s8, s26;
	s26 =	sadd.s32 $0x3C0000, s5;
	[dreg:$0x3] =	wrdreg s23  }
0xf: {  	s5 =	sadd.s32 $0x500000, s5;
	[dreg:$0x4] =	wrdreg s10;
	s25 =	sadd.s32 s7, s15  }
0x10: {  	[dreg:$0x5] =	wrdreg s13;
	s14 =	sadd.s32 s12, s15;
	s9 =	sadd.s32 s11, s9  }
0x11: {  	s15 =	sadd.s32 $0x1400000, s6;
	s23 =	sadd.s32 s7, s21;
	s6 =	sadd.s32 $0x2800000, s6  }
0x12: {  	s5 =	sshrl.u32 s5, $0x3;
	s13 =	sadd.s32 $0xA0C000, s4;
	s10 =	sshrl.u32 s25, $0x3  }
0x13: {  	s9 =	sshrl.u32 s9, $0x3;
	s17 =	sadd.s32 s7, s15;
	s19 =	sadd.s32 s12, s15  }
0x14: {  	s11 =	sshrl.u32 s23, $0x3;
	s7 =	sadd.s32 s7, s6;
	s6 =	sadd.s32 s12, s6  }
0x15: {  	s5 =	sadd.s32 s8, s5;
	s15 =	sadd.s32 $0x140C000, s4;
	s23 =	sadd.s32 $0x1E0C000, s4  }
0x16: {  	s10 =	sadd.s32 s2, s10;
	s9 =	sadd.s32 s8, s9;
	s18 =	sshrl.u32 s17, $0x3  }
0x17: {  	s20 =	sshrl.u32 s19, $0x3;
	s24 =	sadd.s32 s2, s11;
	[dreg:$0x11] =	wrdreg s5  }
0x18: {  	s7 =	sshrl.u32 s7, $0x3;
	s6 =	sshrl.u32 s6, $0x3;
	[dreg:$0x6] =	wrdreg s10  }
0x19: {  	s5 =	sshrl.u32 s13, $0x3;
	s10 =	sshrl.u32 s14, $0x3;
	[dreg:$0x8] =	wrdreg s9  }
0x1a: {  	s9 =	sadd.s32 s2, s18;
	[dreg:$0xc] =	wrdreg s24;
	s7 =	sadd.s32 s2, s7  }
0x1b: {  	s6 =	sadd.s32 s2, s6;
	s14 =	sadd.s32 $0xA08000, s4;
	[dreg:$0x9] =	wrdreg s9  }
0x1c: {  	s19 =	sadd.s32 s5, s2;
	s24 =	sadd.s32 $0x1E08000, s4;
	[dreg:$0xf] =	wrdreg s7  }
0x1d: {  	s10 =	sadd.s32 s2, s10;
	s9 =	sadd.s32 s2, s20;
	[dreg:$0x10] =	wrdreg s6  }
0x1e: {  	s20 =	sshrl.u32 s14, $0x3;
	s6 =	sadd.s32 $0x280C000, s4;
	[dreg:$0x7] =	wrdreg s10  }
0x1f: {  	s7 =	smul.u32 $0x50000, s16;
	[dreg:$0xa] =	wrdreg s9;
	s9 =	sshrl.u32 s22, $0x3  }
0x20: {  	s10 =	sadd.s32 s12, s21;
	s21 =	sshrl.u32 s15, $0x3;
	s20 =	sadd.s32 s20, s2  }
0x21: {  	s22 =	sadd.s32 $0x1408000, s4;
	s9 =	sadd.s32 s8, s9;
	s25 =	sshrl.u32 s10, $0x3  }
0x22: {  	s10 =	sor.u32 $0x8000, s4;
	s21 =	sadd.s32 s21, s2;
	s5 =	sshrl.u32 s22, $0x3  }
0x23: {  	[dreg:$0xb] =	wrdreg s9;
	s9 =	sadd.s32 s2, s25;
	s12 =	sshrl.u32 s10, $0x3  }
0x24: {  	s22 =	sadd.s32 s5, s2;
	s25 =	sshrl.u32 s23, $0x3;
	s5 =	sshrl.u32 s6, $0x3  }
0x25: {  	[dreg:$0xd] =	wrdreg s9;
	s9 =	sshrl.u32 s26, $0x3;
	s18 =	sadd.s32 s12, s2  }
0x26: {  	s26 =	sshrl.u32 s24, $0x3;
	s23 =	sadd.s32 s25, s2;
	s9 =	sadd.s32 s8, s9  }
0x27: {  	s8 =	sshrl.u32 s7, $0x2;
	[dreg:$0xe] =	wrdreg s9;
	s9 =	sor.u32 $0xC000, s4  }
0x28: {  	s24 =	sadd.s32 s26, s2;
	s31 =	sadd.s32 s8, s28;
	s11 =	sshrl.u32 s9, $0x3  }
0x29: {  	_ =	strace $0x8000004A;
	[dreg:$0x12] =	wrdreg s0;
	s9 =	smax.u32 s3, $0x1  }
0x2a: {  	s26 =	sadd.s32 s5, s2;
	s10 =	sadd.s32 $0x2000, s31;
	[dreg:$0x13] =	wrdreg s9  }
0x2b: {  	s4 =	sadd.s32 $0x2808000, s4;
	s12 =	sadd.s32 $0x6000, s31;
	[dreg:$0x14] =	wrdreg s10  }
0x2c: {  	s4 =	sshrl.u32 s4, $0x3;
	s13 =	sadd.s32 $0x8000, s31;
	[dreg:$0x16] =	wrdreg s12  }
0x2d: {  	s14 =	sadd.s32 $0xA000, s31;
	s15 =	sadd.s32 $0xC000, s31;
	[dreg:$0x17] =	wrdreg s13  }
0x2e: {  	s16 =	sadd.s32 $0xE000, s31;
	s25 =	sadd.s32 $0x10000, s31;
	[dreg:$0x18] =	wrdreg s14  }
0x2f: {  	s0 =	simm.s32 $0x4;
	s17 =	sadd.s32 s11, s2;
	[dreg:$0x19] =	wrdreg s15  }
0x30: {  	s29 =	sadd.s32 s4, s2;
	s11 =	sadd.s32 $0x4000, s31;
	[dreg:$0x1a] =	wrdreg s16  }
0x31: {  	[dreg:$0x1b] =	wrdreg s25;
	s9 =	sadd.s32 $0x12000, s31;
	s10 =	simm.s32 $0x6  }
0x32: {  	s12 =	simm.s32 $0x5;
	s13 =	simm.s32 $0x14000;
	s14 =	simm.s32 $0x18000  }
0x33: {  	s15 =	simm.s32 $0x1;
	s16 =	simm.s32 $0x80;
	s25 =	simm.s32 $0x2  }
0x34: {  	v0 =	vimm.f32 $0.0e+00;
	s2 =	simm.s32 $0x0;
	[dreg:$0x15] =	wrdreg s11;
	s11 =	simm.s32 $0x1D400  }
.LBB2_1:
0x35: {  	s3 =	rddreg [dreg:$0x12];
	s4 =	simm.s32 $0x1C000  }
0x36: {  	[tilespmem:s4], [sflag:$0x6] =	stream.linear.gather [hbm4b:s3+s1], $0x1400, $0x38;
	[tilespmem:$0x1F400] =	vst v63  }
0x37: {  	_ =	swait.ge [sflag:s10], $0x1400  }
0x38: {  	[sflag:s10] =	ssyncset.done $0x0  }
0x39: {  	s3 =	simm.s32 $0x0;
	s4 =	simm.s32 $0x200;
	[sflag:s10] =	ssyncadd.s32 $0xFFFFEC00  }
.LBB2_2:
0x3a: {  	p0 =	sne.s32 s4, $0x7E00;
	[tilespmem:s3+$0x1D470] =	vst v0  }
0x3b: {  	[tilespmem:s3+$0x1D400] =	vst v0  }
0x3c: {  	[tilespmem:s3+$0x1D410] =	vst v0  }
.Ltmp0:
0x3d: {  	[tilespmem:s3+$0x1D420] =	vst v0;
	(pc) =	sbr.rel @p0 .LBB2_2-.Ltmp0, $4  }
0x3e: {  	[tilespmem:s3+$0x1D430] =	vst v0  }
0x3f: {  	[tilespmem:s3+$0x1D440] =	vst v0  }
0x40: {  	[tilespmem:s3+$0x1D450] =	vst v0  }
0x41: {  	[tilespmem:s3+$0x1D460] =	vst v0;
	s3 =	sshra.s32 s4, $0x2;
	s4 =	sadd.s32 $0x200, s4  }
0x42: {  	[tilespmem:s3+$0x1D470] =	vst v0  }
0x43: {  	[tilespmem:s3+$0x1D400] =	vst v0  }
0x44: {  	[tilespmem:s3+$0x1D410] =	vst v0  }
0x45: {  	[tilespmem:s3+$0x1D420] =	vst v0  }
0x46: {  	[tilespmem:s3+$0x1D430] =	vst v0  }
0x47: {  	[tilespmem:s3+$0x1D440] =	vst v0  }
0x48: {  	[tilespmem:s3+$0x1D450] =	vst v0  }
0x49: {  	[tilespmem:s3+$0x1D460] =	vst v0  }
0x4a: {  	[spmem:s31] =	stream.linear.scatter [tilespmem:s11], [sflag:$0x5], $0x2000, $0x38;
	[tilespmem:$0x1F400] =	vst v63  }
0x4b: {  	s5 =	rddreg [dreg:$0x14]  }
0x4c: {  	[spmem:s5] =	stream.linear.scatter [tilespmem:s11], [sflag:$0x5], $0x2000, $0x38;
	[tilespmem:$0x1F400] =	vst v63  }
0x4d: {  	s6 =	rddreg [dreg:$0x15]  }
0x4e: {  	[spmem:s6] =	stream.linear.scatter [tilespmem:s11], [sflag:$0x5], $0x2000, $0x38;
	[tilespmem:$0x1F400] =	vst v63  }
0x4f: {  	s7 =	rddreg [dreg:$0x16]  }
0x50: {  	[spmem:s7] =	stream.linear.scatter [tilespmem:s11], [sflag:$0x5], $0x2000, $0x38;
	[tilespmem:$0x1F400] =	vst v63  }
0x51: {  	s8 =	rddreg [dreg:$0x17]  }
0x52: {  	[spmem:s8] =	stream.linear.scatter [tilespmem:s11], [sflag:$0x5], $0x2000, $0x38;
	[tilespmem:$0x1F400] =	vst v63  }
0x53: {  	s4 =	rddreg [dreg:$0x18]  }
0x54: {  	[spmem:s4] =	stream.linear.scatter [tilespmem:s11], [sflag:$0x5], $0x2000, $0x38;
	[tilespmem:$0x1F400] =	vst v63  }
0x55: {  	s5 =	rddreg [dreg:$0x19]  }
0x56: {  	[spmem:s5] =	stream.linear.scatter [tilespmem:s11], [sflag:$0x5], $0x2000, $0x38;
	[tilespmem:$0x1F400] =	vst v63  }
0x57: {  	s6 =	rddreg [dreg:$0x1a]  }
0x58: {  	[spmem:s6] =	stream.linear.scatter [tilespmem:s11], [sflag:$0x5], $0x2000, $0x38;
	[tilespmem:$0x1F400] =	vst v63  }
0x59: {  	s7 =	rddreg [dreg:$0x1b]  }
0x5a: {  	[spmem:s7] =	stream.linear.scatter [tilespmem:s11], [sflag:$0x5], $0x2000, $0x38;
	[tilespmem:$0x1F400] =	vst v63  }
0x5b: {  	_ = 	snop  }
0x5c: {  	[spmem:s9] =	stream.linear.scatter [tilespmem:s11], [sflag:$0x5], $0x2000, $0x38;
	[tilespmem:$0x1F400] =	vst v63  }
0x5d: {  	_ =	swait.ge [sflag:s12], $0x2000  }
0x5e: {  	[sflag:s12] =	ssyncset.done $0x0  }
0x5f: {  	[sflag:s12] =	ssyncadd.s32 $0xFFFFE000  }
0x60: {  	_ =	swait.ge [sflag:s12], $0x2000  }
0x61: {  	[sflag:s12] =	ssyncset.done $0x0  }
0x62: {  	[sflag:s12] =	ssyncadd.s32 $0xFFFFE000  }
0x63: {  	_ =	swait.ge [sflag:s12], $0x2000  }
0x64: {  	[sflag:s12] =	ssyncset.done $0x0  }
0x65: {  	[sflag:s12] =	ssyncadd.s32 $0xFFFFE000  }
0x66: {  	_ =	swait.ge [sflag:s12], $0x2000  }
0x67: {  	[sflag:s12] =	ssyncset.done $0x0  }
0x68: {  	[sflag:s12] =	ssyncadd.s32 $0xFFFFE000  }
0x69: {  	_ =	swait.ge [sflag:s12], $0x2000  }
0x6a: {  	[sflag:s12] =	ssyncset.done $0x0  }
0x6b: {  	[sflag:s12] =	ssyncadd.s32 $0xFFFFE000  }
0x6c: {  	_ =	swait.ge [sflag:s12], $0x2000  }
0x6d: {  	[sflag:s12] =	ssyncset.done $0x0  }
0x6e: {  	[sflag:s12] =	ssyncadd.s32 $0xFFFFE000  }
0x6f: {  	_ =	swait.ge [sflag:s12], $0x2000  }
0x70: {  	[sflag:s12] =	ssyncset.done $0x0  }
0x71: {  	[sflag:s12] =	ssyncadd.s32 $0xFFFFE000  }
0x72: {  	_ =	swait.ge [sflag:s12], $0x2000  }
0x73: {  	[sflag:s12] =	ssyncset.done $0x0  }
0x74: {  	[sflag:s12] =	ssyncadd.s32 $0xFFFFE000  }
0x75: {  	_ =	swait.ge [sflag:s12], $0x2000  }
0x76: {  	[sflag:s12] =	ssyncset.done $0x0  }
0x77: {  	[sflag:s12] =	ssyncadd.s32 $0xFFFFE000  }
0x78: {  	_ =	swait.ge [sflag:s12], $0x2000  }
0x79: {  	[sflag:s12] =	ssyncset.done $0x0  }
0x7a: {  	[sflag:s12] =	ssyncadd.s32 $0xFFFFE000  }
0x7b: {  	[bflag:$0x0] =	sbarrier.arrive $0xFFFF  }
0x7c: {  	s8 =	simm.s32 $0x0;
	s4 =	rddreg [dreg:$0x3]  }
0x7d: {  	[tilespmem:s13], [sflag:$0x1] =	stream.linear.gather [hbm4b:s4+s8], $0x4000, $0x38;
	[tilespmem:$0x1F400] =	vst v63  }
0x7e: {  	s5 =	rddreg [dreg:$0x4]  }
0x7f: {  	[tilespmem:s14], [sflag:$0x2] =	stream.linear.gather [hbm4b:s5+s8], $0x4000, $0x38;
	[tilespmem:$0x1F400] =	vst v63  }
0x80: {  	_ =	swait.ge [sflag:s15], $0x4000  }
0x81: {  	[sflag:s15] =	ssyncset.done $0x0  }
0x82: {  	s6 =	simm.s32 $0x1C000;
	[sflag:s15] =	ssyncadd.s32 $0xFFFFC000  }
0x83: {  	[spmem:s28] =	stream.indirect.scatter.add.f32 [tilespmem:s13], [sflag:$0x3], $0x80, s6, s16, $0xb8;
	[tilespmem:$0x1F400] =	vst v63  }
0x84: {  	_ =	swait.ge [sflag:s30], $0x4000  }
0x85: {  	[sflag:s30] =	ssyncset.done $0x0  }
0x86: {  	s7 =	sadd.s32 $0x0, s18;
	[sflag:s30] =	ssyncadd.s32 $0xFFFFC000  }
0x87: {  	[tilespmem:s13], [sflag:$0x1] =	stream.linear.gather [hbm4b:s7+s1], $0x4000, $0x38;
	[tilespmem:$0x1F400] =	vst v63  }
0x88: {  	_ =	swait.ge [sflag:s25], $0x4000  }
0x89: {  	[sflag:s25] =	ssyncset.done $0x0  }
0x8a: {  	s8 =	simm.s32 $0x1C080;
	[sflag:s25] =	ssyncadd.s32 $0xFFFFC000  }
0x8b: {  	[spmem:s28] =	stream.indirect.scatter.add.f32 [tilespmem:s14], [sflag:$0x4], $0x80, s8, s16, $0xb8;
	[tilespmem:$0x1F400] =	vst v63  }
0x8c: {  	_ =	swait.ge [sflag:s0], $0x4000  }
0x8d: {  	s3 =	simm.s32 $0x1000;
	[sflag:s0] =	ssyncset.done $0x0  }
0x8e: {  	s4 =	simm.s32 $0x1C180;
	s5 =	sadd.s32 $0x0, s17;
	[sflag:s0] =	ssyncadd.s32 $0xFFFFC000  }
.LBB2_4:
0x8f: {  	[tilespmem:s14], [sflag:$0x2] =	stream.linear.gather [hbm4b:s5+s1], $0x4000, $0x38;
	[tilespmem:$0x1F400] =	vst v63  }
0x90: {  	s5 =	smov.u32 s3  }
0x91: {  	p0 =	sne.s32 s3, $0x12000;
	s3 =	sadd.s32 $0x1000, s3;
	_ =	swait.ge [sflag:s15], $0x4000  }
0x92: {  	[sflag:s15] =	ssyncset.done $0x0  }
0x93: {  	s6 =	sadd.s32 $0xFFFFFF80, s4;
	[sflag:s15] =	ssyncadd.s32 $0xFFFFC000  }
0x94: {  	[spmem:s28] =	stream.indirect.scatter.add.f32 [tilespmem:s13], [sflag:$0x3], $0x80, s6, s16, $0xb8;
	[tilespmem:$0x1F400] =	vst v63  }
0x95: {  	_ =	swait.ge [sflag:s30], $0x4000  }
0x96: {  	[sflag:s30] =	ssyncset.done $0x0  }
0x97: {  	s6 =	sadd.s32 s5, s18;
	[sflag:s30] =	ssyncadd.s32 $0xFFFFC000  }
0x98: {  	[tilespmem:s13], [sflag:$0x1] =	stream.linear.gather [hbm4b:s6+s1], $0x4000, $0x38;
	[tilespmem:$0x1F400] =	vst v63  }
0x99: {  	_ =	swait.ge [sflag:s25], $0x4000  }
0x9a: {  	[sflag:s25] =	ssyncset.done $0x0  }
.Ltmp1:
0x9b: {  	[sflag:s25] =	ssyncadd.s32 $0xFFFFC000;
	(pc) =	sbr.rel @p0 .LBB2_4-.Ltmp1, $4  }
0x9c: {  	[spmem:s28] =	stream.indirect.scatter.add.f32 [tilespmem:s14], [sflag:$0x4], $0x80, s4, s16, $0xb8;
	[tilespmem:$0x1F400] =	vst v63  }
0x9d: {  	_ =	swait.ge [sflag:s0], $0x4000  }
0x9e: {  	[sflag:s0] =	ssyncset.done $0x0  }
0x9f: {  	s5 =	sadd.s32 s5, s17;
	s4 =	sadd.s32 $0x100, s4;
	[sflag:s0] =	ssyncadd.s32 $0xFFFFC000  }
0xa0: {  	[tilespmem:s14], [sflag:$0x2] =	stream.linear.gather [hbm4b:s5+s1], $0x4000, $0x38;
	[tilespmem:$0x1F400] =	vst v63  }
0xa1: {  	_ =	swait.ge [sflag:s15], $0x4000  }
0xa2: {  	[sflag:s15] =	ssyncset.done $0x0  }
0xa3: {  	s3 =	simm.s32 $0x1D300;
	[sflag:s15] =	ssyncadd.s32 $0xFFFFC000  }
0xa4: {  	[spmem:s28] =	stream.indirect.scatter.add.f32 [tilespmem:s13], [sflag:$0x3], $0x80, s3, s16, $0xb8;
	[tilespmem:$0x1F400] =	vst v63  }
0xa5: {  	_ =	swait.ge [sflag:s25], $0x4000  }
0xa6: {  	[sflag:s25] =	ssyncset.done $0x0  }
0xa7: {  	s5 =	simm.s32 $0x1D380;
	[sflag:s25] =	ssyncadd.s32 $0xFFFFC000  }
0xa8: {  	[spmem:s28] =	stream.indirect.scatter.add.f32 [tilespmem:s14], [sflag:$0x4], $0x80, s5, s16, $0xb8;
	[tilespmem:$0x1F400] =	vst v63  }
0xa9: {  	_ =	swait.ge [sflag:s30], $0x4000  }
0xaa: {  	[sflag:s30] =	ssyncset.done $0x0  }
0xab: {  	[sflag:s30] =	ssyncadd.s32 $0xFFFFC000  }
0xac: {  	_ =	swait.ge [sflag:s0], $0x4000  }
0xad: {  	[sflag:s0] =	ssyncset.done $0x0  }
0xae: {  	s6 =	stileid.u32;
	[sflag:s0] =	ssyncadd.s32 $0xFFFFC000  }
0xaf: {  	s3 =	sshll.u32 s6, $0x6;
	[bflag:$0x0] =	sbarrier.arrive $0xFFFF  }
0xb0: {  	s4 =	sshrl.u32 s31, $0x3;
	s3 =	sor.u32 $0x1C06, s3;
	s7 =	rddreg [dreg:$0x5]  }
0xb1: {  	[hbm:s7], [sflag:s3] =	dma.local [spmem:s4], $0x2800  }
0xb2: {  	_ =	swait.ge [sflag:s10], $0x2800  }
0xb3: {  	[sflag:s10] =	ssyncset.done $0x0  }
0xb4: {  	[sflag:s10] =	ssyncadd.s32 $0xFFFFD800  }
0xb5: {  	[spmem:s31] =	stream.linear.scatter [tilespmem:s11], [sflag:$0x5], $0x2000, $0x38;
	[tilespmem:$0x1F400] =	vst v63  }
0xb6: {  	s8 =	rddreg [dreg:$0x14]  }
0xb7: {  	[spmem:s8] =	stream.linear.scatter [tilespmem:s11], [sflag:$0x5], $0x2000, $0x38;
	[tilespmem:$0x1F400] =	vst v63  }
0xb8: {  	s6 =	rddreg [dreg:$0x15]  }
0xb9: {  	[spmem:s6] =	stream.linear.scatter [tilespmem:s11], [sflag:$0x5], $0x2000, $0x38;
	[tilespmem:$0x1F400] =	vst v63  }
0xba: {  	s7 =	rddreg [dreg:$0x16]  }
0xbb: {  	[spmem:s7] =	stream.linear.scatter [tilespmem:s11], [sflag:$0x5], $0x2000, $0x38;
	[tilespmem:$0x1F400] =	vst v63  }
0xbc: {  	s8 =	rddreg [dreg:$0x17]  }
0xbd: {  	[spmem:s8] =	stream.linear.scatter [tilespmem:s11], [sflag:$0x5], $0x2000, $0x38;
	[tilespmem:$0x1F400] =	vst v63  }
0xbe: {  	s6 =	rddreg [dreg:$0x18]  }
0xbf: {  	[spmem:s6] =	stream.linear.scatter [tilespmem:s11], [sflag:$0x5], $0x2000, $0x38;
	[tilespmem:$0x1F400] =	vst v63  }
0xc0: {  	s7 =	rddreg [dreg:$0x19]  }
0xc1: {  	[spmem:s7] =	stream.linear.scatter [tilespmem:s11], [sflag:$0x5], $0x2000, $0x38;
	[tilespmem:$0x1F400] =	vst v63  }
0xc2: {  	s8 =	rddreg [dreg:$0x1a]  }
0xc3: {  	[spmem:s8] =	stream.linear.scatter [tilespmem:s11], [sflag:$0x5], $0x2000, $0x38;
	[tilespmem:$0x1F400] =	vst v63  }
0xc4: {  	s6 =	rddreg [dreg:$0x1b]  }
0xc5: {  	[spmem:s6] =	stream.linear.scatter [tilespmem:s11], [sflag:$0x5], $0x2000, $0x38;
	[tilespmem:$0x1F400] =	vst v63  }
0xc6: {  	_ = 	snop  }
0xc7: {  	[spmem:s9] =	stream.linear.scatter [tilespmem:s11], [sflag:$0x5], $0x2000, $0x38;
	[tilespmem:$0x1F400] =	vst v63  }
0xc8: {  	_ =	swait.ge [sflag:s12], $0x2000  }
0xc9: {  	[sflag:s12] =	ssyncset.done $0x0  }
0xca: {  	[sflag:s12] =	ssyncadd.s32 $0xFFFFE000  }
0xcb: {  	_ =	swait.ge [sflag:s12], $0x2000  }
0xcc: {  	[sflag:s12] =	ssyncset.done $0x0  }
0xcd: {  	[sflag:s12] =	ssyncadd.s32 $0xFFFFE000  }
0xce: {  	_ =	swait.ge [sflag:s12], $0x2000  }
0xcf: {  	[sflag:s12] =	ssyncset.done $0x0  }
0xd0: {  	[sflag:s12] =	ssyncadd.s32 $0xFFFFE000  }
0xd1: {  	_ =	swait.ge [sflag:s12], $0x2000  }
0xd2: {  	[sflag:s12] =	ssyncset.done $0x0  }
0xd3: {  	[sflag:s12] =	ssyncadd.s32 $0xFFFFE000  }
0xd4: {  	_ =	swait.ge [sflag:s12], $0x2000  }
0xd5: {  	[sflag:s12] =	ssyncset.done $0x0  }
0xd6: {  	[sflag:s12] =	ssyncadd.s32 $0xFFFFE000  }
0xd7: {  	_ =	swait.ge [sflag:s12], $0x2000  }
0xd8: {  	[sflag:s12] =	ssyncset.done $0x0  }
0xd9: {  	[sflag:s12] =	ssyncadd.s32 $0xFFFFE000  }
0xda: {  	_ =	swait.ge [sflag:s12], $0x2000  }
0xdb: {  	[sflag:s12] =	ssyncset.done $0x0  }
0xdc: {  	[sflag:s12] =	ssyncadd.s32 $0xFFFFE000  }
0xdd: {  	_ =	swait.ge [sflag:s12], $0x2000  }
0xde: {  	[sflag:s12] =	ssyncset.done $0x0  }
0xdf: {  	[sflag:s12] =	ssyncadd.s32 $0xFFFFE000  }
0xe0: {  	_ =	swait.ge [sflag:s12], $0x2000  }
0xe1: {  	[sflag:s12] =	ssyncset.done $0x0  }
0xe2: {  	[sflag:s12] =	ssyncadd.s32 $0xFFFFE000  }
0xe3: {  	_ =	swait.ge [sflag:s12], $0x2000  }
0xe4: {  	[sflag:s12] =	ssyncset.done $0x0  }
0xe5: {  	[sflag:s12] =	ssyncadd.s32 $0xFFFFE000  }
0xe6: {  	[bflag:$0x0] =	sbarrier.arrive $0xFFFF  }
0xe7: {  	s7 =	simm.s32 $0x0;
	s6 =	rddreg [dreg:$0x6]  }
0xe8: {  	[tilespmem:s13], [sflag:$0x1] =	stream.linear.gather [hbm4b:s6+s7], $0x4000, $0x38;
	[tilespmem:$0x1F400] =	vst v63  }
0xe9: {  	s8 =	rddreg [dreg:$0x7]  }
0xea: {  	[tilespmem:s14], [sflag:$0x2] =	stream.linear.gather [hbm4b:s8+s7], $0x4000, $0x38;
	[tilespmem:$0x1F400] =	vst v63  }
0xeb: {  	_ =	swait.ge [sflag:s15], $0x4000  }
0xec: {  	[sflag:s15] =	ssyncset.done $0x0  }
0xed: {  	s6 =	simm.s32 $0x1C000;
	[sflag:s15] =	ssyncadd.s32 $0xFFFFC000  }
0xee: {  	[spmem:s28] =	stream.indirect.scatter.add.f32 [tilespmem:s13], [sflag:$0x3], $0x80, s6, s16, $0xb8;
	[tilespmem:$0x1F400] =	vst v63  }
0xef: {  	_ =	swait.ge [sflag:s30], $0x4000  }
0xf0: {  	[sflag:s30] =	ssyncset.done $0x0  }
0xf1: {  	s7 =	sadd.s32 $0x0, s20;
	[sflag:s30] =	ssyncadd.s32 $0xFFFFC000  }
0xf2: {  	[tilespmem:s13], [sflag:$0x1] =	stream.linear.gather [hbm4b:s7+s1], $0x4000, $0x38;
	[tilespmem:$0x1F400] =	vst v63  }
0xf3: {  	_ =	swait.ge [sflag:s25], $0x4000  }
0xf4: {  	[sflag:s25] =	ssyncset.done $0x0  }
0xf5: {  	s8 =	simm.s32 $0x1C080;
	[sflag:s25] =	ssyncadd.s32 $0xFFFFC000  }
0xf6: {  	[spmem:s28] =	stream.indirect.scatter.add.f32 [tilespmem:s14], [sflag:$0x4], $0x80, s8, s16, $0xb8;
	[tilespmem:$0x1F400] =	vst v63  }
0xf7: {  	_ =	swait.ge [sflag:s0], $0x4000  }
0xf8: {  	s5 =	simm.s32 $0x1000;
	[sflag:s0] =	ssyncset.done $0x0  }
0xf9: {  	s6 =	simm.s32 $0x1C180;
	s7 =	sadd.s32 $0x0, s19;
	[sflag:s0] =	ssyncadd.s32 $0xFFFFC000  }
.LBB2_6:
0xfa: {  	[tilespmem:s14], [sflag:$0x2] =	stream.linear.gather [hbm4b:s7+s1], $0x4000, $0x38;
	[tilespmem:$0x1F400] =	vst v63  }
0xfb: {  	s7 =	smov.u32 s5  }
0xfc: {  	p0 =	sne.s32 s5, $0x12000;
	s5 =	sadd.s32 $0x1000, s5;
	_ =	swait.ge [sflag:s15], $0x4000  }
0xfd: {  	[sflag:s15] =	ssyncset.done $0x0  }
0xfe: {  	s8 =	sadd.s32 $0xFFFFFF80, s6;
	[sflag:s15] =	ssyncadd.s32 $0xFFFFC000  }
0xff: {  	[spmem:s28] =	stream.indirect.scatter.add.f32 [tilespmem:s13], [sflag:$0x3], $0x80, s8, s16, $0xb8;
	[tilespmem:$0x1F400] =	vst v63  }
0x100: {  	_ =	swait.ge [sflag:s30], $0x4000  }
0x101: {  	[sflag:s30] =	ssyncset.done $0x0  }
0x102: {  	s8 =	sadd.s32 s7, s20;
	[sflag:s30] =	ssyncadd.s32 $0xFFFFC000  }
0x103: {  	[tilespmem:s13], [sflag:$0x1] =	stream.linear.gather [hbm4b:s8+s1], $0x4000, $0x38;
	[tilespmem:$0x1F400] =	vst v63  }
0x104: {  	_ =	swait.ge [sflag:s25], $0x4000  }
0x105: {  	[sflag:s25] =	ssyncset.done $0x0  }
.Ltmp2:
0x106: {  	[sflag:s25] =	ssyncadd.s32 $0xFFFFC000;
	(pc) =	sbr.rel @p0 .LBB2_6-.Ltmp2, $4  }
0x107: {  	[spmem:s28] =	stream.indirect.scatter.add.f32 [tilespmem:s14], [sflag:$0x4], $0x80, s6, s16, $0xb8;
	[tilespmem:$0x1F400] =	vst v63  }
0x108: {  	_ =	swait.ge [sflag:s0], $0x4000  }
0x109: {  	[sflag:s0] =	ssyncset.done $0x0  }
0x10a: {  	s7 =	sadd.s32 s7, s19;
	s6 =	sadd.s32 $0x100, s6;
	[sflag:s0] =	ssyncadd.s32 $0xFFFFC000  }
0x10b: {  	[tilespmem:s14], [sflag:$0x2] =	stream.linear.gather [hbm4b:s7+s1], $0x4000, $0x38;
	[tilespmem:$0x1F400] =	vst v63  }
0x10c: {  	_ =	swait.ge [sflag:s15], $0x4000  }
0x10d: {  	[sflag:s15] =	ssyncset.done $0x0  }
0x10e: {  	s5 =	simm.s32 $0x1D300;
	[sflag:s15] =	ssyncadd.s32 $0xFFFFC000  }
0x10f: {  	[spmem:s28] =	stream.indirect.scatter.add.f32 [tilespmem:s13], [sflag:$0x3], $0x80, s5, s16, $0xb8;
	[tilespmem:$0x1F400] =	vst v63  }
0x110: {  	_ =	swait.ge [sflag:s25], $0x4000  }
0x111: {  	[sflag:s25] =	ssyncset.done $0x0  }
0x112: {  	s6 =	simm.s32 $0x1D380;
	[sflag:s25] =	ssyncadd.s32 $0xFFFFC000  }
0x113: {  	[spmem:s28] =	stream.indirect.scatter.add.f32 [tilespmem:s14], [sflag:$0x4], $0x80, s6, s16, $0xb8;
	[tilespmem:$0x1F400] =	vst v63  }
0x114: {  	_ =	swait.ge [sflag:s30], $0x4000  }
0x115: {  	[sflag:s30] =	ssyncset.done $0x0  }
0x116: {  	[sflag:s30] =	ssyncadd.s32 $0xFFFFC000  }
0x117: {  	_ =	swait.ge [sflag:s0], $0x4000  }
0x118: {  	[sflag:s0] =	ssyncset.done $0x0  }
0x119: {  	[sflag:s0] =	ssyncadd.s32 $0xFFFFC000  }
0x11a: {  	[bflag:$0x0] =	sbarrier.arrive $0xFFFF  }
0x11b: {  	s7 =	rddreg [dreg:$0x8]  }
0x11c: {  	[hbm:s7], [sflag:s3] =	dma.local [spmem:s4], $0x2800  }
0x11d: {  	_ =	swait.ge [sflag:s10], $0x2800  }
0x11e: {  	[sflag:s10] =	ssyncset.done $0x0  }
0x11f: {  	[sflag:s10] =	ssyncadd.s32 $0xFFFFD800  }
0x120: {  	[spmem:s31] =	stream.linear.scatter [tilespmem:s11], [sflag:$0x5], $0x2000, $0x38;
	[tilespmem:$0x1F400] =	vst v63  }
0x121: {  	s8 =	rddreg [dreg:$0x14]  }
0x122: {  	[spmem:s8] =	stream.linear.scatter [tilespmem:s11], [sflag:$0x5], $0x2000, $0x38;
	[tilespmem:$0x1F400] =	vst v63  }
0x123: {  	s6 =	rddreg [dreg:$0x15]  }
0x124: {  	[spmem:s6] =	stream.linear.scatter [tilespmem:s11], [sflag:$0x5], $0x2000, $0x38;
	[tilespmem:$0x1F400] =	vst v63  }
0x125: {  	s7 =	rddreg [dreg:$0x16]  }
0x126: {  	[spmem:s7] =	stream.linear.scatter [tilespmem:s11], [sflag:$0x5], $0x2000, $0x38;
	[tilespmem:$0x1F400] =	vst v63  }
0x127: {  	s8 =	rddreg [dreg:$0x17]  }
0x128: {  	[spmem:s8] =	stream.linear.scatter [tilespmem:s11], [sflag:$0x5], $0x2000, $0x38;
	[tilespmem:$0x1F400] =	vst v63  }
0x129: {  	s6 =	rddreg [dreg:$0x18]  }
0x12a: {  	[spmem:s6] =	stream.linear.scatter [tilespmem:s11], [sflag:$0x5], $0x2000, $0x38;
	[tilespmem:$0x1F400] =	vst v63  }
0x12b: {  	s7 =	rddreg [dreg:$0x19]  }
0x12c: {  	[spmem:s7] =	stream.linear.scatter [tilespmem:s11], [sflag:$0x5], $0x2000, $0x38;
	[tilespmem:$0x1F400] =	vst v63  }
0x12d: {  	s8 =	rddreg [dreg:$0x1a]  }
0x12e: {  	[spmem:s8] =	stream.linear.scatter [tilespmem:s11], [sflag:$0x5], $0x2000, $0x38;
	[tilespmem:$0x1F400] =	vst v63  }
0x12f: {  	s6 =	rddreg [dreg:$0x1b]  }
0x130: {  	[spmem:s6] =	stream.linear.scatter [tilespmem:s11], [sflag:$0x5], $0x2000, $0x38;
	[tilespmem:$0x1F400] =	vst v63  }
0x131: {  	_ = 	snop  }
0x132: {  	[spmem:s9] =	stream.linear.scatter [tilespmem:s11], [sflag:$0x5], $0x2000, $0x38;
	[tilespmem:$0x1F400] =	vst v63  }
0x133: {  	_ =	swait.ge [sflag:s12], $0x2000  }
0x134: {  	[sflag:s12] =	ssyncset.done $0x0  }
0x135: {  	[sflag:s12] =	ssyncadd.s32 $0xFFFFE000  }
0x136: {  	_ =	swait.ge [sflag:s12], $0x2000  }
0x137: {  	[sflag:s12] =	ssyncset.done $0x0  }
0x138: {  	[sflag:s12] =	ssyncadd.s32 $0xFFFFE000  }
0x139: {  	_ =	swait.ge [sflag:s12], $0x2000  }
0x13a: {  	[sflag:s12] =	ssyncset.done $0x0  }
0x13b: {  	[sflag:s12] =	ssyncadd.s32 $0xFFFFE000  }
0x13c: {  	_ =	swait.ge [sflag:s12], $0x2000  }
0x13d: {  	[sflag:s12] =	ssyncset.done $0x0  }
0x13e: {  	[sflag:s12] =	ssyncadd.s32 $0xFFFFE000  }
0x13f: {  	_ =	swait.ge [sflag:s12], $0x2000  }
0x140: {  	[sflag:s12] =	ssyncset.done $0x0  }
0x141: {  	[sflag:s12] =	ssyncadd.s32 $0xFFFFE000  }
0x142: {  	_ =	swait.ge [sflag:s12], $0x2000  }
0x143: {  	[sflag:s12] =	ssyncset.done $0x0  }
0x144: {  	[sflag:s12] =	ssyncadd.s32 $0xFFFFE000  }
0x145: {  	_ =	swait.ge [sflag:s12], $0x2000  }
0x146: {  	[sflag:s12] =	ssyncset.done $0x0  }
0x147: {  	[sflag:s12] =	ssyncadd.s32 $0xFFFFE000  }
0x148: {  	_ =	swait.ge [sflag:s12], $0x2000  }
0x149: {  	[sflag:s12] =	ssyncset.done $0x0  }
0x14a: {  	[sflag:s12] =	ssyncadd.s32 $0xFFFFE000  }
0x14b: {  	_ =	swait.ge [sflag:s12], $0x2000  }
0x14c: {  	[sflag:s12] =	ssyncset.done $0x0  }
0x14d: {  	[sflag:s12] =	ssyncadd.s32 $0xFFFFE000  }
0x14e: {  	_ =	swait.ge [sflag:s12], $0x2000  }
0x14f: {  	[sflag:s12] =	ssyncset.done $0x0  }
0x150: {  	[sflag:s12] =	ssyncadd.s32 $0xFFFFE000  }
0x151: {  	[bflag:$0x0] =	sbarrier.arrive $0xFFFF  }
0x152: {  	s7 =	simm.s32 $0x0;
	s6 =	rddreg [dreg:$0x9]  }
0x153: {  	[tilespmem:s13], [sflag:$0x1] =	stream.linear.gather [hbm4b:s6+s7], $0x4000, $0x38;
	[tilespmem:$0x1F400] =	vst v63  }
0x154: {  	s8 =	rddreg [dreg:$0xa]  }
0x155: {  	[tilespmem:s14], [sflag:$0x2] =	stream.linear.gather [hbm4b:s8+s7], $0x4000, $0x38;
	[tilespmem:$0x1F400] =	vst v63  }
0x156: {  	_ =	swait.ge [sflag:s15], $0x4000  }
0x157: {  	[sflag:s15] =	ssyncset.done $0x0  }
0x158: {  	s6 =	simm.s32 $0x1C000;
	[sflag:s15] =	ssyncadd.s32 $0xFFFFC000  }
0x159: {  	[spmem:s28] =	stream.indirect.scatter.add.f32 [tilespmem:s13], [sflag:$0x3], $0x80, s6, s16, $0xb8;
	[tilespmem:$0x1F400] =	vst v63  }
0x15a: {  	_ =	swait.ge [sflag:s30], $0x4000  }
0x15b: {  	[sflag:s30] =	ssyncset.done $0x0  }
0x15c: {  	s7 =	sadd.s32 $0x0, s22;
	[sflag:s30] =	ssyncadd.s32 $0xFFFFC000  }
0x15d: {  	[tilespmem:s13], [sflag:$0x1] =	stream.linear.gather [hbm4b:s7+s1], $0x4000, $0x38;
	[tilespmem:$0x1F400] =	vst v63  }
0x15e: {  	_ =	swait.ge [sflag:s25], $0x4000  }
0x15f: {  	[sflag:s25] =	ssyncset.done $0x0  }
0x160: {  	s8 =	simm.s32 $0x1C080;
	[sflag:s25] =	ssyncadd.s32 $0xFFFFC000  }
0x161: {  	[spmem:s28] =	stream.indirect.scatter.add.f32 [tilespmem:s14], [sflag:$0x4], $0x80, s8, s16, $0xb8;
	[tilespmem:$0x1F400] =	vst v63  }
0x162: {  	_ =	swait.ge [sflag:s0], $0x4000  }
0x163: {  	s5 =	simm.s32 $0x1000;
	[sflag:s0] =	ssyncset.done $0x0  }
0x164: {  	s6 =	simm.s32 $0x1C180;
	s7 =	sadd.s32 $0x0, s21;
	[sflag:s0] =	ssyncadd.s32 $0xFFFFC000  }
.LBB2_8:
0x165: {  	[tilespmem:s14], [sflag:$0x2] =	stream.linear.gather [hbm4b:s7+s1], $0x4000, $0x38;
	[tilespmem:$0x1F400] =	vst v63  }
0x166: {  	s7 =	smov.u32 s5  }
0x167: {  	p0 =	sne.s32 s5, $0x12000;
	s5 =	sadd.s32 $0x1000, s5;
	_ =	swait.ge [sflag:s15], $0x4000  }
0x168: {  	[sflag:s15] =	ssyncset.done $0x0  }
0x169: {  	s8 =	sadd.s32 $0xFFFFFF80, s6;
	[sflag:s15] =	ssyncadd.s32 $0xFFFFC000  }
0x16a: {  	[spmem:s28] =	stream.indirect.scatter.add.f32 [tilespmem:s13], [sflag:$0x3], $0x80, s8, s16, $0xb8;
	[tilespmem:$0x1F400] =	vst v63  }
0x16b: {  	_ =	swait.ge [sflag:s30], $0x4000  }
0x16c: {  	[sflag:s30] =	ssyncset.done $0x0  }
0x16d: {  	s8 =	sadd.s32 s7, s22;
	[sflag:s30] =	ssyncadd.s32 $0xFFFFC000  }
0x16e: {  	[tilespmem:s13], [sflag:$0x1] =	stream.linear.gather [hbm4b:s8+s1], $0x4000, $0x38;
	[tilespmem:$0x1F400] =	vst v63  }
0x16f: {  	_ =	swait.ge [sflag:s25], $0x4000  }
0x170: {  	[sflag:s25] =	ssyncset.done $0x0  }
.Ltmp3:
0x171: {  	[sflag:s25] =	ssyncadd.s32 $0xFFFFC000;
	(pc) =	sbr.rel @p0 .LBB2_8-.Ltmp3, $4  }
0x172: {  	[spmem:s28] =	stream.indirect.scatter.add.f32 [tilespmem:s14], [sflag:$0x4], $0x80, s6, s16, $0xb8;
	[tilespmem:$0x1F400] =	vst v63  }
0x173: {  	_ =	swait.ge [sflag:s0], $0x4000  }
0x174: {  	[sflag:s0] =	ssyncset.done $0x0  }
0x175: {  	s7 =	sadd.s32 s7, s21;
	s6 =	sadd.s32 $0x100, s6;
	[sflag:s0] =	ssyncadd.s32 $0xFFFFC000  }
0x176: {  	[tilespmem:s14], [sflag:$0x2] =	stream.linear.gather [hbm4b:s7+s1], $0x4000, $0x38;
	[tilespmem:$0x1F400] =	vst v63  }
0x177: {  	_ =	swait.ge [sflag:s15], $0x4000  }
0x178: {  	[sflag:s15] =	ssyncset.done $0x0  }
0x179: {  	s5 =	simm.s32 $0x1D300;
	[sflag:s15] =	ssyncadd.s32 $0xFFFFC000  }
0x17a: {  	[spmem:s28] =	stream.indirect.scatter.add.f32 [tilespmem:s13], [sflag:$0x3], $0x80, s5, s16, $0xb8;
	[tilespmem:$0x1F400] =	vst v63  }
0x17b: {  	_ =	swait.ge [sflag:s25], $0x4000  }
0x17c: {  	[sflag:s25] =	ssyncset.done $0x0  }
0x17d: {  	s6 =	simm.s32 $0x1D380;
	[sflag:s25] =	ssyncadd.s32 $0xFFFFC000  }
0x17e: {  	[spmem:s28] =	stream.indirect.scatter.add.f32 [tilespmem:s14], [sflag:$0x4], $0x80, s6, s16, $0xb8;
	[tilespmem:$0x1F400] =	vst v63  }
0x17f: {  	_ =	swait.ge [sflag:s30], $0x4000  }
0x180: {  	[sflag:s30] =	ssyncset.done $0x0  }
0x181: {  	[sflag:s30] =	ssyncadd.s32 $0xFFFFC000  }
0x182: {  	_ =	swait.ge [sflag:s0], $0x4000  }
0x183: {  	[sflag:s0] =	ssyncset.done $0x0  }
0x184: {  	[sflag:s0] =	ssyncadd.s32 $0xFFFFC000  }
0x185: {  	[bflag:$0x0] =	sbarrier.arrive $0xFFFF  }
0x186: {  	s7 =	rddreg [dreg:$0xb]  }
0x187: {  	[hbm:s7], [sflag:s3] =	dma.local [spmem:s4], $0x2800  }
0x188: {  	_ =	swait.ge [sflag:s10], $0x2800  }
0x189: {  	[sflag:s10] =	ssyncset.done $0x0  }
0x18a: {  	[sflag:s10] =	ssyncadd.s32 $0xFFFFD800  }
0x18b: {  	[spmem:s31] =	stream.linear.scatter [tilespmem:s11], [sflag:$0x5], $0x2000, $0x38;
	[tilespmem:$0x1F400] =	vst v63  }
0x18c: {  	s8 =	rddreg [dreg:$0x14]  }
0x18d: {  	[spmem:s8] =	stream.linear.scatter [tilespmem:s11], [sflag:$0x5], $0x2000, $0x38;
	[tilespmem:$0x1F400] =	vst v63  }
0x18e: {  	s6 =	rddreg [dreg:$0x15]  }
0x18f: {  	[spmem:s6] =	stream.linear.scatter [tilespmem:s11], [sflag:$0x5], $0x2000, $0x38;
	[tilespmem:$0x1F400] =	vst v63  }
0x190: {  	s7 =	rddreg [dreg:$0x16]  }
0x191: {  	[spmem:s7] =	stream.linear.scatter [tilespmem:s11], [sflag:$0x5], $0x2000, $0x38;
	[tilespmem:$0x1F400] =	vst v63  }
0x192: {  	s8 =	rddreg [dreg:$0x17]  }
0x193: {  	[spmem:s8] =	stream.linear.scatter [tilespmem:s11], [sflag:$0x5], $0x2000, $0x38;
	[tilespmem:$0x1F400] =	vst v63  }
0x194: {  	s6 =	rddreg [dreg:$0x18]  }
0x195: {  	[spmem:s6] =	stream.linear.scatter [tilespmem:s11], [sflag:$0x5], $0x2000, $0x38;
	[tilespmem:$0x1F400] =	vst v63  }
0x196: {  	s7 =	rddreg [dreg:$0x19]  }
0x197: {  	[spmem:s7] =	stream.linear.scatter [tilespmem:s11], [sflag:$0x5], $0x2000, $0x38;
	[tilespmem:$0x1F400] =	vst v63  }
0x198: {  	s8 =	rddreg [dreg:$0x1a]  }
0x199: {  	[spmem:s8] =	stream.linear.scatter [tilespmem:s11], [sflag:$0x5], $0x2000, $0x38;
	[tilespmem:$0x1F400] =	vst v63  }
0x19a: {  	s6 =	rddreg [dreg:$0x1b]  }
0x19b: {  	[spmem:s6] =	stream.linear.scatter [tilespmem:s11], [sflag:$0x5], $0x2000, $0x38;
	[tilespmem:$0x1F400] =	vst v63  }
0x19c: {  	_ = 	snop  }
0x19d: {  	[spmem:s9] =	stream.linear.scatter [tilespmem:s11], [sflag:$0x5], $0x2000, $0x38;
	[tilespmem:$0x1F400] =	vst v63  }
0x19e: {  	_ =	swait.ge [sflag:s12], $0x2000  }
0x19f: {  	[sflag:s12] =	ssyncset.done $0x0  }
0x1a0: {  	[sflag:s12] =	ssyncadd.s32 $0xFFFFE000  }
0x1a1: {  	_ =	swait.ge [sflag:s12], $0x2000  }
0x1a2: {  	[sflag:s12] =	ssyncset.done $0x0  }
0x1a3: {  	[sflag:s12] =	ssyncadd.s32 $0xFFFFE000  }
0x1a4: {  	_ =	swait.ge [sflag:s12], $0x2000  }
0x1a5: {  	[sflag:s12] =	ssyncset.done $0x0  }
0x1a6: {  	[sflag:s12] =	ssyncadd.s32 $0xFFFFE000  }
0x1a7: {  	_ =	swait.ge [sflag:s12], $0x2000  }
0x1a8: {  	[sflag:s12] =	ssyncset.done $0x0  }
0x1a9: {  	[sflag:s12] =	ssyncadd.s32 $0xFFFFE000  }
0x1aa: {  	_ =	swait.ge [sflag:s12], $0x2000  }
0x1ab: {  	[sflag:s12] =	ssyncset.done $0x0  }
0x1ac: {  	[sflag:s12] =	ssyncadd.s32 $0xFFFFE000  }
0x1ad: {  	_ =	swait.ge [sflag:s12], $0x2000  }
0x1ae: {  	[sflag:s12] =	ssyncset.done $0x0  }
0x1af: {  	[sflag:s12] =	ssyncadd.s32 $0xFFFFE000  }
0x1b0: {  	_ =	swait.ge [sflag:s12], $0x2000  }
0x1b1: {  	[sflag:s12] =	ssyncset.done $0x0  }
0x1b2: {  	[sflag:s12] =	ssyncadd.s32 $0xFFFFE000  }
0x1b3: {  	_ =	swait.ge [sflag:s12], $0x2000  }
0x1b4: {  	[sflag:s12] =	ssyncset.done $0x0  }
0x1b5: {  	[sflag:s12] =	ssyncadd.s32 $0xFFFFE000  }
0x1b6: {  	_ =	swait.ge [sflag:s12], $0x2000  }
0x1b7: {  	[sflag:s12] =	ssyncset.done $0x0  }
0x1b8: {  	[sflag:s12] =	ssyncadd.s32 $0xFFFFE000  }
0x1b9: {  	_ =	swait.ge [sflag:s12], $0x2000  }
0x1ba: {  	[sflag:s12] =	ssyncset.done $0x0  }
0x1bb: {  	[sflag:s12] =	ssyncadd.s32 $0xFFFFE000  }
0x1bc: {  	[bflag:$0x0] =	sbarrier.arrive $0xFFFF  }
0x1bd: {  	s7 =	simm.s32 $0x0;
	s6 =	rddreg [dreg:$0xc]  }
0x1be: {  	[tilespmem:s13], [sflag:$0x1] =	stream.linear.gather [hbm4b:s6+s7], $0x4000, $0x38;
	[tilespmem:$0x1F400] =	vst v63  }
0x1bf: {  	s8 =	rddreg [dreg:$0xd]  }
0x1c0: {  	[tilespmem:s14], [sflag:$0x2] =	stream.linear.gather [hbm4b:s8+s7], $0x4000, $0x38;
	[tilespmem:$0x1F400] =	vst v63  }
0x1c1: {  	_ =	swait.ge [sflag:s15], $0x4000  }
0x1c2: {  	[sflag:s15] =	ssyncset.done $0x0  }
0x1c3: {  	s6 =	simm.s32 $0x1C000;
	[sflag:s15] =	ssyncadd.s32 $0xFFFFC000  }
0x1c4: {  	[spmem:s28] =	stream.indirect.scatter.add.f32 [tilespmem:s13], [sflag:$0x3], $0x80, s6, s16, $0xb8;
	[tilespmem:$0x1F400] =	vst v63  }
0x1c5: {  	_ =	swait.ge [sflag:s30], $0x4000  }
0x1c6: {  	[sflag:s30] =	ssyncset.done $0x0  }
0x1c7: {  	s7 =	sadd.s32 $0x0, s24;
	[sflag:s30] =	ssyncadd.s32 $0xFFFFC000  }
0x1c8: {  	[tilespmem:s13], [sflag:$0x1] =	stream.linear.gather [hbm4b:s7+s1], $0x4000, $0x38;
	[tilespmem:$0x1F400] =	vst v63  }
0x1c9: {  	_ =	swait.ge [sflag:s25], $0x4000  }
0x1ca: {  	[sflag:s25] =	ssyncset.done $0x0  }
0x1cb: {  	s8 =	simm.s32 $0x1C080;
	[sflag:s25] =	ssyncadd.s32 $0xFFFFC000  }
0x1cc: {  	[spmem:s28] =	stream.indirect.scatter.add.f32 [tilespmem:s14], [sflag:$0x4], $0x80, s8, s16, $0xb8;
	[tilespmem:$0x1F400] =	vst v63  }
0x1cd: {  	_ =	swait.ge [sflag:s0], $0x4000  }
0x1ce: {  	s5 =	simm.s32 $0x1000;
	[sflag:s0] =	ssyncset.done $0x0  }
0x1cf: {  	s6 =	simm.s32 $0x1C180;
	s7 =	sadd.s32 $0x0, s23;
	[sflag:s0] =	ssyncadd.s32 $0xFFFFC000  }
.LBB2_10:
0x1d0: {  	[tilespmem:s14], [sflag:$0x2] =	stream.linear.gather [hbm4b:s7+s1], $0x4000, $0x38;
	[tilespmem:$0x1F400] =	vst v63  }
0x1d1: {  	s7 =	smov.u32 s5  }
0x1d2: {  	p0 =	sne.s32 s5, $0x12000;
	s5 =	sadd.s32 $0x1000, s5;
	_ =	swait.ge [sflag:s15], $0x4000  }
0x1d3: {  	[sflag:s15] =	ssyncset.done $0x0  }
0x1d4: {  	s8 =	sadd.s32 $0xFFFFFF80, s6;
	[sflag:s15] =	ssyncadd.s32 $0xFFFFC000  }
0x1d5: {  	[spmem:s28] =	stream.indirect.scatter.add.f32 [tilespmem:s13], [sflag:$0x3], $0x80, s8, s16, $0xb8;
	[tilespmem:$0x1F400] =	vst v63  }
0x1d6: {  	_ =	swait.ge [sflag:s30], $0x4000  }
0x1d7: {  	[sflag:s30] =	ssyncset.done $0x0  }
0x1d8: {  	s8 =	sadd.s32 s7, s24;
	[sflag:s30] =	ssyncadd.s32 $0xFFFFC000  }
0x1d9: {  	[tilespmem:s13], [sflag:$0x1] =	stream.linear.gather [hbm4b:s8+s1], $0x4000, $0x38;
	[tilespmem:$0x1F400] =	vst v63  }
0x1da: {  	_ =	swait.ge [sflag:s25], $0x4000  }
0x1db: {  	[sflag:s25] =	ssyncset.done $0x0  }
.Ltmp4:
0x1dc: {  	[sflag:s25] =	ssyncadd.s32 $0xFFFFC000;
	(pc) =	sbr.rel @p0 .LBB2_10-.Ltmp4, $4  }
0x1dd: {  	[spmem:s28] =	stream.indirect.scatter.add.f32 [tilespmem:s14], [sflag:$0x4], $0x80, s6, s16, $0xb8;
	[tilespmem:$0x1F400] =	vst v63  }
0x1de: {  	_ =	swait.ge [sflag:s0], $0x4000  }
0x1df: {  	[sflag:s0] =	ssyncset.done $0x0  }
0x1e0: {  	s7 =	sadd.s32 s7, s23;
	s6 =	sadd.s32 $0x100, s6;
	[sflag:s0] =	ssyncadd.s32 $0xFFFFC000  }
0x1e1: {  	[tilespmem:s14], [sflag:$0x2] =	stream.linear.gather [hbm4b:s7+s1], $0x4000, $0x38;
	[tilespmem:$0x1F400] =	vst v63  }
0x1e2: {  	_ =	swait.ge [sflag:s15], $0x4000  }
0x1e3: {  	[sflag:s15] =	ssyncset.done $0x0  }
0x1e4: {  	s5 =	simm.s32 $0x1D300;
	[sflag:s15] =	ssyncadd.s32 $0xFFFFC000  }
0x1e5: {  	[spmem:s28] =	stream.indirect.scatter.add.f32 [tilespmem:s13], [sflag:$0x3], $0x80, s5, s16, $0xb8;
	[tilespmem:$0x1F400] =	vst v63  }
0x1e6: {  	_ =	swait.ge [sflag:s25], $0x4000  }
0x1e7: {  	[sflag:s25] =	ssyncset.done $0x0  }
0x1e8: {  	s6 =	simm.s32 $0x1D380;
	[sflag:s25] =	ssyncadd.s32 $0xFFFFC000  }
0x1e9: {  	[spmem:s28] =	stream.indirect.scatter.add.f32 [tilespmem:s14], [sflag:$0x4], $0x80, s6, s16, $0xb8;
	[tilespmem:$0x1F400] =	vst v63  }
0x1ea: {  	_ =	swait.ge [sflag:s30], $0x4000  }
0x1eb: {  	[sflag:s30] =	ssyncset.done $0x0  }
0x1ec: {  	[sflag:s30] =	ssyncadd.s32 $0xFFFFC000  }
0x1ed: {  	_ =	swait.ge [sflag:s0], $0x4000  }
0x1ee: {  	[sflag:s0] =	ssyncset.done $0x0  }
0x1ef: {  	[sflag:s0] =	ssyncadd.s32 $0xFFFFC000  }
0x1f0: {  	[bflag:$0x0] =	sbarrier.arrive $0xFFFF  }
0x1f1: {  	s7 =	rddreg [dreg:$0xe]  }
0x1f2: {  	[hbm:s7], [sflag:s3] =	dma.local [spmem:s4], $0x2800  }
0x1f3: {  	_ =	swait.ge [sflag:s10], $0x2800  }
0x1f4: {  	[sflag:s10] =	ssyncset.done $0x0  }
0x1f5: {  	[sflag:s10] =	ssyncadd.s32 $0xFFFFD800  }
0x1f6: {  	[spmem:s31] =	stream.linear.scatter [tilespmem:s11], [sflag:$0x5], $0x2000, $0x38;
	[tilespmem:$0x1F400] =	vst v63  }
0x1f7: {  	s8 =	rddreg [dreg:$0x14]  }
0x1f8: {  	[spmem:s8] =	stream.linear.scatter [tilespmem:s11], [sflag:$0x5], $0x2000, $0x38;
	[tilespmem:$0x1F400] =	vst v63  }
0x1f9: {  	s6 =	rddreg [dreg:$0x15]  }
0x1fa: {  	[spmem:s6] =	stream.linear.scatter [tilespmem:s11], [sflag:$0x5], $0x2000, $0x38;
	[tilespmem:$0x1F400] =	vst v63  }
0x1fb: {  	s7 =	rddreg [dreg:$0x16]  }
0x1fc: {  	[spmem:s7] =	stream.linear.scatter [tilespmem:s11], [sflag:$0x5], $0x2000, $0x38;
	[tilespmem:$0x1F400] =	vst v63  }
0x1fd: {  	s8 =	rddreg [dreg:$0x17]  }
0x1fe: {  	[spmem:s8] =	stream.linear.scatter [tilespmem:s11], [sflag:$0x5], $0x2000, $0x38;
	[tilespmem:$0x1F400] =	vst v63  }
0x1ff: {  	s6 =	rddreg [dreg:$0x18]  }
0x200: {  	[spmem:s6] =	stream.linear.scatter [tilespmem:s11], [sflag:$0x5], $0x2000, $0x38;
	[tilespmem:$0x1F400] =	vst v63  }
0x201: {  	s7 =	rddreg [dreg:$0x19]  }
0x202: {  	[spmem:s7] =	stream.linear.scatter [tilespmem:s11], [sflag:$0x5], $0x2000, $0x38;
	[tilespmem:$0x1F400] =	vst v63  }
0x203: {  	s8 =	rddreg [dreg:$0x1a]  }
0x204: {  	[spmem:s8] =	stream.linear.scatter [tilespmem:s11], [sflag:$0x5], $0x2000, $0x38;
	[tilespmem:$0x1F400] =	vst v63  }
0x205: {  	s6 =	rddreg [dreg:$0x1b]  }
0x206: {  	[spmem:s6] =	stream.linear.scatter [tilespmem:s11], [sflag:$0x5], $0x2000, $0x38;
	[tilespmem:$0x1F400] =	vst v63  }
0x207: {  	_ = 	snop  }
0x208: {  	[spmem:s9] =	stream.linear.scatter [tilespmem:s11], [sflag:$0x5], $0x2000, $0x38;
	[tilespmem:$0x1F400] =	vst v63  }
0x209: {  	_ =	swait.ge [sflag:s12], $0x2000  }
0x20a: {  	[sflag:s12] =	ssyncset.done $0x0  }
0x20b: {  	[sflag:s12] =	ssyncadd.s32 $0xFFFFE000  }
0x20c: {  	_ =	swait.ge [sflag:s12], $0x2000  }
0x20d: {  	[sflag:s12] =	ssyncset.done $0x0  }
0x20e: {  	[sflag:s12] =	ssyncadd.s32 $0xFFFFE000  }
0x20f: {  	_ =	swait.ge [sflag:s12], $0x2000  }
0x210: {  	[sflag:s12] =	ssyncset.done $0x0  }
0x211: {  	[sflag:s12] =	ssyncadd.s32 $0xFFFFE000  }
0x212: {  	_ =	swait.ge [sflag:s12], $0x2000  }
0x213: {  	[sflag:s12] =	ssyncset.done $0x0  }
0x214: {  	[sflag:s12] =	ssyncadd.s32 $0xFFFFE000  }
0x215: {  	_ =	swait.ge [sflag:s12], $0x2000  }
0x216: {  	[sflag:s12] =	ssyncset.done $0x0  }
0x217: {  	[sflag:s12] =	ssyncadd.s32 $0xFFFFE000  }
0x218: {  	_ =	swait.ge [sflag:s12], $0x2000  }
0x219: {  	[sflag:s12] =	ssyncset.done $0x0  }
0x21a: {  	[sflag:s12] =	ssyncadd.s32 $0xFFFFE000  }
0x21b: {  	_ =	swait.ge [sflag:s12], $0x2000  }
0x21c: {  	[sflag:s12] =	ssyncset.done $0x0  }
0x21d: {  	[sflag:s12] =	ssyncadd.s32 $0xFFFFE000  }
0x21e: {  	_ =	swait.ge [sflag:s12], $0x2000  }
0x21f: {  	[sflag:s12] =	ssyncset.done $0x0  }
0x220: {  	[sflag:s12] =	ssyncadd.s32 $0xFFFFE000  }
0x221: {  	_ =	swait.ge [sflag:s12], $0x2000  }
0x222: {  	[sflag:s12] =	ssyncset.done $0x0  }
0x223: {  	[sflag:s12] =	ssyncadd.s32 $0xFFFFE000  }
0x224: {  	_ =	swait.ge [sflag:s12], $0x2000  }
0x225: {  	[sflag:s12] =	ssyncset.done $0x0  }
0x226: {  	[sflag:s12] =	ssyncadd.s32 $0xFFFFE000  }
0x227: {  	[bflag:$0x0] =	sbarrier.arrive $0xFFFF  }
0x228: {  	s7 =	simm.s32 $0x0;
	s6 =	rddreg [dreg:$0xf]  }
0x229: {  	[tilespmem:s13], [sflag:$0x1] =	stream.linear.gather [hbm4b:s6+s7], $0x4000, $0x38;
	[tilespmem:$0x1F400] =	vst v63  }
0x22a: {  	s8 =	rddreg [dreg:$0x10]  }
0x22b: {  	[tilespmem:s14], [sflag:$0x2] =	stream.linear.gather [hbm4b:s8+s7], $0x4000, $0x38;
	[tilespmem:$0x1F400] =	vst v63  }
0x22c: {  	_ =	swait.ge [sflag:s15], $0x4000  }
0x22d: {  	[sflag:s15] =	ssyncset.done $0x0  }
0x22e: {  	s6 =	simm.s32 $0x1C000;
	[sflag:s15] =	ssyncadd.s32 $0xFFFFC000  }
0x22f: {  	[spmem:s28] =	stream.indirect.scatter.add.f32 [tilespmem:s13], [sflag:$0x3], $0x80, s6, s16, $0xb8;
	[tilespmem:$0x1F400] =	vst v63  }
0x230: {  	_ =	swait.ge [sflag:s30], $0x4000  }
0x231: {  	[sflag:s30] =	ssyncset.done $0x0  }
0x232: {  	s7 =	sadd.s32 $0x0, s29;
	[sflag:s30] =	ssyncadd.s32 $0xFFFFC000  }
0x233: {  	[tilespmem:s13], [sflag:$0x1] =	stream.linear.gather [hbm4b:s7+s1], $0x4000, $0x38;
	[tilespmem:$0x1F400] =	vst v63  }
0x234: {  	_ =	swait.ge [sflag:s25], $0x4000  }
0x235: {  	[sflag:s25] =	ssyncset.done $0x0  }
0x236: {  	s8 =	simm.s32 $0x1C080;
	[sflag:s25] =	ssyncadd.s32 $0xFFFFC000  }
0x237: {  	[spmem:s28] =	stream.indirect.scatter.add.f32 [tilespmem:s14], [sflag:$0x4], $0x80, s8, s16, $0xb8;
	[tilespmem:$0x1F400] =	vst v63  }
0x238: {  	_ =	swait.ge [sflag:s0], $0x4000  }
0x239: {  	s5 =	simm.s32 $0x1000;
	[sflag:s0] =	ssyncset.done $0x0  }
0x23a: {  	s6 =	simm.s32 $0x1C180;
	s7 =	sadd.s32 $0x0, s26;
	[sflag:s0] =	ssyncadd.s32 $0xFFFFC000  }
.LBB2_12:
0x23b: {  	[tilespmem:s14], [sflag:$0x2] =	stream.linear.gather [hbm4b:s7+s1], $0x4000, $0x38;
	[tilespmem:$0x1F400] =	vst v63  }
0x23c: {  	s7 =	smov.u32 s5  }
0x23d: {  	p0 =	sne.s32 s5, $0x12000;
	s5 =	sadd.s32 $0x1000, s5;
	_ =	swait.ge [sflag:s15], $0x4000  }
0x23e: {  	[sflag:s15] =	ssyncset.done $0x0  }
0x23f: {  	s8 =	sadd.s32 $0xFFFFFF80, s6;
	[sflag:s15] =	ssyncadd.s32 $0xFFFFC000  }
0x240: {  	[spmem:s28] =	stream.indirect.scatter.add.f32 [tilespmem:s13], [sflag:$0x3], $0x80, s8, s16, $0xb8;
	[tilespmem:$0x1F400] =	vst v63  }
0x241: {  	_ =	swait.ge [sflag:s30], $0x4000  }
0x242: {  	[sflag:s30] =	ssyncset.done $0x0  }
0x243: {  	s8 =	sadd.s32 s7, s29;
	[sflag:s30] =	ssyncadd.s32 $0xFFFFC000  }
0x244: {  	[tilespmem:s13], [sflag:$0x1] =	stream.linear.gather [hbm4b:s8+s1], $0x4000, $0x38;
	[tilespmem:$0x1F400] =	vst v63  }
0x245: {  	_ =	swait.ge [sflag:s25], $0x4000  }
0x246: {  	[sflag:s25] =	ssyncset.done $0x0  }
.Ltmp5:
0x247: {  	[sflag:s25] =	ssyncadd.s32 $0xFFFFC000;
	(pc) =	sbr.rel @p0 .LBB2_12-.Ltmp5, $4  }
0x248: {  	[spmem:s28] =	stream.indirect.scatter.add.f32 [tilespmem:s14], [sflag:$0x4], $0x80, s6, s16, $0xb8;
	[tilespmem:$0x1F400] =	vst v63  }
0x249: {  	_ =	swait.ge [sflag:s0], $0x4000  }
0x24a: {  	[sflag:s0] =	ssyncset.done $0x0  }
0x24b: {  	s7 =	sadd.s32 s7, s26;
	s6 =	sadd.s32 $0x100, s6;
	[sflag:s0] =	ssyncadd.s32 $0xFFFFC000  }
0x24c: {  	[tilespmem:s14], [sflag:$0x2] =	stream.linear.gather [hbm4b:s7+s1], $0x4000, $0x38;
	[tilespmem:$0x1F400] =	vst v63  }
0x24d: {  	_ =	swait.ge [sflag:s15], $0x4000  }
0x24e: {  	[sflag:s15] =	ssyncset.done $0x0  }
0x24f: {  	s5 =	simm.s32 $0x1D300;
	[sflag:s15] =	ssyncadd.s32 $0xFFFFC000  }
0x250: {  	[spmem:s28] =	stream.indirect.scatter.add.f32 [tilespmem:s13], [sflag:$0x3], $0x80, s5, s16, $0xb8;
	[tilespmem:$0x1F400] =	vst v63  }
0x251: {  	_ =	swait.ge [sflag:s25], $0x4000  }
0x252: {  	[sflag:s25] =	ssyncset.done $0x0  }
0x253: {  	s6 =	simm.s32 $0x1D380;
	[sflag:s25] =	ssyncadd.s32 $0xFFFFC000  }
0x254: {  	[spmem:s28] =	stream.indirect.scatter.add.f32 [tilespmem:s14], [sflag:$0x4], $0x80, s6, s16, $0xb8;
	[tilespmem:$0x1F400] =	vst v63  }
0x255: {  	_ =	swait.ge [sflag:s30], $0x4000  }
0x256: {  	[sflag:s30] =	ssyncset.done $0x0  }
0x257: {  	[sflag:s30] =	ssyncadd.s32 $0xFFFFC000  }
0x258: {  	_ =	swait.ge [sflag:s0], $0x4000  }
0x259: {  	[sflag:s0] =	ssyncset.done $0x0  }
0x25a: {  	[sflag:s0] =	ssyncadd.s32 $0xFFFFC000  }
0x25b: {  	[bflag:$0x0] =	sbarrier.arrive $0xFFFF  }
0x25c: {  	s7 =	rddreg [dreg:$0x11]  }
0x25d: {  	[hbm:s7], [sflag:s3] =	dma.local [spmem:s4], $0x2800  }
0x25e: {  	_ =	swait.ge [sflag:s10], $0x2800  }
0x25f: {  	s2 =	sadd.s32 $0x1, s2;
	s8 =	rddreg [dreg:$0x13]  }
0x260: {  	p0 =	sne.s32 s2, s8  }
.Ltmp6:
0x261: {  	_ = 	snop;
	(pc) =	sbr.rel @p0 .LBB2_1-.Ltmp6, $3  }
0x262: {  	_ =	sdelay $0x1  }
0x263: {  	[sflag:s10] =	ssyncset.done $0x0  }
0x264: {  	[sflag:s10] =	ssyncadd.s32 $0xFFFFD800  }
0x265: {  	_ =	sfence.sel $0x180000  }
0x266: {  	[bflag:$0x0] =	sbarrier.arrive $0xFFFF  }
0x267: {  	_ =	strace $0x9000004A  }
0x268: {  	s0 =	stileid.u32;
	[bflag:$0x2] =	sbarrier.arrive $0xFFFF  }
0x269: {  	p0 =	sne.s32 s0, $0x0;
	s0 =	rddreg [dreg:$0x2]  }
0x26a: {  	s0 =	sadd.s32 @!p0 $0x100000, s0  }
0x26b: {  	[sflag:s0] =	ssyncadd.tile.s32 @!p0 $0x1;
	_ =	shalt  }
.Lfunc_end2:
_tile_overlayer_lowered:
.L_overlay_start_2:
0x26c: {  	(tag) =	ssettag $0x2  }
0x26d: {  	s0 =	rddreg [dreg:$0x0];
	s2 =	stileid.u32  }
0x26e: {  	s1 =	rddreg [dreg:$0x1];
	p0 =	sne.s32 s2, $0x0  }
0x26f: {  	s3 =	rddreg [dreg:$0x2];
	[bflag:$0x3] =	sbarrier.arrive $0xFFFF;
	s2 =	simm.s32 @!p0 $0x1C06  }
0x270: {  	[timem:s3], [sflag:s2] =	dma.local @!p0 [hbm:s0], s1  }
0x271: {  	s0 =	simm.s32 @!p0 $0x6  }
0x272: {  	_ =	swait.ge @!p0 [sflag:s0], s1  }
0x273: {  	s1 =	ssub.s32 @!p0 $0x0, s1;
	[sflag:s0] =	ssyncset.done @!p0 $0x0  }
0x274: {  	[sflag:s0] =	ssyncadd.s32 @!p0 s1  }
0x275: {  	[bflag:$0x3] =	sbarrier.arrive $0xFFFF  }
0x276: {  	_ =	shalt  }

// kernel: kernel.14.cloned.1.call-start
scs
__scs_entry_jumppad:
0x0: {  	(pc) =	sbr.rel $0x88, $3  }
0x1: {  	(tag) =	ssettag $0x0;
	lr =	simm.s32 $0x1  }
0x2: {  	[smem:$0x3F8A] =	sst lr;
	_ =	strace $0xD0000000  }
0x3: {  	_ = 	snop  }
0x4: {  	_ = 	snop  }
0x5: {  	_ = 	snop  }
0x6: {  	_ = 	snop  }
0x7: {  	_ = 	snop  }
__scs_overlays_trampoline_lowered:
0x8: {  	[smem:$0x3F99] =	sst s0  }
0x9: {  	[smem:$0x3F9A] =	sst s1  }
0xa: {  	[smem:$0x3F9B] =	sst s2  }
0xb: {  	[smem:$0x3F9C] =	sst s3  }
0xc: {  	[smem:$0x3F9D] =	sst s4  }
0xd: {  	[smem:$0x3F9E] =	sst s5  }
0xe: {  	[smem:$0x3F9F] =	sst s6  }
0xf: {  	[smem:$0x3FA0] =	sst s7  }
0x10: {  	[smem:$0x3FA1] =	sst s8  }
0x11: {  	[smem:$0x3FA2] =	sst s9;
	s0 =	simm.s32 @!p0 $0x0  }
0x12: {  	s1 =	sld [smem:$0x3F88];
	s0 =	simm.s32 @p0 $0x1  }
0x13: {  	[smem:$0x3FA3] =	sst s0;
	s0 =	simm.s32 @!p1 $0x0  }
0x14: {  	s2 =	sld [smem:$0x3F87];
	s0 =	simm.s32 @p1 $0x1  }
0x15: {  	[smem:$0x3FA4] =	sst s0;
	s0 =	simm.s32 @!p2 $0x0  }
0x16: {  	s3 =	sld [smem:$0x3FDB];
	s0 =	simm.s32 @p2 $0x1  }
0x17: {  	s4 =	simm.s32 $0x1BF5;
	[smem:$0x3FA6] =	sst s0  }
0x18: {  	s0 =	sld [smem:$0x3F89];
	_ =	swait.ge [sflag:s4], $0x0  }
0x19: {  	s7 =	sld [smem:$0x3F8A]  }
0x1a: {  	s8 =	sadd.s32 $0xFFFFE003, lr  }
0x1b: {  	s9 =	sadd.s32 $0xFFFFFEF7, lr;
	s5 =	simm.s32 $0xFFFFFFFF;
	p2 =	slt.u32 s8, $0xFFFFF086  }
0x1c: {  	p1 =	slt.u32 s9, $0xF7A;
	s5 =	simm.s32 @!p2 $0x0  }
0x1d: {  	s5 =	simm.s32 @p1 $0x1;
	p0 =	seq.s32 s7, s2  }
0x1e: {  	s7 =	smul.u32 @!p0 $0xF7A, s2;
	p2 =	seq.s32 @!p0 s5, $0x0  }
0x1f: {  	s9 =	smul.u32 $0xF7A, s1;
	s8 =	simm.s32 @!p0 $0x1BF5;
	p2 =	por !p2, p0  }
0x20: {  	[sflag:s8] =	ssyncset.s32 @!p0 $0xFFFFF086;
	s6 =	sadd.s32 @!p0 s3, s7;
	s7 =	simm.s32 @!p0 $0x108  }
0x21: {  	s3 =	sadd.s32 s3, s9;
	s6 =	sadd.s32 @!p0 $0x88, s6;
	s7 =	simm.s32 @p2 $0x1082  }
0x22: {  	[simem:s7], [sflag:s8] =	dma.local @!p0 [hbm:s6], $0xF7A  }
0x23: {  	s9 =	sor.u32 $0xD0000000, s2;
	s6 =	simm.s32 $0x108;
	_ =	swait.ge @!p0 [sflag:s8], $0x0  }
0x24: {  	s3 =	sadd.s32 $0x88, s3;
	s6 =	simm.s32 @!p1 $0x1082;
	[sflag:s4] =	ssyncset.s32 $0xFFFFF086  }
0x25: {  	[simem:s6], [sflag:s4] =	dma.local [hbm:s3], $0xF7A  }
0x26: {  	[smem:$0x3F8A] =	sst s1;
	(tag) =	ssettag s2;
	_ =	strace s9  }
0x27: {  	s1 =	sld [smem:$0x3F9A]  }
0x28: {  	s2 =	sld [smem:$0x3F9B]  }
0x29: {  	s4 =	sld [smem:$0x3F9D]  }
0x2a: {  	p0 =	seq.s32 s5, $0x0;
	s5 =	sld [smem:$0x3F9E]  }
0x2b: {  	s6 =	sld [smem:$0x3F9F]  }
0x2c: {  	s7 =	sld [smem:$0x3FA0]  }
0x2d: {  	s3 =	simm.s32 $0x108;
	s8 =	sld [smem:$0x3FA1]  }
0x2e: {  	s3 =	simm.s32 @!p0 $0x1082;
	s9 =	sld [smem:$0x3FA2]  }
0x2f: {  	lr =	sadd.s32 s0, s3;
	s0 =	sld [smem:$0x3F99]  }
0x30: {  	s3 =	sld [smem:$0x3F9C]  }
0x31: {  	[smem:$0x3FA5] =	sst s10  }
0x32: {  	s10 =	sld [smem:$0x3FA3];
	_ =	sdelay $0x3  }
0x33: {  	p0 =	seq.s32 s10, $0x1;
	s10 =	sld [smem:$0x3FA5];
	_ =	sdelay $0x3  }
0x34: {  	[smem:$0x3FA5] =	sst s10  }
0x35: {  	s10 =	sld [smem:$0x3FA4];
	_ =	sdelay $0x3  }
0x36: {  	p1 =	seq.s32 s10, $0x1;
	s10 =	sld [smem:$0x3FA5];
	_ =	sdelay $0x3  }
0x37: {  	[smem:$0x3FA5] =	sst s10  }
0x38: {  	s10 =	sld [smem:$0x3FA6]  }
0x39: {  	_ = 	snop;
	(pc) =	sbr.ind lr, $3  }
0x3a: {  	_ = 	snop  }
0x3b: {  	_ = 	snop  }
0x3c: {  	p2 =	seq.s32 s10, $0x1;
	s10 =	sld [smem:$0x3FA5]  }
0x3d: {  	_ =	shalt  }
0x3e: {  	_ =	shalt  }
0x3f: {  	_ =	shalt  }
0x40: {  	_ =	shalt  }
0x41: {  	_ =	shalt  }
0x42: {  	_ =	shalt  }
0x43: {  	_ =	shalt  }
0x44: {  	_ =	shalt  }
0x45: {  	_ =	shalt  }
0x46: {  	_ =	shalt  }
0x47: {  	_ =	shalt  }
0x48: {  	_ =	shalt  }
0x49: {  	_ =	shalt  }
0x4a: {  	_ =	shalt  }
0x4b: {  	_ =	shalt  }
0x4c: {  	_ =	shalt  }
0x4d: {  	_ =	shalt  }
0x4e: {  	_ =	shalt  }
0x4f: {  	_ =	shalt  }
0x50: {  	_ =	shalt  }
0x51: {  	_ =	shalt  }
0x52: {  	_ =	shalt  }
0x53: {  	_ =	shalt  }
0x54: {  	_ =	shalt  }
0x55: {  	_ =	shalt  }
0x56: {  	_ =	shalt  }
0x57: {  	_ =	shalt  }
0x58: {  	_ =	shalt  }
0x59: {  	_ =	shalt  }
0x5a: {  	_ =	shalt  }
0x5b: {  	_ =	shalt  }
0x5c: {  	_ =	shalt  }
0x5d: {  	_ =	shalt  }
0x5e: {  	_ =	shalt  }
0x5f: {  	_ =	shalt  }
0x60: {  	_ =	shalt  }
0x61: {  	_ =	shalt  }
0x62: {  	_ =	shalt  }
0x63: {  	_ =	shalt  }
0x64: {  	_ =	shalt  }
0x65: {  	_ =	shalt  }
0x66: {  	_ =	shalt  }
0x67: {  	_ =	shalt  }
0x68: {  	_ =	shalt  }
0x69: {  	_ =	shalt  }
0x6a: {  	_ =	shalt  }
0x6b: {  	_ =	shalt  }
0x6c: {  	_ =	shalt  }
0x6d: {  	_ =	shalt  }
0x6e: {  	_ =	shalt  }
0x6f: {  	_ =	shalt  }
0x70: {  	_ =	shalt  }
0x71: {  	_ =	shalt  }
0x72: {  	_ =	shalt  }
0x73: {  	_ =	shalt  }
0x74: {  	_ =	shalt  }
0x75: {  	_ =	shalt  }
0x76: {  	_ =	shalt  }
0x77: {  	_ =	shalt  }
0x78: {  	_ =	shalt  }
0x79: {  	_ =	shalt  }
0x7a: {  	_ =	shalt  }
0x7b: {  	_ =	shalt  }
0x7c: {  	_ =	shalt  }
0x7d: {  	_ =	shalt  }
0x7e: {  	_ =	shalt  }
0x7f: {  	_ =	shalt  }
0x80: {  	_ =	shalt  }
0x81: {  	_ =	shalt  }
0x82: {  	_ =	shalt  }
0x83: {  	_ =	shalt  }
0x84: {  	_ =	shalt  }
0x85: {  	_ =	shalt  }
0x86: {  	_ =	shalt  }
0x87: {  	_ =	shalt  }
.Lfunc_end0:
.L_simem_size_0:
called_computation.2_lowered:
.L_overlay_start_0:
0x88: {  	s2 =	sld [smem:$0x3FD9]  }
0x89: {  	s3 =	sld [smem:$0x3FFE];
	_ =	sdelay $0x1  }
0x8a: {  	s1 =	srdreg.scid  }
0x8b: {  	s0 =	sand.u32 $0x1, s1  }
0x8c: {  	s16 =	sshll.u32 s0, $0xA;
	s2 =	sadd.s32 s3, s2  }
0x8d: {  	s2 =	sadd.s32 s2, s16  }
0x8e: {  	[smem:$0x3FB1] =	sst s2  }
0x8f: {  	_ = 	snop  }
0x90: {  	(tm) =	ssettm $0x1  }
0x91: {  	s17 =	sld [smem:$0x3FFB];
	_ =	sdelay $0x3  }
0x92: {  	_ =	strace s17  }
0x93: {  	s2 =	sld [smem:$0x3FFC];
	_ =	sdelay $0x3  }
0x94: {  	_ =	strace s2  }
0x95: {  	s2 =	sld [smem:$0x3FFD];
	_ =	sdelay $0x3  }
0x96: {  	_ =	strace s2  }
0x97: {  	_ =	strace $0x8FFFFFFF  }
0x98: {  	s18 =	sld [smem:$0x3FDB];
	_ =	sdelay $0x1  }
0x99: {  	s19 =	simm.s32 $_scs_section_size  }
0x9a: {  	s4 =	simm.s32 $_size__tile_overlayer_lowered;
	s5 =	simm.s32 $_tile_overlayer_lowered  }
0x9b: {  	s22 =	simm.s32 $0x1BFF;
	s21 =	sshll.u32 s5, $0x1;
	s2 =	sadd.s32 s19, s18  }
0x9c: {  	s6 =	simm.s32 $0x0;
	s20 =	sshll.u32 s4, $0x1;
	s4 =	sadd.s32 s21, s2  }
0x9d: {  	[timem:s6], [sflag:s22] =	dma.local [hbm:s4], s20  }
0x9e: {  	_ =	swait.ge [sflag:s22], s20  }
0x9f: {  	s3 =	ssub.s32 $0x0, s20;
	[sflag:s22] =	ssyncset.done $0x0  }
0xa0: {  	[sflag:s22] =	ssyncadd.s32 s3;
	_ =	sdelay $0x1  }
0xa1: {  	s23 =	simm.s32 $0x1B8B  }
0xa2: {  	_ =	swait.ge [sflag:s23], $0x1  }
0xa3: {  	[sflag:s23] =	ssyncset.done $0x0  }
0xa4: {  	s25 =	simm.s32 $0x1B8E;
	s24 =	sld [smem:$0x3FFE];
	[sflag:s23] =	ssyncadd.s32 $0xFFFFFFFF  }
0xa5: {  	s26 =	simm.s32 $execute0_lowered;
	[smem:$0x3FD2] =	sst s25  }
0xa6: {  	s4 =	sshll.u32 s26, $0x1;
	_ =	strace $0x8000004C;
	[dreg:$0x1] =	wrdreg $0xFFFFFFFF  }
0xa7: {  	s28 =	simm.s32 $_size_execute0_lowered;
	s2 =	sadd.s32 s2, s4;
	[dreg:$0x0] =	wrdreg $0x0  }
0xa8: {  	s4 =	sshll.u32 s28, $0x1;
	[dreg:$0x2] =	wrdreg s2  }
0xa9: {  	[dreg:$0x3] =	wrdreg s4  }
0xaa: {  	[dreg:$0x4] =	wrdreg $0xC0  }
0xab: {  	_ =	task [dreg:s6], $0x5FFFF  }
0xac: {  	[dreg:$0x1] =	wrdreg $0xFFFFFFFF  }
0xad: {  	[dreg:$0x0] =	wrdreg $0x60  }
0xae: {  	[dreg:$0x2] =	wrdreg s24  }
0xaf: {  	[dreg:$0x3] =	wrdreg $0x0  }
0xb0: {  	[dreg:$0x4] =	wrdreg $0x9  }
0xb1: {  	_ =	task.clear_ibuf [dreg:s6], $0x5FFFF;
	_ =	strace $0x9000004C  }
0xb2: {  	s29 =	simm.s32 $0x9;
	_ =	strace $0x8000004E  }
0xb3: {  	_ =	swait.ge [sflag:s29], $0x1  }
0xb4: {  	[sflag:s29] =	ssyncadd.s32 $0xFFFFFFFF  }
0xb5: {  	_ =	strace $0x9000004E  }
0xb6: {  	_ =	sfence  }
0xb7: {  	s30 =	sld [smem:$0x0];
	_ =	sdelay $0x2  }
0xb8: {  	s31 =	sshll.u32 s1, $0xD;
	s1 =	sshrl.u32 s1, $0x2  }
0xb9: {  	s3 =	sand.u32 $0x4000, s31;
	s1 =	sadd.s32 s1, s30  }
0xba: {  	s0 =	sor.u32 s3, s0;
	s1 =	sshll.u32 s1, $0x11  }
0xbb: {  	s0 =	sor.u32 s1, s0  }
0xbc: {  	s0 =	sadd.s32 $0x8F2B, s0  }
0xbd: {  	[sflag:s0] =	ssyncadd.remote.s32 $0x1  }
0xbe: {  	_ =	sfence.sel $0xFFFF  }
0xbf: {  	[dreg:$0x0] =	wrdreg $0xFFFFFFFF;
	(pc) =	sbr.abs _section_cstart, $3  }
0xc0: {  	[dreg:$0x1] =	wrdreg $0xFFFFFFFF  }
0xc1: {  	_ =	task.clear_ibuf [dreg:s6], $0x2FFFF;
	_ =	strace $0x9FFFFFFF  }
0xc2: {  	(tm) =	ssettm $0x7FFFFFFF  }
0xc3: {  	_ =	shalt  }
tec
execute0_lowered:
.L_overlay_start_1:
0x0: {  	(tag) =	ssettag $0x1  }
0x1: {  	s19 =	stileid.u32  }
0x2: {  	s3 =	smul.u32 $0x280, s19  }
0x3: {  	s0 =	srdreg.scid;
	s6 =	smul.u32 $0x14000, s19  }
0x4: {  	s4 =	rddreg [dreg:$0x0];
	s1 =	simm.s32 $0x0;
	s11 =	smul.u32 $0xA0000, s19  }
0x5: {  	s31 =	rddreg [dreg:$0x1];
	s0 =	sand.u32 $0x1, s0;
	s19 =	smul.u32 $0x50000, s19  }
0x6: {  	[smem:$0x7FF] =	sst s1;
	s2 =	sadd.s32 $0x1097C00, s4;
	s5 =	smul.u32 $0x5, s0  }
0x7: {  	s7 =	sadd.s32 $0xF07C00, s4;
	s8 =	smul.u32 $0x640000, s0;
	s9 =	ssub.s32 $0x2, s0  }
0x8: {  	s10 =	smul.u32 $0x3200000, s0;
	s3 =	sadd.s32 s3, s4;
	s4 =	sadd.s32 $0x7400, s4  }
0x9: {  	s23 =	sshrl.u32 s9, $0x1;
	s25 =	sor.u32 $0x4000, s11;
	s8 =	sadd.s32 s6, s8  }
0xa: {  	s12 =	sadd.s32 $0x1, s5;
	s5 =	ssub.s32 s9, s23;
	s0 =	sadd.s32 s11, s10  }
0xb: {  	s26 =	sadd.s32 s10, s25;
	s16 =	sadd.s32 $0x1400000, s10;
	s14 =	smul.u32 $0x140000, s12  }
0xc: {  	s3 =	sadd.s32 $0x4C00, s3;
	s13 =	sshrl.u32 s8, $0x3;
	s12 =	smul.u32 $0xA00000, s12  }
0xd: {  	s15 =	sadd.s32 $0x280000, s8;
	s24 =	sadd.s32 s7, s13;
	s13 =	sadd.s32 s4, s13  }
0xe: {  	s15 =	sshrl.u32 s15, $0x3;
	[dreg:$0x3] =	wrdreg s24;
	s6 =	sadd.s32 s6, s14  }
0xf: {  	[dreg:$0x4] =	wrdreg s13;
	s13 =	sadd.s32 s11, s12;
	s12 =	sadd.s32 s25, s12  }
0x10: {  	s18 =	sadd.s32 s7, s15;
	s15 =	sadd.s32 s4, s15;
	s24 =	sshrl.u32 s0, $0x3  }
0x11: {  	s6 =	sshrl.u32 s6, $0x3;
	[dreg:$0x7] =	wrdreg s18;
	s18 =	sadd.s32 $0x1E00000, s10  }
0x12: {  	[dreg:$0x8] =	wrdreg s15;
	s10 =	sadd.s32 $0x2800000, s10;
	s17 =	sadd.s32 s7, s6  }
0x13: {  	s6 =	sadd.s32 s4, s6;
	s21 =	sadd.s32 s11, s18;
	[dreg:$0x5] =	wrdreg s17  }
0x14: {  	s18 =	sadd.s32 s25, s18;
	s9 =	sadd.s32 s25, s10;
	[dreg:$0x6] =	wrdreg s6  }
0x15: {  	s6 =	sadd.s32 s11, s16;
	s16 =	sadd.s32 s25, s16;
	s17 =	sadd.s32 $0x3C0000, s8  }
0x16: {  	s8 =	sadd.s32 $0x500000, s8;
	s11 =	sadd.s32 s11, s10;
	s25 =	sshrl.u32 s26, $0x3  }
0x17: {  	s14 =	sshrl.u32 s18, $0x3;
	s18 =	sor.u32 $0xC000, s0;
	s20 =	sshrl.u32 s17, $0x3  }
0x18: {  	s8 =	sshrl.u32 s8, $0x3;
	s26 =	sadd.s32 s2, s25;
	s6 =	sshrl.u32 s6, $0x3  }
0x19: {  	s15 =	sadd.s32 s2, s14;
	s17 =	sshrl.u32 s9, $0x3;
	s14 =	sadd.s32 $0x1E08000, s0  }
0x1a: {  	s22 =	sadd.s32 s7, s20;
	s23 =	sadd.s32 s4, s20;
	s7 =	sadd.s32 s7, s8  }
0x1b: {  	s4 =	sadd.s32 s4, s8;
	[dreg:$0xe] =	wrdreg s26;
	s8 =	sshrl.u32 s12, $0x3  }
0x1c: {  	s10 =	sadd.s32 s2, s6;
	s12 =	sshrl.u32 s16, $0x3;
	[dreg:$0x14] =	wrdreg s15  }
0x1d: {  	s16 =	sshrl.u32 s11, $0x3;
	s20 =	sshrl.u32 s18, $0x3;
	[dreg:$0x9] =	wrdreg s22  }
0x1e: {  	s26 =	sadd.s32 $0xA08000, s0;
	s15 =	sshrl.u32 s14, $0x3;
	[dreg:$0xa] =	wrdreg s23  }
0x1f: {  	s6 =	simm.s32 $0x6;
	s14 =	simm.s32 $0x4;
	[dreg:$0xb] =	wrdreg s7  }
0x20: {  	[dreg:$0xc] =	wrdreg s4;
	s4 =	sadd.s32 s2, s24;
	s7 =	sshrl.u32 s13, $0x3  }
0x21: {  	[dreg:$0x11] =	wrdreg s10;
	s13 =	sshrl.u32 s21, $0x3;
	s21 =	sor.u32 $0x8000, s0  }
0x22: {  	s22 =	sadd.s32 s20, s2;
	s24 =	sadd.s32 $0xA0C000, s0;
	s10 =	sadd.s32 $0x1408000, s0  }
0x23: {  	s30 =	sadd.s32 s15, s2;
	s20 =	sshrl.u32 s19, $0x2;
	s15 =	simm.s32 $0x1D300  }
0x24: {  	[dreg:$0xd] =	wrdreg s4;
	s4 =	sadd.s32 s2, s7;
	s23 =	sshrl.u32 s21, $0x3  }
0x25: {  	s25 =	sshrl.u32 s24, $0x3;
	s7 =	sshrl.u32 s26, $0x3;
	s11 =	sshrl.u32 s10, $0x3  }
0x26: {  	s21 =	smax.u32 s5, $0x1;
	s10 =	simm.s32 $0x1;
	[dreg:$0xf] =	wrdreg s4  }
0x27: {  	s4 =	sadd.s32 s2, s8;
	s23 =	sadd.s32 s23, s2;
	s24 =	sadd.s32 s25, s2  }
0x28: {  	s8 =	sadd.s32 $0x140C000, s0;
	s25 =	sadd.s32 s7, s2;
	s28 =	sadd.s32 s11, s2  }
0x29: {  	s7 =	simm.s32 $0x5;
	s11 =	simm.s32 $0x80;
	[dreg:$0x10] =	wrdreg s4  }
0x2a: {  	s4 =	sadd.s32 s2, s12;
	s9 =	sshrl.u32 s8, $0x3;
	s12 =	sadd.s32 $0x1E0C000, s0  }
0x2b: {  	s8 =	simm.s32 $0x14000;
	[dreg:$0x12] =	wrdreg s4;
	s4 =	sadd.s32 s2, s13  }
0x2c: {  	s26 =	sadd.s32 s9, s2;
	s13 =	sshrl.u32 s12, $0x3;
	s9 =	simm.s32 $0x18000  }
0x2d: {  	s12 =	simm.s32 $0x3;
	[dreg:$0x13] =	wrdreg s4;
	s4 =	sadd.s32 s2, s16  }
0x2e: {  	s29 =	sadd.s32 s13, s2;
	s16 =	sadd.s32 $0x280C000, s0;
	s0 =	sadd.s32 $0x2808000, s0  }
0x2f: {  	s13 =	simm.s32 $0x2;
	[dreg:$0x15] =	wrdreg s4;
	s4 =	sadd.s32 s2, s17  }
0x30: {  	s17 =	sshrl.u32 s16, $0x3;
	s18 =	sshrl.u32 s0, $0x3;
	[dreg:$0x16] =	wrdreg s4  }
0x31: {  	s16 =	simm.s32 $0x1D380;
	_ =	strace $0x8000004D;
	[dreg:$0x17] =	wrdreg s3  }
0x32: {  	s0 =	sadd.s32 s17, s2;
	s3 =	sadd.s32 s20, s31;
	[dreg:$0x19] =	wrdreg s21  }
0x33: {  	v0 =	vimm.f32 $0.0e+00;
	s2 =	sadd.s32 s18, s2;
	s17 =	simm.s32 $0x0;
	[dreg:$0x18] =	wrdreg s3  }
.LBB2_1:
0x34: {  	s3 =	rddreg [dreg:$0x17];
	s4 =	simm.s32 $0x1C000  }
0x35: {  	[tilespmem:s4], [sflag:$0x6] =	stream.linear.gather [hbm4b:s3+s1], $0x1400, $0x38;
	[tilespmem:$0x1F400] =	vst v63  }
0x36: {  	_ =	swait.ge [sflag:s6], $0x1400  }
0x37: {  	[sflag:s6] =	ssyncset.done $0x0  }
0x38: {  	s18 =	simm.s32 $0x200;
	s3 =	simm.s32 $0x0;
	[sflag:s6] =	ssyncadd.s32 $0xFFFFEC00  }
.LBB2_2:
0x39: {  	p0 =	sne.s32 s18, $0x7E00;
	[tilespmem:s3+$0x1D470] =	vst v0  }
0x3a: {  	[tilespmem:s3+$0x1D400] =	vst v0  }
0x3b: {  	[tilespmem:s3+$0x1D410] =	vst v0  }
.Ltmp0:
0x3c: {  	[tilespmem:s3+$0x1D420] =	vst v0;
	(pc) =	sbr.rel @p0 .LBB2_2-.Ltmp0, $4  }
0x3d: {  	[tilespmem:s3+$0x1D430] =	vst v0  }
0x3e: {  	[tilespmem:s3+$0x1D440] =	vst v0  }
0x3f: {  	[tilespmem:s3+$0x1D450] =	vst v0  }
0x40: {  	[tilespmem:s3+$0x1D460] =	vst v0;
	s3 =	sshra.s32 s18, $0x2;
	s18 =	sadd.s32 $0x200, s18  }
0x41: {  	[tilespmem:s3+$0x1D470] =	vst v0  }
0x42: {  	[tilespmem:s3+$0x1D400] =	vst v0  }
0x43: {  	[tilespmem:s3+$0x1D410] =	vst v0  }
0x44: {  	[tilespmem:s3+$0x1D420] =	vst v0  }
0x45: {  	[tilespmem:s3+$0x1D430] =	vst v0  }
0x46: {  	[tilespmem:s3+$0x1D440] =	vst v0;
	s4 =	stileid.u32  }
0x47: {  	[tilespmem:s3+$0x1D450] =	vst v0;
	s21 =	rddreg [dreg:$0x18];
	s20 =	sshll.u32 s4, $0x6  }
0x48: {  	[tilespmem:s3+$0x1D460] =	vst v0;
	s18 =	sshrl.u32 s21, $0x3;
	s4 =	rddreg [dreg:$0x3];
	s19 =	sor.u32 $0x1C05, s20  }
0x49: {  	[spmem:s18], [sflag:s19] =	dma.local [hbm:s4], $0x2800  }
0x4a: {  	_ =	swait.ge [sflag:s7], $0x2800  }
0x4b: {  	[sflag:s7] =	ssyncset.done $0x0  }
0x4c: {  	[sflag:s7] =	ssyncadd.s32 $0xFFFFD800  }
0x4d: {  	[bflag:$0x0] =	sbarrier.arrive $0xFFFF  }
0x4e: {  	s3 =	simm.s32 $0x0;
	s5 =	rddreg [dreg:$0xd]  }
0x4f: {  	[tilespmem:s8], [sflag:$0x1] =	stream.linear.gather [hbm4b:s5+s3], $0x4000, $0x38;
	[tilespmem:$0x1F400] =	vst v63  }
0x50: {  	s21 =	rddreg [dreg:$0xe]  }
0x51: {  	[tilespmem:s9], [sflag:$0x2] =	stream.linear.gather [hbm4b:s21+s3], $0x4000, $0x38;
	[tilespmem:$0x1F400] =	vst v63  }
0x52: {  	_ =	swait.ge [sflag:s10], $0x4000  }
0x53: {  	[sflag:s10] =	ssyncset.done $0x0  }
0x54: {  	s4 =	simm.s32 $0x1C000;
	[sflag:s10] =	ssyncadd.s32 $0xFFFFC000  }
0x55: {  	[spmem:s31] =	stream.indirect.scatter.add.f32 [tilespmem:s8], [sflag:$0x3], $0x80, s4, s11, $0xb8;
	[tilespmem:$0x1F400] =	vst v63  }
0x56: {  	_ =	swait.ge [sflag:s12], $0x4000  }
0x57: {  	[sflag:s12] =	ssyncset.done $0x0  }
0x58: {  	s5 =	sadd.s32 $0x0, s23;
	[sflag:s12] =	ssyncadd.s32 $0xFFFFC000  }
0x59: {  	[tilespmem:s8], [sflag:$0x1] =	stream.linear.gather [hbm4b:s5+s1], $0x4000, $0x38;
	[tilespmem:$0x1F400] =	vst v63  }
0x5a: {  	_ =	swait.ge [sflag:s13], $0x4000  }
0x5b: {  	[sflag:s13] =	ssyncset.done $0x0  }
0x5c: {  	s21 =	simm.s32 $0x1C080;
	[sflag:s13] =	ssyncadd.s32 $0xFFFFC000  }
0x5d: {  	[spmem:s31] =	stream.indirect.scatter.add.f32 [tilespmem:s9], [sflag:$0x4], $0x80, s21, s11, $0xb8;
	[tilespmem:$0x1F400] =	vst v63  }
0x5e: {  	_ =	swait.ge [sflag:s14], $0x4000  }
0x5f: {  	s3 =	simm.s32 $0x1C180;
	[sflag:s14] =	ssyncset.done $0x0  }
0x60: {  	s4 =	sadd.s32 $0x0, s22;
	s21 =	simm.s32 $0x1000;
	[sflag:s14] =	ssyncadd.s32 $0xFFFFC000  }
.LBB2_4:
0x61: {  	[tilespmem:s9], [sflag:$0x2] =	stream.linear.gather [hbm4b:s4+s1], $0x4000, $0x38;
	[tilespmem:$0x1F400] =	vst v63  }
0x62: {  	s4 =	smov.u32 s21  }
0x63: {  	p0 =	sne.s32 s21, $0x12000;
	s21 =	sadd.s32 $0x1000, s21;
	_ =	swait.ge [sflag:s10], $0x4000  }
0x64: {  	[sflag:s10] =	ssyncset.done $0x0  }
0x65: {  	s5 =	sadd.s32 $0xFFFFFF80, s3;
	[sflag:s10] =	ssyncadd.s32 $0xFFFFC000  }
0x66: {  	[spmem:s31] =	stream.indirect.scatter.add.f32 [tilespmem:s8], [sflag:$0x3], $0x80, s5, s11, $0xb8;
	[tilespmem:$0x1F400] =	vst v63  }
0x67: {  	_ =	swait.ge [sflag:s12], $0x4000  }
0x68: {  	[sflag:s12] =	ssyncset.done $0x0  }
0x69: {  	s5 =	sadd.s32 s4, s23;
	[sflag:s12] =	ssyncadd.s32 $0xFFFFC000  }
0x6a: {  	[tilespmem:s8], [sflag:$0x1] =	stream.linear.gather [hbm4b:s5+s1], $0x4000, $0x38;
	[tilespmem:$0x1F400] =	vst v63  }
0x6b: {  	_ =	swait.ge [sflag:s13], $0x4000  }
0x6c: {  	[sflag:s13] =	ssyncset.done $0x0  }
.Ltmp1:
0x6d: {  	[sflag:s13] =	ssyncadd.s32 $0xFFFFC000;
	(pc) =	sbr.rel @p0 .LBB2_4-.Ltmp1, $4  }
0x6e: {  	[spmem:s31] =	stream.indirect.scatter.add.f32 [tilespmem:s9], [sflag:$0x4], $0x80, s3, s11, $0xb8;
	[tilespmem:$0x1F400] =	vst v63  }
0x6f: {  	_ =	swait.ge [sflag:s14], $0x4000  }
0x70: {  	[sflag:s14] =	ssyncset.done $0x0  }
0x71: {  	s4 =	sadd.s32 s4, s22;
	s3 =	sadd.s32 $0x100, s3;
	[sflag:s14] =	ssyncadd.s32 $0xFFFFC000  }
0x72: {  	[tilespmem:s9], [sflag:$0x2] =	stream.linear.gather [hbm4b:s4+s1], $0x4000, $0x38;
	[tilespmem:$0x1F400] =	vst v63  }
0x73: {  	_ =	swait.ge [sflag:s10], $0x4000  }
0x74: {  	[sflag:s10] =	ssyncset.done $0x0  }
0x75: {  	[sflag:s10] =	ssyncadd.s32 $0xFFFFC000  }
0x76: {  	[spmem:s31] =	stream.indirect.scatter.add.f32 [tilespmem:s8], [sflag:$0x3], $0x80, s15, s11, $0xb8;
	[tilespmem:$0x1F400] =	vst v63  }
0x77: {  	_ =	swait.ge [sflag:s13], $0x4000  }
0x78: {  	[sflag:s13] =	ssyncset.done $0x0  }
0x79: {  	[sflag:s13] =	ssyncadd.s32 $0xFFFFC000  }
0x7a: {  	[spmem:s31] =	stream.indirect.scatter.add.f32 [tilespmem:s9], [sflag:$0x4], $0x80, s16, s11, $0xb8;
	[tilespmem:$0x1F400] =	vst v63  }
0x7b: {  	_ =	swait.ge [sflag:s12], $0x4000  }
0x7c: {  	[sflag:s12] =	ssyncset.done $0x0  }
0x7d: {  	[sflag:s12] =	ssyncadd.s32 $0xFFFFC000  }
0x7e: {  	_ =	swait.ge [sflag:s14], $0x4000  }
0x7f: {  	[sflag:s14] =	ssyncset.done $0x0  }
0x80: {  	[sflag:s14] =	ssyncadd.s32 $0xFFFFC000  }
0x81: {  	[bflag:$0x0] =	sbarrier.arrive $0xFFFF  }
0x82: {  	s20 =	sor.u32 $0x1C06, s20;
	s3 =	rddreg [dreg:$0x4]  }
0x83: {  	[hbm:s3], [sflag:s20] =	dma.local [spmem:s18], $0x2800  }
0x84: {  	_ =	swait.ge [sflag:s6], $0x2800  }
0x85: {  	[sflag:s6] =	ssyncset.done $0x0  }
0x86: {  	s4 =	rddreg [dreg:$0x5];
	[sflag:s6] =	ssyncadd.s32 $0xFFFFD800  }
0x87: {  	[spmem:s18], [sflag:s19] =	dma.local [hbm:s4], $0x2800  }
0x88: {  	_ =	swait.ge [sflag:s7], $0x2800  }
0x89: {  	[sflag:s7] =	ssyncset.done $0x0  }
0x8a: {  	[sflag:s7] =	ssyncadd.s32 $0xFFFFD800  }
0x8b: {  	[bflag:$0x0] =	sbarrier.arrive $0xFFFF  }
0x8c: {  	s3 =	simm.s32 $0x0;
	s5 =	rddreg [dreg:$0xf]  }
0x8d: {  	[tilespmem:s8], [sflag:$0x1] =	stream.linear.gather [hbm4b:s5+s3], $0x4000, $0x38;
	[tilespmem:$0x1F400] =	vst v63  }
0x8e: {  	s21 =	rddreg [dreg:$0x10]  }
0x8f: {  	[tilespmem:s9], [sflag:$0x2] =	stream.linear.gather [hbm4b:s21+s3], $0x4000, $0x38;
	[tilespmem:$0x1F400] =	vst v63  }
0x90: {  	_ =	swait.ge [sflag:s10], $0x4000  }
0x91: {  	[sflag:s10] =	ssyncset.done $0x0  }
0x92: {  	s4 =	simm.s32 $0x1C000;
	[sflag:s10] =	ssyncadd.s32 $0xFFFFC000  }
0x93: {  	[spmem:s31] =	stream.indirect.scatter.add.f32 [tilespmem:s8], [sflag:$0x3], $0x80, s4, s11, $0xb8;
	[tilespmem:$0x1F400] =	vst v63  }
0x94: {  	_ =	swait.ge [sflag:s12], $0x4000  }
0x95: {  	[sflag:s12] =	ssyncset.done $0x0  }
0x96: {  	s5 =	sadd.s32 $0x0, s25;
	[sflag:s12] =	ssyncadd.s32 $0xFFFFC000  }
0x97: {  	[tilespmem:s8], [sflag:$0x1] =	stream.linear.gather [hbm4b:s5+s1], $0x4000, $0x38;
	[tilespmem:$0x1F400] =	vst v63  }
0x98: {  	_ =	swait.ge [sflag:s13], $0x4000  }
0x99: {  	[sflag:s13] =	ssyncset.done $0x0  }
0x9a: {  	s21 =	simm.s32 $0x1C080;
	[sflag:s13] =	ssyncadd.s32 $0xFFFFC000  }
0x9b: {  	[spmem:s31] =	stream.indirect.scatter.add.f32 [tilespmem:s9], [sflag:$0x4], $0x80, s21, s11, $0xb8;
	[tilespmem:$0x1F400] =	vst v63  }
0x9c: {  	_ =	swait.ge [sflag:s14], $0x4000  }
0x9d: {  	s3 =	simm.s32 $0x1C180;
	[sflag:s14] =	ssyncset.done $0x0  }
0x9e: {  	s4 =	sadd.s32 $0x0, s24;
	s21 =	simm.s32 $0x1000;
	[sflag:s14] =	ssyncadd.s32 $0xFFFFC000  }
.LBB2_6:
0x9f: {  	[tilespmem:s9], [sflag:$0x2] =	stream.linear.gather [hbm4b:s4+s1], $0x4000, $0x38;
	[tilespmem:$0x1F400] =	vst v63  }
0xa0: {  	s4 =	smov.u32 s21  }
0xa1: {  	p0 =	sne.s32 s21, $0x12000;
	s21 =	sadd.s32 $0x1000, s21;
	_ =	swait.ge [sflag:s10], $0x4000  }
0xa2: {  	[sflag:s10] =	ssyncset.done $0x0  }
0xa3: {  	s5 =	sadd.s32 $0xFFFFFF80, s3;
	[sflag:s10] =	ssyncadd.s32 $0xFFFFC000  }
0xa4: {  	[spmem:s31] =	stream.indirect.scatter.add.f32 [tilespmem:s8], [sflag:$0x3], $0x80, s5, s11, $0xb8;
	[tilespmem:$0x1F400] =	vst v63  }
0xa5: {  	_ =	swait.ge [sflag:s12], $0x4000  }
0xa6: {  	[sflag:s12] =	ssyncset.done $0x0  }
0xa7: {  	s5 =	sadd.s32 s4, s25;
	[sflag:s12] =	ssyncadd.s32 $0xFFFFC000  }
0xa8: {  	[tilespmem:s8], [sflag:$0x1] =	stream.linear.gather [hbm4b:s5+s1], $0x4000, $0x38;
	[tilespmem:$0x1F400] =	vst v63  }
0xa9: {  	_ =	swait.ge [sflag:s13], $0x4000  }
0xaa: {  	[sflag:s13] =	ssyncset.done $0x0  }
.Ltmp2:
0xab: {  	[sflag:s13] =	ssyncadd.s32 $0xFFFFC000;
	(pc) =	sbr.rel @p0 .LBB2_6-.Ltmp2, $4  }
0xac: {  	[spmem:s31] =	stream.indirect.scatter.add.f32 [tilespmem:s9], [sflag:$0x4], $0x80, s3, s11, $0xb8;
	[tilespmem:$0x1F400] =	vst v63  }
0xad: {  	_ =	swait.ge [sflag:s14], $0x4000  }
0xae: {  	[sflag:s14] =	ssyncset.done $0x0  }
0xaf: {  	s4 =	sadd.s32 s4, s24;
	s3 =	sadd.s32 $0x100, s3;
	[sflag:s14] =	ssyncadd.s32 $0xFFFFC000  }
0xb0: {  	[tilespmem:s9], [sflag:$0x2] =	stream.linear.gather [hbm4b:s4+s1], $0x4000, $0x38;
	[tilespmem:$0x1F400] =	vst v63  }
0xb1: {  	_ =	swait.ge [sflag:s10], $0x4000  }
0xb2: {  	[sflag:s10] =	ssyncset.done $0x0  }
0xb3: {  	[sflag:s10] =	ssyncadd.s32 $0xFFFFC000  }
0xb4: {  	[spmem:s31] =	stream.indirect.scatter.add.f32 [tilespmem:s8], [sflag:$0x3], $0x80, s15, s11, $0xb8;
	[tilespmem:$0x1F400] =	vst v63  }
0xb5: {  	_ =	swait.ge [sflag:s13], $0x4000  }
0xb6: {  	[sflag:s13] =	ssyncset.done $0x0  }
0xb7: {  	[sflag:s13] =	ssyncadd.s32 $0xFFFFC000  }
0xb8: {  	[spmem:s31] =	stream.indirect.scatter.add.f32 [tilespmem:s9], [sflag:$0x4], $0x80, s16, s11, $0xb8;
	[tilespmem:$0x1F400] =	vst v63  }
0xb9: {  	_ =	swait.ge [sflag:s12], $0x4000  }
0xba: {  	[sflag:s12] =	ssyncset.done $0x0  }
0xbb: {  	[sflag:s12] =	ssyncadd.s32 $0xFFFFC000  }
0xbc: {  	_ =	swait.ge [sflag:s14], $0x4000  }
0xbd: {  	[sflag:s14] =	ssyncset.done $0x0  }
0xbe: {  	[sflag:s14] =	ssyncadd.s32 $0xFFFFC000  }
0xbf: {  	[bflag:$0x0] =	sbarrier.arrive $0xFFFF  }
0xc0: {  	s3 =	rddreg [dreg:$0x6]  }
0xc1: {  	[hbm:s3], [sflag:s20] =	dma.local [spmem:s18], $0x2800  }
0xc2: {  	_ =	swait.ge [sflag:s6], $0x2800  }
0xc3: {  	[sflag:s6] =	ssyncset.done $0x0  }
0xc4: {  	s4 =	rddreg [dreg:$0x7];
	[sflag:s6] =	ssyncadd.s32 $0xFFFFD800  }
0xc5: {  	[spmem:s18], [sflag:s19] =	dma.local [hbm:s4], $0x2800  }
0xc6: {  	_ =	swait.ge [sflag:s7], $0x2800  }
0xc7: {  	[sflag:s7] =	ssyncset.done $0x0  }
0xc8: {  	[sflag:s7] =	ssyncadd.s32 $0xFFFFD800  }
0xc9: {  	[bflag:$0x0] =	sbarrier.arrive $0xFFFF  }
0xca: {  	s3 =	simm.s32 $0x0;
	s5 =	rddreg [dreg:$0x11]  }
0xcb: {  	[tilespmem:s8], [sflag:$0x1] =	stream.linear.gather [hbm4b:s5+s3], $0x4000, $0x38;
	[tilespmem:$0x1F400] =	vst v63  }
0xcc: {  	s21 =	rddreg [dreg:$0x12]  }
0xcd: {  	[tilespmem:s9], [sflag:$0x2] =	stream.linear.gather [hbm4b:s21+s3], $0x4000, $0x38;
	[tilespmem:$0x1F400] =	vst v63  }
0xce: {  	_ =	swait.ge [sflag:s10], $0x4000  }
0xcf: {  	[sflag:s10] =	ssyncset.done $0x0  }
0xd0: {  	s4 =	simm.s32 $0x1C000;
	[sflag:s10] =	ssyncadd.s32 $0xFFFFC000  }
0xd1: {  	[spmem:s31] =	stream.indirect.scatter.add.f32 [tilespmem:s8], [sflag:$0x3], $0x80, s4, s11, $0xb8;
	[tilespmem:$0x1F400] =	vst v63  }
0xd2: {  	_ =	swait.ge [sflag:s12], $0x4000  }
0xd3: {  	[sflag:s12] =	ssyncset.done $0x0  }
0xd4: {  	s5 =	sadd.s32 $0x0, s28;
	[sflag:s12] =	ssyncadd.s32 $0xFFFFC000  }
0xd5: {  	[tilespmem:s8], [sflag:$0x1] =	stream.linear.gather [hbm4b:s5+s1], $0x4000, $0x38;
	[tilespmem:$0x1F400] =	vst v63  }
0xd6: {  	_ =	swait.ge [sflag:s13], $0x4000  }
0xd7: {  	[sflag:s13] =	ssyncset.done $0x0  }
0xd8: {  	s21 =	simm.s32 $0x1C080;
	[sflag:s13] =	ssyncadd.s32 $0xFFFFC000  }
0xd9: {  	[spmem:s31] =	stream.indirect.scatter.add.f32 [tilespmem:s9], [sflag:$0x4], $0x80, s21, s11, $0xb8;
	[tilespmem:$0x1F400] =	vst v63  }
0xda: {  	_ =	swait.ge [sflag:s14], $0x4000  }
0xdb: {  	s3 =	simm.s32 $0x1C180;
	[sflag:s14] =	ssyncset.done $0x0  }
0xdc: {  	s4 =	sadd.s32 $0x0, s26;
	s21 =	simm.s32 $0x1000;
	[sflag:s14] =	ssyncadd.s32 $0xFFFFC000  }
.LBB2_8:
0xdd: {  	[tilespmem:s9], [sflag:$0x2] =	stream.linear.gather [hbm4b:s4+s1], $0x4000, $0x38;
	[tilespmem:$0x1F400] =	vst v63  }
0xde: {  	s4 =	smov.u32 s21  }
0xdf: {  	p0 =	sne.s32 s21, $0x12000;
	s21 =	sadd.s32 $0x1000, s21;
	_ =	swait.ge [sflag:s10], $0x4000  }
0xe0: {  	[sflag:s10] =	ssyncset.done $0x0  }
0xe1: {  	s5 =	sadd.s32 $0xFFFFFF80, s3;
	[sflag:s10] =	ssyncadd.s32 $0xFFFFC000  }
0xe2: {  	[spmem:s31] =	stream.indirect.scatter.add.f32 [tilespmem:s8], [sflag:$0x3], $0x80, s5, s11, $0xb8;
	[tilespmem:$0x1F400] =	vst v63  }
0xe3: {  	_ =	swait.ge [sflag:s12], $0x4000  }
0xe4: {  	[sflag:s12] =	ssyncset.done $0x0  }
0xe5: {  	s5 =	sadd.s32 s4, s28;
	[sflag:s12] =	ssyncadd.s32 $0xFFFFC000  }
0xe6: {  	[tilespmem:s8], [sflag:$0x1] =	stream.linear.gather [hbm4b:s5+s1], $0x4000, $0x38;
	[tilespmem:$0x1F400] =	vst v63  }
0xe7: {  	_ =	swait.ge [sflag:s13], $0x4000  }
0xe8: {  	[sflag:s13] =	ssyncset.done $0x0  }
.Ltmp3:
0xe9: {  	[sflag:s13] =	ssyncadd.s32 $0xFFFFC000;
	(pc) =	sbr.rel @p0 .LBB2_8-.Ltmp3, $4  }
0xea: {  	[spmem:s31] =	stream.indirect.scatter.add.f32 [tilespmem:s9], [sflag:$0x4], $0x80, s3, s11, $0xb8;
	[tilespmem:$0x1F400] =	vst v63  }
0xeb: {  	_ =	swait.ge [sflag:s14], $0x4000  }
0xec: {  	[sflag:s14] =	ssyncset.done $0x0  }
0xed: {  	s4 =	sadd.s32 s4, s26;
	s3 =	sadd.s32 $0x100, s3;
	[sflag:s14] =	ssyncadd.s32 $0xFFFFC000  }
0xee: {  	[tilespmem:s9], [sflag:$0x2] =	stream.linear.gather [hbm4b:s4+s1], $0x4000, $0x38;
	[tilespmem:$0x1F400] =	vst v63  }
0xef: {  	_ =	swait.ge [sflag:s10], $0x4000  }
0xf0: {  	[sflag:s10] =	ssyncset.done $0x0  }
0xf1: {  	[sflag:s10] =	ssyncadd.s32 $0xFFFFC000  }
0xf2: {  	[spmem:s31] =	stream.indirect.scatter.add.f32 [tilespmem:s8], [sflag:$0x3], $0x80, s15, s11, $0xb8;
	[tilespmem:$0x1F400] =	vst v63  }
0xf3: {  	_ =	swait.ge [sflag:s13], $0x4000  }
0xf4: {  	[sflag:s13] =	ssyncset.done $0x0  }
0xf5: {  	[sflag:s13] =	ssyncadd.s32 $0xFFFFC000  }
0xf6: {  	[spmem:s31] =	stream.indirect.scatter.add.f32 [tilespmem:s9], [sflag:$0x4], $0x80, s16, s11, $0xb8;
	[tilespmem:$0x1F400] =	vst v63  }
0xf7: {  	_ =	swait.ge [sflag:s12], $0x4000  }
0xf8: {  	[sflag:s12] =	ssyncset.done $0x0  }
0xf9: {  	[sflag:s12] =	ssyncadd.s32 $0xFFFFC000  }
0xfa: {  	_ =	swait.ge [sflag:s14], $0x4000  }
0xfb: {  	[sflag:s14] =	ssyncset.done $0x0  }
0xfc: {  	[sflag:s14] =	ssyncadd.s32 $0xFFFFC000  }
0xfd: {  	[bflag:$0x0] =	sbarrier.arrive $0xFFFF  }
0xfe: {  	s3 =	rddreg [dreg:$0x8]  }
0xff: {  	[hbm:s3], [sflag:s20] =	dma.local [spmem:s18], $0x2800  }
0x100: {  	_ =	swait.ge [sflag:s6], $0x2800  }
0x101: {  	[sflag:s6] =	ssyncset.done $0x0  }
0x102: {  	s4 =	rddreg [dreg:$0x9];
	[sflag:s6] =	ssyncadd.s32 $0xFFFFD800  }
0x103: {  	[spmem:s18], [sflag:s19] =	dma.local [hbm:s4], $0x2800  }
0x104: {  	_ =	swait.ge [sflag:s7], $0x2800  }
0x105: {  	[sflag:s7] =	ssyncset.done $0x0  }
0x106: {  	[sflag:s7] =	ssyncadd.s32 $0xFFFFD800  }
0x107: {  	[bflag:$0x0] =	sbarrier.arrive $0xFFFF  }
0x108: {  	s3 =	simm.s32 $0x0;
	s5 =	rddreg [dreg:$0x13]  }
0x109: {  	[tilespmem:s8], [sflag:$0x1] =	stream.linear.gather [hbm4b:s5+s3], $0x4000, $0x38;
	[tilespmem:$0x1F400] =	vst v63  }
0x10a: {  	s21 =	rddreg [dreg:$0x14]  }
0x10b: {  	[tilespmem:s9], [sflag:$0x2] =	stream.linear.gather [hbm4b:s21+s3], $0x4000, $0x38;
	[tilespmem:$0x1F400] =	vst v63  }
0x10c: {  	_ =	swait.ge [sflag:s10], $0x4000  }
0x10d: {  	[sflag:s10] =	ssyncset.done $0x0  }
0x10e: {  	s4 =	simm.s32 $0x1C000;
	[sflag:s10] =	ssyncadd.s32 $0xFFFFC000  }
0x10f: {  	[spmem:s31] =	stream.indirect.scatter.add.f32 [tilespmem:s8], [sflag:$0x3], $0x80, s4, s11, $0xb8;
	[tilespmem:$0x1F400] =	vst v63  }
0x110: {  	_ =	swait.ge [sflag:s12], $0x4000  }
0x111: {  	[sflag:s12] =	ssyncset.done $0x0  }
0x112: {  	s5 =	sadd.s32 $0x0, s30;
	[sflag:s12] =	ssyncadd.s32 $0xFFFFC000  }
0x113: {  	[tilespmem:s8], [sflag:$0x1] =	stream.linear.gather [hbm4b:s5+s1], $0x4000, $0x38;
	[tilespmem:$0x1F400] =	vst v63  }
0x114: {  	_ =	swait.ge [sflag:s13], $0x4000  }
0x115: {  	[sflag:s13] =	ssyncset.done $0x0  }
0x116: {  	s21 =	simm.s32 $0x1C080;
	[sflag:s13] =	ssyncadd.s32 $0xFFFFC000  }
0x117: {  	[spmem:s31] =	stream.indirect.scatter.add.f32 [tilespmem:s9], [sflag:$0x4], $0x80, s21, s11, $0xb8;
	[tilespmem:$0x1F400] =	vst v63  }
0x118: {  	_ =	swait.ge [sflag:s14], $0x4000  }
0x119: {  	s3 =	simm.s32 $0x1C180;
	[sflag:s14] =	ssyncset.done $0x0  }
0x11a: {  	s4 =	sadd.s32 $0x0, s29;
	s21 =	simm.s32 $0x1000;
	[sflag:s14] =	ssyncadd.s32 $0xFFFFC000  }
.LBB2_10:
0x11b: {  	[tilespmem:s9], [sflag:$0x2] =	stream.linear.gather [hbm4b:s4+s1], $0x4000, $0x38;
	[tilespmem:$0x1F400] =	vst v63  }
0x11c: {  	s4 =	smov.u32 s21  }
0x11d: {  	p0 =	sne.s32 s21, $0x12000;
	s21 =	sadd.s32 $0x1000, s21;
	_ =	swait.ge [sflag:s10], $0x4000  }
0x11e: {  	[sflag:s10] =	ssyncset.done $0x0  }
0x11f: {  	s5 =	sadd.s32 $0xFFFFFF80, s3;
	[sflag:s10] =	ssyncadd.s32 $0xFFFFC000  }
0x120: {  	[spmem:s31] =	stream.indirect.scatter.add.f32 [tilespmem:s8], [sflag:$0x3], $0x80, s5, s11, $0xb8;
	[tilespmem:$0x1F400] =	vst v63  }
0x121: {  	_ =	swait.ge [sflag:s12], $0x4000  }
0x122: {  	[sflag:s12] =	ssyncset.done $0x0  }
0x123: {  	s5 =	sadd.s32 s4, s30;
	[sflag:s12] =	ssyncadd.s32 $0xFFFFC000  }
0x124: {  	[tilespmem:s8], [sflag:$0x1] =	stream.linear.gather [hbm4b:s5+s1], $0x4000, $0x38;
	[tilespmem:$0x1F400] =	vst v63  }
0x125: {  	_ =	swait.ge [sflag:s13], $0x4000  }
0x126: {  	[sflag:s13] =	ssyncset.done $0x0  }
.Ltmp4:
0x127: {  	[sflag:s13] =	ssyncadd.s32 $0xFFFFC000;
	(pc) =	sbr.rel @p0 .LBB2_10-.Ltmp4, $4  }
0x128: {  	[spmem:s31] =	stream.indirect.scatter.add.f32 [tilespmem:s9], [sflag:$0x4], $0x80, s3, s11, $0xb8;
	[tilespmem:$0x1F400] =	vst v63  }
0x129: {  	_ =	swait.ge [sflag:s14], $0x4000  }
0x12a: {  	[sflag:s14] =	ssyncset.done $0x0  }
0x12b: {  	s4 =	sadd.s32 s4, s29;
	s3 =	sadd.s32 $0x100, s3;
	[sflag:s14] =	ssyncadd.s32 $0xFFFFC000  }
0x12c: {  	[tilespmem:s9], [sflag:$0x2] =	stream.linear.gather [hbm4b:s4+s1], $0x4000, $0x38;
	[tilespmem:$0x1F400] =	vst v63  }
0x12d: {  	_ =	swait.ge [sflag:s10], $0x4000  }
0x12e: {  	[sflag:s10] =	ssyncset.done $0x0  }
0x12f: {  	[sflag:s10] =	ssyncadd.s32 $0xFFFFC000  }
0x130: {  	[spmem:s31] =	stream.indirect.scatter.add.f32 [tilespmem:s8], [sflag:$0x3], $0x80, s15, s11, $0xb8;
	[tilespmem:$0x1F400] =	vst v63  }
0x131: {  	_ =	swait.ge [sflag:s13], $0x4000  }
0x132: {  	[sflag:s13] =	ssyncset.done $0x0  }
0x133: {  	[sflag:s13] =	ssyncadd.s32 $0xFFFFC000  }
0x134: {  	[spmem:s31] =	stream.indirect.scatter.add.f32 [tilespmem:s9], [sflag:$0x4], $0x80, s16, s11, $0xb8;
	[tilespmem:$0x1F400] =	vst v63  }
0x135: {  	_ =	swait.ge [sflag:s12], $0x4000  }
0x136: {  	[sflag:s12] =	ssyncset.done $0x0  }
0x137: {  	[sflag:s12] =	ssyncadd.s32 $0xFFFFC000  }
0x138: {  	_ =	swait.ge [sflag:s14], $0x4000  }
0x139: {  	[sflag:s14] =	ssyncset.done $0x0  }
0x13a: {  	[sflag:s14] =	ssyncadd.s32 $0xFFFFC000  }
0x13b: {  	[bflag:$0x0] =	sbarrier.arrive $0xFFFF  }
0x13c: {  	s3 =	rddreg [dreg:$0xa]  }
0x13d: {  	[hbm:s3], [sflag:s20] =	dma.local [spmem:s18], $0x2800  }
0x13e: {  	_ =	swait.ge [sflag:s6], $0x2800  }
0x13f: {  	[sflag:s6] =	ssyncset.done $0x0  }
0x140: {  	s4 =	rddreg [dreg:$0xb];
	[sflag:s6] =	ssyncadd.s32 $0xFFFFD800  }
0x141: {  	[spmem:s18], [sflag:s19] =	dma.local [hbm:s4], $0x2800  }
0x142: {  	_ =	swait.ge [sflag:s7], $0x2800  }
0x143: {  	[sflag:s7] =	ssyncset.done $0x0  }
0x144: {  	[sflag:s7] =	ssyncadd.s32 $0xFFFFD800  }
0x145: {  	[bflag:$0x0] =	sbarrier.arrive $0xFFFF  }
0x146: {  	s5 =	simm.s32 $0x0;
	s19 =	rddreg [dreg:$0x15]  }
0x147: {  	[tilespmem:s8], [sflag:$0x1] =	stream.linear.gather [hbm4b:s19+s5], $0x4000, $0x38;
	[tilespmem:$0x1F400] =	vst v63  }
0x148: {  	s21 =	rddreg [dreg:$0x16]  }
0x149: {  	[tilespmem:s9], [sflag:$0x2] =	stream.linear.gather [hbm4b:s21+s5], $0x4000, $0x38;
	[tilespmem:$0x1F400] =	vst v63  }
0x14a: {  	_ =	swait.ge [sflag:s10], $0x4000  }
0x14b: {  	[sflag:s10] =	ssyncset.done $0x0  }
0x14c: {  	s5 =	simm.s32 $0x1C000;
	[sflag:s10] =	ssyncadd.s32 $0xFFFFC000  }
0x14d: {  	[spmem:s31] =	stream.indirect.scatter.add.f32 [tilespmem:s8], [sflag:$0x3], $0x80, s5, s11, $0xb8;
	[tilespmem:$0x1F400] =	vst v63  }
0x14e: {  	_ =	swait.ge [sflag:s12], $0x4000  }
0x14f: {  	[sflag:s12] =	ssyncset.done $0x0  }
0x150: {  	s19 =	sadd.s32 $0x0, s2;
	[sflag:s12] =	ssyncadd.s32 $0xFFFFC000  }
0x151: {  	[tilespmem:s8], [sflag:$0x1] =	stream.linear.gather [hbm4b:s19+s1], $0x4000, $0x38;
	[tilespmem:$0x1F400] =	vst v63  }
0x152: {  	_ =	swait.ge [sflag:s13], $0x4000  }
0x153: {  	[sflag:s13] =	ssyncset.done $0x0  }
0x154: {  	s21 =	simm.s32 $0x1C080;
	[sflag:s13] =	ssyncadd.s32 $0xFFFFC000  }
0x155: {  	[spmem:s31] =	stream.indirect.scatter.add.f32 [tilespmem:s9], [sflag:$0x4], $0x80, s21, s11, $0xb8;
	[tilespmem:$0x1F400] =	vst v63  }
0x156: {  	_ =	swait.ge [sflag:s14], $0x4000  }
0x157: {  	s3 =	simm.s32 $0x1C180;
	[sflag:s14] =	ssyncset.done $0x0  }
0x158: {  	s4 =	sadd.s32 $0x0, s0;
	s19 =	simm.s32 $0x1000;
	[sflag:s14] =	ssyncadd.s32 $0xFFFFC000  }
.LBB2_12:
0x159: {  	[tilespmem:s9], [sflag:$0x2] =	stream.linear.gather [hbm4b:s4+s1], $0x4000, $0x38;
	[tilespmem:$0x1F400] =	vst v63  }
0x15a: {  	s4 =	smov.u32 s19  }
0x15b: {  	p0 =	sne.s32 s19, $0x12000;
	s19 =	sadd.s32 $0x1000, s19;
	_ =	swait.ge [sflag:s10], $0x4000  }
0x15c: {  	[sflag:s10] =	ssyncset.done $0x0  }
0x15d: {  	s5 =	sadd.s32 $0xFFFFFF80, s3;
	[sflag:s10] =	ssyncadd.s32 $0xFFFFC000  }
0x15e: {  	[spmem:s31] =	stream.indirect.scatter.add.f32 [tilespmem:s8], [sflag:$0x3], $0x80, s5, s11, $0xb8;
	[tilespmem:$0x1F400] =	vst v63  }
0x15f: {  	_ =	swait.ge [sflag:s12], $0x4000  }
0x160: {  	[sflag:s12] =	ssyncset.done $0x0  }
0x161: {  	s5 =	sadd.s32 s4, s2;
	[sflag:s12] =	ssyncadd.s32 $0xFFFFC000  }
0x162: {  	[tilespmem:s8], [sflag:$0x1] =	stream.linear.gather [hbm4b:s5+s1], $0x4000, $0x38;
	[tilespmem:$0x1F400] =	vst v63  }
0x163: {  	_ =	swait.ge [sflag:s13], $0x4000  }
0x164: {  	[sflag:s13] =	ssyncset.done $0x0  }
.Ltmp5:
0x165: {  	[sflag:s13] =	ssyncadd.s32 $0xFFFFC000;
	(pc) =	sbr.rel @p0 .LBB2_12-.Ltmp5, $4  }
0x166: {  	[spmem:s31] =	stream.indirect.scatter.add.f32 [tilespmem:s9], [sflag:$0x4], $0x80, s3, s11, $0xb8;
	[tilespmem:$0x1F400] =	vst v63  }
0x167: {  	_ =	swait.ge [sflag:s14], $0x4000  }
0x168: {  	[sflag:s14] =	ssyncset.done $0x0  }
0x169: {  	s4 =	sadd.s32 s4, s0;
	s3 =	sadd.s32 $0x100, s3;
	[sflag:s14] =	ssyncadd.s32 $0xFFFFC000  }
0x16a: {  	[tilespmem:s9], [sflag:$0x2] =	stream.linear.gather [hbm4b:s4+s1], $0x4000, $0x38;
	[tilespmem:$0x1F400] =	vst v63  }
0x16b: {  	_ =	swait.ge [sflag:s10], $0x4000  }
0x16c: {  	[sflag:s10] =	ssyncset.done $0x0  }
0x16d: {  	[sflag:s10] =	ssyncadd.s32 $0xFFFFC000  }
0x16e: {  	[spmem:s31] =	stream.indirect.scatter.add.f32 [tilespmem:s8], [sflag:$0x3], $0x80, s15, s11, $0xb8;
	[tilespmem:$0x1F400] =	vst v63  }
0x16f: {  	_ =	swait.ge [sflag:s13], $0x4000  }
0x170: {  	[sflag:s13] =	ssyncset.done $0x0  }
0x171: {  	[sflag:s13] =	ssyncadd.s32 $0xFFFFC000  }
0x172: {  	[spmem:s31] =	stream.indirect.scatter.add.f32 [tilespmem:s9], [sflag:$0x4], $0x80, s16, s11, $0xb8;
	[tilespmem:$0x1F400] =	vst v63  }
0x173: {  	_ =	swait.ge [sflag:s12], $0x4000  }
0x174: {  	[sflag:s12] =	ssyncset.done $0x0  }
0x175: {  	[sflag:s12] =	ssyncadd.s32 $0xFFFFC000  }
0x176: {  	_ =	swait.ge [sflag:s14], $0x4000  }
0x177: {  	[sflag:s14] =	ssyncset.done $0x0  }
0x178: {  	[sflag:s14] =	ssyncadd.s32 $0xFFFFC000  }
0x179: {  	[bflag:$0x0] =	sbarrier.arrive $0xFFFF  }
0x17a: {  	s3 =	rddreg [dreg:$0xc]  }
0x17b: {  	[hbm:s3], [sflag:s20] =	dma.local [spmem:s18], $0x2800  }
0x17c: {  	_ =	swait.ge [sflag:s6], $0x2800  }
0x17d: {  	s17 =	sadd.s32 $0x1, s17;
	s21 =	rddreg [dreg:$0x19]  }
0x17e: {  	p0 =	sne.s32 s17, s21  }
.Ltmp6:
0x17f: {  	_ = 	snop;
	(pc) =	sbr.rel @p0 .LBB2_1-.Ltmp6, $3  }
0x180: {  	_ =	sdelay $0x1  }
0x181: {  	[sflag:s6] =	ssyncset.done $0x0  }
0x182: {  	[sflag:s6] =	ssyncadd.s32 $0xFFFFD800  }
0x183: {  	_ =	sfence.sel $0x180000  }
0x184: {  	[bflag:$0x0] =	sbarrier.arrive $0xFFFF  }
0x185: {  	_ =	strace $0x9000004D  }
0x186: {  	s0 =	stileid.u32;
	[bflag:$0x2] =	sbarrier.arrive $0xFFFF  }
0x187: {  	p0 =	sne.s32 s0, $0x0;
	s0 =	rddreg [dreg:$0x2]  }
0x188: {  	s0 =	sadd.s32 @!p0 $0x100000, s0  }
0x189: {  	[sflag:s0] =	ssyncadd.tile.s32 @!p0 $0x1;
	_ =	shalt  }
.Lfunc_end2:
_tile_overlayer_lowered:
.L_overlay_start_2:
0x18a: {  	(tag) =	ssettag $0x2  }
0x18b: {  	s0 =	rddreg [dreg:$0x0];
	s2 =	stileid.u32  }
0x18c: {  	s1 =	rddreg [dreg:$0x1];
	p0 =	sne.s32 s2, $0x0  }
0x18d: {  	s3 =	rddreg [dreg:$0x2];
	[bflag:$0x3] =	sbarrier.arrive $0xFFFF;
	s2 =	simm.s32 @!p0 $0x1C06  }
0x18e: {  	[timem:s3], [sflag:s2] =	dma.local @!p0 [hbm:s0], s1  }
0x18f: {  	s0 =	simm.s32 @!p0 $0x6  }
0x190: {  	_ =	swait.ge @!p0 [sflag:s0], s1  }
0x191: {  	s1 =	ssub.s32 @!p0 $0x0, s1;
	[sflag:s0] =	ssyncset.done @!p0 $0x0  }
0x192: {  	[sflag:s0] =	ssyncadd.s32 @!p0 s1  }
0x193: {  	[bflag:$0x3] =	sbarrier.arrive $0xFFFF  }
0x194: {  	_ =	shalt  }

// kernel: kernel.8.cloned.1.call-start
scs
__scs_entry_jumppad:
0x0: {  	(pc) =	sbr.rel $0x88, $3  }
0x1: {  	(tag) =	ssettag $0x0;
	lr =	simm.s32 $0x1  }
0x2: {  	[smem:$0x3F8A] =	sst lr;
	_ =	strace $0xD0000000  }
0x3: {  	_ = 	snop  }
0x4: {  	_ = 	snop  }
0x5: {  	_ = 	snop  }
0x6: {  	_ = 	snop  }
0x7: {  	_ = 	snop  }
__scs_overlays_trampoline_lowered:
0x8: {  	[smem:$0x3F99] =	sst s0  }
0x9: {  	[smem:$0x3F9A] =	sst s1  }
0xa: {  	[smem:$0x3F9B] =	sst s2  }
0xb: {  	[smem:$0x3F9C] =	sst s3  }
0xc: {  	[smem:$0x3F9D] =	sst s4  }
0xd: {  	[smem:$0x3F9E] =	sst s5  }
0xe: {  	[smem:$0x3F9F] =	sst s6  }
0xf: {  	[smem:$0x3FA0] =	sst s7  }
0x10: {  	[smem:$0x3FA1] =	sst s8  }
0x11: {  	[smem:$0x3FA2] =	sst s9;
	s0 =	simm.s32 @!p0 $0x0  }
0x12: {  	s1 =	sld [smem:$0x3F88];
	s0 =	simm.s32 @p0 $0x1  }
0x13: {  	[smem:$0x3FA3] =	sst s0;
	s0 =	simm.s32 @!p1 $0x0  }
0x14: {  	s2 =	sld [smem:$0x3F87];
	s0 =	simm.s32 @p1 $0x1  }
0x15: {  	[smem:$0x3FA4] =	sst s0;
	s0 =	simm.s32 @!p2 $0x0  }
0x16: {  	s3 =	sld [smem:$0x3FDB];
	s0 =	simm.s32 @p2 $0x1  }
0x17: {  	s4 =	simm.s32 $0x1BF5;
	[smem:$0x3FA6] =	sst s0  }
0x18: {  	s0 =	sld [smem:$0x3F89];
	_ =	swait.ge [sflag:s4], $0x0  }
0x19: {  	s7 =	sld [smem:$0x3F8A]  }
0x1a: {  	s8 =	sadd.s32 $0xFFFFE003, lr  }
0x1b: {  	s9 =	sadd.s32 $0xFFFFFEF7, lr;
	s5 =	simm.s32 $0xFFFFFFFF;
	p2 =	slt.u32 s8, $0xFFFFF086  }
0x1c: {  	p1 =	slt.u32 s9, $0xF7A;
	s5 =	simm.s32 @!p2 $0x0  }
0x1d: {  	s5 =	simm.s32 @p1 $0x1;
	p0 =	seq.s32 s7, s2  }
0x1e: {  	s7 =	smul.u32 @!p0 $0xF7A, s2;
	p2 =	seq.s32 @!p0 s5, $0x0  }
0x1f: {  	s9 =	smul.u32 $0xF7A, s1;
	s8 =	simm.s32 @!p0 $0x1BF5;
	p2 =	por !p2, p0  }
0x20: {  	[sflag:s8] =	ssyncset.s32 @!p0 $0xFFFFF086;
	s6 =	sadd.s32 @!p0 s3, s7;
	s7 =	simm.s32 @!p0 $0x108  }
0x21: {  	s3 =	sadd.s32 s3, s9;
	s6 =	sadd.s32 @!p0 $0x88, s6;
	s7 =	simm.s32 @p2 $0x1082  }
0x22: {  	[simem:s7], [sflag:s8] =	dma.local @!p0 [hbm:s6], $0xF7A  }
0x23: {  	s9 =	sor.u32 $0xD0000000, s2;
	s6 =	simm.s32 $0x108;
	_ =	swait.ge @!p0 [sflag:s8], $0x0  }
0x24: {  	s3 =	sadd.s32 $0x88, s3;
	s6 =	simm.s32 @!p1 $0x1082;
	[sflag:s4] =	ssyncset.s32 $0xFFFFF086  }
0x25: {  	[simem:s6], [sflag:s4] =	dma.local [hbm:s3], $0xF7A  }
0x26: {  	[smem:$0x3F8A] =	sst s1;
	(tag) =	ssettag s2;
	_ =	strace s9  }
0x27: {  	s1 =	sld [smem:$0x3F9A]  }
0x28: {  	s2 =	sld [smem:$0x3F9B]  }
0x29: {  	s4 =	sld [smem:$0x3F9D]  }
0x2a: {  	p0 =	seq.s32 s5, $0x0;
	s5 =	sld [smem:$0x3F9E]  }
0x2b: {  	s6 =	sld [smem:$0x3F9F]  }
0x2c: {  	s7 =	sld [smem:$0x3FA0]  }
0x2d: {  	s3 =	simm.s32 $0x108;
	s8 =	sld [smem:$0x3FA1]  }
0x2e: {  	s3 =	simm.s32 @!p0 $0x1082;
	s9 =	sld [smem:$0x3FA2]  }
0x2f: {  	lr =	sadd.s32 s0, s3;
	s0 =	sld [smem:$0x3F99]  }
0x30: {  	s3 =	sld [smem:$0x3F9C]  }
0x31: {  	[smem:$0x3FA5] =	sst s10  }
0x32: {  	s10 =	sld [smem:$0x3FA3];
	_ =	sdelay $0x3  }
0x33: {  	p0 =	seq.s32 s10, $0x1;
	s10 =	sld [smem:$0x3FA5];
	_ =	sdelay $0x3  }
0x34: {  	[smem:$0x3FA5] =	sst s10  }
0x35: {  	s10 =	sld [smem:$0x3FA4];
	_ =	sdelay $0x3  }
0x36: {  	p1 =	seq.s32 s10, $0x1;
	s10 =	sld [smem:$0x3FA5];
	_ =	sdelay $0x3  }
0x37: {  	[smem:$0x3FA5] =	sst s10  }
0x38: {  	s10 =	sld [smem:$0x3FA6]  }
0x39: {  	_ = 	snop;
	(pc) =	sbr.ind lr, $3  }
0x3a: {  	_ = 	snop  }
0x3b: {  	_ = 	snop  }
0x3c: {  	p2 =	seq.s32 s10, $0x1;
	s10 =	sld [smem:$0x3FA5]  }
0x3d: {  	_ =	shalt  }
0x3e: {  	_ =	shalt  }
0x3f: {  	_ =	shalt  }
0x40: {  	_ =	shalt  }
0x41: {  	_ =	shalt  }
0x42: {  	_ =	shalt  }
0x43: {  	_ =	shalt  }
0x44: {  	_ =	shalt  }
0x45: {  	_ =	shalt  }
0x46: {  	_ =	shalt  }
0x47: {  	_ =	shalt  }
0x48: {  	_ =	shalt  }
0x49: {  	_ =	shalt  }
0x4a: {  	_ =	shalt  }
0x4b: {  	_ =	shalt  }
0x4c: {  	_ =	shalt  }
0x4d: {  	_ =	shalt  }
0x4e: {  	_ =	shalt  }
0x4f: {  	_ =	shalt  }
0x50: {  	_ =	shalt  }
0x51: {  	_ =	shalt  }
0x52: {  	_ =	shalt  }
0x53: {  	_ =	shalt  }
0x54: {  	_ =	shalt  }
0x55: {  	_ =	shalt  }
0x56: {  	_ =	shalt  }
0x57: {  	_ =	shalt  }
0x58: {  	_ =	shalt  }
0x59: {  	_ =	shalt  }
0x5a: {  	_ =	shalt  }
0x5b: {  	_ =	shalt  }
0x5c: {  	_ =	shalt  }
0x5d: {  	_ =	shalt  }
0x5e: {  	_ =	shalt  }
0x5f: {  	_ =	shalt  }
0x60: {  	_ =	shalt  }
0x61: {  	_ =	shalt  }
0x62: {  	_ =	shalt  }
0x63: {  	_ =	shalt  }
0x64: {  	_ =	shalt  }
0x65: {  	_ =	shalt  }
0x66: {  	_ =	shalt  }
0x67: {  	_ =	shalt  }
0x68: {  	_ =	shalt  }
0x69: {  	_ =	shalt  }
0x6a: {  	_ =	shalt  }
0x6b: {  	_ =	shalt  }
0x6c: {  	_ =	shalt  }
0x6d: {  	_ =	shalt  }
0x6e: {  	_ =	shalt  }
0x6f: {  	_ =	shalt  }
0x70: {  	_ =	shalt  }
0x71: {  	_ =	shalt  }
0x72: {  	_ =	shalt  }
0x73: {  	_ =	shalt  }
0x74: {  	_ =	shalt  }
0x75: {  	_ =	shalt  }
0x76: {  	_ =	shalt  }
0x77: {  	_ =	shalt  }
0x78: {  	_ =	shalt  }
0x79: {  	_ =	shalt  }
0x7a: {  	_ =	shalt  }
0x7b: {  	_ =	shalt  }
0x7c: {  	_ =	shalt  }
0x7d: {  	_ =	shalt  }
0x7e: {  	_ =	shalt  }
0x7f: {  	_ =	shalt  }
0x80: {  	_ =	shalt  }
0x81: {  	_ =	shalt  }
0x82: {  	_ =	shalt  }
0x83: {  	_ =	shalt  }
0x84: {  	_ =	shalt  }
0x85: {  	_ =	shalt  }
0x86: {  	_ =	shalt  }
0x87: {  	_ =	shalt  }
.Lfunc_end0:
.L_simem_size_0:
called_computation_lowered:
.L_overlay_start_0:
0x88: {  	s2 =	sld [smem:$0x3FD9]  }
0x89: {  	s3 =	sld [smem:$0x3FFE];
	_ =	sdelay $0x1  }
0x8a: {  	s1 =	srdreg.scid  }
0x8b: {  	s0 =	sand.u32 $0x1, s1  }
0x8c: {  	s17 =	sshll.u32 s0, $0xA;
	s2 =	sadd.s32 s3, s2  }
0x8d: {  	s2 =	sadd.s32 s2, s17  }
0x8e: {  	[smem:$0x3FB1] =	sst s2  }
0x8f: {  	_ = 	snop  }
0x90: {  	s2 =	sld [smem:$0x3FC9]  }
0x91: {  	s18 =	sld [smem:$0x3FD0];
	(tm) =	ssettm $0x1  }
0x92: {  	s4 =	sld [smem:$0x3FFB];
	_ =	sdelay $0x3  }
0x93: {  	_ =	strace s4  }
0x94: {  	s4 =	sld [smem:$0x3FFC];
	_ =	sdelay $0x3  }
0x95: {  	_ =	strace s4  }
0x96: {  	s4 =	sld [smem:$0x3FFD];
	_ =	sdelay $0x3  }
0x97: {  	_ =	strace s4  }
0x98: {  	_ =	strace $0x8FFFFFFF  }
0x99: {  	s19 =	sld [smem:$0x3FDB];
	_ =	sdelay $0x1  }
0x9a: {  	s5 =	simm.s32 $_scs_section_size  }
0x9b: {  	s6 =	simm.s32 $_size__tile_overlayer_lowered;
	s7 =	simm.s32 $_tile_overlayer_lowered  }
0x9c: {  	s22 =	simm.s32 $0x1BFF;
	s21 =	sshll.u32 s7, $0x1;
	s4 =	sadd.s32 s5, s19  }
0x9d: {  	s8 =	simm.s32 $0x0;
	s20 =	sshll.u32 s6, $0x1;
	s6 =	sadd.s32 s21, s4  }
0x9e: {  	[timem:s8], [sflag:s22] =	dma.local [hbm:s6], s20  }
0x9f: {  	_ =	swait.ge [sflag:s22], s20  }
0xa0: {  	s5 =	ssub.s32 $0x0, s20;
	[sflag:s22] =	ssyncset.done $0x0  }
0xa1: {  	[sflag:s22] =	ssyncadd.s32 s5;
	_ =	sdelay $0x1  }
0xa2: {  	s23 =	simm.s32 $0x1B8B  }
0xa3: {  	_ =	swait.ge [sflag:s23], $0x1  }
0xa4: {  	[sflag:s23] =	ssyncset.done $0x0  }
0xa5: {  	s25 =	simm.s32 $0x1B8E;
	s24 =	sld [smem:$0x3FFE];
	[sflag:s23] =	ssyncadd.s32 $0xFFFFFFFF  }
0xa6: {  	s26 =	simm.s32 $execute0_lowered;
	[smem:$0x3FD2] =	sst s25  }
0xa7: {  	s6 =	sshll.u32 s26, $0x1;
	_ =	strace $0x80000046;
	[dreg:$0x1] =	wrdreg $0xFFFFFFFF  }
0xa8: {  	s28 =	simm.s32 $_size_execute0_lowered;
	s4 =	sadd.s32 s4, s6;
	[dreg:$0x0] =	wrdreg $0x0  }
0xa9: {  	s6 =	sshll.u32 s28, $0x1;
	[dreg:$0x2] =	wrdreg s4  }
0xaa: {  	[dreg:$0x3] =	wrdreg s6  }
0xab: {  	[dreg:$0x4] =	wrdreg $0xC0  }
0xac: {  	_ =	task [dreg:s8], $0x5FFFF  }
0xad: {  	[dreg:$0x1] =	wrdreg $0xFFFFFFFF  }
0xae: {  	[dreg:$0x0] =	wrdreg $0x60  }
0xaf: {  	[dreg:$0x2] =	wrdreg s2  }
0xb0: {  	[dreg:$0x3] =	wrdreg s18  }
0xb1: {  	[dreg:$0x4] =	wrdreg s24  }
0xb2: {  	[dreg:$0x5] =	wrdreg $0x9  }
0xb3: {  	_ =	task.clear_ibuf [dreg:s8], $0x6FFFF;
	_ =	strace $0x90000046  }
0xb4: {  	s29 =	simm.s32 $0x9;
	_ =	strace $0x80000048  }
0xb5: {  	_ =	swait.ge [sflag:s29], $0x1  }
0xb6: {  	[sflag:s29] =	ssyncadd.s32 $0xFFFFFFFF  }
0xb7: {  	_ =	strace $0x90000048  }
0xb8: {  	_ =	sfence  }
0xb9: {  	s30 =	sld [smem:$0x0];
	_ =	sdelay $0x2  }
0xba: {  	s31 =	sshll.u32 s1, $0xD;
	s1 =	sshrl.u32 s1, $0x2  }
0xbb: {  	s3 =	sand.u32 $0x4000, s31;
	s1 =	sadd.s32 s1, s30  }
0xbc: {  	s0 =	sor.u32 s3, s0;
	s1 =	sshll.u32 s1, $0x11  }
0xbd: {  	s0 =	sor.u32 s1, s0  }
0xbe: {  	s0 =	sadd.s32 $0x8F2B, s0  }
0xbf: {  	[sflag:s0] =	ssyncadd.remote.s32 $0x1  }
0xc0: {  	_ =	sfence.sel $0xFFFF  }
0xc1: {  	[dreg:$0x0] =	wrdreg $0xFFFFFFFF;
	(pc) =	sbr.abs _section_cstart, $3  }
0xc2: {  	[dreg:$0x1] =	wrdreg $0xFFFFFFFF  }
0xc3: {  	_ =	task.clear_ibuf [dreg:s8], $0x2FFFF;
	_ =	strace $0x9FFFFFFF  }
0xc4: {  	(tm) =	ssettm $0x7FFFFFFF  }
0xc5: {  	_ =	shalt  }
tec
execute0_lowered:
.L_overlay_start_1:
0x0: {  	(tag) =	ssettag $0x1  }
0x1: {  	s1 =	rddreg [dreg:$0x0]  }
0x2: {  	s4 =	rddreg [dreg:$0x1];
	s2 =	srdreg.scid  }
0x3: {  	s0 =	stileid.u32;
	s5 =	rddreg [dreg:$0x2];
	s3 =	simm.s32 $0x0  }
0x4: {  	s9 =	simm.s32 $0x4F80;
	s6 =	sand.u32 $0x1, s2;
	s7 =	sshll.u32 s0, $0x1  }
0x5: {  	s10 =	simm.s32 $0x0;
	s7 =	sor.u32 s6, s7;
	s6 =	ssub.s32 $0x2, s6  }
0x6: {  	[smem:$0x7FF] =	sst s3;
	s7 =	smul.u32 $0x500, s7;
	s8 =	sshrl.u32 s6, $0x1  }
0x7: {  	s2 =	rddreg [dreg:$0x3];
	_ =	strace $0x80000047;
	s6 =	ssub.s32 s6, s8  }
0x8: {  	s8 =	simm.s32 $0x2780;
	s5 =	sadd.s32 s7, s5;
	s4 =	sadd.s32 s4, s7  }
0x9: {  	s6 =	smax.u32 s6, $0x1;
	s7 =	simm.s32 $0x1;
	s5 =	sadd.s32 $0x9C00, s5  }
.LBB2_1:
0xa: {  	[tilespmem:s3], [sflag:$0x1] =	stream.linear.gather [hbm4b:s1+s3], $0x2780, $0x38;
	[tilespmem:$0x7780] =	vst v63  }
0xb: {  	_ =	swait.ge [sflag:s7], $0x2780  }
0xc: {  	[sflag:s7] =	ssyncset.done $0x0  }
0xd: {  	[sflag:s7] =	ssyncadd.s32 $0xFFFFD880  }
0xe: {  	[tilespmem:s8], [sflag:$0x1] =	stream.linear.gather [hbm4b:s4+s3], $0x2800, $0x38;
	[tilespmem:$0x7780] =	vst v63  }
0xf: {  	_ =	swait.ge [sflag:s7], $0x2800  }
0x10: {  	[sflag:s7] =	ssyncset.done $0x0  }
0x11: {  	s11 =	simm.s32 $0x0;
	[sflag:s7] =	ssyncadd.s32 $0xFFFFD800  }
0x12: {  	v0 =	vld [tilespmem:s11+$0x2780];
	_ =	sdelay $0x7  }
0x13: {  	s12 =	simm.s32 $0x10;
	s13 =	simm.s32 $0x80;
	v0 =	vld.idx.msk [tilespmem:v0+s3+$0x0], $0xffff  }
.LBB2_2:
0x14: {  	p0 =	sne.s32 s13, $0x9FC0;
	v1 =	vld [tilespmem:s12+$0x2780];
	_ =	sdelay $0x3  }
.Ltmp0:
0x15: {  	(pc) =	sbr.rel @p0 .LBB2_2-.Ltmp0, $2  }
0x16: {  	[tilespmem:s11+$0x4F80] =	vst v0;
	s11 =	smov.u32 s12;
	_ =	sdelay $0x2  }
0x17: {  	s12 =	sshra.s32 s13, $0x2;
	s13 =	sadd.s32 $0x40, s13;
	v0 =	vld.idx.msk [tilespmem:v1+s3+$0x0], $0xffff  }
0x18: {  	v1 =	vld [tilespmem:s12+$0x2780];
	_ =	sdelay $0x6  }
0x19: {  	[tilespmem:s11+$0x4F80] =	vst v0  }
0x1a: {  	v0 =	vld.idx.msk [tilespmem:v1+s3+$0x0], $0xffff;
	_ =	sdelay $0x2  }
0x1b: {  	s10 =	sadd.s32 $0x1, s10  }
0x1c: {  	p0 =	sne.s32 s10, s6  }
.Ltmp1:
0x1d: {  	[tilespmem:s12+$0x4F80] =	vst v0;
	(pc) =	sbr.rel @p0 .LBB2_1-.Ltmp1, $4  }
0x1e: {  	[hbm4b:s5+s3] =	stream.linear.scatter [tilespmem:s9], [sflag:$0x1], $0x2800, $0x38;
	[tilespmem:$0x7780] =	vst v63  }
0x1f: {  	_ =	swait.ge [sflag:s7], $0x2800  }
0x20: {  	[sflag:s7] =	ssyncset.done $0x0  }
0x21: {  	[sflag:s7] =	ssyncadd.s32 $0xFFFFD800  }
0x22: {  	_ =	sfence.sel $0x180000  }
0x23: {  	[bflag:$0x0] =	sbarrier.arrive $0xFFFF  }
0x24: {  	p0 =	sne.s32 s0, $0x0;
	_ =	strace $0x90000047  }
0x25: {  	s0 =	sadd.s32 @!p0 $0x100000, s2;
	[bflag:$0x2] =	sbarrier.arrive $0xFFFF  }
0x26: {  	[sflag:s0] =	ssyncadd.tile.s32 @!p0 $0x1;
	_ =	shalt  }
.Lfunc_end2:
_tile_overlayer_lowered:
.L_overlay_start_2:
0x27: {  	(tag) =	ssettag $0x2  }
0x28: {  	s0 =	rddreg [dreg:$0x0];
	s2 =	stileid.u32  }
0x29: {  	s1 =	rddreg [dreg:$0x1];
	p0 =	sne.s32 s2, $0x0  }
0x2a: {  	s3 =	rddreg [dreg:$0x2];
	[bflag:$0x3] =	sbarrier.arrive $0xFFFF;
	s2 =	simm.s32 @!p0 $0x1C01  }
0x2b: {  	[timem:s3], [sflag:s2] =	dma.local @!p0 [hbm:s0], s1  }
0x2c: {  	s0 =	simm.s32 @!p0 $0x1  }
0x2d: {  	_ =	swait.ge @!p0 [sflag:s0], s1  }
0x2e: {  	s1 =	ssub.s32 @!p0 $0x0, s1;
	[sflag:s0] =	ssyncset.done @!p0 $0x0  }
0x2f: {  	[sflag:s0] =	ssyncadd.s32 @!p0 s1  }
0x30: {  	[bflag:$0x3] =	sbarrier.arrive $0xFFFF  }
0x31: {  	_ =	shalt  }

</sc_bundles>
